<compile_context>
chip_gen: v7x
topology: tpu7x:2x2x1
jax: 0.10.2.dev20260603
libtpu: 0.0.44.dev20260713+nightly
codegen_flags: <defaults>
</compile_context>

<pallas_src>
import functools

import jax
import jax.numpy as jnp
from jax import lax
from jax.experimental import pallas as pl
from jax.experimental.pallas import tpu as pltpu
from jax.experimental.pallas import tpu_sc as plsc

N = 10000
NPAD = 10240
E = 320000
NC, NS = 2, 16
NW = NC * NS
K = 128
CHUNKS2 = 160
PHASES2 = 8
CPP2 = CHUNKS2 // PHASES2
NBUF = 4
EPAD = NS * CHUNKS2 * K
ROWS_PER_TILE = NPAD // NS

@functools.cache
def _mesh():
    return plsc.VectorSubcoreMesh(
        core_axis_name="c", subcore_axis_name="s",
        num_cores=NC, num_subcores=NS)



EPW = EPAD // NW


def _deg_body(dst2d, deg_out, dst_v, acc):
    cid = lax.axis_index("c")
    sid = lax.axis_index("s")
    wid = cid * NS + sid
    pltpu.sync_copy(dst2d.at[wid], dst_v)
    zeros = jnp.zeros((16,), jnp.float32)
    ones = jnp.ones((16,), jnp.float32)

    def zero(j, carry):
        acc[pl.ds(j * 16, 16)] = zeros
        return carry

    lax.fori_loop(0, NPAD // 16, zero, 0)

    def body(j, carry):
        idx = dst_v[pl.ds(j * 16, 16)]
        plsc.addupdate_scatter(acc, [idx], ones)
        return carry

    lax.fori_loop(0, EPW // 16, body, 0)
    pltpu.sync_copy(acc, deg_out.at[wid])


@functools.cache
def _deg_kernel():
    return pl.kernel(
        _deg_body,
        out_type=jax.ShapeDtypeStruct((NW, NPAD), jnp.float32),
        mesh=_mesh(),
        compiler_params=pltpu.CompilerParams(use_tc_tiling_on_sc=False,
                                             needs_layout_passes=False),
        scratch_types=[
            pltpu.VMEM((EPW,), jnp.int32),
            pltpu.VMEM((NPAD,), jnp.float32),
        ],
    )


def _agg_body(y_hbm, src2d, dst2d, zeros_hbm, z_out, ysp, acc):
    half = y_hbm.shape[2]
    pl.run_scoped(
        functools.partial(_agg_inner, y_hbm, src2d, dst2d, zeros_hbm, z_out,
                          ysp, acc),
        pltpu.VMEM((CPP2, K), jnp.int32),
        pltpu.VMEM((CPP2, K), jnp.int32),
        pltpu.VMEM((NBUF, K, half), jnp.float32),
        *([pltpu.SemaphoreType.DMA] * (2 * NBUF)),
    )


def _agg_inner(y_hbm, src2d, dst2d, zeros_hbm, z_out, ysp, acc, src_v, dst_v,
               rows_v, *sems):
    gsem, ssem = sems[:NBUF], sems[NBUF:]
    cid = lax.axis_index("c")
    sid = lax.axis_index("s")
    r0 = sid * ROWS_PER_TILE
    pltpu.sync_copy(zeros_hbm.at[pl.ds(r0, ROWS_PER_TILE)],
                    acc.at[pl.ds(r0, ROWS_PER_TILE)])
    pltpu.sync_copy(y_hbm.at[cid, pl.ds(r0, ROWS_PER_TILE)],
                    ysp.at[pl.ds(r0, ROWS_PER_TILE)])
    plsc.subcore_barrier()

    def gather(g, b):
        pltpu.async_copy(ysp.at[src_v.at[g]], rows_v.at[b], gsem[b])

    def gwait(g, b):
        pltpu.make_async_copy(ysp.at[src_v.at[g]], rows_v.at[b],
                              gsem[b]).wait()

    def scat(g, b):
        pltpu.async_copy(rows_v.at[b], acc.at[dst_v.at[g]], ssem[b],
                         add=True)

    def swait(g, b):
        pltpu.make_async_copy(rows_v.at[b], acc.at[dst_v.at[g]],
                              ssem[b]).wait()

    def phase(p, carry):
        pltpu.sync_copy(src2d.at[sid, pl.ds(p * CPP2, CPP2)], src_v)
        pltpu.sync_copy(dst2d.at[sid, pl.ds(p * CPP2, CPP2)], dst_v)
        for b in range(NBUF - 1):
            gather(b, b)

        def body(i, c2):
            for j in range(NBUF):
                g = NBUF * i + j
                b = j
                gwait(g, b)
                scat(g, b)
                bn = (j + NBUF - 1) % NBUF

                @pl.when(g + NBUF - 1 < CPP2)
                def _():
                    @pl.when(g >= 1)
                    def _():
                        swait(g - 1, bn)

                    gather(g + NBUF - 1, bn)
            return c2

        lax.fori_loop(0, CPP2 // NBUF, body, 0)
        for j in range(NBUF):
            swait(CPP2 - NBUF + j, (CPP2 - NBUF + j) % NBUF)
        return carry

    lax.fori_loop(0, PHASES2, phase, 0)
    plsc.subcore_barrier()
    pltpu.sync_copy(acc.at[pl.ds(r0, ROWS_PER_TILE)],
                    z_out.at[cid, pl.ds(r0, ROWS_PER_TILE)])


@functools.cache
def _make_agg(half):
    return pl.kernel(
        _agg_body,
        out_type=jax.ShapeDtypeStruct((NC, NPAD, half), jnp.float32),
        mesh=_mesh(),
        compiler_params=pltpu.CompilerParams(use_tc_tiling_on_sc=False),
        scratch_types=[
            pltpu.VMEM_SHARED((NPAD, half), jnp.float32),
            pltpu.VMEM_SHARED((NPAD, half), jnp.float32),
        ],
    )





BM = 512
GRID = NPAD // BM


def _dinv_of(deg_ref):
    deg = jnp.sum(deg_ref[...], axis=0)
    return lax.rsqrt(deg + 1.0)[:, None]


def _split(o_ref, v):
    half = v.shape[1] // 2
    o_ref[0] = v[:, :half]
    o_ref[1] = v[:, half:]


def _cat(ref):
    return jnp.concatenate([ref[0], ref[1]], axis=1)


def _stage_a_body(x_ref, w_ref, deg_ref, y_ref):
    dinv = _dinv_of(deg_ref)
    _split(y_ref, dinv * jnp.dot(x_ref[...], w_ref[...],
                                 preferred_element_type=jnp.float32))


def _stage_b_body(z_ref, y_ref, deg_ref, b_ref, w_ref, o_ref):
    dinv = _dinv_of(deg_ref)
    h = jnp.maximum(dinv * (_cat(z_ref) + _cat(y_ref)) + b_ref[...], 0.0)
    _split(o_ref, dinv * jnp.dot(h, w_ref[...],
                                 preferred_element_type=jnp.float32))


def _stage_c_body(z_ref, y_ref, deg_ref, b_ref, o_ref):
    dinv = _dinv_of(deg_ref)
    o_ref[...] = dinv * (_cat(z_ref) + _cat(y_ref)) + b_ref[...]


def _row_spec(c):
    return pl.BlockSpec((BM, c), lambda i: (i, 0))


def _z_spec(c):
    return pl.BlockSpec((NC, BM, c), lambda i: (0, i, 0))


_DEG_SPEC = pl.BlockSpec((NW, BM), lambda i: (0, i))


def _b_spec(c):
    return pl.BlockSpec((1, c), lambda i: (0, 0))


def _w_spec(ci, co):
    return pl.BlockSpec((ci, co), lambda i: (0, 0))


def _stage_a(xp, w, deg):
    return pl.pallas_call(
        _stage_a_body,
        grid=(GRID,),
        in_specs=[_row_spec(128), _w_spec(128, 128), _DEG_SPEC],
        out_specs=_z_spec(64),
        out_shape=jax.ShapeDtypeStruct((NC, NPAD, 64), jnp.float32),
    )(xp, w, deg)


def _stage_b(z, y, deg, b, w, co):
    return pl.pallas_call(
        _stage_b_body,
        grid=(GRID,),
        in_specs=[_z_spec(64), _z_spec(64), _DEG_SPEC, _b_spec(128),
                  _w_spec(128, co)],
        out_specs=_z_spec(co // 2),
        out_shape=jax.ShapeDtypeStruct((NC, NPAD, co // 2), jnp.float32),
    )(z, y, deg, b, w)


def _stage_c(z, y, deg, b):
    return pl.pallas_call(
        _stage_c_body,
        grid=(GRID,),
        in_specs=[_z_spec(32), _z_spec(32), _DEG_SPEC, _b_spec(64)],
        out_specs=_row_spec(64),
        out_shape=jax.ShapeDtypeStruct((NPAD, 64), jnp.float32),
    )(z, y, deg, b)



def kernel(x, edge_index, W1, b1, W2, b2, W3, b3):
    src = edge_index[0].astype(jnp.int32)
    dst = edge_index[1].astype(jnp.int32)
    pad = EPAD - E
    src2d = jnp.concatenate([src, jnp.zeros((pad,), jnp.int32)]
                            ).reshape(NS, CHUNKS2, K)
    dst2d = jnp.concatenate([dst, jnp.full((pad,), N, jnp.int32)]
                            ).reshape(NS, CHUNKS2, K)
    xp = jnp.pad(x, ((0, NPAD - N), (0, 0)))
    zeros64 = jnp.zeros((NPAD, 64), jnp.float32)
    zeros32 = jnp.zeros((NPAD, 32), jnp.float32)
    b1r, b2r, b3r = (b.reshape(1, -1) for b in (b1, b2, b3))

    deg = _deg_kernel()(dst2d.reshape(NW, EPW))
    y1 = _stage_a(xp, W1, deg)
    z1 = _make_agg(64)(y1, src2d, dst2d, zeros64)
    y2 = _stage_b(z1, y1, deg, b1r, W2, 128)
    z2 = _make_agg(64)(y2, src2d, dst2d, zeros64)
    y3 = _stage_b(z2, y2, deg, b2r, W3, 64)
    z3 = _make_agg(32)(y3, src2d, dst2d, zeros32)
    out = _stage_c(z3, y3, deg, b3r)
    return out[:N]

# --- scband reference (transcript-rebuilt; emitter-appended) ---
"""Pipeline reference for scband-gcnnet-82781199663712 (READ-ONLY COPY).

The authoritative reference and input builder live on the scoring server;
editing this copy changes nothing except your own understanding.
"""

import jax, jax.numpy as jnp
import numpy as np

N_NODES = 10000
N_EDGES = 320000
IN_CH = 128
HID_CH = 128
N_CLASSES = 64


def gcn_conv(x, src, dst, W, b, n_nodes):
    # PyG GCNConv: add self loops, symmetric normalization, message = norm * (x W), sum-aggregate at dst, add bias
    loop = jnp.arange(n_nodes, dtype=src.dtype)
    s = jnp.concatenate([src, loop])
    d = jnp.concatenate([dst, loop])
    deg = jnp.zeros((n_nodes,), dtype=x.dtype).at[d].add(1.0)
    dinv = jnp.where(deg > 0, jax.lax.rsqrt(jnp.maximum(deg, 1e-12)), 0.0)
    norm = dinv[s] * dinv[d]
    xw = x @ W
    msg = xw[s] * norm[:, None]
    out = jnp.zeros((n_nodes, W.shape[1]), dtype=x.dtype).at[d].add(msg)
    return out + b


def setup_inputs(seed: int = 0) -> dict:
    key = jax.random.key(seed)
    k1, k2, k3, k4, k5 = jax.random.split(key, 5)
    x = jax.random.normal(k1, (N_NODES, IN_CH), dtype=jnp.float32)
    edge_index = jax.random.randint(k2, (2, N_EDGES), 0, N_NODES, dtype=jnp.int64)
    s1 = (1.0 / np.sqrt(IN_CH)).astype(np.float32) if isinstance(np.sqrt(IN_CH), np.ndarray) else np.float32(1.0 / np.sqrt(IN_CH))
    W1 = jax.random.normal(k3, (IN_CH, HID_CH), dtype=jnp.float32) * (1.0 / np.sqrt(IN_CH))
    b1 = jnp.zeros((HID_CH,), dtype=jnp.float32)
    W2 = jax.random.normal(k4, (HID_CH, HID_CH), dtype=jnp.float32) * (1.0 / np.sqrt(HID_CH))
    b2 = jnp.zeros((HID_CH,), dtype=jnp.float32)
    W3 = jax.random.normal(k5, (HID_CH, N_CLASSES), dtype=jnp.float32) * (1.0 / np.sqrt(HID_CH))
    b3 = jnp.zeros((N_CLASSES,), dtype=jnp.float32)
    return {"x": x, "edge_index": edge_index, "W1": W1, "b1": b1, "W2": W2, "b2": b2, "W3": W3, "b3": b3}


def reference(x, edge_index, W1, b1, W2, b2, W3, b3):
    n_nodes = x.shape[0]
    src, dst = edge_index[0], edge_index[1]
    h = gcn_conv(x, src, dst, W1, b1, n_nodes)
    h = jax.nn.relu(h)
    h = gcn_conv(h, src, dst, W2, b2, n_nodes)
    h = jax.nn.relu(h)
    out = gcn_conv(h, src, dst, W3, b3, n_nodes)
    return out

if __name__ == "__main__":
    import jax
    _d = setup_inputs()
    print(jax.jit(kernel)(*tuple(_d.values())))

</pallas_src>

<mosaic_0001>
#map = affine_map<(d0, d1) -> (0, 0)>
module attributes {stable_mosaic.version = 14 : i64} {
  func.func @_deg_body(%arg0: i32, %arg1: i32, %arg2: memref<32x10240xi32, #tpu.memory_space<hbm>>, %arg3: memref<32x10240xf32, #tpu.memory_space<hbm>>, %arg4: memref<10240xi32, #tpu.memory_space<vmem>>, %arg5: memref<10240xf32, #tpu.memory_space<vmem>>) attributes {dimension_semantics = [#tpu.dimension_semantics<core_parallel>, #tpu.dimension_semantics<subcore_parallel>], iteration_bounds = array<i64: 2, 16>, scalar_prefetch = 0 : i64, scratch_operands = 2 : i64, tpu.core_type = #tpu.core_type<sc_vector_subcore>, window_params = [{transform_indices = #map}, {transform_indices = #map}]} {
    %mul3A = arith.constant 16 : i32
    %mul3A_0 = arith.muli %arg0, %mul3A : i32
    %add3A = arith.addi %mul3A_0, %arg1 : i32
    "tpu.region"() ({
      %run_scoped3A = tpu.sem_alloc : memref<!tpu.dma_semaphore, #tpu.memory_space<semaphore_mem>>
      %dma_start3A = arith.constant 0 : i32
      %dma_start3A_15 = tpu.memref_slice %arg2[%add3A, %dma_start3A] : memref<32x10240xi32, #tpu.memory_space<hbm>> -> memref<1x10240xi32, #tpu.memory_space<hbm>>
      %dma_start3A_16 = tpu.memref_squeeze %dma_start3A_15 : memref<1x10240xi32, #tpu.memory_space<hbm>> -> memref<10240xi32, #tpu.memory_space<hbm>>
      %dma_start3A_17 = arith.constant 0 : i32
      %dma_start3A_18 = tpu.memref_slice %arg2[%add3A, %dma_start3A_17] : memref<32x10240xi32, #tpu.memory_space<hbm>> -> memref<1x10240xi32, #tpu.memory_space<hbm>>
      %dma_start3A_19 = tpu.memref_squeeze %dma_start3A_18 : memref<1x10240xi32, #tpu.memory_space<hbm>> -> memref<10240xi32, #tpu.memory_space<hbm>>
      tpu.enqueue_dma source(%dma_start3A_19 : memref<10240xi32, #tpu.memory_space<hbm>>) target(%arg4 : memref<10240xi32, #tpu.memory_space<vmem>>) target_semaphore(%run_scoped3A : memref<!tpu.dma_semaphore, #tpu.memory_space<semaphore_mem>>)
      %dma_wait3A = arith.constant 0 : i32
      %dma_wait3A_20 = tpu.memref_slice %arg2[%add3A, %dma_wait3A] : memref<32x10240xi32, #tpu.memory_space<hbm>> -> memref<1x10240xi32, #tpu.memory_space<hbm>>
      %dma_wait3A_21 = tpu.memref_squeeze %dma_wait3A_20 : memref<1x10240xi32, #tpu.memory_space<hbm>> -> memref<10240xi32, #tpu.memory_space<hbm>>
      %dma_wait3A_22 = arith.constant 0 : i32
      %dma_wait3A_23 = tpu.memref_slice %arg2[%add3A, %dma_wait3A_22] : memref<32x10240xi32, #tpu.memory_space<hbm>> -> memref<1x10240xi32, #tpu.memory_space<hbm>>
      %dma_wait3A_24 = tpu.memref_squeeze %dma_wait3A_23 : memref<1x10240xi32, #tpu.memory_space<hbm>> -> memref<10240xi32, #tpu.memory_space<hbm>>
      tpu.wait_dma2 semaphore(%run_scoped3A : memref<!tpu.dma_semaphore, #tpu.memory_space<semaphore_mem>>) src(%dma_wait3A_24 : memref<10240xi32, #tpu.memory_space<hbm>>) dst(%arg4 : memref<10240xi32, #tpu.memory_space<vmem>>)
      tpu.yield
    }) : () -> ()
    %broadcast_in_dim3A = arith.constant 0.000000e+00 : f32
    %broadcast_in_dim3A_1 = vector.broadcast %broadcast_in_dim3A : f32 to vector<16xf32>
    %broadcast_in_dim3A_2 = arith.constant 1.000000e+00 : f32
    %broadcast_in_dim3A_3 = vector.broadcast %broadcast_in_dim3A_2 : f32 to vector<16xf32>
    %scan3A = arith.constant 0 : i32
    %scan3A_4 = arith.constant 0 : i32
    %scan3A_5 = arith.constant 640 : i32
    %scan3A_6 = arith.addi %scan3A_4, %scan3A_5 : i32
    %scan3A_7 = arith.constant 1 : i32
    scf.for %scan3A_15 = %scan3A_4 to %scan3A_6 step %scan3A_7  : i32 {
      %mul3A_16 = arith.constant 16 : i32
      %mul3A_17 = arith.muli %scan3A_15, %mul3A_16 : i32
      %swap3A = arith.index_cast %mul3A_17 : i32 to index
      %swap3A_18 = tpu.vector_load %arg5[%swap3A] {strides = array<i32>} : memref<10240xf32, #tpu.memory_space<vmem>>, vector<16xf32>,
      tpu.vector_store %arg5[%swap3A], %broadcast_in_dim3A_1 {strides = array<i32>} : memref<10240xf32, #tpu.memory_space<vmem>>, vector<16xf32>,
    }
    %scan3A_8 = arith.constant 640 : i32
    %scan3A_9 = arith.constant 0 : i32
    %scan3A_10 = arith.constant 0 : i32
    %scan3A_11 = arith.constant 640 : i32
    %scan3A_12 = arith.addi %scan3A_10, %scan3A_11 : i32
    %scan3A_13 = arith.constant 1 : i32
    scf.for %scan3A_15 = %scan3A_10 to %scan3A_12 step %scan3A_13  : i32 {
      %mul3A_16 = arith.constant 16 : i32
      %mul3A_17 = arith.muli %scan3A_15, %mul3A_16 : i32
      %get3A = arith.index_cast %mul3A_17 : i32 to index
      %get3A_18 = tpu.vector_load %arg4[%get3A] {strides = array<i32>} : memref<10240xi32, #tpu.memory_space<vmem>>, vector<16xi32>,
      tpu.vector_store_idx %arg5[%get3A_18], %broadcast_in_dim3A_3 {add = true} : memref<10240xf32, #tpu.memory_space<vmem>>[vector<16xi32>], vector<16xf32>,
    }
    %scan3A_14 = arith.constant 640 : i32
    "tpu.region"() ({
      %run_scoped3A = tpu.sem_alloc : memref<!tpu.dma_semaphore, #tpu.memory_space<semaphore_mem>>
      %dma_start3A = arith.constant 0 : i32
      %dma_start3A_15 = tpu.memref_slice %arg3[%add3A, %dma_start3A] : memref<32x10240xf32, #tpu.memory_space<hbm>> -> memref<1x10240xf32, #tpu.memory_space<hbm>>
      %dma_start3A_16 = tpu.memref_squeeze %dma_start3A_15 : memref<1x10240xf32, #tpu.memory_space<hbm>> -> memref<10240xf32, #tpu.memory_space<hbm>>
      %dma_start3A_17 = arith.constant 0 : i32
      %dma_start3A_18 = tpu.memref_slice %arg3[%add3A, %dma_start3A_17] : memref<32x10240xf32, #tpu.memory_space<hbm>> -> memref<1x10240xf32, #tpu.memory_space<hbm>>
      %dma_start3A_19 = tpu.memref_squeeze %dma_start3A_18 : memref<1x10240xf32, #tpu.memory_space<hbm>> -> memref<10240xf32, #tpu.memory_space<hbm>>
      tpu.enqueue_dma source(%arg5 : memref<10240xf32, #tpu.memory_space<vmem>>) target(%dma_start3A_19 : memref<10240xf32, #tpu.memory_space<hbm>>) target_semaphore(%run_scoped3A : memref<!tpu.dma_semaphore, #tpu.memory_space<semaphore_mem>>)
      %dma_wait3A = arith.constant 0 : i32
      %dma_wait3A_20 = tpu.memref_slice %arg3[%add3A, %dma_wait3A] : memref<32x10240xf32, #tpu.memory_space<hbm>> -> memref<1x10240xf32, #tpu.memory_space<hbm>>
      %dma_wait3A_21 = tpu.memref_squeeze %dma_wait3A_20 : memref<1x10240xf32, #tpu.memory_space<hbm>> -> memref<10240xf32, #tpu.memory_space<hbm>>
      %dma_wait3A_22 = arith.constant 0 : i32
      %dma_wait3A_23 = tpu.memref_slice %arg3[%add3A, %dma_wait3A_22] : memref<32x10240xf32, #tpu.memory_space<hbm>> -> memref<1x10240xf32, #tpu.memory_space<hbm>>
      %dma_wait3A_24 = tpu.memref_squeeze %dma_wait3A_23 : memref<1x10240xf32, #tpu.memory_space<hbm>> -> memref<10240xf32, #tpu.memory_space<hbm>>
      tpu.wait_dma2 semaphore(%run_scoped3A : memref<!tpu.dma_semaphore, #tpu.memory_space<semaphore_mem>>) src(%arg5 : memref<10240xf32, #tpu.memory_space<vmem>>) dst(%dma_wait3A_24 : memref<10240xf32, #tpu.memory_space<hbm>>)
      tpu.yield
    }) : () -> ()
    return
  }
}

#map = affine_map<(d0, d1) -> (0, 0, 0)>
#map1 = affine_map<(d0, d1) -> (0, 0)>
module attributes {stable_mosaic.version = 14 : i64} {
  func.func @_agg_body(%arg0: i32, %arg1: i32, %arg2: memref<2x10240x32xf32, #tpu.memory_space<hbm>>, %arg3: memref<16x160x128xi32, #tpu.memory_space<hbm>>, %arg4: memref<16x160x128xi32, #tpu.memory_space<hbm>>, %arg5: memref<10240x32xf32, #tpu.memory_space<hbm>>, %arg6: memref<2x10240x32xf32, #tpu.memory_space<hbm>>, %arg7: memref<10240x32xf32, #tpu.memory_space<vmem_shared>>, %arg8: memref<10240x32xf32, #tpu.memory_space<vmem_shared>>) attributes {dimension_semantics = [#tpu.dimension_semantics<core_parallel>, #tpu.dimension_semantics<subcore_parallel>], iteration_bounds = array<i64: 2, 16>, scalar_prefetch = 0 : i64, scratch_operands = 2 : i64, tpu.core_type = #tpu.core_type<sc_vector_subcore>, window_params = [{transform_indices = #map}, {transform_indices = #map}, {transform_indices = #map}, {transform_indices = #map1}, {transform_indices = #map}]} {
    "tpu.region"() ({
      %run_scoped3A = memref.alloca() : memref<20x128xi32, #tpu.memory_space<vmem>>
      %run_scoped3A_0 = memref.alloca() : memref<20x128xi32, #tpu.memory_space<vmem>>
      %run_scoped3A_1 = memref.alloca() : memref<4x128x32xf32, #tpu.memory_space<vmem>>
      %run_scoped3A_2 = tpu.sem_alloc : memref<!tpu.dma_semaphore, #tpu.memory_space<semaphore_mem>>
      %run_scoped3A_3 = tpu.sem_alloc : memref<!tpu.dma_semaphore, #tpu.memory_space<semaphore_mem>>
      %run_scoped3A_4 = tpu.sem_alloc : memref<!tpu.dma_semaphore, #tpu.memory_space<semaphore_mem>>
      %run_scoped3A_5 = tpu.sem_alloc : memref<!tpu.dma_semaphore, #tpu.memory_space<semaphore_mem>>
      %run_scoped3A_6 = tpu.sem_alloc : memref<!tpu.dma_semaphore, #tpu.memory_space<semaphore_mem>>
      %run_scoped3A_7 = tpu.sem_alloc : memref<!tpu.dma_semaphore, #tpu.memory_space<semaphore_mem>>
      %run_scoped3A_8 = tpu.sem_alloc : memref<!tpu.dma_semaphore, #tpu.memory_space<semaphore_mem>>
      %run_scoped3A_9 = tpu.sem_alloc : memref<!tpu.dma_semaphore, #tpu.memory_space<semaphore_mem>>
      %mul3A = arith.constant 640 : i32
      %mul3A_10 = arith.muli %arg1, %mul3A : i32
      "tpu.region"() ({
        %run_scoped3A_17 = tpu.sem_alloc : memref<!tpu.dma_semaphore, #tpu.memory_space<semaphore_mem>>
        %dma_start3A = arith.constant 0 : i32
        %dma_start3A_18 = tpu.memref_slice %arg8[%mul3A_10, %dma_start3A] : memref<10240x32xf32, #tpu.memory_space<vmem_shared>> -> memref<640x32xf32, #tpu.memory_space<vmem_shared>>
        %dma_start3A_19 = arith.constant 0 : i32
        %dma_start3A_20 = tpu.memref_slice %arg5[%mul3A_10, %dma_start3A_19] : memref<10240x32xf32, #tpu.memory_space<hbm>> -> memref<640x32xf32, #tpu.memory_space<hbm>>
        tpu.enqueue_dma source(%dma_start3A_20 : memref<640x32xf32, #tpu.memory_space<hbm>>) target(%dma_start3A_18 : memref<640x32xf32, #tpu.memory_space<vmem_shared>>) target_semaphore(%run_scoped3A_17 : memref<!tpu.dma_semaphore, #tpu.memory_space<semaphore_mem>>)
        %dma_wait3A = arith.constant 0 : i32
        %dma_wait3A_21 = tpu.memref_slice %arg8[%mul3A_10, %dma_wait3A] : memref<10240x32xf32, #tpu.memory_space<vmem_shared>> -> memref<640x32xf32, #tpu.memory_space<vmem_shared>>
        %dma_wait3A_22 = arith.constant 0 : i32
        %dma_wait3A_23 = tpu.memref_slice %arg5[%mul3A_10, %dma_wait3A_22] : memref<10240x32xf32, #tpu.memory_space<hbm>> -> memref<640x32xf32, #tpu.memory_space<hbm>>
        tpu.wait_dma2 semaphore(%run_scoped3A_17 : memref<!tpu.dma_semaphore, #tpu.memory_space<semaphore_mem>>) src(%dma_wait3A_23 : memref<640x32xf32, #tpu.memory_space<hbm>>) dst(%dma_wait3A_21 : memref<640x32xf32, #tpu.memory_space<vmem_shared>>)
        tpu.yield
      }) : () -> ()
      "tpu.region"() ({
        %run_scoped3A_17 = tpu.sem_alloc : memref<!tpu.dma_semaphore, #tpu.memory_space<semaphore_mem>>
        %dma_start3A = arith.constant 0 : i32
        %dma_start3A_18 = tpu.memref_slice %arg7[%mul3A_10, %dma_start3A] : memref<10240x32xf32, #tpu.memory_space<vmem_shared>> -> memref<640x32xf32, #tpu.memory_space<vmem_shared>>
        %dma_start3A_19 = arith.constant 0 : i32
        %dma_start3A_20 = tpu.memref_slice %arg2[%arg0, %mul3A_10, %dma_start3A_19] : memref<2x10240x32xf32, #tpu.memory_space<hbm>> -> memref<1x640x32xf32, #tpu.memory_space<hbm>>
        %dma_start3A_21 = tpu.memref_squeeze %dma_start3A_20 : memref<1x640x32xf32, #tpu.memory_space<hbm>> -> memref<640x32xf32, #tpu.memory_space<hbm>>
        tpu.enqueue_dma source(%dma_start3A_21 : memref<640x32xf32, #tpu.memory_space<hbm>>) target(%dma_start3A_18 : memref<640x32xf32, #tpu.memory_space<vmem_shared>>) target_semaphore(%run_scoped3A_17 : memref<!tpu.dma_semaphore, #tpu.memory_space<semaphore_mem>>)
        %dma_wait3A = arith.constant 0 : i32
        %dma_wait3A_22 = tpu.memref_slice %arg7[%mul3A_10, %dma_wait3A] : memref<10240x32xf32, #tpu.memory_space<vmem_shared>> -> memref<640x32xf32, #tpu.memory_space<vmem_shared>>
        %dma_wait3A_23 = arith.constant 0 : i32
        %dma_wait3A_24 = tpu.memref_slice %arg2[%arg0, %mul3A_10, %dma_wait3A_23] : memref<2x10240x32xf32, #tpu.memory_space<hbm>> -> memref<1x640x32xf32, #tpu.memory_space<hbm>>
        %dma_wait3A_25 = tpu.memref_squeeze %dma_wait3A_24 : memref<1x640x32xf32, #tpu.memory_space<hbm>> -> memref<640x32xf32, #tpu.memory_space<hbm>>
        tpu.wait_dma2 semaphore(%run_scoped3A_17 : memref<!tpu.dma_semaphore, #tpu.memory_space<semaphore_mem>>) src(%dma_wait3A_25 : memref<640x32xf32, #tpu.memory_space<hbm>>) dst(%dma_wait3A_22 : memref<640x32xf32, #tpu.memory_space<vmem_shared>>)
        tpu.yield
      }) : () -> ()
      %barrier3A = arith.constant 0 : index
      tpu.barrier barrier_id(%barrier3A)
      %scan3A = arith.constant 0 : i32
      %scan3A_11 = arith.constant 0 : i32
      %scan3A_12 = arith.constant 8 : i32
      %scan3A_13 = arith.addi %scan3A_11, %scan3A_12 : i32
      %scan3A_14 = arith.constant 1 : i32
      scf.for %scan3A_17 = %scan3A_11 to %scan3A_13 step %scan3A_14  : i32 {
        %mul3A_18 = arith.constant 20 : i32
        %mul3A_19 = arith.muli %scan3A_17, %mul3A_18 : i32
        "tpu.region"() ({
          %run_scoped3A_110 = tpu.sem_alloc : memref<!tpu.dma_semaphore, #tpu.memory_space<semaphore_mem>>
          %dma_start3A_111 = arith.constant 0 : i32
          %dma_start3A_112 = tpu.memref_slice %arg3[%arg1, %mul3A_19, %dma_start3A_111] : memref<16x160x128xi32, #tpu.memory_space<hbm>> -> memref<1x20x128xi32, #tpu.memory_space<hbm>>
          %dma_start3A_113 = tpu.memref_squeeze %dma_start3A_112 : memref<1x20x128xi32, #tpu.memory_space<hbm>> -> memref<20x128xi32, #tpu.memory_space<hbm>>
          %dma_start3A_114 = arith.constant 0 : i32
          %dma_start3A_115 = tpu.memref_slice %arg3[%arg1, %mul3A_19, %dma_start3A_114] : memref<16x160x128xi32, #tpu.memory_space<hbm>> -> memref<1x20x128xi32, #tpu.memory_space<hbm>>
          %dma_start3A_116 = tpu.memref_squeeze %dma_start3A_115 : memref<1x20x128xi32, #tpu.memory_space<hbm>> -> memref<20x128xi32, #tpu.memory_space<hbm>>
          tpu.enqueue_dma source(%dma_start3A_116 : memref<20x128xi32, #tpu.memory_space<hbm>>) target(%run_scoped3A : memref<20x128xi32, #tpu.memory_space<vmem>>) target_semaphore(%run_scoped3A_110 : memref<!tpu.dma_semaphore, #tpu.memory_space<semaphore_mem>>)
          %dma_wait3A_117 = arith.constant 0 : i32
          %dma_wait3A_118 = tpu.memref_slice %arg3[%arg1, %mul3A_19, %dma_wait3A_117] : memref<16x160x128xi32, #tpu.memory_space<hbm>> -> memref<1x20x128xi32, #tpu.memory_space<hbm>>
          %dma_wait3A_119 = tpu.memref_squeeze %dma_wait3A_118 : memref<1x20x128xi32, #tpu.memory_space<hbm>> -> memref<20x128xi32, #tpu.memory_space<hbm>>
          %dma_wait3A_120 = arith.constant 0 : i32
          %dma_wait3A_121 = tpu.memref_slice %arg3[%arg1, %mul3A_19, %dma_wait3A_120] : memref<16x160x128xi32, #tpu.memory_space<hbm>> -> memref<1x20x128xi32, #tpu.memory_space<hbm>>
          %dma_wait3A_122 = tpu.memref_squeeze %dma_wait3A_121 : memref<1x20x128xi32, #tpu.memory_space<hbm>> -> memref<20x128xi32, #tpu.memory_space<hbm>>
          tpu.wait_dma2 semaphore(%run_scoped3A_110 : memref<!tpu.dma_semaphore, #tpu.memory_space<semaphore_mem>>) src(%dma_wait3A_122 : memref<20x128xi32, #tpu.memory_space<hbm>>) dst(%run_scoped3A : memref<20x128xi32, #tpu.memory_space<vmem>>)
          tpu.yield
        }) : () -> ()
        %mul3A_20 = arith.constant 20 : i32
        %mul3A_21 = arith.muli %scan3A_17, %mul3A_20 : i32
        "tpu.region"() ({
          %run_scoped3A_110 = tpu.sem_alloc : memref<!tpu.dma_semaphore, #tpu.memory_space<semaphore_mem>>
          %dma_start3A_111 = arith.constant 0 : i32
          %dma_start3A_112 = tpu.memref_slice %arg4[%arg1, %mul3A_21, %dma_start3A_111] : memref<16x160x128xi32, #tpu.memory_space<hbm>> -> memref<1x20x128xi32, #tpu.memory_space<hbm>>
          %dma_start3A_113 = tpu.memref_squeeze %dma_start3A_112 : memref<1x20x128xi32, #tpu.memory_space<hbm>> -> memref<20x128xi32, #tpu.memory_space<hbm>>
          %dma_start3A_114 = arith.constant 0 : i32
          %dma_start3A_115 = tpu.memref_slice %arg4[%arg1, %mul3A_21, %dma_start3A_114] : memref<16x160x128xi32, #tpu.memory_space<hbm>> -> memref<1x20x128xi32, #tpu.memory_space<hbm>>
          %dma_start3A_116 = tpu.memref_squeeze %dma_start3A_115 : memref<1x20x128xi32, #tpu.memory_space<hbm>> -> memref<20x128xi32, #tpu.memory_space<hbm>>
          tpu.enqueue_dma source(%dma_start3A_116 : memref<20x128xi32, #tpu.memory_space<hbm>>) target(%run_scoped3A_0 : memref<20x128xi32, #tpu.memory_space<vmem>>) target_semaphore(%run_scoped3A_110 : memref<!tpu.dma_semaphore, #tpu.memory_space<semaphore_mem>>)
          %dma_wait3A_117 = arith.constant 0 : i32
          %dma_wait3A_118 = tpu.memref_slice %arg4[%arg1, %mul3A_21, %dma_wait3A_117] : memref<16x160x128xi32, #tpu.memory_space<hbm>> -> memref<1x20x128xi32, #tpu.memory_space<hbm>>
          %dma_wait3A_119 = tpu.memref_squeeze %dma_wait3A_118 : memref<1x20x128xi32, #tpu.memory_space<hbm>> -> memref<20x128xi32, #tpu.memory_space<hbm>>
          %dma_wait3A_120 = arith.constant 0 : i32
          %dma_wait3A_121 = tpu.memref_slice %arg4[%arg1, %mul3A_21, %dma_wait3A_120] : memref<16x160x128xi32, #tpu.memory_space<hbm>> -> memref<1x20x128xi32, #tpu.memory_space<hbm>>
          %dma_wait3A_122 = tpu.memref_squeeze %dma_wait3A_121 : memref<1x20x128xi32, #tpu.memory_space<hbm>> -> memref<20x128xi32, #tpu.memory_space<hbm>>
          tpu.wait_dma2 semaphore(%run_scoped3A_110 : memref<!tpu.dma_semaphore, #tpu.memory_space<semaphore_mem>>) src(%dma_wait3A_122 : memref<20x128xi32, #tpu.memory_space<hbm>>) dst(%run_scoped3A_0 : memref<20x128xi32, #tpu.memory_space<vmem>>)
          tpu.yield
        }) : () -> ()
        %dma_start3A = arith.constant 0 : i32
        %dma_start3A_22 = arith.constant 0 : i32
        %dma_start3A_23 = arith.constant 0 : i32
        %dma_start3A_24 = arith.constant 0 : i32
        %dma_start3A_25 = tpu.memref_slice %run_scoped3A_1[%dma_start3A_22, %dma_start3A_23, %dma_start3A_24] : memref<4x128x32xf32, #tpu.memory_space<vmem>> -> memref<1x128x32xf32, #tpu.memory_space<vmem>>
        %dma_start3A_26 = tpu.memref_squeeze %dma_start3A_25 : memref<1x128x32xf32, #tpu.memory_space<vmem>> -> memref<128x32xf32, #tpu.memory_space<vmem>>
        %dma_start3A_27 = arith.constant 0 : i32
        %dma_start3A_28 = tpu.memref_slice %run_scoped3A[%dma_start3A, %dma_start3A_27] : memref<20x128xi32, #tpu.memory_space<vmem>> -> memref<1x128xi32, #tpu.memory_space<vmem>>
        %dma_start3A_29 = tpu.memref_squeeze %dma_start3A_28 : memref<1x128xi32, #tpu.memory_space<vmem>> -> memref<128xi32, #tpu.memory_space<vmem>>
        %dma_start3A_30 = arith.constant 0 : i32
        %dma_start3A_31 = arith.constant 0 : i32
        %dma_start3A_32 = tpu.memref_slice %arg7[%dma_start3A_30, %dma_start3A_31] : memref<10240x32xf32, #tpu.memory_space<vmem_shared>> -> memref<10240x32xf32, #tpu.memory_space<vmem_shared>>
        tpu.enqueue_indirect_dma source(%dma_start3A_32 : memref<10240x32xf32, #tpu.memory_space<vmem_shared>>) target(%dma_start3A_26 : memref<128x32xf32, #tpu.memory_space<vmem>>) offsets(%dma_start3A_29 : memref<128xi32, #tpu.memory_space<vmem>>) semaphore(%run_scoped3A_2 : memref<!tpu.dma_semaphore, #tpu.memory_space<semaphore_mem>>)
        %dma_start3A_33 = arith.constant 1 : i32
        %dma_start3A_34 = arith.constant 1 : i32
        %dma_start3A_35 = arith.constant 0 : i32
        %dma_start3A_36 = arith.constant 0 : i32
        %dma_start3A_37 = tpu.memref_slice %run_scoped3A_1[%dma_start3A_34, %dma_start3A_35, %dma_start3A_36] : memref<4x128x32xf32, #tpu.memory_space<vmem>> -> memref<1x128x32xf32, #tpu.memory_space<vmem>>
        %dma_start3A_38 = tpu.memref_squeeze %dma_start3A_37 : memref<1x128x32xf32, #tpu.memory_space<vmem>> -> memref<128x32xf32, #tpu.memory_space<vmem>>
        %dma_start3A_39 = arith.constant 0 : i32
        %dma_start3A_40 = tpu.memref_slice %run_scoped3A[%dma_start3A_33, %dma_start3A_39] : memref<20x128xi32, #tpu.memory_space<vmem>> -> memref<1x128xi32, #tpu.memory_space<vmem>>
        %dma_start3A_41 = tpu.memref_squeeze %dma_start3A_40 : memref<1x128xi32, #tpu.memory_space<vmem>> -> memref<128xi32, #tpu.memory_space<vmem>>
        %dma_start3A_42 = arith.constant 0 : i32
        %dma_start3A_43 = arith.constant 0 : i32
        %dma_start3A_44 = tpu.memref_slice %arg7[%dma_start3A_42, %dma_start3A_43] : memref<10240x32xf32, #tpu.memory_space<vmem_shared>> -> memref<10240x32xf32, #tpu.memory_space<vmem_shared>>
        tpu.enqueue_indirect_dma source(%dma_start3A_44 : memref<10240x32xf32, #tpu.memory_space<vmem_shared>>) target(%dma_start3A_38 : memref<128x32xf32, #tpu.memory_space<vmem>>) offsets(%dma_start3A_41 : memref<128xi32, #tpu.memory_space<vmem>>) semaphore(%run_scoped3A_3 : memref<!tpu.dma_semaphore, #tpu.memory_space<semaphore_mem>>)
        %dma_start3A_45 = arith.constant 2 : i32
        %dma_start3A_46 = arith.constant 2 : i32
        %dma_start3A_47 = arith.constant 0 : i32
        %dma_start3A_48 = arith.constant 0 : i32
        %dma_start3A_49 = tpu.memref_slice %run_scoped3A_1[%dma_start3A_46, %dma_start3A_47, %dma_start3A_48] : memref<4x128x32xf32, #tpu.memory_space<vmem>> -> memref<1x128x32xf32, #tpu.memory_space<vmem>>
        %dma_start3A_50 = tpu.memref_squeeze %dma_start3A_49 : memref<1x128x32xf32, #tpu.memory_space<vmem>> -> memref<128x32xf32, #tpu.memory_space<vmem>>
        %dma_start3A_51 = arith.constant 0 : i32
        %dma_start3A_52 = tpu.memref_slice %run_scoped3A[%dma_start3A_45, %dma_start3A_51] : memref<20x128xi32, #tpu.memory_space<vmem>> -> memref<1x128xi32, #tpu.memory_space<vmem>>
        %dma_start3A_53 = tpu.memref_squeeze %dma_start3A_52 : memref<1x128xi32, #tpu.memory_space<vmem>> -> memref<128xi32, #tpu.memory_space<vmem>>
        %dma_start3A_54 = arith.constant 0 : i32
        %dma_start3A_55 = arith.constant 0 : i32
        %dma_start3A_56 = tpu.memref_slice %arg7[%dma_start3A_54, %dma_start3A_55] : memref<10240x32xf32, #tpu.memory_space<vmem_shared>> -> memref<10240x32xf32, #tpu.memory_space<vmem_shared>>
        tpu.enqueue_indirect_dma source(%dma_start3A_56 : memref<10240x32xf32, #tpu.memory_space<vmem_shared>>) target(%dma_start3A_50 : memref<128x32xf32, #tpu.memory_space<vmem>>) offsets(%dma_start3A_53 : memref<128xi32, #tpu.memory_space<vmem>>) semaphore(%run_scoped3A_4 : memref<!tpu.dma_semaphore, #tpu.memory_space<semaphore_mem>>)
        %scan3A_57 = arith.constant 0 : i32
        %scan3A_58 = arith.constant 0 : i32
        %scan3A_59 = arith.constant 5 : i32
        %scan3A_60 = arith.addi %scan3A_58, %scan3A_59 : i32
        %scan3A_61 = arith.constant 1 : i32
        scf.for %scan3A_110 = %scan3A_58 to %scan3A_60 step %scan3A_61  : i32 {
          %mul3A_111 = arith.constant 4 : i32
          %mul3A_112 = arith.muli %mul3A_111, %scan3A_110 : i32
          %add3A = arith.constant 0 : i32
          %add3A_113 = arith.addi %mul3A_112, %add3A : i32
          %dma_wait3A_114 = arith.constant 0 : i32
          %dma_wait3A_115 = arith.constant 0 : i32
          %dma_wait3A_116 = arith.constant 0 : i32
          %dma_wait3A_117 = tpu.memref_slice %run_scoped3A_1[%dma_wait3A_114, %dma_wait3A_115, %dma_wait3A_116] : memref<4x128x32xf32, #tpu.memory_space<vmem>> -> memref<1x128x32xf32, #tpu.memory_space<vmem>>
          %dma_wait3A_118 = tpu.memref_squeeze %dma_wait3A_117 : memref<1x128x32xf32, #tpu.memory_space<vmem>> -> memref<128x32xf32, #tpu.memory_space<vmem>>
          %dma_wait3A_119 = arith.constant 0 : i32
          %dma_wait3A_120 = tpu.memref_slice %run_scoped3A[%add3A_113, %dma_wait3A_119] : memref<20x128xi32, #tpu.memory_space<vmem>> -> memref<1x128xi32, #tpu.memory_space<vmem>>
          %dma_wait3A_121 = tpu.memref_squeeze %dma_wait3A_120 : memref<1x128xi32, #tpu.memory_space<vmem>> -> memref<128xi32, #tpu.memory_space<vmem>>
          %dma_wait3A_122 = arith.constant 0 : i32
          %dma_wait3A_123 = arith.constant 0 : i32
          %dma_wait3A_124 = tpu.memref_slice %arg7[%dma_wait3A_122, %dma_wait3A_123] : memref<10240x32xf32, #tpu.memory_space<vmem_shared>> -> memref<10240x32xf32, #tpu.memory_space<vmem_shared>>
          tpu.wait_indirect_dma semaphore(%run_scoped3A_2 : memref<!tpu.dma_semaphore, #tpu.memory_space<semaphore_mem>>) src(%dma_wait3A_124 : memref<10240x32xf32, #tpu.memory_space<vmem_shared>>) dst(%dma_wait3A_118 : memref<128x32xf32, #tpu.memory_space<vmem>>)
          %dma_start3A_125 = arith.constant 0 : i32
          %dma_start3A_126 = arith.constant 0 : i32
          %dma_start3A_127 = arith.constant 0 : i32
          %dma_start3A_128 = tpu.memref_slice %run_scoped3A_1[%dma_start3A_125, %dma_start3A_126, %dma_start3A_127] : memref<4x128x32xf32, #tpu.memory_space<vmem>> -> memref<1x128x32xf32, #tpu.memory_space<vmem>>
          %dma_start3A_129 = tpu.memref_squeeze %dma_start3A_128 : memref<1x128x32xf32, #tpu.memory_space<vmem>> -> memref<128x32xf32, #tpu.memory_space<vmem>>
          %dma_start3A_130 = arith.constant 0 : i32
          %dma_start3A_131 = tpu.memref_slice %run_scoped3A_0[%add3A_113, %dma_start3A_130] : memref<20x128xi32, #tpu.memory_space<vmem>> -> memref<1x128xi32, #tpu.memory_space<vmem>>
          %dma_start3A_132 = tpu.memref_squeeze %dma_start3A_131 : memref<1x128xi32, #tpu.memory_space<vmem>> -> memref<128xi32, #tpu.memory_space<vmem>>
          %dma_start3A_133 = arith.constant 0 : i32
          %dma_start3A_134 = arith.constant 0 : i32
          %dma_start3A_135 = tpu.memref_slice %arg8[%dma_start3A_133, %dma_start3A_134] : memref<10240x32xf32, #tpu.memory_space<vmem_shared>> -> memref<10240x32xf32, #tpu.memory_space<vmem_shared>>
          tpu.enqueue_indirect_dma source(%dma_start3A_129 : memref<128x32xf32, #tpu.memory_space<vmem>>) target(%dma_start3A_135 : memref<10240x32xf32, #tpu.memory_space<vmem_shared>>) offsets(%dma_start3A_132 : memref<128xi32, #tpu.memory_space<vmem>>) semaphore(%run_scoped3A_6 : memref<!tpu.dma_semaphore, #tpu.memory_space<semaphore_mem>>) {add = true}
          %add3A_136 = arith.constant 4 : i32
          %add3A_137 = arith.addi %add3A_113, %add3A_136 : i32
          %sub3A = arith.constant 1 : i32
          %sub3A_138 = arith.subi %add3A_137, %sub3A : i32
          %lt3A = arith.constant 20 : i32
          %lt3A_139 = arith.cmpi slt, %sub3A_138, %lt3A : i32
          %convert_element_type3A = arith.extui %lt3A_139 : i1 to i32
          %cond3A = arith.constant 0 : i32
          %cond3A_140 = arith.cmpi ne, %convert_element_type3A, %cond3A : i32
          scf.if %cond3A_140 {
            %ge3A = arith.constant 1 : i32
            %ge3A_246 = arith.cmpi sge, %add3A_113, %ge3A : i32
            %convert_element_type3A_247 = arith.extui %ge3A_246 : i1 to i32
            %cond3A_248 = arith.constant 0 : i32
            %cond3A_249 = arith.cmpi ne, %convert_element_type3A_247, %cond3A_248 : i32
            scf.if %cond3A_249 {
              %sub3A_265 = arith.constant 1 : i32
              %sub3A_266 = arith.subi %add3A_113, %sub3A_265 : i32
              %dma_wait3A_267 = arith.constant 3 : i32
              %dma_wait3A_268 = arith.constant 0 : i32
              %dma_wait3A_269 = arith.constant 0 : i32
              %dma_wait3A_270 = tpu.memref_slice %run_scoped3A_1[%dma_wait3A_267, %dma_wait3A_268, %dma_wait3A_269] : memref<4x128x32xf32, #tpu.memory_space<vmem>> -> memref<1x128x32xf32, #tpu.memory_space<vmem>>
              %dma_wait3A_271 = tpu.memref_squeeze %dma_wait3A_270 : memref<1x128x32xf32, #tpu.memory_space<vmem>> -> memref<128x32xf32, #tpu.memory_space<vmem>>
              %dma_wait3A_272 = arith.constant 0 : i32
              %dma_wait3A_273 = tpu.memref_slice %run_scoped3A_0[%sub3A_266, %dma_wait3A_272] : memref<20x128xi32, #tpu.memory_space<vmem>> -> memref<1x128xi32, #tpu.memory_space<vmem>>
              %dma_wait3A_274 = tpu.memref_squeeze %dma_wait3A_273 : memref<1x128xi32, #tpu.memory_space<vmem>> -> memref<128xi32, #tpu.memory_space<vmem>>
              %dma_wait3A_275 = arith.constant 0 : i32
              %dma_wait3A_276 = arith.constant 0 : i32
              %dma_wait3A_277 = tpu.memref_slice %arg8[%dma_wait3A_275, %dma_wait3A_276] : memref<10240x32xf32, #tpu.memory_space<vmem_shared>> -> memref<10240x32xf32, #tpu.memory_space<vmem_shared>>
              tpu.wait_indirect_dma semaphore(%run_scoped3A_9 : memref<!tpu.dma_semaphore, #tpu.memory_space<semaphore_mem>>) src(%dma_wait3A_271 : memref<128x32xf32, #tpu.memory_space<vmem>>) dst(%dma_wait3A_277 : memref<10240x32xf32, #tpu.memory_space<vmem_shared>>)
            } else {
            }
            %add3A_250 = arith.constant 4 : i32
            %add3A_251 = arith.addi %add3A_113, %add3A_250 : i32
            %sub3A_252 = arith.constant 1 : i32
            %sub3A_253 = arith.subi %add3A_251, %sub3A_252 : i32
            %dma_start3A_254 = arith.constant 3 : i32
            %dma_start3A_255 = arith.constant 0 : i32
            %dma_start3A_256 = arith.constant 0 : i32
            %dma_start3A_257 = tpu.memref_slice %run_scoped3A_1[%dma_start3A_254, %dma_start3A_255, %dma_start3A_256] : memref<4x128x32xf32, #tpu.memory_space<vmem>> -> memref<1x128x32xf32, #tpu.memory_space<vmem>>
            %dma_start3A_258 = tpu.memref_squeeze %dma_start3A_257 : memref<1x128x32xf32, #tpu.memory_space<vmem>> -> memref<128x32xf32, #tpu.memory_space<vmem>>
            %dma_start3A_259 = arith.constant 0 : i32
            %dma_start3A_260 = tpu.memref_slice %run_scoped3A[%sub3A_253, %dma_start3A_259] : memref<20x128xi32, #tpu.memory_space<vmem>> -> memref<1x128xi32, #tpu.memory_space<vmem>>
            %dma_start3A_261 = tpu.memref_squeeze %dma_start3A_260 : memref<1x128xi32, #tpu.memory_space<vmem>> -> memref<128xi32, #tpu.memory_space<vmem>>
            %dma_start3A_262 = arith.constant 0 : i32
            %dma_start3A_263 = arith.constant 0 : i32
            %dma_start3A_264 = tpu.memref_slice %arg7[%dma_start3A_262, %dma_start3A_263] : memref<10240x32xf32, #tpu.memory_space<vmem_shared>> -> memref<10240x32xf32, #tpu.memory_space<vmem_shared>>
            tpu.enqueue_indirect_dma source(%dma_start3A_264 : memref<10240x32xf32, #tpu.memory_space<vmem_shared>>) target(%dma_start3A_258 : memref<128x32xf32, #tpu.memory_space<vmem>>) offsets(%dma_start3A_261 : memref<128xi32, #tpu.memory_space<vmem>>) semaphore(%run_scoped3A_5 : memref<!tpu.dma_semaphore, #tpu.memory_space<semaphore_mem>>)
          } else {
          }
          %mul3A_141 = arith.constant 4 : i32
          %mul3A_142 = arith.muli %mul3A_141, %scan3A_110 : i32
          %add3A_143 = arith.constant 1 : i32
          %add3A_144 = arith.addi %mul3A_142, %add3A_143 : i32
          %dma_wait3A_145 = arith.constant 1 : i32
          %dma_wait3A_146 = arith.constant 0 : i32
          %dma_wait3A_147 = arith.constant 0 : i32
          %dma_wait3A_148 = tpu.memref_slice %run_scoped3A_1[%dma_wait3A_145, %dma_wait3A_146, %dma_wait3A_147] : memref<4x128x32xf32, #tpu.memory_space<vmem>> -> memref<1x128x32xf32, #tpu.memory_space<vmem>>
          %dma_wait3A_149 = tpu.memref_squeeze %dma_wait3A_148 : memref<1x128x32xf32, #tpu.memory_space<vmem>> -> memref<128x32xf32, #tpu.memory_space<vmem>>
          %dma_wait3A_150 = arith.constant 0 : i32
          %dma_wait3A_151 = tpu.memref_slice %run_scoped3A[%add3A_144, %dma_wait3A_150] : memref<20x128xi32, #tpu.memory_space<vmem>> -> memref<1x128xi32, #tpu.memory_space<vmem>>
          %dma_wait3A_152 = tpu.memref_squeeze %dma_wait3A_151 : memref<1x128xi32, #tpu.memory_space<vmem>> -> memref<128xi32, #tpu.memory_space<vmem>>
          %dma_wait3A_153 = arith.constant 0 : i32
          %dma_wait3A_154 = arith.constant 0 : i32
          %dma_wait3A_155 = tpu.memref_slice %arg7[%dma_wait3A_153, %dma_wait3A_154] : memref<10240x32xf32, #tpu.memory_space<vmem_shared>> -> memref<10240x32xf32, #tpu.memory_space<vmem_shared>>
          tpu.wait_indirect_dma semaphore(%run_scoped3A_3 : memref<!tpu.dma_semaphore, #tpu.memory_space<semaphore_mem>>) src(%dma_wait3A_155 : memref<10240x32xf32, #tpu.memory_space<vmem_shared>>) dst(%dma_wait3A_149 : memref<128x32xf32, #tpu.memory_space<vmem>>)
          %dma_start3A_156 = arith.constant 1 : i32
          %dma_start3A_157 = arith.constant 0 : i32
          %dma_start3A_158 = arith.constant 0 : i32
          %dma_start3A_159 = tpu.memref_slice %run_scoped3A_1[%dma_start3A_156, %dma_start3A_157, %dma_start3A_158] : memref<4x128x32xf32, #tpu.memory_space<vmem>> -> memref<1x128x32xf32, #tpu.memory_space<vmem>>
          %dma_start3A_160 = tpu.memref_squeeze %dma_start3A_159 : memref<1x128x32xf32, #tpu.memory_space<vmem>> -> memref<128x32xf32, #tpu.memory_space<vmem>>
          %dma_start3A_161 = arith.constant 0 : i32
          %dma_start3A_162 = tpu.memref_slice %run_scoped3A_0[%add3A_144, %dma_start3A_161] : memref<20x128xi32, #tpu.memory_space<vmem>> -> memref<1x128xi32, #tpu.memory_space<vmem>>
          %dma_start3A_163 = tpu.memref_squeeze %dma_start3A_162 : memref<1x128xi32, #tpu.memory_space<vmem>> -> memref<128xi32, #tpu.memory_space<vmem>>
          %dma_start3A_164 = arith.constant 0 : i32
          %dma_start3A_165 = arith.constant 0 : i32
          %dma_start3A_166 = tpu.memref_slice %arg8[%dma_start3A_164, %dma_start3A_165] : memref<10240x32xf32, #tpu.memory_space<vmem_shared>> -> memref<10240x32xf32, #tpu.memory_space<vmem_shared>>
          tpu.enqueue_indirect_dma source(%dma_start3A_160 : memref<128x32xf32, #tpu.memory_space<vmem>>) target(%dma_start3A_166 : memref<10240x32xf32, #tpu.memory_space<vmem_shared>>) offsets(%dma_start3A_163 : memref<128xi32, #tpu.memory_space<vmem>>) semaphore(%run_scoped3A_7 : memref<!tpu.dma_semaphore, #tpu.memory_space<semaphore_mem>>) {add = true}
          %add3A_167 = arith.constant 4 : i32
          %add3A_168 = arith.addi %add3A_144, %add3A_167 : i32
          %sub3A_169 = arith.constant 1 : i32
          %sub3A_170 = arith.subi %add3A_168, %sub3A_169 : i32
          %lt3A_171 = arith.constant 20 : i32
          %lt3A_172 = arith.cmpi slt, %sub3A_170, %lt3A_171 : i32
          %convert_element_type3A_173 = arith.extui %lt3A_172 : i1 to i32
          %cond3A_174 = arith.constant 0 : i32
          %cond3A_175 = arith.cmpi ne, %convert_element_type3A_173, %cond3A_174 : i32
          scf.if %cond3A_175 {
            %ge3A = arith.constant 1 : i32
            %ge3A_246 = arith.cmpi sge, %add3A_144, %ge3A : i32
            %convert_element_type3A_247 = arith.extui %ge3A_246 : i1 to i32
            %cond3A_248 = arith.constant 0 : i32
            %cond3A_249 = arith.cmpi ne, %convert_element_type3A_247, %cond3A_248 : i32
            scf.if %cond3A_249 {
              %sub3A_265 = arith.constant 1 : i32
              %sub3A_266 = arith.subi %add3A_144, %sub3A_265 : i32
              %dma_wait3A_267 = arith.constant 0 : i32
              %dma_wait3A_268 = arith.constant 0 : i32
              %dma_wait3A_269 = arith.constant 0 : i32
              %dma_wait3A_270 = tpu.memref_slice %run_scoped3A_1[%dma_wait3A_267, %dma_wait3A_268, %dma_wait3A_269] : memref<4x128x32xf32, #tpu.memory_space<vmem>> -> memref<1x128x32xf32, #tpu.memory_space<vmem>>
              %dma_wait3A_271 = tpu.memref_squeeze %dma_wait3A_270 : memref<1x128x32xf32, #tpu.memory_space<vmem>> -> memref<128x32xf32, #tpu.memory_space<vmem>>
              %dma_wait3A_272 = arith.constant 0 : i32
              %dma_wait3A_273 = tpu.memref_slice %run_scoped3A_0[%sub3A_266, %dma_wait3A_272] : memref<20x128xi32, #tpu.memory_space<vmem>> -> memref<1x128xi32, #tpu.memory_space<vmem>>
              %dma_wait3A_274 = tpu.memref_squeeze %dma_wait3A_273 : memref<1x128xi32, #tpu.memory_space<vmem>> -> memref<128xi32, #tpu.memory_space<vmem>>
              %dma_wait3A_275 = arith.constant 0 : i32
              %dma_wait3A_276 = arith.constant 0 : i32
              %dma_wait3A_277 = tpu.memref_slice %arg8[%dma_wait3A_275, %dma_wait3A_276] : memref<10240x32xf32, #tpu.memory_space<vmem_shared>> -> memref<10240x32xf32, #tpu.memory_space<vmem_shared>>
              tpu.wait_indirect_dma semaphore(%run_scoped3A_6 : memref<!tpu.dma_semaphore, #tpu.memory_space<semaphore_mem>>) src(%dma_wait3A_271 : memref<128x32xf32, #tpu.memory_space<vmem>>) dst(%dma_wait3A_277 : memref<10240x32xf32, #tpu.memory_space<vmem_shared>>)
            } else {
            }
            %add3A_250 = arith.constant 4 : i32
            %add3A_251 = arith.addi %add3A_144, %add3A_250 : i32
            %sub3A_252 = arith.constant 1 : i32
            %sub3A_253 = arith.subi %add3A_251, %sub3A_252 : i32
            %dma_start3A_254 = arith.constant 0 : i32
            %dma_start3A_255 = arith.constant 0 : i32
            %dma_start3A_256 = arith.constant 0 : i32
            %dma_start3A_257 = tpu.memref_slice %run_scoped3A_1[%dma_start3A_254, %dma_start3A_255, %dma_start3A_256] : memref<4x128x32xf32, #tpu.memory_space<vmem>> -> memref<1x128x32xf32, #tpu.memory_space<vmem>>
            %dma_start3A_258 = tpu.memref_squeeze %dma_start3A_257 : memref<1x128x32xf32, #tpu.memory_space<vmem>> -> memref<128x32xf32, #tpu.memory_space<vmem>>
            %dma_start3A_259 = arith.constant 0 : i32
            %dma_start3A_260 = tpu.memref_slice %run_scoped3A[%sub3A_253, %dma_start3A_259] : memref<20x128xi32, #tpu.memory_space<vmem>> -> memref<1x128xi32, #tpu.memory_space<vmem>>
            %dma_start3A_261 = tpu.memref_squeeze %dma_start3A_260 : memref<1x128xi32, #tpu.memory_space<vmem>> -> memref<128xi32, #tpu.memory_space<vmem>>
            %dma_start3A_262 = arith.constant 0 : i32
            %dma_start3A_263 = arith.constant 0 : i32
            %dma_start3A_264 = tpu.memref_slice %arg7[%dma_start3A_262, %dma_start3A_263] : memref<10240x32xf32, #tpu.memory_space<vmem_shared>> -> memref<10240x32xf32, #tpu.memory_space<vmem_shared>>
            tpu.enqueue_indirect_dma source(%dma_start3A_264 : memref<10240x32xf32, #tpu.memory_space<vmem_shared>>) target(%dma_start3A_258 : memref<128x32xf32, #tpu.memory_space<vmem>>) offsets(%dma_start3A_261 : memref<128xi32, #tpu.memory_space<vmem>>) semaphore(%run_scoped3A_2 : memref<!tpu.dma_semaphore, #tpu.memory_space<semaphore_mem>>)
          } else {
          }
          %mul3A_176 = arith.constant 4 : i32
          %mul3A_177 = arith.muli %mul3A_176, %scan3A_110 : i32
          %add3A_178 = arith.constant 2 : i32
          %add3A_179 = arith.addi %mul3A_177, %add3A_178 : i32
          %dma_wait3A_180 = arith.constant 2 : i32
          %dma_wait3A_181 = arith.constant 0 : i32
          %dma_wait3A_182 = arith.constant 0 : i32
          %dma_wait3A_183 = tpu.memref_slice %run_scoped3A_1[%dma_wait3A_180, %dma_wait3A_181, %dma_wait3A_182] : memref<4x128x32xf32, #tpu.memory_space<vmem>> -> memref<1x128x32xf32, #tpu.memory_space<vmem>>
          %dma_wait3A_184 = tpu.memref_squeeze %dma_wait3A_183 : memref<1x128x32xf32, #tpu.memory_space<vmem>> -> memref<128x32xf32, #tpu.memory_space<vmem>>
          %dma_wait3A_185 = arith.constant 0 : i32
          %dma_wait3A_186 = tpu.memref_slice %run_scoped3A[%add3A_179, %dma_wait3A_185] : memref<20x128xi32, #tpu.memory_space<vmem>> -> memref<1x128xi32, #tpu.memory_space<vmem>>
          %dma_wait3A_187 = tpu.memref_squeeze %dma_wait3A_186 : memref<1x128xi32, #tpu.memory_space<vmem>> -> memref<128xi32, #tpu.memory_space<vmem>>
          %dma_wait3A_188 = arith.constant 0 : i32
          %dma_wait3A_189 = arith.constant 0 : i32
          %dma_wait3A_190 = tpu.memref_slice %arg7[%dma_wait3A_188, %dma_wait3A_189] : memref<10240x32xf32, #tpu.memory_space<vmem_shared>> -> memref<10240x32xf32, #tpu.memory_space<vmem_shared>>
          tpu.wait_indirect_dma semaphore(%run_scoped3A_4 : memref<!tpu.dma_semaphore, #tpu.memory_space<semaphore_mem>>) src(%dma_wait3A_190 : memref<10240x32xf32, #tpu.memory_space<vmem_shared>>) dst(%dma_wait3A_184 : memref<128x32xf32, #tpu.memory_space<vmem>>)
          %dma_start3A_191 = arith.constant 2 : i32
          %dma_start3A_192 = arith.constant 0 : i32
          %dma_start3A_193 = arith.constant 0 : i32
          %dma_start3A_194 = tpu.memref_slice %run_scoped3A_1[%dma_start3A_191, %dma_start3A_192, %dma_start3A_193] : memref<4x128x32xf32, #tpu.memory_space<vmem>> -> memref<1x128x32xf32, #tpu.memory_space<vmem>>
          %dma_start3A_195 = tpu.memref_squeeze %dma_start3A_194 : memref<1x128x32xf32, #tpu.memory_space<vmem>> -> memref<128x32xf32, #tpu.memory_space<vmem>>
          %dma_start3A_196 = arith.constant 0 : i32
          %dma_start3A_197 = tpu.memref_slice %run_scoped3A_0[%add3A_179, %dma_start3A_196] : memref<20x128xi32, #tpu.memory_space<vmem>> -> memref<1x128xi32, #tpu.memory_space<vmem>>
          %dma_start3A_198 = tpu.memref_squeeze %dma_start3A_197 : memref<1x128xi32, #tpu.memory_space<vmem>> -> memref<128xi32, #tpu.memory_space<vmem>>
          %dma_start3A_199 = arith.constant 0 : i32
          %dma_start3A_200 = arith.constant 0 : i32
          %dma_start3A_201 = tpu.memref_slice %arg8[%dma_start3A_199, %dma_start3A_200] : memref<10240x32xf32, #tpu.memory_space<vmem_shared>> -> memref<10240x32xf32, #tpu.memory_space<vmem_shared>>
          tpu.enqueue_indirect_dma source(%dma_start3A_195 : memref<128x32xf32, #tpu.memory_space<vmem>>) target(%dma_start3A_201 : memref<10240x32xf32, #tpu.memory_space<vmem_shared>>) offsets(%dma_start3A_198 : memref<128xi32, #tpu.memory_space<vmem>>) semaphore(%run_scoped3A_8 : memref<!tpu.dma_semaphore, #tpu.memory_space<semaphore_mem>>) {add = true}
          %add3A_202 = arith.constant 4 : i32
          %add3A_203 = arith.addi %add3A_179, %add3A_202 : i32
          %sub3A_204 = arith.constant 1 : i32
          %sub3A_205 = arith.subi %add3A_203, %sub3A_204 : i32
          %lt3A_206 = arith.constant 20 : i32
          %lt3A_207 = arith.cmpi slt, %sub3A_205, %lt3A_206 : i32
          %convert_element_type3A_208 = arith.extui %lt3A_207 : i1 to i32
          %cond3A_209 = arith.constant 0 : i32
          %cond3A_210 = arith.cmpi ne, %convert_element_type3A_208, %cond3A_209 : i32
          scf.if %cond3A_210 {
            %ge3A = arith.constant 1 : i32
            %ge3A_246 = arith.cmpi sge, %add3A_179, %ge3A : i32
            %convert_element_type3A_247 = arith.extui %ge3A_246 : i1 to i32
            %cond3A_248 = arith.constant 0 : i32
            %cond3A_249 = arith.cmpi ne, %convert_element_type3A_247, %cond3A_248 : i32
            scf.if %cond3A_249 {
              %sub3A_265 = arith.constant 1 : i32
              %sub3A_266 = arith.subi %add3A_179, %sub3A_265 : i32
              %dma_wait3A_267 = arith.constant 1 : i32
              %dma_wait3A_268 = arith.constant 0 : i32
              %dma_wait3A_269 = arith.constant 0 : i32
              %dma_wait3A_270 = tpu.memref_slice %run_scoped3A_1[%dma_wait3A_267, %dma_wait3A_268, %dma_wait3A_269] : memref<4x128x32xf32, #tpu.memory_space<vmem>> -> memref<1x128x32xf32, #tpu.memory_space<vmem>>
              %dma_wait3A_271 = tpu.memref_squeeze %dma_wait3A_270 : memref<1x128x32xf32, #tpu.memory_space<vmem>> -> memref<128x32xf32, #tpu.memory_space<vmem>>
              %dma_wait3A_272 = arith.constant 0 : i32
              %dma_wait3A_273 = tpu.memref_slice %run_scoped3A_0[%sub3A_266, %dma_wait3A_272] : memref<20x128xi32, #tpu.memory_space<vmem>> -> memref<1x128xi32, #tpu.memory_space<vmem>>
              %dma_wait3A_274 = tpu.memref_squeeze %dma_wait3A_273 : memref<1x128xi32, #tpu.memory_space<vmem>> -> memref<128xi32, #tpu.memory_space<vmem>>
              %dma_wait3A_275 = arith.constant 0 : i32
              %dma_wait3A_276 = arith.constant 0 : i32
              %dma_wait3A_277 = tpu.memref_slice %arg8[%dma_wait3A_275, %dma_wait3A_276] : memref<10240x32xf32, #tpu.memory_space<vmem_shared>> -> memref<10240x32xf32, #tpu.memory_space<vmem_shared>>
              tpu.wait_indirect_dma semaphore(%run_scoped3A_7 : memref<!tpu.dma_semaphore, #tpu.memory_space<semaphore_mem>>) src(%dma_wait3A_271 : memref<128x32xf32, #tpu.memory_space<vmem>>) dst(%dma_wait3A_277 : memref<10240x32xf32, #tpu.memory_space<vmem_shared>>)
            } else {
            }
            %add3A_250 = arith.constant 4 : i32
            %add3A_251 = arith.addi %add3A_179, %add3A_250 : i32
            %sub3A_252 = arith.constant 1 : i32
            %sub3A_253 = arith.subi %add3A_251, %sub3A_252 : i32
            %dma_start3A_254 = arith.constant 1 : i32
            %dma_start3A_255 = arith.constant 0 : i32
            %dma_start3A_256 = arith.constant 0 : i32
            %dma_start3A_257 = tpu.memref_slice %run_scoped3A_1[%dma_start3A_254, %dma_start3A_255, %dma_start3A_256] : memref<4x128x32xf32, #tpu.memory_space<vmem>> -> memref<1x128x32xf32, #tpu.memory_space<vmem>>
            %dma_start3A_258 = tpu.memref_squeeze %dma_start3A_257 : memref<1x128x32xf32, #tpu.memory_space<vmem>> -> memref<128x32xf32, #tpu.memory_space<vmem>>
            %dma_start3A_259 = arith.constant 0 : i32
            %dma_start3A_260 = tpu.memref_slice %run_scoped3A[%sub3A_253, %dma_start3A_259] : memref<20x128xi32, #tpu.memory_space<vmem>> -> memref<1x128xi32, #tpu.memory_space<vmem>>
            %dma_start3A_261 = tpu.memref_squeeze %dma_start3A_260 : memref<1x128xi32, #tpu.memory_space<vmem>> -> memref<128xi32, #tpu.memory_space<vmem>>
            %dma_start3A_262 = arith.constant 0 : i32
            %dma_start3A_263 = arith.constant 0 : i32
            %dma_start3A_264 = tpu.memref_slice %arg7[%dma_start3A_262, %dma_start3A_263] : memref<10240x32xf32, #tpu.memory_space<vmem_shared>> -> memref<10240x32xf32, #tpu.memory_space<vmem_shared>>
            tpu.enqueue_indirect_dma source(%dma_start3A_264 : memref<10240x32xf32, #tpu.memory_space<vmem_shared>>) target(%dma_start3A_258 : memref<128x32xf32, #tpu.memory_space<vmem>>) offsets(%dma_start3A_261 : memref<128xi32, #tpu.memory_space<vmem>>) semaphore(%run_scoped3A_3 : memref<!tpu.dma_semaphore, #tpu.memory_space<semaphore_mem>>)
          } else {
          }
          %mul3A_211 = arith.constant 4 : i32
          %mul3A_212 = arith.muli %mul3A_211, %scan3A_110 : i32
          %add3A_213 = arith.constant 3 : i32
          %add3A_214 = arith.addi %mul3A_212, %add3A_213 : i32
          %dma_wait3A_215 = arith.constant 3 : i32
          %dma_wait3A_216 = arith.constant 0 : i32
          %dma_wait3A_217 = arith.constant 0 : i32
          %dma_wait3A_218 = tpu.memref_slice %run_scoped3A_1[%dma_wait3A_215, %dma_wait3A_216, %dma_wait3A_217] : memref<4x128x32xf32, #tpu.memory_space<vmem>> -> memref<1x128x32xf32, #tpu.memory_space<vmem>>
          %dma_wait3A_219 = tpu.memref_squeeze %dma_wait3A_218 : memref<1x128x32xf32, #tpu.memory_space<vmem>> -> memref<128x32xf32, #tpu.memory_space<vmem>>
          %dma_wait3A_220 = arith.constant 0 : i32
          %dma_wait3A_221 = tpu.memref_slice %run_scoped3A[%add3A_214, %dma_wait3A_220] : memref<20x128xi32, #tpu.memory_space<vmem>> -> memref<1x128xi32, #tpu.memory_space<vmem>>
          %dma_wait3A_222 = tpu.memref_squeeze %dma_wait3A_221 : memref<1x128xi32, #tpu.memory_space<vmem>> -> memref<128xi32, #tpu.memory_space<vmem>>
          %dma_wait3A_223 = arith.constant 0 : i32
          %dma_wait3A_224 = arith.constant 0 : i32
          %dma_wait3A_225 = tpu.memref_slice %arg7[%dma_wait3A_223, %dma_wait3A_224] : memref<10240x32xf32, #tpu.memory_space<vmem_shared>> -> memref<10240x32xf32, #tpu.memory_space<vmem_shared>>
          tpu.wait_indirect_dma semaphore(%run_scoped3A_5 : memref<!tpu.dma_semaphore, #tpu.memory_space<semaphore_mem>>) src(%dma_wait3A_225 : memref<10240x32xf32, #tpu.memory_space<vmem_shared>>) dst(%dma_wait3A_219 : memref<128x32xf32, #tpu.memory_space<vmem>>)
          %dma_start3A_226 = arith.constant 3 : i32
          %dma_start3A_227 = arith.constant 0 : i32
          %dma_start3A_228 = arith.constant 0 : i32
          %dma_start3A_229 = tpu.memref_slice %run_scoped3A_1[%dma_start3A_226, %dma_start3A_227, %dma_start3A_228] : memref<4x128x32xf32, #tpu.memory_space<vmem>> -> memref<1x128x32xf32, #tpu.memory_space<vmem>>
          %dma_start3A_230 = tpu.memref_squeeze %dma_start3A_229 : memref<1x128x32xf32, #tpu.memory_space<vmem>> -> memref<128x32xf32, #tpu.memory_space<vmem>>
          %dma_start3A_231 = arith.constant 0 : i32
          %dma_start3A_232 = tpu.memref_slice %run_scoped3A_0[%add3A_214, %dma_start3A_231] : memref<20x128xi32, #tpu.memory_space<vmem>> -> memref<1x128xi32, #tpu.memory_space<vmem>>
          %dma_start3A_233 = tpu.memref_squeeze %dma_start3A_232 : memref<1x128xi32, #tpu.memory_space<vmem>> -> memref<128xi32, #tpu.memory_space<vmem>>
          %dma_start3A_234 = arith.constant 0 : i32
          %dma_start3A_235 = arith.constant 0 : i32
          %dma_start3A_236 = tpu.memref_slice %arg8[%dma_start3A_234, %dma_start3A_235] : memref<10240x32xf32, #tpu.memory_space<vmem_shared>> -> memref<10240x32xf32, #tpu.memory_space<vmem_shared>>
          tpu.enqueue_indirect_dma source(%dma_start3A_230 : memref<128x32xf32, #tpu.memory_space<vmem>>) target(%dma_start3A_236 : memref<10240x32xf32, #tpu.memory_space<vmem_shared>>) offsets(%dma_start3A_233 : memref<128xi32, #tpu.memory_space<vmem>>) semaphore(%run_scoped3A_9 : memref<!tpu.dma_semaphore, #tpu.memory_space<semaphore_mem>>) {add = true}
          %add3A_237 = arith.constant 4 : i32
          %add3A_238 = arith.addi %add3A_214, %add3A_237 : i32
          %sub3A_239 = arith.constant 1 : i32
          %sub3A_240 = arith.subi %add3A_238, %sub3A_239 : i32
          %lt3A_241 = arith.constant 20 : i32
          %lt3A_242 = arith.cmpi slt, %sub3A_240, %lt3A_241 : i32
          %convert_element_type3A_243 = arith.extui %lt3A_242 : i1 to i32
          %cond3A_244 = arith.constant 0 : i32
          %cond3A_245 = arith.cmpi ne, %convert_element_type3A_243, %cond3A_244 : i32
          scf.if %cond3A_245 {
            %ge3A = arith.constant 1 : i32
            %ge3A_246 = arith.cmpi sge, %add3A_214, %ge3A : i32
            %convert_element_type3A_247 = arith.extui %ge3A_246 : i1 to i32
            %cond3A_248 = arith.constant 0 : i32
            %cond3A_249 = arith.cmpi ne, %convert_element_type3A_247, %cond3A_248 : i32
            scf.if %cond3A_249 {
              %sub3A_265 = arith.constant 1 : i32
              %sub3A_266 = arith.subi %add3A_214, %sub3A_265 : i32
              %dma_wait3A_267 = arith.constant 2 : i32
              %dma_wait3A_268 = arith.constant 0 : i32
              %dma_wait3A_269 = arith.constant 0 : i32
              %dma_wait3A_270 = tpu.memref_slice %run_scoped3A_1[%dma_wait3A_267, %dma_wait3A_268, %dma_wait3A_269] : memref<4x128x32xf32, #tpu.memory_space<vmem>> -> memref<1x128x32xf32, #tpu.memory_space<vmem>>
              %dma_wait3A_271 = tpu.memref_squeeze %dma_wait3A_270 : memref<1x128x32xf32, #tpu.memory_space<vmem>> -> memref<128x32xf32, #tpu.memory_space<vmem>>
              %dma_wait3A_272 = arith.constant 0 : i32
              %dma_wait3A_273 = tpu.memref_slice %run_scoped3A_0[%sub3A_266, %dma_wait3A_272] : memref<20x128xi32, #tpu.memory_space<vmem>> -> memref<1x128xi32, #tpu.memory_space<vmem>>
              %dma_wait3A_274 = tpu.memref_squeeze %dma_wait3A_273 : memref<1x128xi32, #tpu.memory_space<vmem>> -> memref<128xi32, #tpu.memory_space<vmem>>
              %dma_wait3A_275 = arith.constant 0 : i32
              %dma_wait3A_276 = arith.constant 0 : i32
              %dma_wait3A_277 = tpu.memref_slice %arg8[%dma_wait3A_275, %dma_wait3A_276] : memref<10240x32xf32, #tpu.memory_space<vmem_shared>> -> memref<10240x32xf32, #tpu.memory_space<vmem_shared>>
              tpu.wait_indirect_dma semaphore(%run_scoped3A_8 : memref<!tpu.dma_semaphore, #tpu.memory_space<semaphore_mem>>) src(%dma_wait3A_271 : memref<128x32xf32, #tpu.memory_space<vmem>>) dst(%dma_wait3A_277 : memref<10240x32xf32, #tpu.memory_space<vmem_shared>>)
            } else {
            }
            %add3A_250 = arith.constant 4 : i32
            %add3A_251 = arith.addi %add3A_214, %add3A_250 : i32
            %sub3A_252 = arith.constant 1 : i32
            %sub3A_253 = arith.subi %add3A_251, %sub3A_252 : i32
            %dma_start3A_254 = arith.constant 2 : i32
            %dma_start3A_255 = arith.constant 0 : i32
            %dma_start3A_256 = arith.constant 0 : i32
            %dma_start3A_257 = tpu.memref_slice %run_scoped3A_1[%dma_start3A_254, %dma_start3A_255, %dma_start3A_256] : memref<4x128x32xf32, #tpu.memory_space<vmem>> -> memref<1x128x32xf32, #tpu.memory_space<vmem>>
            %dma_start3A_258 = tpu.memref_squeeze %dma_start3A_257 : memref<1x128x32xf32, #tpu.memory_space<vmem>> -> memref<128x32xf32, #tpu.memory_space<vmem>>
            %dma_start3A_259 = arith.constant 0 : i32
            %dma_start3A_260 = tpu.memref_slice %run_scoped3A[%sub3A_253, %dma_start3A_259] : memref<20x128xi32, #tpu.memory_space<vmem>> -> memref<1x128xi32, #tpu.memory_space<vmem>>
            %dma_start3A_261 = tpu.memref_squeeze %dma_start3A_260 : memref<1x128xi32, #tpu.memory_space<vmem>> -> memref<128xi32, #tpu.memory_space<vmem>>
            %dma_start3A_262 = arith.constant 0 : i32
            %dma_start3A_263 = arith.constant 0 : i32
            %dma_start3A_264 = tpu.memref_slice %arg7[%dma_start3A_262, %dma_start3A_263] : memref<10240x32xf32, #tpu.memory_space<vmem_shared>> -> memref<10240x32xf32, #tpu.memory_space<vmem_shared>>
            tpu.enqueue_indirect_dma source(%dma_start3A_264 : memref<10240x32xf32, #tpu.memory_space<vmem_shared>>) target(%dma_start3A_258 : memref<128x32xf32, #tpu.memory_space<vmem>>) offsets(%dma_start3A_261 : memref<128xi32, #tpu.memory_space<vmem>>) semaphore(%run_scoped3A_4 : memref<!tpu.dma_semaphore, #tpu.memory_space<semaphore_mem>>)
          } else {
          }
        }
        %scan3A_62 = arith.constant 5 : i32
        %dma_wait3A = arith.constant 0 : i32
        %dma_wait3A_63 = arith.constant 16 : i32
        %dma_wait3A_64 = arith.constant 0 : i32
        %dma_wait3A_65 = arith.constant 0 : i32
        %dma_wait3A_66 = tpu.memref_slice %run_scoped3A_1[%dma_wait3A, %dma_wait3A_64, %dma_wait3A_65] : memref<4x128x32xf32, #tpu.memory_space<vmem>> -> memref<1x128x32xf32, #tpu.memory_space<vmem>>
        %dma_wait3A_67 = tpu.memref_squeeze %dma_wait3A_66 : memref<1x128x32xf32, #tpu.memory_space<vmem>> -> memref<128x32xf32, #tpu.memory_space<vmem>>
        %dma_wait3A_68 = arith.constant 0 : i32
        %dma_wait3A_69 = tpu.memref_slice %run_scoped3A_0[%dma_wait3A_63, %dma_wait3A_68] : memref<20x128xi32, #tpu.memory_space<vmem>> -> memref<1x128xi32, #tpu.memory_space<vmem>>
        %dma_wait3A_70 = tpu.memref_squeeze %dma_wait3A_69 : memref<1x128xi32, #tpu.memory_space<vmem>> -> memref<128xi32, #tpu.memory_space<vmem>>
        %dma_wait3A_71 = arith.constant 0 : i32
        %dma_wait3A_72 = arith.constant 0 : i32
        %dma_wait3A_73 = tpu.memref_slice %arg8[%dma_wait3A_71, %dma_wait3A_72] : memref<10240x32xf32, #tpu.memory_space<vmem_shared>> -> memref<10240x32xf32, #tpu.memory_space<vmem_shared>>
        tpu.wait_indirect_dma semaphore(%run_scoped3A_6 : memref<!tpu.dma_semaphore, #tpu.memory_space<semaphore_mem>>) src(%dma_wait3A_67 : memref<128x32xf32, #tpu.memory_space<vmem>>) dst(%dma_wait3A_73 : memref<10240x32xf32, #tpu.memory_space<vmem_shared>>)
        %dma_wait3A_74 = arith.constant 1 : i32
        %dma_wait3A_75 = arith.constant 17 : i32
        %dma_wait3A_76 = arith.constant 0 : i32
        %dma_wait3A_77 = arith.constant 0 : i32
        %dma_wait3A_78 = tpu.memref_slice %run_scoped3A_1[%dma_wait3A_74, %dma_wait3A_76, %dma_wait3A_77] : memref<4x128x32xf32, #tpu.memory_space<vmem>> -> memref<1x128x32xf32, #tpu.memory_space<vmem>>
        %dma_wait3A_79 = tpu.memref_squeeze %dma_wait3A_78 : memref<1x128x32xf32, #tpu.memory_space<vmem>> -> memref<128x32xf32, #tpu.memory_space<vmem>>
        %dma_wait3A_80 = arith.constant 0 : i32
        %dma_wait3A_81 = tpu.memref_slice %run_scoped3A_0[%dma_wait3A_75, %dma_wait3A_80] : memref<20x128xi32, #tpu.memory_space<vmem>> -> memref<1x128xi32, #tpu.memory_space<vmem>>
        %dma_wait3A_82 = tpu.memref_squeeze %dma_wait3A_81 : memref<1x128xi32, #tpu.memory_space<vmem>> -> memref<128xi32, #tpu.memory_space<vmem>>
        %dma_wait3A_83 = arith.constant 0 : i32
        %dma_wait3A_84 = arith.constant 0 : i32
        %dma_wait3A_85 = tpu.memref_slice %arg8[%dma_wait3A_83, %dma_wait3A_84] : memref<10240x32xf32, #tpu.memory_space<vmem_shared>> -> memref<10240x32xf32, #tpu.memory_space<vmem_shared>>
        tpu.wait_indirect_dma semaphore(%run_scoped3A_7 : memref<!tpu.dma_semaphore, #tpu.memory_space<semaphore_mem>>) src(%dma_wait3A_79 : memref<128x32xf32, #tpu.memory_space<vmem>>) dst(%dma_wait3A_85 : memref<10240x32xf32, #tpu.memory_space<vmem_shared>>)
        %dma_wait3A_86 = arith.constant 2 : i32
        %dma_wait3A_87 = arith.constant 18 : i32
        %dma_wait3A_88 = arith.constant 0 : i32
        %dma_wait3A_89 = arith.constant 0 : i32
        %dma_wait3A_90 = tpu.memref_slice %run_scoped3A_1[%dma_wait3A_86, %dma_wait3A_88, %dma_wait3A_89] : memref<4x128x32xf32, #tpu.memory_space<vmem>> -> memref<1x128x32xf32, #tpu.memory_space<vmem>>
        %dma_wait3A_91 = tpu.memref_squeeze %dma_wait3A_90 : memref<1x128x32xf32, #tpu.memory_space<vmem>> -> memref<128x32xf32, #tpu.memory_space<vmem>>
        %dma_wait3A_92 = arith.constant 0 : i32
        %dma_wait3A_93 = tpu.memref_slice %run_scoped3A_0[%dma_wait3A_87, %dma_wait3A_92] : memref<20x128xi32, #tpu.memory_space<vmem>> -> memref<1x128xi32, #tpu.memory_space<vmem>>
        %dma_wait3A_94 = tpu.memref_squeeze %dma_wait3A_93 : memref<1x128xi32, #tpu.memory_space<vmem>> -> memref<128xi32, #tpu.memory_space<vmem>>
        %dma_wait3A_95 = arith.constant 0 : i32
        %dma_wait3A_96 = arith.constant 0 : i32
        %dma_wait3A_97 = tpu.memref_slice %arg8[%dma_wait3A_95, %dma_wait3A_96] : memref<10240x32xf32, #tpu.memory_space<vmem_shared>> -> memref<10240x32xf32, #tpu.memory_space<vmem_shared>>
        tpu.wait_indirect_dma semaphore(%run_scoped3A_8 : memref<!tpu.dma_semaphore, #tpu.memory_space<semaphore_mem>>) src(%dma_wait3A_91 : memref<128x32xf32, #tpu.memory_space<vmem>>) dst(%dma_wait3A_97 : memref<10240x32xf32, #tpu.memory_space<vmem_shared>>)
        %dma_wait3A_98 = arith.constant 3 : i32
        %dma_wait3A_99 = arith.constant 19 : i32
        %dma_wait3A_100 = arith.constant 0 : i32
        %dma_wait3A_101 = arith.constant 0 : i32
        %dma_wait3A_102 = tpu.memref_slice %run_scoped3A_1[%dma_wait3A_98, %dma_wait3A_100, %dma_wait3A_101] : memref<4x128x32xf32, #tpu.memory_space<vmem>> -> memref<1x128x32xf32, #tpu.memory_space<vmem>>
        %dma_wait3A_103 = tpu.memref_squeeze %dma_wait3A_102 : memref<1x128x32xf32, #tpu.memory_space<vmem>> -> memref<128x32xf32, #tpu.memory_space<vmem>>
        %dma_wait3A_104 = arith.constant 0 : i32
        %dma_wait3A_105 = tpu.memref_slice %run_scoped3A_0[%dma_wait3A_99, %dma_wait3A_104] : memref<20x128xi32, #tpu.memory_space<vmem>> -> memref<1x128xi32, #tpu.memory_space<vmem>>
        %dma_wait3A_106 = tpu.memref_squeeze %dma_wait3A_105 : memref<1x128xi32, #tpu.memory_space<vmem>> -> memref<128xi32, #tpu.memory_space<vmem>>
        %dma_wait3A_107 = arith.constant 0 : i32
        %dma_wait3A_108 = arith.constant 0 : i32
        %dma_wait3A_109 = tpu.memref_slice %arg8[%dma_wait3A_107, %dma_wait3A_108] : memref<10240x32xf32, #tpu.memory_space<vmem_shared>> -> memref<10240x32xf32, #tpu.memory_space<vmem_shared>>
        tpu.wait_indirect_dma semaphore(%run_scoped3A_9 : memref<!tpu.dma_semaphore, #tpu.memory_space<semaphore_mem>>) src(%dma_wait3A_103 : memref<128x32xf32, #tpu.memory_space<vmem>>) dst(%dma_wait3A_109 : memref<10240x32xf32, #tpu.memory_space<vmem_shared>>)
      }
      %scan3A_15 = arith.constant 8 : i32
      %barrier3A_16 = arith.constant 0 : index
      tpu.barrier barrier_id(%barrier3A_16)
      "tpu.region"() ({
        %run_scoped3A_17 = tpu.sem_alloc : memref<!tpu.dma_semaphore, #tpu.memory_space<semaphore_mem>>
        %dma_start3A = arith.constant 0 : i32
        %dma_start3A_18 = tpu.memref_slice %arg6[%arg0, %mul3A_10, %dma_start3A] : memref<2x10240x32xf32, #tpu.memory_space<hbm>> -> memref<1x640x32xf32, #tpu.memory_space<hbm>>
        %dma_start3A_19 = tpu.memref_squeeze %dma_start3A_18 : memref<1x640x32xf32, #tpu.memory_space<hbm>> -> memref<640x32xf32, #tpu.memory_space<hbm>>
        %dma_start3A_20 = arith.constant 0 : i32
        %dma_start3A_21 = tpu.memref_slice %arg8[%mul3A_10, %dma_start3A_20] : memref<10240x32xf32, #tpu.memory_space<vmem_shared>> -> memref<640x32xf32, #tpu.memory_space<vmem_shared>>
        tpu.enqueue_dma source(%dma_start3A_21 : memref<640x32xf32, #tpu.memory_space<vmem_shared>>) target(%dma_start3A_19 : memref<640x32xf32, #tpu.memory_space<hbm>>) target_semaphore(%run_scoped3A_17 : memref<!tpu.dma_semaphore, #tpu.memory_space<semaphore_mem>>)
        %dma_wait3A = arith.constant 0 : i32
        %dma_wait3A_22 = tpu.memref_slice %arg6[%arg0, %mul3A_10, %dma_wait3A] : memref<2x10240x32xf32, #tpu.memory_space<hbm>> -> memref<1x640x32xf32, #tpu.memory_space<hbm>>
        %dma_wait3A_23 = tpu.memref_squeeze %dma_wait3A_22 : memref<1x640x32xf32, #tpu.memory_space<hbm>> -> memref<640x32xf32, #tpu.memory_space<hbm>>
        %dma_wait3A_24 = arith.constant 0 : i32
        %dma_wait3A_25 = tpu.memref_slice %arg8[%mul3A_10, %dma_wait3A_24] : memref<10240x32xf32, #tpu.memory_space<vmem_shared>> -> memref<640x32xf32, #tpu.memory_space<vmem_shared>>
        tpu.wait_dma2 semaphore(%run_scoped3A_17 : memref<!tpu.dma_semaphore, #tpu.memory_space<semaphore_mem>>) src(%dma_wait3A_25 : memref<640x32xf32, #tpu.memory_space<vmem_shared>>) dst(%dma_wait3A_23 : memref<640x32xf32, #tpu.memory_space<hbm>>)
        tpu.yield
      }) : () -> ()
      tpu.yield
    }) : () -> ()
    return
  }
}

#map = affine_map<(d0, d1) -> (0, 0, 0)>
#map1 = affine_map<(d0, d1) -> (0, 0)>
module attributes {stable_mosaic.version = 14 : i64} {
  func.func @_agg_body(%arg0: i32, %arg1: i32, %arg2: memref<2x10240x64xf32, #tpu.memory_space<hbm>>, %arg3: memref<16x160x128xi32, #tpu.memory_space<hbm>>, %arg4: memref<16x160x128xi32, #tpu.memory_space<hbm>>, %arg5: memref<10240x64xf32, #tpu.memory_space<hbm>>, %arg6: memref<2x10240x64xf32, #tpu.memory_space<hbm>>, %arg7: memref<10240x64xf32, #tpu.memory_space<vmem_shared>>, %arg8: memref<10240x64xf32, #tpu.memory_space<vmem_shared>>) attributes {dimension_semantics = [#tpu.dimension_semantics<core_parallel>, #tpu.dimension_semantics<subcore_parallel>], iteration_bounds = array<i64: 2, 16>, scalar_prefetch = 0 : i64, scratch_operands = 2 : i64, tpu.core_type = #tpu.core_type<sc_vector_subcore>, window_params = [{transform_indices = #map}, {transform_indices = #map}, {transform_indices = #map}, {transform_indices = #map1}, {transform_indices = #map}]} {
    "tpu.region"() ({
      %run_scoped3A = memref.alloca() : memref<20x128xi32, #tpu.memory_space<vmem>>
      %run_scoped3A_0 = memref.alloca() : memref<20x128xi32, #tpu.memory_space<vmem>>
      %run_scoped3A_1 = memref.alloca() : memref<4x128x64xf32, #tpu.memory_space<vmem>>
      %run_scoped3A_2 = tpu.sem_alloc : memref<!tpu.dma_semaphore, #tpu.memory_space<semaphore_mem>>
      %run_scoped3A_3 = tpu.sem_alloc : memref<!tpu.dma_semaphore, #tpu.memory_space<semaphore_mem>>
      %run_scoped3A_4 = tpu.sem_alloc : memref<!tpu.dma_semaphore, #tpu.memory_space<semaphore_mem>>
      %run_scoped3A_5 = tpu.sem_alloc : memref<!tpu.dma_semaphore, #tpu.memory_space<semaphore_mem>>
      %run_scoped3A_6 = tpu.sem_alloc : memref<!tpu.dma_semaphore, #tpu.memory_space<semaphore_mem>>
      %run_scoped3A_7 = tpu.sem_alloc : memref<!tpu.dma_semaphore, #tpu.memory_space<semaphore_mem>>
      %run_scoped3A_8 = tpu.sem_alloc : memref<!tpu.dma_semaphore, #tpu.memory_space<semaphore_mem>>
      %run_scoped3A_9 = tpu.sem_alloc : memref<!tpu.dma_semaphore, #tpu.memory_space<semaphore_mem>>
      %mul3A = arith.constant 640 : i32
      %mul3A_10 = arith.muli %arg1, %mul3A : i32
      "tpu.region"() ({
        %run_scoped3A_17 = tpu.sem_alloc : memref<!tpu.dma_semaphore, #tpu.memory_space<semaphore_mem>>
        %dma_start3A = arith.constant 0 : i32
        %dma_start3A_18 = tpu.memref_slice %arg8[%mul3A_10, %dma_start3A] : memref<10240x64xf32, #tpu.memory_space<vmem_shared>> -> memref<640x64xf32, #tpu.memory_space<vmem_shared>>
        %dma_start3A_19 = arith.constant 0 : i32
        %dma_start3A_20 = tpu.memref_slice %arg5[%mul3A_10, %dma_start3A_19] : memref<10240x64xf32, #tpu.memory_space<hbm>> -> memref<640x64xf32, #tpu.memory_space<hbm>>
        tpu.enqueue_dma source(%dma_start3A_20 : memref<640x64xf32, #tpu.memory_space<hbm>>) target(%dma_start3A_18 : memref<640x64xf32, #tpu.memory_space<vmem_shared>>) target_semaphore(%run_scoped3A_17 : memref<!tpu.dma_semaphore, #tpu.memory_space<semaphore_mem>>)
        %dma_wait3A = arith.constant 0 : i32
        %dma_wait3A_21 = tpu.memref_slice %arg8[%mul3A_10, %dma_wait3A] : memref<10240x64xf32, #tpu.memory_space<vmem_shared>> -> memref<640x64xf32, #tpu.memory_space<vmem_shared>>
        %dma_wait3A_22 = arith.constant 0 : i32
        %dma_wait3A_23 = tpu.memref_slice %arg5[%mul3A_10, %dma_wait3A_22] : memref<10240x64xf32, #tpu.memory_space<hbm>> -> memref<640x64xf32, #tpu.memory_space<hbm>>
        tpu.wait_dma2 semaphore(%run_scoped3A_17 : memref<!tpu.dma_semaphore, #tpu.memory_space<semaphore_mem>>) src(%dma_wait3A_23 : memref<640x64xf32, #tpu.memory_space<hbm>>) dst(%dma_wait3A_21 : memref<640x64xf32, #tpu.memory_space<vmem_shared>>)
        tpu.yield
      }) : () -> ()
      "tpu.region"() ({
        %run_scoped3A_17 = tpu.sem_alloc : memref<!tpu.dma_semaphore, #tpu.memory_space<semaphore_mem>>
        %dma_start3A = arith.constant 0 : i32
        %dma_start3A_18 = tpu.memref_slice %arg7[%mul3A_10, %dma_start3A] : memref<10240x64xf32, #tpu.memory_space<vmem_shared>> -> memref<640x64xf32, #tpu.memory_space<vmem_shared>>
        %dma_start3A_19 = arith.constant 0 : i32
        %dma_start3A_20 = tpu.memref_slice %arg2[%arg0, %mul3A_10, %dma_start3A_19] : memref<2x10240x64xf32, #tpu.memory_space<hbm>> -> memref<1x640x64xf32, #tpu.memory_space<hbm>>
        %dma_start3A_21 = tpu.memref_squeeze %dma_start3A_20 : memref<1x640x64xf32, #tpu.memory_space<hbm>> -> memref<640x64xf32, #tpu.memory_space<hbm>>
        tpu.enqueue_dma source(%dma_start3A_21 : memref<640x64xf32, #tpu.memory_space<hbm>>) target(%dma_start3A_18 : memref<640x64xf32, #tpu.memory_space<vmem_shared>>) target_semaphore(%run_scoped3A_17 : memref<!tpu.dma_semaphore, #tpu.memory_space<semaphore_mem>>)
        %dma_wait3A = arith.constant 0 : i32
        %dma_wait3A_22 = tpu.memref_slice %arg7[%mul3A_10, %dma_wait3A] : memref<10240x64xf32, #tpu.memory_space<vmem_shared>> -> memref<640x64xf32, #tpu.memory_space<vmem_shared>>
        %dma_wait3A_23 = arith.constant 0 : i32
        %dma_wait3A_24 = tpu.memref_slice %arg2[%arg0, %mul3A_10, %dma_wait3A_23] : memref<2x10240x64xf32, #tpu.memory_space<hbm>> -> memref<1x640x64xf32, #tpu.memory_space<hbm>>
        %dma_wait3A_25 = tpu.memref_squeeze %dma_wait3A_24 : memref<1x640x64xf32, #tpu.memory_space<hbm>> -> memref<640x64xf32, #tpu.memory_space<hbm>>
        tpu.wait_dma2 semaphore(%run_scoped3A_17 : memref<!tpu.dma_semaphore, #tpu.memory_space<semaphore_mem>>) src(%dma_wait3A_25 : memref<640x64xf32, #tpu.memory_space<hbm>>) dst(%dma_wait3A_22 : memref<640x64xf32, #tpu.memory_space<vmem_shared>>)
        tpu.yield
      }) : () -> ()
      %barrier3A = arith.constant 0 : index
      tpu.barrier barrier_id(%barrier3A)
      %scan3A = arith.constant 0 : i32
      %scan3A_11 = arith.constant 0 : i32
      %scan3A_12 = arith.constant 8 : i32
      %scan3A_13 = arith.addi %scan3A_11, %scan3A_12 : i32
      %scan3A_14 = arith.constant 1 : i32
      scf.for %scan3A_17 = %scan3A_11 to %scan3A_13 step %scan3A_14  : i32 {
        %mul3A_18 = arith.constant 20 : i32
        %mul3A_19 = arith.muli %scan3A_17, %mul3A_18 : i32
        "tpu.region"() ({
          %run_scoped3A_110 = tpu.sem_alloc : memref<!tpu.dma_semaphore, #tpu.memory_space<semaphore_mem>>
          %dma_start3A_111 = arith.constant 0 : i32
          %dma_start3A_112 = tpu.memref_slice %arg3[%arg1, %mul3A_19, %dma_start3A_111] : memref<16x160x128xi32, #tpu.memory_space<hbm>> -> memref<1x20x128xi32, #tpu.memory_space<hbm>>
          %dma_start3A_113 = tpu.memref_squeeze %dma_start3A_112 : memref<1x20x128xi32, #tpu.memory_space<hbm>> -> memref<20x128xi32, #tpu.memory_space<hbm>>
          %dma_start3A_114 = arith.constant 0 : i32
          %dma_start3A_115 = tpu.memref_slice %arg3[%arg1, %mul3A_19, %dma_start3A_114] : memref<16x160x128xi32, #tpu.memory_space<hbm>> -> memref<1x20x128xi32, #tpu.memory_space<hbm>>
          %dma_start3A_116 = tpu.memref_squeeze %dma_start3A_115 : memref<1x20x128xi32, #tpu.memory_space<hbm>> -> memref<20x128xi32, #tpu.memory_space<hbm>>
          tpu.enqueue_dma source(%dma_start3A_116 : memref<20x128xi32, #tpu.memory_space<hbm>>) target(%run_scoped3A : memref<20x128xi32, #tpu.memory_space<vmem>>) target_semaphore(%run_scoped3A_110 : memref<!tpu.dma_semaphore, #tpu.memory_space<semaphore_mem>>)
          %dma_wait3A_117 = arith.constant 0 : i32
          %dma_wait3A_118 = tpu.memref_slice %arg3[%arg1, %mul3A_19, %dma_wait3A_117] : memref<16x160x128xi32, #tpu.memory_space<hbm>> -> memref<1x20x128xi32, #tpu.memory_space<hbm>>
          %dma_wait3A_119 = tpu.memref_squeeze %dma_wait3A_118 : memref<1x20x128xi32, #tpu.memory_space<hbm>> -> memref<20x128xi32, #tpu.memory_space<hbm>>
          %dma_wait3A_120 = arith.constant 0 : i32
          %dma_wait3A_121 = tpu.memref_slice %arg3[%arg1, %mul3A_19, %dma_wait3A_120] : memref<16x160x128xi32, #tpu.memory_space<hbm>> -> memref<1x20x128xi32, #tpu.memory_space<hbm>>
          %dma_wait3A_122 = tpu.memref_squeeze %dma_wait3A_121 : memref<1x20x128xi32, #tpu.memory_space<hbm>> -> memref<20x128xi32, #tpu.memory_space<hbm>>
          tpu.wait_dma2 semaphore(%run_scoped3A_110 : memref<!tpu.dma_semaphore, #tpu.memory_space<semaphore_mem>>) src(%dma_wait3A_122 : memref<20x128xi32, #tpu.memory_space<hbm>>) dst(%run_scoped3A : memref<20x128xi32, #tpu.memory_space<vmem>>)
          tpu.yield
        }) : () -> ()
        %mul3A_20 = arith.constant 20 : i32
        %mul3A_21 = arith.muli %scan3A_17, %mul3A_20 : i32
        "tpu.region"() ({
          %run_scoped3A_110 = tpu.sem_alloc : memref<!tpu.dma_semaphore, #tpu.memory_space<semaphore_mem>>
          %dma_start3A_111 = arith.constant 0 : i32
          %dma_start3A_112 = tpu.memref_slice %arg4[%arg1, %mul3A_21, %dma_start3A_111] : memref<16x160x128xi32, #tpu.memory_space<hbm>> -> memref<1x20x128xi32, #tpu.memory_space<hbm>>
          %dma_start3A_113 = tpu.memref_squeeze %dma_start3A_112 : memref<1x20x128xi32, #tpu.memory_space<hbm>> -> memref<20x128xi32, #tpu.memory_space<hbm>>
          %dma_start3A_114 = arith.constant 0 : i32
          %dma_start3A_115 = tpu.memref_slice %arg4[%arg1, %mul3A_21, %dma_start3A_114] : memref<16x160x128xi32, #tpu.memory_space<hbm>> -> memref<1x20x128xi32, #tpu.memory_space<hbm>>
          %dma_start3A_116 = tpu.memref_squeeze %dma_start3A_115 : memref<1x20x128xi32, #tpu.memory_space<hbm>> -> memref<20x128xi32, #tpu.memory_space<hbm>>
          tpu.enqueue_dma source(%dma_start3A_116 : memref<20x128xi32, #tpu.memory_space<hbm>>) target(%run_scoped3A_0 : memref<20x128xi32, #tpu.memory_space<vmem>>) target_semaphore(%run_scoped3A_110 : memref<!tpu.dma_semaphore, #tpu.memory_space<semaphore_mem>>)
          %dma_wait3A_117 = arith.constant 0 : i32
          %dma_wait3A_118 = tpu.memref_slice %arg4[%arg1, %mul3A_21, %dma_wait3A_117] : memref<16x160x128xi32, #tpu.memory_space<hbm>> -> memref<1x20x128xi32, #tpu.memory_space<hbm>>
          %dma_wait3A_119 = tpu.memref_squeeze %dma_wait3A_118 : memref<1x20x128xi32, #tpu.memory_space<hbm>> -> memref<20x128xi32, #tpu.memory_space<hbm>>
          %dma_wait3A_120 = arith.constant 0 : i32
          %dma_wait3A_121 = tpu.memref_slice %arg4[%arg1, %mul3A_21, %dma_wait3A_120] : memref<16x160x128xi32, #tpu.memory_space<hbm>> -> memref<1x20x128xi32, #tpu.memory_space<hbm>>
          %dma_wait3A_122 = tpu.memref_squeeze %dma_wait3A_121 : memref<1x20x128xi32, #tpu.memory_space<hbm>> -> memref<20x128xi32, #tpu.memory_space<hbm>>
          tpu.wait_dma2 semaphore(%run_scoped3A_110 : memref<!tpu.dma_semaphore, #tpu.memory_space<semaphore_mem>>) src(%dma_wait3A_122 : memref<20x128xi32, #tpu.memory_space<hbm>>) dst(%run_scoped3A_0 : memref<20x128xi32, #tpu.memory_space<vmem>>)
          tpu.yield
        }) : () -> ()
        %dma_start3A = arith.constant 0 : i32
        %dma_start3A_22 = arith.constant 0 : i32
        %dma_start3A_23 = arith.constant 0 : i32
        %dma_start3A_24 = arith.constant 0 : i32
        %dma_start3A_25 = tpu.memref_slice %run_scoped3A_1[%dma_start3A_22, %dma_start3A_23, %dma_start3A_24] : memref<4x128x64xf32, #tpu.memory_space<vmem>> -> memref<1x128x64xf32, #tpu.memory_space<vmem>>
        %dma_start3A_26 = tpu.memref_squeeze %dma_start3A_25 : memref<1x128x64xf32, #tpu.memory_space<vmem>> -> memref<128x64xf32, #tpu.memory_space<vmem>>
        %dma_start3A_27 = arith.constant 0 : i32
        %dma_start3A_28 = tpu.memref_slice %run_scoped3A[%dma_start3A, %dma_start3A_27] : memref<20x128xi32, #tpu.memory_space<vmem>> -> memref<1x128xi32, #tpu.memory_space<vmem>>
        %dma_start3A_29 = tpu.memref_squeeze %dma_start3A_28 : memref<1x128xi32, #tpu.memory_space<vmem>> -> memref<128xi32, #tpu.memory_space<vmem>>
        %dma_start3A_30 = arith.constant 0 : i32
        %dma_start3A_31 = arith.constant 0 : i32
        %dma_start3A_32 = tpu.memref_slice %arg7[%dma_start3A_30, %dma_start3A_31] : memref<10240x64xf32, #tpu.memory_space<vmem_shared>> -> memref<10240x64xf32, #tpu.memory_space<vmem_shared>>
        tpu.enqueue_indirect_dma source(%dma_start3A_32 : memref<10240x64xf32, #tpu.memory_space<vmem_shared>>) target(%dma_start3A_26 : memref<128x64xf32, #tpu.memory_space<vmem>>) offsets(%dma_start3A_29 : memref<128xi32, #tpu.memory_space<vmem>>) semaphore(%run_scoped3A_2 : memref<!tpu.dma_semaphore, #tpu.memory_space<semaphore_mem>>)
        %dma_start3A_33 = arith.constant 1 : i32
        %dma_start3A_34 = arith.constant 1 : i32
        %dma_start3A_35 = arith.constant 0 : i32
        %dma_start3A_36 = arith.constant 0 : i32
        %dma_start3A_37 = tpu.memref_slice %run_scoped3A_1[%dma_start3A_34, %dma_start3A_35, %dma_start3A_36] : memref<4x128x64xf32, #tpu.memory_space<vmem>> -> memref<1x128x64xf32, #tpu.memory_space<vmem>>
        %dma_start3A_38 = tpu.memref_squeeze %dma_start3A_37 : memref<1x128x64xf32, #tpu.memory_space<vmem>> -> memref<128x64xf32, #tpu.memory_space<vmem>>
        %dma_start3A_39 = arith.constant 0 : i32
        %dma_start3A_40 = tpu.memref_slice %run_scoped3A[%dma_start3A_33, %dma_start3A_39] : memref<20x128xi32, #tpu.memory_space<vmem>> -> memref<1x128xi32, #tpu.memory_space<vmem>>
        %dma_start3A_41 = tpu.memref_squeeze %dma_start3A_40 : memref<1x128xi32, #tpu.memory_space<vmem>> -> memref<128xi32, #tpu.memory_space<vmem>>
        %dma_start3A_42 = arith.constant 0 : i32
        %dma_start3A_43 = arith.constant 0 : i32
        %dma_start3A_44 = tpu.memref_slice %arg7[%dma_start3A_42, %dma_start3A_43] : memref<10240x64xf32, #tpu.memory_space<vmem_shared>> -> memref<10240x64xf32, #tpu.memory_space<vmem_shared>>
        tpu.enqueue_indirect_dma source(%dma_start3A_44 : memref<10240x64xf32, #tpu.memory_space<vmem_shared>>) target(%dma_start3A_38 : memref<128x64xf32, #tpu.memory_space<vmem>>) offsets(%dma_start3A_41 : memref<128xi32, #tpu.memory_space<vmem>>) semaphore(%run_scoped3A_3 : memref<!tpu.dma_semaphore, #tpu.memory_space<semaphore_mem>>)
        %dma_start3A_45 = arith.constant 2 : i32
        %dma_start3A_46 = arith.constant 2 : i32
        %dma_start3A_47 = arith.constant 0 : i32
        %dma_start3A_48 = arith.constant 0 : i32
        %dma_start3A_49 = tpu.memref_slice %run_scoped3A_1[%dma_start3A_46, %dma_start3A_47, %dma_start3A_48] : memref<4x128x64xf32, #tpu.memory_space<vmem>> -> memref<1x128x64xf32, #tpu.memory_space<vmem>>
        %dma_start3A_50 = tpu.memref_squeeze %dma_start3A_49 : memref<1x128x64xf32, #tpu.memory_space<vmem>> -> memref<128x64xf32, #tpu.memory_space<vmem>>
        %dma_start3A_51 = arith.constant 0 : i32
        %dma_start3A_52 = tpu.memref_slice %run_scoped3A[%dma_start3A_45, %dma_start3A_51] : memref<20x128xi32, #tpu.memory_space<vmem>> -> memref<1x128xi32, #tpu.memory_space<vmem>>
        %dma_start3A_53 = tpu.memref_squeeze %dma_start3A_52 : memref<1x128xi32, #tpu.memory_space<vmem>> -> memref<128xi32, #tpu.memory_space<vmem>>
        %dma_start3A_54 = arith.constant 0 : i32
        %dma_start3A_55 = arith.constant 0 : i32
        %dma_start3A_56 = tpu.memref_slice %arg7[%dma_start3A_54, %dma_start3A_55] : memref<10240x64xf32, #tpu.memory_space<vmem_shared>> -> memref<10240x64xf32, #tpu.memory_space<vmem_shared>>
        tpu.enqueue_indirect_dma source(%dma_start3A_56 : memref<10240x64xf32, #tpu.memory_space<vmem_shared>>) target(%dma_start3A_50 : memref<128x64xf32, #tpu.memory_space<vmem>>) offsets(%dma_start3A_53 : memref<128xi32, #tpu.memory_space<vmem>>) semaphore(%run_scoped3A_4 : memref<!tpu.dma_semaphore, #tpu.memory_space<semaphore_mem>>)
        %scan3A_57 = arith.constant 0 : i32
        %scan3A_58 = arith.constant 0 : i32
        %scan3A_59 = arith.constant 5 : i32
        %scan3A_60 = arith.addi %scan3A_58, %scan3A_59 : i32
        %scan3A_61 = arith.constant 1 : i32
        scf.for %scan3A_110 = %scan3A_58 to %scan3A_60 step %scan3A_61  : i32 {
          %mul3A_111 = arith.constant 4 : i32
          %mul3A_112 = arith.muli %mul3A_111, %scan3A_110 : i32
          %add3A = arith.constant 0 : i32
          %add3A_113 = arith.addi %mul3A_112, %add3A : i32
          %dma_wait3A_114 = arith.constant 0 : i32
          %dma_wait3A_115 = arith.constant 0 : i32
          %dma_wait3A_116 = arith.constant 0 : i32
          %dma_wait3A_117 = tpu.memref_slice %run_scoped3A_1[%dma_wait3A_114, %dma_wait3A_115, %dma_wait3A_116] : memref<4x128x64xf32, #tpu.memory_space<vmem>> -> memref<1x128x64xf32, #tpu.memory_space<vmem>>
          %dma_wait3A_118 = tpu.memref_squeeze %dma_wait3A_117 : memref<1x128x64xf32, #tpu.memory_space<vmem>> -> memref<128x64xf32, #tpu.memory_space<vmem>>
          %dma_wait3A_119 = arith.constant 0 : i32
          %dma_wait3A_120 = tpu.memref_slice %run_scoped3A[%add3A_113, %dma_wait3A_119] : memref<20x128xi32, #tpu.memory_space<vmem>> -> memref<1x128xi32, #tpu.memory_space<vmem>>
          %dma_wait3A_121 = tpu.memref_squeeze %dma_wait3A_120 : memref<1x128xi32, #tpu.memory_space<vmem>> -> memref<128xi32, #tpu.memory_space<vmem>>
          %dma_wait3A_122 = arith.constant 0 : i32
          %dma_wait3A_123 = arith.constant 0 : i32
          %dma_wait3A_124 = tpu.memref_slice %arg7[%dma_wait3A_122, %dma_wait3A_123] : memref<10240x64xf32, #tpu.memory_space<vmem_shared>> -> memref<10240x64xf32, #tpu.memory_space<vmem_shared>>
          tpu.wait_indirect_dma semaphore(%run_scoped3A_2 : memref<!tpu.dma_semaphore, #tpu.memory_space<semaphore_mem>>) src(%dma_wait3A_124 : memref<10240x64xf32, #tpu.memory_space<vmem_shared>>) dst(%dma_wait3A_118 : memref<128x64xf32, #tpu.memory_space<vmem>>)
          %dma_start3A_125 = arith.constant 0 : i32
          %dma_start3A_126 = arith.constant 0 : i32
          %dma_start3A_127 = arith.constant 0 : i32
          %dma_start3A_128 = tpu.memref_slice %run_scoped3A_1[%dma_start3A_125, %dma_start3A_126, %dma_start3A_127] : memref<4x128x64xf32, #tpu.memory_space<vmem>> -> memref<1x128x64xf32, #tpu.memory_space<vmem>>
          %dma_start3A_129 = tpu.memref_squeeze %dma_start3A_128 : memref<1x128x64xf32, #tpu.memory_space<vmem>> -> memref<128x64xf32, #tpu.memory_space<vmem>>
          %dma_start3A_130 = arith.constant 0 : i32
          %dma_start3A_131 = tpu.memref_slice %run_scoped3A_0[%add3A_113, %dma_start3A_130] : memref<20x128xi32, #tpu.memory_space<vmem>> -> memref<1x128xi32, #tpu.memory_space<vmem>>
          %dma_start3A_132 = tpu.memref_squeeze %dma_start3A_131 : memref<1x128xi32, #tpu.memory_space<vmem>> -> memref<128xi32, #tpu.memory_space<vmem>>
          %dma_start3A_133 = arith.constant 0 : i32
          %dma_start3A_134 = arith.constant 0 : i32
          %dma_start3A_135 = tpu.memref_slice %arg8[%dma_start3A_133, %dma_start3A_134] : memref<10240x64xf32, #tpu.memory_space<vmem_shared>> -> memref<10240x64xf32, #tpu.memory_space<vmem_shared>>
          tpu.enqueue_indirect_dma source(%dma_start3A_129 : memref<128x64xf32, #tpu.memory_space<vmem>>) target(%dma_start3A_135 : memref<10240x64xf32, #tpu.memory_space<vmem_shared>>) offsets(%dma_start3A_132 : memref<128xi32, #tpu.memory_space<vmem>>) semaphore(%run_scoped3A_6 : memref<!tpu.dma_semaphore, #tpu.memory_space<semaphore_mem>>) {add = true}
          %add3A_136 = arith.constant 4 : i32
          %add3A_137 = arith.addi %add3A_113, %add3A_136 : i32
          %sub3A = arith.constant 1 : i32
          %sub3A_138 = arith.subi %add3A_137, %sub3A : i32
          %lt3A = arith.constant 20 : i32
          %lt3A_139 = arith.cmpi slt, %sub3A_138, %lt3A : i32
          %convert_element_type3A = arith.extui %lt3A_139 : i1 to i32
          %cond3A = arith.constant 0 : i32
          %cond3A_140 = arith.cmpi ne, %convert_element_type3A, %cond3A : i32
          scf.if %cond3A_140 {
            %ge3A = arith.constant 1 : i32
            %ge3A_246 = arith.cmpi sge, %add3A_113, %ge3A : i32
            %convert_element_type3A_247 = arith.extui %ge3A_246 : i1 to i32
            %cond3A_248 = arith.constant 0 : i32
            %cond3A_249 = arith.cmpi ne, %convert_element_type3A_247, %cond3A_248 : i32
            scf.if %cond3A_249 {
              %sub3A_265 = arith.constant 1 : i32
              %sub3A_266 = arith.subi %add3A_113, %sub3A_265 : i32
              %dma_wait3A_267 = arith.constant 3 : i32
              %dma_wait3A_268 = arith.constant 0 : i32
              %dma_wait3A_269 = arith.constant 0 : i32
              %dma_wait3A_270 = tpu.memref_slice %run_scoped3A_1[%dma_wait3A_267, %dma_wait3A_268, %dma_wait3A_269] : memref<4x128x64xf32, #tpu.memory_space<vmem>> -> memref<1x128x64xf32, #tpu.memory_space<vmem>>
              %dma_wait3A_271 = tpu.memref_squeeze %dma_wait3A_270 : memref<1x128x64xf32, #tpu.memory_space<vmem>> -> memref<128x64xf32, #tpu.memory_space<vmem>>
              %dma_wait3A_272 = arith.constant 0 : i32
              %dma_wait3A_273 = tpu.memref_slice %run_scoped3A_0[%sub3A_266, %dma_wait3A_272] : memref<20x128xi32, #tpu.memory_space<vmem>> -> memref<1x128xi32, #tpu.memory_space<vmem>>
              %dma_wait3A_274 = tpu.memref_squeeze %dma_wait3A_273 : memref<1x128xi32, #tpu.memory_space<vmem>> -> memref<128xi32, #tpu.memory_space<vmem>>
              %dma_wait3A_275 = arith.constant 0 : i32
              %dma_wait3A_276 = arith.constant 0 : i32
              %dma_wait3A_277 = tpu.memref_slice %arg8[%dma_wait3A_275, %dma_wait3A_276] : memref<10240x64xf32, #tpu.memory_space<vmem_shared>> -> memref<10240x64xf32, #tpu.memory_space<vmem_shared>>
              tpu.wait_indirect_dma semaphore(%run_scoped3A_9 : memref<!tpu.dma_semaphore, #tpu.memory_space<semaphore_mem>>) src(%dma_wait3A_271 : memref<128x64xf32, #tpu.memory_space<vmem>>) dst(%dma_wait3A_277 : memref<10240x64xf32, #tpu.memory_space<vmem_shared>>)
            } else {
            }
            %add3A_250 = arith.constant 4 : i32
            %add3A_251 = arith.addi %add3A_113, %add3A_250 : i32
            %sub3A_252 = arith.constant 1 : i32
            %sub3A_253 = arith.subi %add3A_251, %sub3A_252 : i32
            %dma_start3A_254 = arith.constant 3 : i32
            %dma_start3A_255 = arith.constant 0 : i32
            %dma_start3A_256 = arith.constant 0 : i32
            %dma_start3A_257 = tpu.memref_slice %run_scoped3A_1[%dma_start3A_254, %dma_start3A_255, %dma_start3A_256] : memref<4x128x64xf32, #tpu.memory_space<vmem>> -> memref<1x128x64xf32, #tpu.memory_space<vmem>>
            %dma_start3A_258 = tpu.memref_squeeze %dma_start3A_257 : memref<1x128x64xf32, #tpu.memory_space<vmem>> -> memref<128x64xf32, #tpu.memory_space<vmem>>
            %dma_start3A_259 = arith.constant 0 : i32
            %dma_start3A_260 = tpu.memref_slice %run_scoped3A[%sub3A_253, %dma_start3A_259] : memref<20x128xi32, #tpu.memory_space<vmem>> -> memref<1x128xi32, #tpu.memory_space<vmem>>
            %dma_start3A_261 = tpu.memref_squeeze %dma_start3A_260 : memref<1x128xi32, #tpu.memory_space<vmem>> -> memref<128xi32, #tpu.memory_space<vmem>>
            %dma_start3A_262 = arith.constant 0 : i32
            %dma_start3A_263 = arith.constant 0 : i32
            %dma_start3A_264 = tpu.memref_slice %arg7[%dma_start3A_262, %dma_start3A_263] : memref<10240x64xf32, #tpu.memory_space<vmem_shared>> -> memref<10240x64xf32, #tpu.memory_space<vmem_shared>>
            tpu.enqueue_indirect_dma source(%dma_start3A_264 : memref<10240x64xf32, #tpu.memory_space<vmem_shared>>) target(%dma_start3A_258 : memref<128x64xf32, #tpu.memory_space<vmem>>) offsets(%dma_start3A_261 : memref<128xi32, #tpu.memory_space<vmem>>) semaphore(%run_scoped3A_5 : memref<!tpu.dma_semaphore, #tpu.memory_space<semaphore_mem>>)
          } else {
          }
          %mul3A_141 = arith.constant 4 : i32
          %mul3A_142 = arith.muli %mul3A_141, %scan3A_110 : i32
          %add3A_143 = arith.constant 1 : i32
          %add3A_144 = arith.addi %mul3A_142, %add3A_143 : i32
          %dma_wait3A_145 = arith.constant 1 : i32
          %dma_wait3A_146 = arith.constant 0 : i32
          %dma_wait3A_147 = arith.constant 0 : i32
          %dma_wait3A_148 = tpu.memref_slice %run_scoped3A_1[%dma_wait3A_145, %dma_wait3A_146, %dma_wait3A_147] : memref<4x128x64xf32, #tpu.memory_space<vmem>> -> memref<1x128x64xf32, #tpu.memory_space<vmem>>
          %dma_wait3A_149 = tpu.memref_squeeze %dma_wait3A_148 : memref<1x128x64xf32, #tpu.memory_space<vmem>> -> memref<128x64xf32, #tpu.memory_space<vmem>>
          %dma_wait3A_150 = arith.constant 0 : i32
          %dma_wait3A_151 = tpu.memref_slice %run_scoped3A[%add3A_144, %dma_wait3A_150] : memref<20x128xi32, #tpu.memory_space<vmem>> -> memref<1x128xi32, #tpu.memory_space<vmem>>
          %dma_wait3A_152 = tpu.memref_squeeze %dma_wait3A_151 : memref<1x128xi32, #tpu.memory_space<vmem>> -> memref<128xi32, #tpu.memory_space<vmem>>
          %dma_wait3A_153 = arith.constant 0 : i32
          %dma_wait3A_154 = arith.constant 0 : i32
          %dma_wait3A_155 = tpu.memref_slice %arg7[%dma_wait3A_153, %dma_wait3A_154] : memref<10240x64xf32, #tpu.memory_space<vmem_shared>> -> memref<10240x64xf32, #tpu.memory_space<vmem_shared>>
          tpu.wait_indirect_dma semaphore(%run_scoped3A_3 : memref<!tpu.dma_semaphore, #tpu.memory_space<semaphore_mem>>) src(%dma_wait3A_155 : memref<10240x64xf32, #tpu.memory_space<vmem_shared>>) dst(%dma_wait3A_149 : memref<128x64xf32, #tpu.memory_space<vmem>>)
          %dma_start3A_156 = arith.constant 1 : i32
          %dma_start3A_157 = arith.constant 0 : i32
          %dma_start3A_158 = arith.constant 0 : i32
          %dma_start3A_159 = tpu.memref_slice %run_scoped3A_1[%dma_start3A_156, %dma_start3A_157, %dma_start3A_158] : memref<4x128x64xf32, #tpu.memory_space<vmem>> -> memref<1x128x64xf32, #tpu.memory_space<vmem>>
          %dma_start3A_160 = tpu.memref_squeeze %dma_start3A_159 : memref<1x128x64xf32, #tpu.memory_space<vmem>> -> memref<128x64xf32, #tpu.memory_space<vmem>>
          %dma_start3A_161 = arith.constant 0 : i32
          %dma_start3A_162 = tpu.memref_slice %run_scoped3A_0[%add3A_144, %dma_start3A_161] : memref<20x128xi32, #tpu.memory_space<vmem>> -> memref<1x128xi32, #tpu.memory_space<vmem>>
          %dma_start3A_163 = tpu.memref_squeeze %dma_start3A_162 : memref<1x128xi32, #tpu.memory_space<vmem>> -> memref<128xi32, #tpu.memory_space<vmem>>
          %dma_start3A_164 = arith.constant 0 : i32
          %dma_start3A_165 = arith.constant 0 : i32
          %dma_start3A_166 = tpu.memref_slice %arg8[%dma_start3A_164, %dma_start3A_165] : memref<10240x64xf32, #tpu.memory_space<vmem_shared>> -> memref<10240x64xf32, #tpu.memory_space<vmem_shared>>
          tpu.enqueue_indirect_dma source(%dma_start3A_160 : memref<128x64xf32, #tpu.memory_space<vmem>>) target(%dma_start3A_166 : memref<10240x64xf32, #tpu.memory_space<vmem_shared>>) offsets(%dma_start3A_163 : memref<128xi32, #tpu.memory_space<vmem>>) semaphore(%run_scoped3A_7 : memref<!tpu.dma_semaphore, #tpu.memory_space<semaphore_mem>>) {add = true}
          %add3A_167 = arith.constant 4 : i32
          %add3A_168 = arith.addi %add3A_144, %add3A_167 : i32
          %sub3A_169 = arith.constant 1 : i32
          %sub3A_170 = arith.subi %add3A_168, %sub3A_169 : i32
          %lt3A_171 = arith.constant 20 : i32
          %lt3A_172 = arith.cmpi slt, %sub3A_170, %lt3A_171 : i32
          %convert_element_type3A_173 = arith.extui %lt3A_172 : i1 to i32
          %cond3A_174 = arith.constant 0 : i32
          %cond3A_175 = arith.cmpi ne, %convert_element_type3A_173, %cond3A_174 : i32
          scf.if %cond3A_175 {
            %ge3A = arith.constant 1 : i32
            %ge3A_246 = arith.cmpi sge, %add3A_144, %ge3A : i32
            %convert_element_type3A_247 = arith.extui %ge3A_246 : i1 to i32
            %cond3A_248 = arith.constant 0 : i32
            %cond3A_249 = arith.cmpi ne, %convert_element_type3A_247, %cond3A_248 : i32
            scf.if %cond3A_249 {
              %sub3A_265 = arith.constant 1 : i32
              %sub3A_266 = arith.subi %add3A_144, %sub3A_265 : i32
              %dma_wait3A_267 = arith.constant 0 : i32
              %dma_wait3A_268 = arith.constant 0 : i32
              %dma_wait3A_269 = arith.constant 0 : i32
              %dma_wait3A_270 = tpu.memref_slice %run_scoped3A_1[%dma_wait3A_267, %dma_wait3A_268, %dma_wait3A_269] : memref<4x128x64xf32, #tpu.memory_space<vmem>> -> memref<1x128x64xf32, #tpu.memory_space<vmem>>
              %dma_wait3A_271 = tpu.memref_squeeze %dma_wait3A_270 : memref<1x128x64xf32, #tpu.memory_space<vmem>> -> memref<128x64xf32, #tpu.memory_space<vmem>>
              %dma_wait3A_272 = arith.constant 0 : i32
              %dma_wait3A_273 = tpu.memref_slice %run_scoped3A_0[%sub3A_266, %dma_wait3A_272] : memref<20x128xi32, #tpu.memory_space<vmem>> -> memref<1x128xi32, #tpu.memory_space<vmem>>
              %dma_wait3A_274 = tpu.memref_squeeze %dma_wait3A_273 : memref<1x128xi32, #tpu.memory_space<vmem>> -> memref<128xi32, #tpu.memory_space<vmem>>
              %dma_wait3A_275 = arith.constant 0 : i32
              %dma_wait3A_276 = arith.constant 0 : i32
              %dma_wait3A_277 = tpu.memref_slice %arg8[%dma_wait3A_275, %dma_wait3A_276] : memref<10240x64xf32, #tpu.memory_space<vmem_shared>> -> memref<10240x64xf32, #tpu.memory_space<vmem_shared>>
              tpu.wait_indirect_dma semaphore(%run_scoped3A_6 : memref<!tpu.dma_semaphore, #tpu.memory_space<semaphore_mem>>) src(%dma_wait3A_271 : memref<128x64xf32, #tpu.memory_space<vmem>>) dst(%dma_wait3A_277 : memref<10240x64xf32, #tpu.memory_space<vmem_shared>>)
            } else {
            }
            %add3A_250 = arith.constant 4 : i32
            %add3A_251 = arith.addi %add3A_144, %add3A_250 : i32
            %sub3A_252 = arith.constant 1 : i32
            %sub3A_253 = arith.subi %add3A_251, %sub3A_252 : i32
            %dma_start3A_254 = arith.constant 0 : i32
            %dma_start3A_255 = arith.constant 0 : i32
            %dma_start3A_256 = arith.constant 0 : i32
            %dma_start3A_257 = tpu.memref_slice %run_scoped3A_1[%dma_start3A_254, %dma_start3A_255, %dma_start3A_256] : memref<4x128x64xf32, #tpu.memory_space<vmem>> -> memref<1x128x64xf32, #tpu.memory_space<vmem>>
            %dma_start3A_258 = tpu.memref_squeeze %dma_start3A_257 : memref<1x128x64xf32, #tpu.memory_space<vmem>> -> memref<128x64xf32, #tpu.memory_space<vmem>>
            %dma_start3A_259 = arith.constant 0 : i32
            %dma_start3A_260 = tpu.memref_slice %run_scoped3A[%sub3A_253, %dma_start3A_259] : memref<20x128xi32, #tpu.memory_space<vmem>> -> memref<1x128xi32, #tpu.memory_space<vmem>>
            %dma_start3A_261 = tpu.memref_squeeze %dma_start3A_260 : memref<1x128xi32, #tpu.memory_space<vmem>> -> memref<128xi32, #tpu.memory_space<vmem>>
            %dma_start3A_262 = arith.constant 0 : i32
            %dma_start3A_263 = arith.constant 0 : i32
            %dma_start3A_264 = tpu.memref_slice %arg7[%dma_start3A_262, %dma_start3A_263] : memref<10240x64xf32, #tpu.memory_space<vmem_shared>> -> memref<10240x64xf32, #tpu.memory_space<vmem_shared>>
            tpu.enqueue_indirect_dma source(%dma_start3A_264 : memref<10240x64xf32, #tpu.memory_space<vmem_shared>>) target(%dma_start3A_258 : memref<128x64xf32, #tpu.memory_space<vmem>>) offsets(%dma_start3A_261 : memref<128xi32, #tpu.memory_space<vmem>>) semaphore(%run_scoped3A_2 : memref<!tpu.dma_semaphore, #tpu.memory_space<semaphore_mem>>)
          } else {
          }
          %mul3A_176 = arith.constant 4 : i32
          %mul3A_177 = arith.muli %mul3A_176, %scan3A_110 : i32
          %add3A_178 = arith.constant 2 : i32
          %add3A_179 = arith.addi %mul3A_177, %add3A_178 : i32
          %dma_wait3A_180 = arith.constant 2 : i32
          %dma_wait3A_181 = arith.constant 0 : i32
          %dma_wait3A_182 = arith.constant 0 : i32
          %dma_wait3A_183 = tpu.memref_slice %run_scoped3A_1[%dma_wait3A_180, %dma_wait3A_181, %dma_wait3A_182] : memref<4x128x64xf32, #tpu.memory_space<vmem>> -> memref<1x128x64xf32, #tpu.memory_space<vmem>>
          %dma_wait3A_184 = tpu.memref_squeeze %dma_wait3A_183 : memref<1x128x64xf32, #tpu.memory_space<vmem>> -> memref<128x64xf32, #tpu.memory_space<vmem>>
          %dma_wait3A_185 = arith.constant 0 : i32
          %dma_wait3A_186 = tpu.memref_slice %run_scoped3A[%add3A_179, %dma_wait3A_185] : memref<20x128xi32, #tpu.memory_space<vmem>> -> memref<1x128xi32, #tpu.memory_space<vmem>>
          %dma_wait3A_187 = tpu.memref_squeeze %dma_wait3A_186 : memref<1x128xi32, #tpu.memory_space<vmem>> -> memref<128xi32, #tpu.memory_space<vmem>>
          %dma_wait3A_188 = arith.constant 0 : i32
          %dma_wait3A_189 = arith.constant 0 : i32
          %dma_wait3A_190 = tpu.memref_slice %arg7[%dma_wait3A_188, %dma_wait3A_189] : memref<10240x64xf32, #tpu.memory_space<vmem_shared>> -> memref<10240x64xf32, #tpu.memory_space<vmem_shared>>
          tpu.wait_indirect_dma semaphore(%run_scoped3A_4 : memref<!tpu.dma_semaphore, #tpu.memory_space<semaphore_mem>>) src(%dma_wait3A_190 : memref<10240x64xf32, #tpu.memory_space<vmem_shared>>) dst(%dma_wait3A_184 : memref<128x64xf32, #tpu.memory_space<vmem>>)
          %dma_start3A_191 = arith.constant 2 : i32
          %dma_start3A_192 = arith.constant 0 : i32
          %dma_start3A_193 = arith.constant 0 : i32
          %dma_start3A_194 = tpu.memref_slice %run_scoped3A_1[%dma_start3A_191, %dma_start3A_192, %dma_start3A_193] : memref<4x128x64xf32, #tpu.memory_space<vmem>> -> memref<1x128x64xf32, #tpu.memory_space<vmem>>
          %dma_start3A_195 = tpu.memref_squeeze %dma_start3A_194 : memref<1x128x64xf32, #tpu.memory_space<vmem>> -> memref<128x64xf32, #tpu.memory_space<vmem>>
          %dma_start3A_196 = arith.constant 0 : i32
          %dma_start3A_197 = tpu.memref_slice %run_scoped3A_0[%add3A_179, %dma_start3A_196] : memref<20x128xi32, #tpu.memory_space<vmem>> -> memref<1x128xi32, #tpu.memory_space<vmem>>
          %dma_start3A_198 = tpu.memref_squeeze %dma_start3A_197 : memref<1x128xi32, #tpu.memory_space<vmem>> -> memref<128xi32, #tpu.memory_space<vmem>>
          %dma_start3A_199 = arith.constant 0 : i32
          %dma_start3A_200 = arith.constant 0 : i32
          %dma_start3A_201 = tpu.memref_slice %arg8[%dma_start3A_199, %dma_start3A_200] : memref<10240x64xf32, #tpu.memory_space<vmem_shared>> -> memref<10240x64xf32, #tpu.memory_space<vmem_shared>>
          tpu.enqueue_indirect_dma source(%dma_start3A_195 : memref<128x64xf32, #tpu.memory_space<vmem>>) target(%dma_start3A_201 : memref<10240x64xf32, #tpu.memory_space<vmem_shared>>) offsets(%dma_start3A_198 : memref<128xi32, #tpu.memory_space<vmem>>) semaphore(%run_scoped3A_8 : memref<!tpu.dma_semaphore, #tpu.memory_space<semaphore_mem>>) {add = true}
          %add3A_202 = arith.constant 4 : i32
          %add3A_203 = arith.addi %add3A_179, %add3A_202 : i32
          %sub3A_204 = arith.constant 1 : i32
          %sub3A_205 = arith.subi %add3A_203, %sub3A_204 : i32
          %lt3A_206 = arith.constant 20 : i32
          %lt3A_207 = arith.cmpi slt, %sub3A_205, %lt3A_206 : i32
          %convert_element_type3A_208 = arith.extui %lt3A_207 : i1 to i32
          %cond3A_209 = arith.constant 0 : i32
          %cond3A_210 = arith.cmpi ne, %convert_element_type3A_208, %cond3A_209 : i32
          scf.if %cond3A_210 {
            %ge3A = arith.constant 1 : i32
            %ge3A_246 = arith.cmpi sge, %add3A_179, %ge3A : i32
            %convert_element_type3A_247 = arith.extui %ge3A_246 : i1 to i32
            %cond3A_248 = arith.constant 0 : i32
            %cond3A_249 = arith.cmpi ne, %convert_element_type3A_247, %cond3A_248 : i32
            scf.if %cond3A_249 {
              %sub3A_265 = arith.constant 1 : i32
              %sub3A_266 = arith.subi %add3A_179, %sub3A_265 : i32
              %dma_wait3A_267 = arith.constant 1 : i32
              %dma_wait3A_268 = arith.constant 0 : i32
              %dma_wait3A_269 = arith.constant 0 : i32
              %dma_wait3A_270 = tpu.memref_slice %run_scoped3A_1[%dma_wait3A_267, %dma_wait3A_268, %dma_wait3A_269] : memref<4x128x64xf32, #tpu.memory_space<vmem>> -> memref<1x128x64xf32, #tpu.memory_space<vmem>>
              %dma_wait3A_271 = tpu.memref_squeeze %dma_wait3A_270 : memref<1x128x64xf32, #tpu.memory_space<vmem>> -> memref<128x64xf32, #tpu.memory_space<vmem>>
              %dma_wait3A_272 = arith.constant 0 : i32
              %dma_wait3A_273 = tpu.memref_slice %run_scoped3A_0[%sub3A_266, %dma_wait3A_272] : memref<20x128xi32, #tpu.memory_space<vmem>> -> memref<1x128xi32, #tpu.memory_space<vmem>>
              %dma_wait3A_274 = tpu.memref_squeeze %dma_wait3A_273 : memref<1x128xi32, #tpu.memory_space<vmem>> -> memref<128xi32, #tpu.memory_space<vmem>>
              %dma_wait3A_275 = arith.constant 0 : i32
              %dma_wait3A_276 = arith.constant 0 : i32
              %dma_wait3A_277 = tpu.memref_slice %arg8[%dma_wait3A_275, %dma_wait3A_276] : memref<10240x64xf32, #tpu.memory_space<vmem_shared>> -> memref<10240x64xf32, #tpu.memory_space<vmem_shared>>
              tpu.wait_indirect_dma semaphore(%run_scoped3A_7 : memref<!tpu.dma_semaphore, #tpu.memory_space<semaphore_mem>>) src(%dma_wait3A_271 : memref<128x64xf32, #tpu.memory_space<vmem>>) dst(%dma_wait3A_277 : memref<10240x64xf32, #tpu.memory_space<vmem_shared>>)
            } else {
            }
            %add3A_250 = arith.constant 4 : i32
            %add3A_251 = arith.addi %add3A_179, %add3A_250 : i32
            %sub3A_252 = arith.constant 1 : i32
            %sub3A_253 = arith.subi %add3A_251, %sub3A_252 : i32
            %dma_start3A_254 = arith.constant 1 : i32
            %dma_start3A_255 = arith.constant 0 : i32
            %dma_start3A_256 = arith.constant 0 : i32
            %dma_start3A_257 = tpu.memref_slice %run_scoped3A_1[%dma_start3A_254, %dma_start3A_255, %dma_start3A_256] : memref<4x128x64xf32, #tpu.memory_space<vmem>> -> memref<1x128x64xf32, #tpu.memory_space<vmem>>
            %dma_start3A_258 = tpu.memref_squeeze %dma_start3A_257 : memref<1x128x64xf32, #tpu.memory_space<vmem>> -> memref<128x64xf32, #tpu.memory_space<vmem>>
            %dma_start3A_259 = arith.constant 0 : i32
            %dma_start3A_260 = tpu.memref_slice %run_scoped3A[%sub3A_253, %dma_start3A_259] : memref<20x128xi32, #tpu.memory_space<vmem>> -> memref<1x128xi32, #tpu.memory_space<vmem>>
            %dma_start3A_261 = tpu.memref_squeeze %dma_start3A_260 : memref<1x128xi32, #tpu.memory_space<vmem>> -> memref<128xi32, #tpu.memory_space<vmem>>
            %dma_start3A_262 = arith.constant 0 : i32
            %dma_start3A_263 = arith.constant 0 : i32
            %dma_start3A_264 = tpu.memref_slice %arg7[%dma_start3A_262, %dma_start3A_263] : memref<10240x64xf32, #tpu.memory_space<vmem_shared>> -> memref<10240x64xf32, #tpu.memory_space<vmem_shared>>
            tpu.enqueue_indirect_dma source(%dma_start3A_264 : memref<10240x64xf32, #tpu.memory_space<vmem_shared>>) target(%dma_start3A_258 : memref<128x64xf32, #tpu.memory_space<vmem>>) offsets(%dma_start3A_261 : memref<128xi32, #tpu.memory_space<vmem>>) semaphore(%run_scoped3A_3 : memref<!tpu.dma_semaphore, #tpu.memory_space<semaphore_mem>>)
          } else {
          }
          %mul3A_211 = arith.constant 4 : i32
          %mul3A_212 = arith.muli %mul3A_211, %scan3A_110 : i32
          %add3A_213 = arith.constant 3 : i32
          %add3A_214 = arith.addi %mul3A_212, %add3A_213 : i32
          %dma_wait3A_215 = arith.constant 3 : i32
          %dma_wait3A_216 = arith.constant 0 : i32
          %dma_wait3A_217 = arith.constant 0 : i32
          %dma_wait3A_218 = tpu.memref_slice %run_scoped3A_1[%dma_wait3A_215, %dma_wait3A_216, %dma_wait3A_217] : memref<4x128x64xf32, #tpu.memory_space<vmem>> -> memref<1x128x64xf32, #tpu.memory_space<vmem>>
          %dma_wait3A_219 = tpu.memref_squeeze %dma_wait3A_218 : memref<1x128x64xf32, #tpu.memory_space<vmem>> -> memref<128x64xf32, #tpu.memory_space<vmem>>
          %dma_wait3A_220 = arith.constant 0 : i32
          %dma_wait3A_221 = tpu.memref_slice %run_scoped3A[%add3A_214, %dma_wait3A_220] : memref<20x128xi32, #tpu.memory_space<vmem>> -> memref<1x128xi32, #tpu.memory_space<vmem>>
          %dma_wait3A_222 = tpu.memref_squeeze %dma_wait3A_221 : memref<1x128xi32, #tpu.memory_space<vmem>> -> memref<128xi32, #tpu.memory_space<vmem>>
          %dma_wait3A_223 = arith.constant 0 : i32
          %dma_wait3A_224 = arith.constant 0 : i32
          %dma_wait3A_225 = tpu.memref_slice %arg7[%dma_wait3A_223, %dma_wait3A_224] : memref<10240x64xf32, #tpu.memory_space<vmem_shared>> -> memref<10240x64xf32, #tpu.memory_space<vmem_shared>>
          tpu.wait_indirect_dma semaphore(%run_scoped3A_5 : memref<!tpu.dma_semaphore, #tpu.memory_space<semaphore_mem>>) src(%dma_wait3A_225 : memref<10240x64xf32, #tpu.memory_space<vmem_shared>>) dst(%dma_wait3A_219 : memref<128x64xf32, #tpu.memory_space<vmem>>)
          %dma_start3A_226 = arith.constant 3 : i32
          %dma_start3A_227 = arith.constant 0 : i32
          %dma_start3A_228 = arith.constant 0 : i32
          %dma_start3A_229 = tpu.memref_slice %run_scoped3A_1[%dma_start3A_226, %dma_start3A_227, %dma_start3A_228] : memref<4x128x64xf32, #tpu.memory_space<vmem>> -> memref<1x128x64xf32, #tpu.memory_space<vmem>>
          %dma_start3A_230 = tpu.memref_squeeze %dma_start3A_229 : memref<1x128x64xf32, #tpu.memory_space<vmem>> -> memref<128x64xf32, #tpu.memory_space<vmem>>
          %dma_start3A_231 = arith.constant 0 : i32
          %dma_start3A_232 = tpu.memref_slice %run_scoped3A_0[%add3A_214, %dma_start3A_231] : memref<20x128xi32, #tpu.memory_space<vmem>> -> memref<1x128xi32, #tpu.memory_space<vmem>>
          %dma_start3A_233 = tpu.memref_squeeze %dma_start3A_232 : memref<1x128xi32, #tpu.memory_space<vmem>> -> memref<128xi32, #tpu.memory_space<vmem>>
          %dma_start3A_234 = arith.constant 0 : i32
          %dma_start3A_235 = arith.constant 0 : i32
          %dma_start3A_236 = tpu.memref_slice %arg8[%dma_start3A_234, %dma_start3A_235] : memref<10240x64xf32, #tpu.memory_space<vmem_shared>> -> memref<10240x64xf32, #tpu.memory_space<vmem_shared>>
          tpu.enqueue_indirect_dma source(%dma_start3A_230 : memref<128x64xf32, #tpu.memory_space<vmem>>) target(%dma_start3A_236 : memref<10240x64xf32, #tpu.memory_space<vmem_shared>>) offsets(%dma_start3A_233 : memref<128xi32, #tpu.memory_space<vmem>>) semaphore(%run_scoped3A_9 : memref<!tpu.dma_semaphore, #tpu.memory_space<semaphore_mem>>) {add = true}
          %add3A_237 = arith.constant 4 : i32
          %add3A_238 = arith.addi %add3A_214, %add3A_237 : i32
          %sub3A_239 = arith.constant 1 : i32
          %sub3A_240 = arith.subi %add3A_238, %sub3A_239 : i32
          %lt3A_241 = arith.constant 20 : i32
          %lt3A_242 = arith.cmpi slt, %sub3A_240, %lt3A_241 : i32
          %convert_element_type3A_243 = arith.extui %lt3A_242 : i1 to i32
          %cond3A_244 = arith.constant 0 : i32
          %cond3A_245 = arith.cmpi ne, %convert_element_type3A_243, %cond3A_244 : i32
          scf.if %cond3A_245 {
            %ge3A = arith.constant 1 : i32
            %ge3A_246 = arith.cmpi sge, %add3A_214, %ge3A : i32
            %convert_element_type3A_247 = arith.extui %ge3A_246 : i1 to i32
            %cond3A_248 = arith.constant 0 : i32
            %cond3A_249 = arith.cmpi ne, %convert_element_type3A_247, %cond3A_248 : i32
            scf.if %cond3A_249 {
              %sub3A_265 = arith.constant 1 : i32
              %sub3A_266 = arith.subi %add3A_214, %sub3A_265 : i32
              %dma_wait3A_267 = arith.constant 2 : i32
              %dma_wait3A_268 = arith.constant 0 : i32
              %dma_wait3A_269 = arith.constant 0 : i32
              %dma_wait3A_270 = tpu.memref_slice %run_scoped3A_1[%dma_wait3A_267, %dma_wait3A_268, %dma_wait3A_269] : memref<4x128x64xf32, #tpu.memory_space<vmem>> -> memref<1x128x64xf32, #tpu.memory_space<vmem>>
              %dma_wait3A_271 = tpu.memref_squeeze %dma_wait3A_270 : memref<1x128x64xf32, #tpu.memory_space<vmem>> -> memref<128x64xf32, #tpu.memory_space<vmem>>
              %dma_wait3A_272 = arith.constant 0 : i32
              %dma_wait3A_273 = tpu.memref_slice %run_scoped3A_0[%sub3A_266, %dma_wait3A_272] : memref<20x128xi32, #tpu.memory_space<vmem>> -> memref<1x128xi32, #tpu.memory_space<vmem>>
              %dma_wait3A_274 = tpu.memref_squeeze %dma_wait3A_273 : memref<1x128xi32, #tpu.memory_space<vmem>> -> memref<128xi32, #tpu.memory_space<vmem>>
              %dma_wait3A_275 = arith.constant 0 : i32
              %dma_wait3A_276 = arith.constant 0 : i32
              %dma_wait3A_277 = tpu.memref_slice %arg8[%dma_wait3A_275, %dma_wait3A_276] : memref<10240x64xf32, #tpu.memory_space<vmem_shared>> -> memref<10240x64xf32, #tpu.memory_space<vmem_shared>>
              tpu.wait_indirect_dma semaphore(%run_scoped3A_8 : memref<!tpu.dma_semaphore, #tpu.memory_space<semaphore_mem>>) src(%dma_wait3A_271 : memref<128x64xf32, #tpu.memory_space<vmem>>) dst(%dma_wait3A_277 : memref<10240x64xf32, #tpu.memory_space<vmem_shared>>)
            } else {
            }
            %add3A_250 = arith.constant 4 : i32
            %add3A_251 = arith.addi %add3A_214, %add3A_250 : i32
            %sub3A_252 = arith.constant 1 : i32
            %sub3A_253 = arith.subi %add3A_251, %sub3A_252 : i32
            %dma_start3A_254 = arith.constant 2 : i32
            %dma_start3A_255 = arith.constant 0 : i32
            %dma_start3A_256 = arith.constant 0 : i32
            %dma_start3A_257 = tpu.memref_slice %run_scoped3A_1[%dma_start3A_254, %dma_start3A_255, %dma_start3A_256] : memref<4x128x64xf32, #tpu.memory_space<vmem>> -> memref<1x128x64xf32, #tpu.memory_space<vmem>>
            %dma_start3A_258 = tpu.memref_squeeze %dma_start3A_257 : memref<1x128x64xf32, #tpu.memory_space<vmem>> -> memref<128x64xf32, #tpu.memory_space<vmem>>
            %dma_start3A_259 = arith.constant 0 : i32
            %dma_start3A_260 = tpu.memref_slice %run_scoped3A[%sub3A_253, %dma_start3A_259] : memref<20x128xi32, #tpu.memory_space<vmem>> -> memref<1x128xi32, #tpu.memory_space<vmem>>
            %dma_start3A_261 = tpu.memref_squeeze %dma_start3A_260 : memref<1x128xi32, #tpu.memory_space<vmem>> -> memref<128xi32, #tpu.memory_space<vmem>>
            %dma_start3A_262 = arith.constant 0 : i32
            %dma_start3A_263 = arith.constant 0 : i32
            %dma_start3A_264 = tpu.memref_slice %arg7[%dma_start3A_262, %dma_start3A_263] : memref<10240x64xf32, #tpu.memory_space<vmem_shared>> -> memref<10240x64xf32, #tpu.memory_space<vmem_shared>>
            tpu.enqueue_indirect_dma source(%dma_start3A_264 : memref<10240x64xf32, #tpu.memory_space<vmem_shared>>) target(%dma_start3A_258 : memref<128x64xf32, #tpu.memory_space<vmem>>) offsets(%dma_start3A_261 : memref<128xi32, #tpu.memory_space<vmem>>) semaphore(%run_scoped3A_4 : memref<!tpu.dma_semaphore, #tpu.memory_space<semaphore_mem>>)
          } else {
          }
        }
        %scan3A_62 = arith.constant 5 : i32
        %dma_wait3A = arith.constant 0 : i32
        %dma_wait3A_63 = arith.constant 16 : i32
        %dma_wait3A_64 = arith.constant 0 : i32
        %dma_wait3A_65 = arith.constant 0 : i32
        %dma_wait3A_66 = tpu.memref_slice %run_scoped3A_1[%dma_wait3A, %dma_wait3A_64, %dma_wait3A_65] : memref<4x128x64xf32, #tpu.memory_space<vmem>> -> memref<1x128x64xf32, #tpu.memory_space<vmem>>
        %dma_wait3A_67 = tpu.memref_squeeze %dma_wait3A_66 : memref<1x128x64xf32, #tpu.memory_space<vmem>> -> memref<128x64xf32, #tpu.memory_space<vmem>>
        %dma_wait3A_68 = arith.constant 0 : i32
        %dma_wait3A_69 = tpu.memref_slice %run_scoped3A_0[%dma_wait3A_63, %dma_wait3A_68] : memref<20x128xi32, #tpu.memory_space<vmem>> -> memref<1x128xi32, #tpu.memory_space<vmem>>
        %dma_wait3A_70 = tpu.memref_squeeze %dma_wait3A_69 : memref<1x128xi32, #tpu.memory_space<vmem>> -> memref<128xi32, #tpu.memory_space<vmem>>
        %dma_wait3A_71 = arith.constant 0 : i32
        %dma_wait3A_72 = arith.constant 0 : i32
        %dma_wait3A_73 = tpu.memref_slice %arg8[%dma_wait3A_71, %dma_wait3A_72] : memref<10240x64xf32, #tpu.memory_space<vmem_shared>> -> memref<10240x64xf32, #tpu.memory_space<vmem_shared>>
        tpu.wait_indirect_dma semaphore(%run_scoped3A_6 : memref<!tpu.dma_semaphore, #tpu.memory_space<semaphore_mem>>) src(%dma_wait3A_67 : memref<128x64xf32, #tpu.memory_space<vmem>>) dst(%dma_wait3A_73 : memref<10240x64xf32, #tpu.memory_space<vmem_shared>>)
        %dma_wait3A_74 = arith.constant 1 : i32
        %dma_wait3A_75 = arith.constant 17 : i32
        %dma_wait3A_76 = arith.constant 0 : i32
        %dma_wait3A_77 = arith.constant 0 : i32
        %dma_wait3A_78 = tpu.memref_slice %run_scoped3A_1[%dma_wait3A_74, %dma_wait3A_76, %dma_wait3A_77] : memref<4x128x64xf32, #tpu.memory_space<vmem>> -> memref<1x128x64xf32, #tpu.memory_space<vmem>>
        %dma_wait3A_79 = tpu.memref_squeeze %dma_wait3A_78 : memref<1x128x64xf32, #tpu.memory_space<vmem>> -> memref<128x64xf32, #tpu.memory_space<vmem>>
        %dma_wait3A_80 = arith.constant 0 : i32
        %dma_wait3A_81 = tpu.memref_slice %run_scoped3A_0[%dma_wait3A_75, %dma_wait3A_80] : memref<20x128xi32, #tpu.memory_space<vmem>> -> memref<1x128xi32, #tpu.memory_space<vmem>>
        %dma_wait3A_82 = tpu.memref_squeeze %dma_wait3A_81 : memref<1x128xi32, #tpu.memory_space<vmem>> -> memref<128xi32, #tpu.memory_space<vmem>>
        %dma_wait3A_83 = arith.constant 0 : i32
        %dma_wait3A_84 = arith.constant 0 : i32
        %dma_wait3A_85 = tpu.memref_slice %arg8[%dma_wait3A_83, %dma_wait3A_84] : memref<10240x64xf32, #tpu.memory_space<vmem_shared>> -> memref<10240x64xf32, #tpu.memory_space<vmem_shared>>
        tpu.wait_indirect_dma semaphore(%run_scoped3A_7 : memref<!tpu.dma_semaphore, #tpu.memory_space<semaphore_mem>>) src(%dma_wait3A_79 : memref<128x64xf32, #tpu.memory_space<vmem>>) dst(%dma_wait3A_85 : memref<10240x64xf32, #tpu.memory_space<vmem_shared>>)
        %dma_wait3A_86 = arith.constant 2 : i32
        %dma_wait3A_87 = arith.constant 18 : i32
        %dma_wait3A_88 = arith.constant 0 : i32
        %dma_wait3A_89 = arith.constant 0 : i32
        %dma_wait3A_90 = tpu.memref_slice %run_scoped3A_1[%dma_wait3A_86, %dma_wait3A_88, %dma_wait3A_89] : memref<4x128x64xf32, #tpu.memory_space<vmem>> -> memref<1x128x64xf32, #tpu.memory_space<vmem>>
        %dma_wait3A_91 = tpu.memref_squeeze %dma_wait3A_90 : memref<1x128x64xf32, #tpu.memory_space<vmem>> -> memref<128x64xf32, #tpu.memory_space<vmem>>
        %dma_wait3A_92 = arith.constant 0 : i32
        %dma_wait3A_93 = tpu.memref_slice %run_scoped3A_0[%dma_wait3A_87, %dma_wait3A_92] : memref<20x128xi32, #tpu.memory_space<vmem>> -> memref<1x128xi32, #tpu.memory_space<vmem>>
        %dma_wait3A_94 = tpu.memref_squeeze %dma_wait3A_93 : memref<1x128xi32, #tpu.memory_space<vmem>> -> memref<128xi32, #tpu.memory_space<vmem>>
        %dma_wait3A_95 = arith.constant 0 : i32
        %dma_wait3A_96 = arith.constant 0 : i32
        %dma_wait3A_97 = tpu.memref_slice %arg8[%dma_wait3A_95, %dma_wait3A_96] : memref<10240x64xf32, #tpu.memory_space<vmem_shared>> -> memref<10240x64xf32, #tpu.memory_space<vmem_shared>>
        tpu.wait_indirect_dma semaphore(%run_scoped3A_8 : memref<!tpu.dma_semaphore, #tpu.memory_space<semaphore_mem>>) src(%dma_wait3A_91 : memref<128x64xf32, #tpu.memory_space<vmem>>) dst(%dma_wait3A_97 : memref<10240x64xf32, #tpu.memory_space<vmem_shared>>)
        %dma_wait3A_98 = arith.constant 3 : i32
        %dma_wait3A_99 = arith.constant 19 : i32
        %dma_wait3A_100 = arith.constant 0 : i32
        %dma_wait3A_101 = arith.constant 0 : i32
        %dma_wait3A_102 = tpu.memref_slice %run_scoped3A_1[%dma_wait3A_98, %dma_wait3A_100, %dma_wait3A_101] : memref<4x128x64xf32, #tpu.memory_space<vmem>> -> memref<1x128x64xf32, #tpu.memory_space<vmem>>
        %dma_wait3A_103 = tpu.memref_squeeze %dma_wait3A_102 : memref<1x128x64xf32, #tpu.memory_space<vmem>> -> memref<128x64xf32, #tpu.memory_space<vmem>>
        %dma_wait3A_104 = arith.constant 0 : i32
        %dma_wait3A_105 = tpu.memref_slice %run_scoped3A_0[%dma_wait3A_99, %dma_wait3A_104] : memref<20x128xi32, #tpu.memory_space<vmem>> -> memref<1x128xi32, #tpu.memory_space<vmem>>
        %dma_wait3A_106 = tpu.memref_squeeze %dma_wait3A_105 : memref<1x128xi32, #tpu.memory_space<vmem>> -> memref<128xi32, #tpu.memory_space<vmem>>
        %dma_wait3A_107 = arith.constant 0 : i32
        %dma_wait3A_108 = arith.constant 0 : i32
        %dma_wait3A_109 = tpu.memref_slice %arg8[%dma_wait3A_107, %dma_wait3A_108] : memref<10240x64xf32, #tpu.memory_space<vmem_shared>> -> memref<10240x64xf32, #tpu.memory_space<vmem_shared>>
        tpu.wait_indirect_dma semaphore(%run_scoped3A_9 : memref<!tpu.dma_semaphore, #tpu.memory_space<semaphore_mem>>) src(%dma_wait3A_103 : memref<128x64xf32, #tpu.memory_space<vmem>>) dst(%dma_wait3A_109 : memref<10240x64xf32, #tpu.memory_space<vmem_shared>>)
      }
      %scan3A_15 = arith.constant 8 : i32
      %barrier3A_16 = arith.constant 0 : index
      tpu.barrier barrier_id(%barrier3A_16)
      "tpu.region"() ({
        %run_scoped3A_17 = tpu.sem_alloc : memref<!tpu.dma_semaphore, #tpu.memory_space<semaphore_mem>>
        %dma_start3A = arith.constant 0 : i32
        %dma_start3A_18 = tpu.memref_slice %arg6[%arg0, %mul3A_10, %dma_start3A] : memref<2x10240x64xf32, #tpu.memory_space<hbm>> -> memref<1x640x64xf32, #tpu.memory_space<hbm>>
        %dma_start3A_19 = tpu.memref_squeeze %dma_start3A_18 : memref<1x640x64xf32, #tpu.memory_space<hbm>> -> memref<640x64xf32, #tpu.memory_space<hbm>>
        %dma_start3A_20 = arith.constant 0 : i32
        %dma_start3A_21 = tpu.memref_slice %arg8[%mul3A_10, %dma_start3A_20] : memref<10240x64xf32, #tpu.memory_space<vmem_shared>> -> memref<640x64xf32, #tpu.memory_space<vmem_shared>>
        tpu.enqueue_dma source(%dma_start3A_21 : memref<640x64xf32, #tpu.memory_space<vmem_shared>>) target(%dma_start3A_19 : memref<640x64xf32, #tpu.memory_space<hbm>>) target_semaphore(%run_scoped3A_17 : memref<!tpu.dma_semaphore, #tpu.memory_space<semaphore_mem>>)
        %dma_wait3A = arith.constant 0 : i32
        %dma_wait3A_22 = tpu.memref_slice %arg6[%arg0, %mul3A_10, %dma_wait3A] : memref<2x10240x64xf32, #tpu.memory_space<hbm>> -> memref<1x640x64xf32, #tpu.memory_space<hbm>>
        %dma_wait3A_23 = tpu.memref_squeeze %dma_wait3A_22 : memref<1x640x64xf32, #tpu.memory_space<hbm>> -> memref<640x64xf32, #tpu.memory_space<hbm>>
        %dma_wait3A_24 = arith.constant 0 : i32
        %dma_wait3A_25 = tpu.memref_slice %arg8[%mul3A_10, %dma_wait3A_24] : memref<10240x64xf32, #tpu.memory_space<vmem_shared>> -> memref<640x64xf32, #tpu.memory_space<vmem_shared>>
        tpu.wait_dma2 semaphore(%run_scoped3A_17 : memref<!tpu.dma_semaphore, #tpu.memory_space<semaphore_mem>>) src(%dma_wait3A_25 : memref<640x64xf32, #tpu.memory_space<vmem_shared>>) dst(%dma_wait3A_23 : memref<640x64xf32, #tpu.memory_space<hbm>>)
        tpu.yield
      }) : () -> ()
      tpu.yield
    }) : () -> ()
    return
  }
}

#map = affine_map<(d0, d1) -> (0, 0, 0)>
#map1 = affine_map<(d0, d1) -> (0, 0)>
module attributes {stable_mosaic.version = 14 : i64} {
  func.func @_agg_body(%arg0: i32, %arg1: i32, %arg2: memref<2x10240x64xf32, #tpu.memory_space<hbm>>, %arg3: memref<16x160x128xi32, #tpu.memory_space<hbm>>, %arg4: memref<16x160x128xi32, #tpu.memory_space<hbm>>, %arg5: memref<10240x64xf32, #tpu.memory_space<hbm>>, %arg6: memref<2x10240x64xf32, #tpu.memory_space<hbm>>, %arg7: memref<10240x64xf32, #tpu.memory_space<vmem_shared>>, %arg8: memref<10240x64xf32, #tpu.memory_space<vmem_shared>>) attributes {dimension_semantics = [#tpu.dimension_semantics<core_parallel>, #tpu.dimension_semantics<subcore_parallel>], iteration_bounds = array<i64: 2, 16>, scalar_prefetch = 0 : i64, scratch_operands = 2 : i64, tpu.core_type = #tpu.core_type<sc_vector_subcore>, window_params = [{transform_indices = #map}, {transform_indices = #map}, {transform_indices = #map}, {transform_indices = #map1}, {transform_indices = #map}]} {
    "tpu.region"() ({
      %run_scoped3A = memref.alloca() : memref<20x128xi32, #tpu.memory_space<vmem>>
      %run_scoped3A_0 = memref.alloca() : memref<20x128xi32, #tpu.memory_space<vmem>>
      %run_scoped3A_1 = memref.alloca() : memref<4x128x64xf32, #tpu.memory_space<vmem>>
      %run_scoped3A_2 = tpu.sem_alloc : memref<!tpu.dma_semaphore, #tpu.memory_space<semaphore_mem>>
      %run_scoped3A_3 = tpu.sem_alloc : memref<!tpu.dma_semaphore, #tpu.memory_space<semaphore_mem>>
      %run_scoped3A_4 = tpu.sem_alloc : memref<!tpu.dma_semaphore, #tpu.memory_space<semaphore_mem>>
      %run_scoped3A_5 = tpu.sem_alloc : memref<!tpu.dma_semaphore, #tpu.memory_space<semaphore_mem>>
      %run_scoped3A_6 = tpu.sem_alloc : memref<!tpu.dma_semaphore, #tpu.memory_space<semaphore_mem>>
      %run_scoped3A_7 = tpu.sem_alloc : memref<!tpu.dma_semaphore, #tpu.memory_space<semaphore_mem>>
      %run_scoped3A_8 = tpu.sem_alloc : memref<!tpu.dma_semaphore, #tpu.memory_space<semaphore_mem>>
      %run_scoped3A_9 = tpu.sem_alloc : memref<!tpu.dma_semaphore, #tpu.memory_space<semaphore_mem>>
      %mul3A = arith.constant 640 : i32
      %mul3A_10 = arith.muli %arg1, %mul3A : i32
      "tpu.region"() ({
        %run_scoped3A_17 = tpu.sem_alloc : memref<!tpu.dma_semaphore, #tpu.memory_space<semaphore_mem>>
        %dma_start3A = arith.constant 0 : i32
        %dma_start3A_18 = tpu.memref_slice %arg8[%mul3A_10, %dma_start3A] : memref<10240x64xf32, #tpu.memory_space<vmem_shared>> -> memref<640x64xf32, #tpu.memory_space<vmem_shared>>
        %dma_start3A_19 = arith.constant 0 : i32
        %dma_start3A_20 = tpu.memref_slice %arg5[%mul3A_10, %dma_start3A_19] : memref<10240x64xf32, #tpu.memory_space<hbm>> -> memref<640x64xf32, #tpu.memory_space<hbm>>
        tpu.enqueue_dma source(%dma_start3A_20 : memref<640x64xf32, #tpu.memory_space<hbm>>) target(%dma_start3A_18 : memref<640x64xf32, #tpu.memory_space<vmem_shared>>) target_semaphore(%run_scoped3A_17 : memref<!tpu.dma_semaphore, #tpu.memory_space<semaphore_mem>>)
        %dma_wait3A = arith.constant 0 : i32
        %dma_wait3A_21 = tpu.memref_slice %arg8[%mul3A_10, %dma_wait3A] : memref<10240x64xf32, #tpu.memory_space<vmem_shared>> -> memref<640x64xf32, #tpu.memory_space<vmem_shared>>
        %dma_wait3A_22 = arith.constant 0 : i32
        %dma_wait3A_23 = tpu.memref_slice %arg5[%mul3A_10, %dma_wait3A_22] : memref<10240x64xf32, #tpu.memory_space<hbm>> -> memref<640x64xf32, #tpu.memory_space<hbm>>
        tpu.wait_dma2 semaphore(%run_scoped3A_17 : memref<!tpu.dma_semaphore, #tpu.memory_space<semaphore_mem>>) src(%dma_wait3A_23 : memref<640x64xf32, #tpu.memory_space<hbm>>) dst(%dma_wait3A_21 : memref<640x64xf32, #tpu.memory_space<vmem_shared>>)
        tpu.yield
      }) : () -> ()
      "tpu.region"() ({
        %run_scoped3A_17 = tpu.sem_alloc : memref<!tpu.dma_semaphore, #tpu.memory_space<semaphore_mem>>
        %dma_start3A = arith.constant 0 : i32
        %dma_start3A_18 = tpu.memref_slice %arg7[%mul3A_10, %dma_start3A] : memref<10240x64xf32, #tpu.memory_space<vmem_shared>> -> memref<640x64xf32, #tpu.memory_space<vmem_shared>>
        %dma_start3A_19 = arith.constant 0 : i32
        %dma_start3A_20 = tpu.memref_slice %arg2[%arg0, %mul3A_10, %dma_start3A_19] : memref<2x10240x64xf32, #tpu.memory_space<hbm>> -> memref<1x640x64xf32, #tpu.memory_space<hbm>>
        %dma_start3A_21 = tpu.memref_squeeze %dma_start3A_20 : memref<1x640x64xf32, #tpu.memory_space<hbm>> -> memref<640x64xf32, #tpu.memory_space<hbm>>
        tpu.enqueue_dma source(%dma_start3A_21 : memref<640x64xf32, #tpu.memory_space<hbm>>) target(%dma_start3A_18 : memref<640x64xf32, #tpu.memory_space<vmem_shared>>) target_semaphore(%run_scoped3A_17 : memref<!tpu.dma_semaphore, #tpu.memory_space<semaphore_mem>>)
        %dma_wait3A = arith.constant 0 : i32
        %dma_wait3A_22 = tpu.memref_slice %arg7[%mul3A_10, %dma_wait3A] : memref<10240x64xf32, #tpu.memory_space<vmem_shared>> -> memref<640x64xf32, #tpu.memory_space<vmem_shared>>
        %dma_wait3A_23 = arith.constant 0 : i32
        %dma_wait3A_24 = tpu.memref_slice %arg2[%arg0, %mul3A_10, %dma_wait3A_23] : memref<2x10240x64xf32, #tpu.memory_space<hbm>> -> memref<1x640x64xf32, #tpu.memory_space<hbm>>
        %dma_wait3A_25 = tpu.memref_squeeze %dma_wait3A_24 : memref<1x640x64xf32, #tpu.memory_space<hbm>> -> memref<640x64xf32, #tpu.memory_space<hbm>>
        tpu.wait_dma2 semaphore(%run_scoped3A_17 : memref<!tpu.dma_semaphore, #tpu.memory_space<semaphore_mem>>) src(%dma_wait3A_25 : memref<640x64xf32, #tpu.memory_space<hbm>>) dst(%dma_wait3A_22 : memref<640x64xf32, #tpu.memory_space<vmem_shared>>)
        tpu.yield
      }) : () -> ()
      %barrier3A = arith.constant 0 : index
      tpu.barrier barrier_id(%barrier3A)
      %scan3A = arith.constant 0 : i32
      %scan3A_11 = arith.constant 0 : i32
      %scan3A_12 = arith.constant 8 : i32
      %scan3A_13 = arith.addi %scan3A_11, %scan3A_12 : i32
      %scan3A_14 = arith.constant 1 : i32
      scf.for %scan3A_17 = %scan3A_11 to %scan3A_13 step %scan3A_14  : i32 {
        %mul3A_18 = arith.constant 20 : i32
        %mul3A_19 = arith.muli %scan3A_17, %mul3A_18 : i32
        "tpu.region"() ({
          %run_scoped3A_110 = tpu.sem_alloc : memref<!tpu.dma_semaphore, #tpu.memory_space<semaphore_mem>>
          %dma_start3A_111 = arith.constant 0 : i32
          %dma_start3A_112 = tpu.memref_slice %arg3[%arg1, %mul3A_19, %dma_start3A_111] : memref<16x160x128xi32, #tpu.memory_space<hbm>> -> memref<1x20x128xi32, #tpu.memory_space<hbm>>
          %dma_start3A_113 = tpu.memref_squeeze %dma_start3A_112 : memref<1x20x128xi32, #tpu.memory_space<hbm>> -> memref<20x128xi32, #tpu.memory_space<hbm>>
          %dma_start3A_114 = arith.constant 0 : i32
          %dma_start3A_115 = tpu.memref_slice %arg3[%arg1, %mul3A_19, %dma_start3A_114] : memref<16x160x128xi32, #tpu.memory_space<hbm>> -> memref<1x20x128xi32, #tpu.memory_space<hbm>>
          %dma_start3A_116 = tpu.memref_squeeze %dma_start3A_115 : memref<1x20x128xi32, #tpu.memory_space<hbm>> -> memref<20x128xi32, #tpu.memory_space<hbm>>
          tpu.enqueue_dma source(%dma_start3A_116 : memref<20x128xi32, #tpu.memory_space<hbm>>) target(%run_scoped3A : memref<20x128xi32, #tpu.memory_space<vmem>>) target_semaphore(%run_scoped3A_110 : memref<!tpu.dma_semaphore, #tpu.memory_space<semaphore_mem>>)
          %dma_wait3A_117 = arith.constant 0 : i32
          %dma_wait3A_118 = tpu.memref_slice %arg3[%arg1, %mul3A_19, %dma_wait3A_117] : memref<16x160x128xi32, #tpu.memory_space<hbm>> -> memref<1x20x128xi32, #tpu.memory_space<hbm>>
          %dma_wait3A_119 = tpu.memref_squeeze %dma_wait3A_118 : memref<1x20x128xi32, #tpu.memory_space<hbm>> -> memref<20x128xi32, #tpu.memory_space<hbm>>
          %dma_wait3A_120 = arith.constant 0 : i32
          %dma_wait3A_121 = tpu.memref_slice %arg3[%arg1, %mul3A_19, %dma_wait3A_120] : memref<16x160x128xi32, #tpu.memory_space<hbm>> -> memref<1x20x128xi32, #tpu.memory_space<hbm>>
          %dma_wait3A_122 = tpu.memref_squeeze %dma_wait3A_121 : memref<1x20x128xi32, #tpu.memory_space<hbm>> -> memref<20x128xi32, #tpu.memory_space<hbm>>
          tpu.wait_dma2 semaphore(%run_scoped3A_110 : memref<!tpu.dma_semaphore, #tpu.memory_space<semaphore_mem>>) src(%dma_wait3A_122 : memref<20x128xi32, #tpu.memory_space<hbm>>) dst(%run_scoped3A : memref<20x128xi32, #tpu.memory_space<vmem>>)
          tpu.yield
        }) : () -> ()
        %mul3A_20 = arith.constant 20 : i32
        %mul3A_21 = arith.muli %scan3A_17, %mul3A_20 : i32
        "tpu.region"() ({
          %run_scoped3A_110 = tpu.sem_alloc : memref<!tpu.dma_semaphore, #tpu.memory_space<semaphore_mem>>
          %dma_start3A_111 = arith.constant 0 : i32
          %dma_start3A_112 = tpu.memref_slice %arg4[%arg1, %mul3A_21, %dma_start3A_111] : memref<16x160x128xi32, #tpu.memory_space<hbm>> -> memref<1x20x128xi32, #tpu.memory_space<hbm>>
          %dma_start3A_113 = tpu.memref_squeeze %dma_start3A_112 : memref<1x20x128xi32, #tpu.memory_space<hbm>> -> memref<20x128xi32, #tpu.memory_space<hbm>>
          %dma_start3A_114 = arith.constant 0 : i32
          %dma_start3A_115 = tpu.memref_slice %arg4[%arg1, %mul3A_21, %dma_start3A_114] : memref<16x160x128xi32, #tpu.memory_space<hbm>> -> memref<1x20x128xi32, #tpu.memory_space<hbm>>
          %dma_start3A_116 = tpu.memref_squeeze %dma_start3A_115 : memref<1x20x128xi32, #tpu.memory_space<hbm>> -> memref<20x128xi32, #tpu.memory_space<hbm>>
          tpu.enqueue_dma source(%dma_start3A_116 : memref<20x128xi32, #tpu.memory_space<hbm>>) target(%run_scoped3A_0 : memref<20x128xi32, #tpu.memory_space<vmem>>) target_semaphore(%run_scoped3A_110 : memref<!tpu.dma_semaphore, #tpu.memory_space<semaphore_mem>>)
          %dma_wait3A_117 = arith.constant 0 : i32
          %dma_wait3A_118 = tpu.memref_slice %arg4[%arg1, %mul3A_21, %dma_wait3A_117] : memref<16x160x128xi32, #tpu.memory_space<hbm>> -> memref<1x20x128xi32, #tpu.memory_space<hbm>>
          %dma_wait3A_119 = tpu.memref_squeeze %dma_wait3A_118 : memref<1x20x128xi32, #tpu.memory_space<hbm>> -> memref<20x128xi32, #tpu.memory_space<hbm>>
          %dma_wait3A_120 = arith.constant 0 : i32
          %dma_wait3A_121 = tpu.memref_slice %arg4[%arg1, %mul3A_21, %dma_wait3A_120] : memref<16x160x128xi32, #tpu.memory_space<hbm>> -> memref<1x20x128xi32, #tpu.memory_space<hbm>>
          %dma_wait3A_122 = tpu.memref_squeeze %dma_wait3A_121 : memref<1x20x128xi32, #tpu.memory_space<hbm>> -> memref<20x128xi32, #tpu.memory_space<hbm>>
          tpu.wait_dma2 semaphore(%run_scoped3A_110 : memref<!tpu.dma_semaphore, #tpu.memory_space<semaphore_mem>>) src(%dma_wait3A_122 : memref<20x128xi32, #tpu.memory_space<hbm>>) dst(%run_scoped3A_0 : memref<20x128xi32, #tpu.memory_space<vmem>>)
          tpu.yield
        }) : () -> ()
        %dma_start3A = arith.constant 0 : i32
        %dma_start3A_22 = arith.constant 0 : i32
        %dma_start3A_23 = arith.constant 0 : i32
        %dma_start3A_24 = arith.constant 0 : i32
        %dma_start3A_25 = tpu.memref_slice %run_scoped3A_1[%dma_start3A_22, %dma_start3A_23, %dma_start3A_24] : memref<4x128x64xf32, #tpu.memory_space<vmem>> -> memref<1x128x64xf32, #tpu.memory_space<vmem>>
        %dma_start3A_26 = tpu.memref_squeeze %dma_start3A_25 : memref<1x128x64xf32, #tpu.memory_space<vmem>> -> memref<128x64xf32, #tpu.memory_space<vmem>>
        %dma_start3A_27 = arith.constant 0 : i32
        %dma_start3A_28 = tpu.memref_slice %run_scoped3A[%dma_start3A, %dma_start3A_27] : memref<20x128xi32, #tpu.memory_space<vmem>> -> memref<1x128xi32, #tpu.memory_space<vmem>>
        %dma_start3A_29 = tpu.memref_squeeze %dma_start3A_28 : memref<1x128xi32, #tpu.memory_space<vmem>> -> memref<128xi32, #tpu.memory_space<vmem>>
        %dma_start3A_30 = arith.constant 0 : i32
        %dma_start3A_31 = arith.constant 0 : i32
        %dma_start3A_32 = tpu.memref_slice %arg7[%dma_start3A_30, %dma_start3A_31] : memref<10240x64xf32, #tpu.memory_space<vmem_shared>> -> memref<10240x64xf32, #tpu.memory_space<vmem_shared>>
        tpu.enqueue_indirect_dma source(%dma_start3A_32 : memref<10240x64xf32, #tpu.memory_space<vmem_shared>>) target(%dma_start3A_26 : memref<128x64xf32, #tpu.memory_space<vmem>>) offsets(%dma_start3A_29 : memref<128xi32, #tpu.memory_space<vmem>>) semaphore(%run_scoped3A_2 : memref<!tpu.dma_semaphore, #tpu.memory_space<semaphore_mem>>)
        %dma_start3A_33 = arith.constant 1 : i32
        %dma_start3A_34 = arith.constant 1 : i32
        %dma_start3A_35 = arith.constant 0 : i32
        %dma_start3A_36 = arith.constant 0 : i32
        %dma_start3A_37 = tpu.memref_slice %run_scoped3A_1[%dma_start3A_34, %dma_start3A_35, %dma_start3A_36] : memref<4x128x64xf32, #tpu.memory_space<vmem>> -> memref<1x128x64xf32, #tpu.memory_space<vmem>>
        %dma_start3A_38 = tpu.memref_squeeze %dma_start3A_37 : memref<1x128x64xf32, #tpu.memory_space<vmem>> -> memref<128x64xf32, #tpu.memory_space<vmem>>
        %dma_start3A_39 = arith.constant 0 : i32
        %dma_start3A_40 = tpu.memref_slice %run_scoped3A[%dma_start3A_33, %dma_start3A_39] : memref<20x128xi32, #tpu.memory_space<vmem>> -> memref<1x128xi32, #tpu.memory_space<vmem>>
        %dma_start3A_41 = tpu.memref_squeeze %dma_start3A_40 : memref<1x128xi32, #tpu.memory_space<vmem>> -> memref<128xi32, #tpu.memory_space<vmem>>
        %dma_start3A_42 = arith.constant 0 : i32
        %dma_start3A_43 = arith.constant 0 : i32
        %dma_start3A_44 = tpu.memref_slice %arg7[%dma_start3A_42, %dma_start3A_43] : memref<10240x64xf32, #tpu.memory_space<vmem_shared>> -> memref<10240x64xf32, #tpu.memory_space<vmem_shared>>
        tpu.enqueue_indirect_dma source(%dma_start3A_44 : memref<10240x64xf32, #tpu.memory_space<vmem_shared>>) target(%dma_start3A_38 : memref<128x64xf32, #tpu.memory_space<vmem>>) offsets(%dma_start3A_41 : memref<128xi32, #tpu.memory_space<vmem>>) semaphore(%run_scoped3A_3 : memref<!tpu.dma_semaphore, #tpu.memory_space<semaphore_mem>>)
        %dma_start3A_45 = arith.constant 2 : i32
        %dma_start3A_46 = arith.constant 2 : i32
        %dma_start3A_47 = arith.constant 0 : i32
        %dma_start3A_48 = arith.constant 0 : i32
        %dma_start3A_49 = tpu.memref_slice %run_scoped3A_1[%dma_start3A_46, %dma_start3A_47, %dma_start3A_48] : memref<4x128x64xf32, #tpu.memory_space<vmem>> -> memref<1x128x64xf32, #tpu.memory_space<vmem>>
        %dma_start3A_50 = tpu.memref_squeeze %dma_start3A_49 : memref<1x128x64xf32, #tpu.memory_space<vmem>> -> memref<128x64xf32, #tpu.memory_space<vmem>>
        %dma_start3A_51 = arith.constant 0 : i32
        %dma_start3A_52 = tpu.memref_slice %run_scoped3A[%dma_start3A_45, %dma_start3A_51] : memref<20x128xi32, #tpu.memory_space<vmem>> -> memref<1x128xi32, #tpu.memory_space<vmem>>
        %dma_start3A_53 = tpu.memref_squeeze %dma_start3A_52 : memref<1x128xi32, #tpu.memory_space<vmem>> -> memref<128xi32, #tpu.memory_space<vmem>>
        %dma_start3A_54 = arith.constant 0 : i32
        %dma_start3A_55 = arith.constant 0 : i32
        %dma_start3A_56 = tpu.memref_slice %arg7[%dma_start3A_54, %dma_start3A_55] : memref<10240x64xf32, #tpu.memory_space<vmem_shared>> -> memref<10240x64xf32, #tpu.memory_space<vmem_shared>>
        tpu.enqueue_indirect_dma source(%dma_start3A_56 : memref<10240x64xf32, #tpu.memory_space<vmem_shared>>) target(%dma_start3A_50 : memref<128x64xf32, #tpu.memory_space<vmem>>) offsets(%dma_start3A_53 : memref<128xi32, #tpu.memory_space<vmem>>) semaphore(%run_scoped3A_4 : memref<!tpu.dma_semaphore, #tpu.memory_space<semaphore_mem>>)
        %scan3A_57 = arith.constant 0 : i32
        %scan3A_58 = arith.constant 0 : i32
        %scan3A_59 = arith.constant 5 : i32
        %scan3A_60 = arith.addi %scan3A_58, %scan3A_59 : i32
        %scan3A_61 = arith.constant 1 : i32
        scf.for %scan3A_110 = %scan3A_58 to %scan3A_60 step %scan3A_61  : i32 {
          %mul3A_111 = arith.constant 4 : i32
          %mul3A_112 = arith.muli %mul3A_111, %scan3A_110 : i32
          %add3A = arith.constant 0 : i32
          %add3A_113 = arith.addi %mul3A_112, %add3A : i32
          %dma_wait3A_114 = arith.constant 0 : i32
          %dma_wait3A_115 = arith.constant 0 : i32
          %dma_wait3A_116 = arith.constant 0 : i32
          %dma_wait3A_117 = tpu.memref_slice %run_scoped3A_1[%dma_wait3A_114, %dma_wait3A_115, %dma_wait3A_116] : memref<4x128x64xf32, #tpu.memory_space<vmem>> -> memref<1x128x64xf32, #tpu.memory_space<vmem>>
          %dma_wait3A_118 = tpu.memref_squeeze %dma_wait3A_117 : memref<1x128x64xf32, #tpu.memory_space<vmem>> -> memref<128x64xf32, #tpu.memory_space<vmem>>
          %dma_wait3A_119 = arith.constant 0 : i32
          %dma_wait3A_120 = tpu.memref_slice %run_scoped3A[%add3A_113, %dma_wait3A_119] : memref<20x128xi32, #tpu.memory_space<vmem>> -> memref<1x128xi32, #tpu.memory_space<vmem>>
          %dma_wait3A_121 = tpu.memref_squeeze %dma_wait3A_120 : memref<1x128xi32, #tpu.memory_space<vmem>> -> memref<128xi32, #tpu.memory_space<vmem>>
          %dma_wait3A_122 = arith.constant 0 : i32
          %dma_wait3A_123 = arith.constant 0 : i32
          %dma_wait3A_124 = tpu.memref_slice %arg7[%dma_wait3A_122, %dma_wait3A_123] : memref<10240x64xf32, #tpu.memory_space<vmem_shared>> -> memref<10240x64xf32, #tpu.memory_space<vmem_shared>>
          tpu.wait_indirect_dma semaphore(%run_scoped3A_2 : memref<!tpu.dma_semaphore, #tpu.memory_space<semaphore_mem>>) src(%dma_wait3A_124 : memref<10240x64xf32, #tpu.memory_space<vmem_shared>>) dst(%dma_wait3A_118 : memref<128x64xf32, #tpu.memory_space<vmem>>)
          %dma_start3A_125 = arith.constant 0 : i32
          %dma_start3A_126 = arith.constant 0 : i32
          %dma_start3A_127 = arith.constant 0 : i32
          %dma_start3A_128 = tpu.memref_slice %run_scoped3A_1[%dma_start3A_125, %dma_start3A_126, %dma_start3A_127] : memref<4x128x64xf32, #tpu.memory_space<vmem>> -> memref<1x128x64xf32, #tpu.memory_space<vmem>>
          %dma_start3A_129 = tpu.memref_squeeze %dma_start3A_128 : memref<1x128x64xf32, #tpu.memory_space<vmem>> -> memref<128x64xf32, #tpu.memory_space<vmem>>
          %dma_start3A_130 = arith.constant 0 : i32
          %dma_start3A_131 = tpu.memref_slice %run_scoped3A_0[%add3A_113, %dma_start3A_130] : memref<20x128xi32, #tpu.memory_space<vmem>> -> memref<1x128xi32, #tpu.memory_space<vmem>>
          %dma_start3A_132 = tpu.memref_squeeze %dma_start3A_131 : memref<1x128xi32, #tpu.memory_space<vmem>> -> memref<128xi32, #tpu.memory_space<vmem>>
          %dma_start3A_133 = arith.constant 0 : i32
          %dma_start3A_134 = arith.constant 0 : i32
          %dma_start3A_135 = tpu.memref_slice %arg8[%dma_start3A_133, %dma_start3A_134] : memref<10240x64xf32, #tpu.memory_space<vmem_shared>> -> memref<10240x64xf32, #tpu.memory_space<vmem_shared>>
          tpu.enqueue_indirect_dma source(%dma_start3A_129 : memref<128x64xf32, #tpu.memory_space<vmem>>) target(%dma_start3A_135 : memref<10240x64xf32, #tpu.memory_space<vmem_shared>>) offsets(%dma_start3A_132 : memref<128xi32, #tpu.memory_space<vmem>>) semaphore(%run_scoped3A_6 : memref<!tpu.dma_semaphore, #tpu.memory_space<semaphore_mem>>) {add = true}
          %add3A_136 = arith.constant 4 : i32
          %add3A_137 = arith.addi %add3A_113, %add3A_136 : i32
          %sub3A = arith.constant 1 : i32
          %sub3A_138 = arith.subi %add3A_137, %sub3A : i32
          %lt3A = arith.constant 20 : i32
          %lt3A_139 = arith.cmpi slt, %sub3A_138, %lt3A : i32
          %convert_element_type3A = arith.extui %lt3A_139 : i1 to i32
          %cond3A = arith.constant 0 : i32
          %cond3A_140 = arith.cmpi ne, %convert_element_type3A, %cond3A : i32
          scf.if %cond3A_140 {
            %ge3A = arith.constant 1 : i32
            %ge3A_246 = arith.cmpi sge, %add3A_113, %ge3A : i32
            %convert_element_type3A_247 = arith.extui %ge3A_246 : i1 to i32
            %cond3A_248 = arith.constant 0 : i32
            %cond3A_249 = arith.cmpi ne, %convert_element_type3A_247, %cond3A_248 : i32
            scf.if %cond3A_249 {
              %sub3A_265 = arith.constant 1 : i32
              %sub3A_266 = arith.subi %add3A_113, %sub3A_265 : i32
              %dma_wait3A_267 = arith.constant 3 : i32
              %dma_wait3A_268 = arith.constant 0 : i32
              %dma_wait3A_269 = arith.constant 0 : i32
              %dma_wait3A_270 = tpu.memref_slice %run_scoped3A_1[%dma_wait3A_267, %dma_wait3A_268, %dma_wait3A_269] : memref<4x128x64xf32, #tpu.memory_space<vmem>> -> memref<1x128x64xf32, #tpu.memory_space<vmem>>
              %dma_wait3A_271 = tpu.memref_squeeze %dma_wait3A_270 : memref<1x128x64xf32, #tpu.memory_space<vmem>> -> memref<128x64xf32, #tpu.memory_space<vmem>>
              %dma_wait3A_272 = arith.constant 0 : i32
              %dma_wait3A_273 = tpu.memref_slice %run_scoped3A_0[%sub3A_266, %dma_wait3A_272] : memref<20x128xi32, #tpu.memory_space<vmem>> -> memref<1x128xi32, #tpu.memory_space<vmem>>
              %dma_wait3A_274 = tpu.memref_squeeze %dma_wait3A_273 : memref<1x128xi32, #tpu.memory_space<vmem>> -> memref<128xi32, #tpu.memory_space<vmem>>
              %dma_wait3A_275 = arith.constant 0 : i32
              %dma_wait3A_276 = arith.constant 0 : i32
              %dma_wait3A_277 = tpu.memref_slice %arg8[%dma_wait3A_275, %dma_wait3A_276] : memref<10240x64xf32, #tpu.memory_space<vmem_shared>> -> memref<10240x64xf32, #tpu.memory_space<vmem_shared>>
              tpu.wait_indirect_dma semaphore(%run_scoped3A_9 : memref<!tpu.dma_semaphore, #tpu.memory_space<semaphore_mem>>) src(%dma_wait3A_271 : memref<128x64xf32, #tpu.memory_space<vmem>>) dst(%dma_wait3A_277 : memref<10240x64xf32, #tpu.memory_space<vmem_shared>>)
            } else {
            }
            %add3A_250 = arith.constant 4 : i32
            %add3A_251 = arith.addi %add3A_113, %add3A_250 : i32
            %sub3A_252 = arith.constant 1 : i32
            %sub3A_253 = arith.subi %add3A_251, %sub3A_252 : i32
            %dma_start3A_254 = arith.constant 3 : i32
            %dma_start3A_255 = arith.constant 0 : i32
            %dma_start3A_256 = arith.constant 0 : i32
            %dma_start3A_257 = tpu.memref_slice %run_scoped3A_1[%dma_start3A_254, %dma_start3A_255, %dma_start3A_256] : memref<4x128x64xf32, #tpu.memory_space<vmem>> -> memref<1x128x64xf32, #tpu.memory_space<vmem>>
            %dma_start3A_258 = tpu.memref_squeeze %dma_start3A_257 : memref<1x128x64xf32, #tpu.memory_space<vmem>> -> memref<128x64xf32, #tpu.memory_space<vmem>>
            %dma_start3A_259 = arith.constant 0 : i32
            %dma_start3A_260 = tpu.memref_slice %run_scoped3A[%sub3A_253, %dma_start3A_259] : memref<20x128xi32, #tpu.memory_space<vmem>> -> memref<1x128xi32, #tpu.memory_space<vmem>>
            %dma_start3A_261 = tpu.memref_squeeze %dma_start3A_260 : memref<1x128xi32, #tpu.memory_space<vmem>> -> memref<128xi32, #tpu.memory_space<vmem>>
            %dma_start3A_262 = arith.constant 0 : i32
            %dma_start3A_263 = arith.constant 0 : i32
            %dma_start3A_264 = tpu.memref_slice %arg7[%dma_start3A_262, %dma_start3A_263] : memref<10240x64xf32, #tpu.memory_space<vmem_shared>> -> memref<10240x64xf32, #tpu.memory_space<vmem_shared>>
            tpu.enqueue_indirect_dma source(%dma_start3A_264 : memref<10240x64xf32, #tpu.memory_space<vmem_shared>>) target(%dma_start3A_258 : memref<128x64xf32, #tpu.memory_space<vmem>>) offsets(%dma_start3A_261 : memref<128xi32, #tpu.memory_space<vmem>>) semaphore(%run_scoped3A_5 : memref<!tpu.dma_semaphore, #tpu.memory_space<semaphore_mem>>)
          } else {
          }
          %mul3A_141 = arith.constant 4 : i32
          %mul3A_142 = arith.muli %mul3A_141, %scan3A_110 : i32
          %add3A_143 = arith.constant 1 : i32
          %add3A_144 = arith.addi %mul3A_142, %add3A_143 : i32
          %dma_wait3A_145 = arith.constant 1 : i32
          %dma_wait3A_146 = arith.constant 0 : i32
          %dma_wait3A_147 = arith.constant 0 : i32
          %dma_wait3A_148 = tpu.memref_slice %run_scoped3A_1[%dma_wait3A_145, %dma_wait3A_146, %dma_wait3A_147] : memref<4x128x64xf32, #tpu.memory_space<vmem>> -> memref<1x128x64xf32, #tpu.memory_space<vmem>>
          %dma_wait3A_149 = tpu.memref_squeeze %dma_wait3A_148 : memref<1x128x64xf32, #tpu.memory_space<vmem>> -> memref<128x64xf32, #tpu.memory_space<vmem>>
          %dma_wait3A_150 = arith.constant 0 : i32
          %dma_wait3A_151 = tpu.memref_slice %run_scoped3A[%add3A_144, %dma_wait3A_150] : memref<20x128xi32, #tpu.memory_space<vmem>> -> memref<1x128xi32, #tpu.memory_space<vmem>>
          %dma_wait3A_152 = tpu.memref_squeeze %dma_wait3A_151 : memref<1x128xi32, #tpu.memory_space<vmem>> -> memref<128xi32, #tpu.memory_space<vmem>>
          %dma_wait3A_153 = arith.constant 0 : i32
          %dma_wait3A_154 = arith.constant 0 : i32
          %dma_wait3A_155 = tpu.memref_slice %arg7[%dma_wait3A_153, %dma_wait3A_154] : memref<10240x64xf32, #tpu.memory_space<vmem_shared>> -> memref<10240x64xf32, #tpu.memory_space<vmem_shared>>
          tpu.wait_indirect_dma semaphore(%run_scoped3A_3 : memref<!tpu.dma_semaphore, #tpu.memory_space<semaphore_mem>>) src(%dma_wait3A_155 : memref<10240x64xf32, #tpu.memory_space<vmem_shared>>) dst(%dma_wait3A_149 : memref<128x64xf32, #tpu.memory_space<vmem>>)
          %dma_start3A_156 = arith.constant 1 : i32
          %dma_start3A_157 = arith.constant 0 : i32
          %dma_start3A_158 = arith.constant 0 : i32
          %dma_start3A_159 = tpu.memref_slice %run_scoped3A_1[%dma_start3A_156, %dma_start3A_157, %dma_start3A_158] : memref<4x128x64xf32, #tpu.memory_space<vmem>> -> memref<1x128x64xf32, #tpu.memory_space<vmem>>
          %dma_start3A_160 = tpu.memref_squeeze %dma_start3A_159 : memref<1x128x64xf32, #tpu.memory_space<vmem>> -> memref<128x64xf32, #tpu.memory_space<vmem>>
          %dma_start3A_161 = arith.constant 0 : i32
          %dma_start3A_162 = tpu.memref_slice %run_scoped3A_0[%add3A_144, %dma_start3A_161] : memref<20x128xi32, #tpu.memory_space<vmem>> -> memref<1x128xi32, #tpu.memory_space<vmem>>
          %dma_start3A_163 = tpu.memref_squeeze %dma_start3A_162 : memref<1x128xi32, #tpu.memory_space<vmem>> -> memref<128xi32, #tpu.memory_space<vmem>>
          %dma_start3A_164 = arith.constant 0 : i32
          %dma_start3A_165 = arith.constant 0 : i32
          %dma_start3A_166 = tpu.memref_slice %arg8[%dma_start3A_164, %dma_start3A_165] : memref<10240x64xf32, #tpu.memory_space<vmem_shared>> -> memref<10240x64xf32, #tpu.memory_space<vmem_shared>>
          tpu.enqueue_indirect_dma source(%dma_start3A_160 : memref<128x64xf32, #tpu.memory_space<vmem>>) target(%dma_start3A_166 : memref<10240x64xf32, #tpu.memory_space<vmem_shared>>) offsets(%dma_start3A_163 : memref<128xi32, #tpu.memory_space<vmem>>) semaphore(%run_scoped3A_7 : memref<!tpu.dma_semaphore, #tpu.memory_space<semaphore_mem>>) {add = true}
          %add3A_167 = arith.constant 4 : i32
          %add3A_168 = arith.addi %add3A_144, %add3A_167 : i32
          %sub3A_169 = arith.constant 1 : i32
          %sub3A_170 = arith.subi %add3A_168, %sub3A_169 : i32
          %lt3A_171 = arith.constant 20 : i32
          %lt3A_172 = arith.cmpi slt, %sub3A_170, %lt3A_171 : i32
          %convert_element_type3A_173 = arith.extui %lt3A_172 : i1 to i32
          %cond3A_174 = arith.constant 0 : i32
          %cond3A_175 = arith.cmpi ne, %convert_element_type3A_173, %cond3A_174 : i32
          scf.if %cond3A_175 {
            %ge3A = arith.constant 1 : i32
            %ge3A_246 = arith.cmpi sge, %add3A_144, %ge3A : i32
            %convert_element_type3A_247 = arith.extui %ge3A_246 : i1 to i32
            %cond3A_248 = arith.constant 0 : i32
            %cond3A_249 = arith.cmpi ne, %convert_element_type3A_247, %cond3A_248 : i32
            scf.if %cond3A_249 {
              %sub3A_265 = arith.constant 1 : i32
              %sub3A_266 = arith.subi %add3A_144, %sub3A_265 : i32
              %dma_wait3A_267 = arith.constant 0 : i32
              %dma_wait3A_268 = arith.constant 0 : i32
              %dma_wait3A_269 = arith.constant 0 : i32
              %dma_wait3A_270 = tpu.memref_slice %run_scoped3A_1[%dma_wait3A_267, %dma_wait3A_268, %dma_wait3A_269] : memref<4x128x64xf32, #tpu.memory_space<vmem>> -> memref<1x128x64xf32, #tpu.memory_space<vmem>>
              %dma_wait3A_271 = tpu.memref_squeeze %dma_wait3A_270 : memref<1x128x64xf32, #tpu.memory_space<vmem>> -> memref<128x64xf32, #tpu.memory_space<vmem>>
              %dma_wait3A_272 = arith.constant 0 : i32
              %dma_wait3A_273 = tpu.memref_slice %run_scoped3A_0[%sub3A_266, %dma_wait3A_272] : memref<20x128xi32, #tpu.memory_space<vmem>> -> memref<1x128xi32, #tpu.memory_space<vmem>>
              %dma_wait3A_274 = tpu.memref_squeeze %dma_wait3A_273 : memref<1x128xi32, #tpu.memory_space<vmem>> -> memref<128xi32, #tpu.memory_space<vmem>>
              %dma_wait3A_275 = arith.constant 0 : i32
              %dma_wait3A_276 = arith.constant 0 : i32
              %dma_wait3A_277 = tpu.memref_slice %arg8[%dma_wait3A_275, %dma_wait3A_276] : memref<10240x64xf32, #tpu.memory_space<vmem_shared>> -> memref<10240x64xf32, #tpu.memory_space<vmem_shared>>
              tpu.wait_indirect_dma semaphore(%run_scoped3A_6 : memref<!tpu.dma_semaphore, #tpu.memory_space<semaphore_mem>>) src(%dma_wait3A_271 : memref<128x64xf32, #tpu.memory_space<vmem>>) dst(%dma_wait3A_277 : memref<10240x64xf32, #tpu.memory_space<vmem_shared>>)
            } else {
            }
            %add3A_250 = arith.constant 4 : i32
            %add3A_251 = arith.addi %add3A_144, %add3A_250 : i32
            %sub3A_252 = arith.constant 1 : i32
            %sub3A_253 = arith.subi %add3A_251, %sub3A_252 : i32
            %dma_start3A_254 = arith.constant 0 : i32
            %dma_start3A_255 = arith.constant 0 : i32
            %dma_start3A_256 = arith.constant 0 : i32
            %dma_start3A_257 = tpu.memref_slice %run_scoped3A_1[%dma_start3A_254, %dma_start3A_255, %dma_start3A_256] : memref<4x128x64xf32, #tpu.memory_space<vmem>> -> memref<1x128x64xf32, #tpu.memory_space<vmem>>
            %dma_start3A_258 = tpu.memref_squeeze %dma_start3A_257 : memref<1x128x64xf32, #tpu.memory_space<vmem>> -> memref<128x64xf32, #tpu.memory_space<vmem>>
            %dma_start3A_259 = arith.constant 0 : i32
            %dma_start3A_260 = tpu.memref_slice %run_scoped3A[%sub3A_253, %dma_start3A_259] : memref<20x128xi32, #tpu.memory_space<vmem>> -> memref<1x128xi32, #tpu.memory_space<vmem>>
            %dma_start3A_261 = tpu.memref_squeeze %dma_start3A_260 : memref<1x128xi32, #tpu.memory_space<vmem>> -> memref<128xi32, #tpu.memory_space<vmem>>
            %dma_start3A_262 = arith.constant 0 : i32
            %dma_start3A_263 = arith.constant 0 : i32
            %dma_start3A_264 = tpu.memref_slice %arg7[%dma_start3A_262, %dma_start3A_263] : memref<10240x64xf32, #tpu.memory_space<vmem_shared>> -> memref<10240x64xf32, #tpu.memory_space<vmem_shared>>
            tpu.enqueue_indirect_dma source(%dma_start3A_264 : memref<10240x64xf32, #tpu.memory_space<vmem_shared>>) target(%dma_start3A_258 : memref<128x64xf32, #tpu.memory_space<vmem>>) offsets(%dma_start3A_261 : memref<128xi32, #tpu.memory_space<vmem>>) semaphore(%run_scoped3A_2 : memref<!tpu.dma_semaphore, #tpu.memory_space<semaphore_mem>>)
          } else {
          }
          %mul3A_176 = arith.constant 4 : i32
          %mul3A_177 = arith.muli %mul3A_176, %scan3A_110 : i32
          %add3A_178 = arith.constant 2 : i32
          %add3A_179 = arith.addi %mul3A_177, %add3A_178 : i32
          %dma_wait3A_180 = arith.constant 2 : i32
          %dma_wait3A_181 = arith.constant 0 : i32
          %dma_wait3A_182 = arith.constant 0 : i32
          %dma_wait3A_183 = tpu.memref_slice %run_scoped3A_1[%dma_wait3A_180, %dma_wait3A_181, %dma_wait3A_182] : memref<4x128x64xf32, #tpu.memory_space<vmem>> -> memref<1x128x64xf32, #tpu.memory_space<vmem>>
          %dma_wait3A_184 = tpu.memref_squeeze %dma_wait3A_183 : memref<1x128x64xf32, #tpu.memory_space<vmem>> -> memref<128x64xf32, #tpu.memory_space<vmem>>
          %dma_wait3A_185 = arith.constant 0 : i32
          %dma_wait3A_186 = tpu.memref_slice %run_scoped3A[%add3A_179, %dma_wait3A_185] : memref<20x128xi32, #tpu.memory_space<vmem>> -> memref<1x128xi32, #tpu.memory_space<vmem>>
          %dma_wait3A_187 = tpu.memref_squeeze %dma_wait3A_186 : memref<1x128xi32, #tpu.memory_space<vmem>> -> memref<128xi32, #tpu.memory_space<vmem>>
          %dma_wait3A_188 = arith.constant 0 : i32
          %dma_wait3A_189 = arith.constant 0 : i32
          %dma_wait3A_190 = tpu.memref_slice %arg7[%dma_wait3A_188, %dma_wait3A_189] : memref<10240x64xf32, #tpu.memory_space<vmem_shared>> -> memref<10240x64xf32, #tpu.memory_space<vmem_shared>>
          tpu.wait_indirect_dma semaphore(%run_scoped3A_4 : memref<!tpu.dma_semaphore, #tpu.memory_space<semaphore_mem>>) src(%dma_wait3A_190 : memref<10240x64xf32, #tpu.memory_space<vmem_shared>>) dst(%dma_wait3A_184 : memref<128x64xf32, #tpu.memory_space<vmem>>)
          %dma_start3A_191 = arith.constant 2 : i32
          %dma_start3A_192 = arith.constant 0 : i32
          %dma_start3A_193 = arith.constant 0 : i32
          %dma_start3A_194 = tpu.memref_slice %run_scoped3A_1[%dma_start3A_191, %dma_start3A_192, %dma_start3A_193] : memref<4x128x64xf32, #tpu.memory_space<vmem>> -> memref<1x128x64xf32, #tpu.memory_space<vmem>>
          %dma_start3A_195 = tpu.memref_squeeze %dma_start3A_194 : memref<1x128x64xf32, #tpu.memory_space<vmem>> -> memref<128x64xf32, #tpu.memory_space<vmem>>
          %dma_start3A_196 = arith.constant 0 : i32
          %dma_start3A_197 = tpu.memref_slice %run_scoped3A_0[%add3A_179, %dma_start3A_196] : memref<20x128xi32, #tpu.memory_space<vmem>> -> memref<1x128xi32, #tpu.memory_space<vmem>>
          %dma_start3A_198 = tpu.memref_squeeze %dma_start3A_197 : memref<1x128xi32, #tpu.memory_space<vmem>> -> memref<128xi32, #tpu.memory_space<vmem>>
          %dma_start3A_199 = arith.constant 0 : i32
          %dma_start3A_200 = arith.constant 0 : i32
          %dma_start3A_201 = tpu.memref_slice %arg8[%dma_start3A_199, %dma_start3A_200] : memref<10240x64xf32, #tpu.memory_space<vmem_shared>> -> memref<10240x64xf32, #tpu.memory_space<vmem_shared>>
          tpu.enqueue_indirect_dma source(%dma_start3A_195 : memref<128x64xf32, #tpu.memory_space<vmem>>) target(%dma_start3A_201 : memref<10240x64xf32, #tpu.memory_space<vmem_shared>>) offsets(%dma_start3A_198 : memref<128xi32, #tpu.memory_space<vmem>>) semaphore(%run_scoped3A_8 : memref<!tpu.dma_semaphore, #tpu.memory_space<semaphore_mem>>) {add = true}
          %add3A_202 = arith.constant 4 : i32
          %add3A_203 = arith.addi %add3A_179, %add3A_202 : i32
          %sub3A_204 = arith.constant 1 : i32
          %sub3A_205 = arith.subi %add3A_203, %sub3A_204 : i32
          %lt3A_206 = arith.constant 20 : i32
          %lt3A_207 = arith.cmpi slt, %sub3A_205, %lt3A_206 : i32
          %convert_element_type3A_208 = arith.extui %lt3A_207 : i1 to i32
          %cond3A_209 = arith.constant 0 : i32
          %cond3A_210 = arith.cmpi ne, %convert_element_type3A_208, %cond3A_209 : i32
          scf.if %cond3A_210 {
            %ge3A = arith.constant 1 : i32
            %ge3A_246 = arith.cmpi sge, %add3A_179, %ge3A : i32
            %convert_element_type3A_247 = arith.extui %ge3A_246 : i1 to i32
            %cond3A_248 = arith.constant 0 : i32
            %cond3A_249 = arith.cmpi ne, %convert_element_type3A_247, %cond3A_248 : i32
            scf.if %cond3A_249 {
              %sub3A_265 = arith.constant 1 : i32
              %sub3A_266 = arith.subi %add3A_179, %sub3A_265 : i32
              %dma_wait3A_267 = arith.constant 1 : i32
              %dma_wait3A_268 = arith.constant 0 : i32
              %dma_wait3A_269 = arith.constant 0 : i32
              %dma_wait3A_270 = tpu.memref_slice %run_scoped3A_1[%dma_wait3A_267, %dma_wait3A_268, %dma_wait3A_269] : memref<4x128x64xf32, #tpu.memory_space<vmem>> -> memref<1x128x64xf32, #tpu.memory_space<vmem>>
              %dma_wait3A_271 = tpu.memref_squeeze %dma_wait3A_270 : memref<1x128x64xf32, #tpu.memory_space<vmem>> -> memref<128x64xf32, #tpu.memory_space<vmem>>
              %dma_wait3A_272 = arith.constant 0 : i32
              %dma_wait3A_273 = tpu.memref_slice %run_scoped3A_0[%sub3A_266, %dma_wait3A_272] : memref<20x128xi32, #tpu.memory_space<vmem>> -> memref<1x128xi32, #tpu.memory_space<vmem>>
              %dma_wait3A_274 = tpu.memref_squeeze %dma_wait3A_273 : memref<1x128xi32, #tpu.memory_space<vmem>> -> memref<128xi32, #tpu.memory_space<vmem>>
              %dma_wait3A_275 = arith.constant 0 : i32
              %dma_wait3A_276 = arith.constant 0 : i32
              %dma_wait3A_277 = tpu.memref_slice %arg8[%dma_wait3A_275, %dma_wait3A_276] : memref<10240x64xf32, #tpu.memory_space<vmem_shared>> -> memref<10240x64xf32, #tpu.memory_space<vmem_shared>>
              tpu.wait_indirect_dma semaphore(%run_scoped3A_7 : memref<!tpu.dma_semaphore, #tpu.memory_space<semaphore_mem>>) src(%dma_wait3A_271 : memref<128x64xf32, #tpu.memory_space<vmem>>) dst(%dma_wait3A_277 : memref<10240x64xf32, #tpu.memory_space<vmem_shared>>)
            } else {
            }
            %add3A_250 = arith.constant 4 : i32
            %add3A_251 = arith.addi %add3A_179, %add3A_250 : i32
            %sub3A_252 = arith.constant 1 : i32
            %sub3A_253 = arith.subi %add3A_251, %sub3A_252 : i32
            %dma_start3A_254 = arith.constant 1 : i32
            %dma_start3A_255 = arith.constant 0 : i32
            %dma_start3A_256 = arith.constant 0 : i32
            %dma_start3A_257 = tpu.memref_slice %run_scoped3A_1[%dma_start3A_254, %dma_start3A_255, %dma_start3A_256] : memref<4x128x64xf32, #tpu.memory_space<vmem>> -> memref<1x128x64xf32, #tpu.memory_space<vmem>>
            %dma_start3A_258 = tpu.memref_squeeze %dma_start3A_257 : memref<1x128x64xf32, #tpu.memory_space<vmem>> -> memref<128x64xf32, #tpu.memory_space<vmem>>
            %dma_start3A_259 = arith.constant 0 : i32
            %dma_start3A_260 = tpu.memref_slice %run_scoped3A[%sub3A_253, %dma_start3A_259] : memref<20x128xi32, #tpu.memory_space<vmem>> -> memref<1x128xi32, #tpu.memory_space<vmem>>
            %dma_start3A_261 = tpu.memref_squeeze %dma_start3A_260 : memref<1x128xi32, #tpu.memory_space<vmem>> -> memref<128xi32, #tpu.memory_space<vmem>>
            %dma_start3A_262 = arith.constant 0 : i32
            %dma_start3A_263 = arith.constant 0 : i32
            %dma_start3A_264 = tpu.memref_slice %arg7[%dma_start3A_262, %dma_start3A_263] : memref<10240x64xf32, #tpu.memory_space<vmem_shared>> -> memref<10240x64xf32, #tpu.memory_space<vmem_shared>>
            tpu.enqueue_indirect_dma source(%dma_start3A_264 : memref<10240x64xf32, #tpu.memory_space<vmem_shared>>) target(%dma_start3A_258 : memref<128x64xf32, #tpu.memory_space<vmem>>) offsets(%dma_start3A_261 : memref<128xi32, #tpu.memory_space<vmem>>) semaphore(%run_scoped3A_3 : memref<!tpu.dma_semaphore, #tpu.memory_space<semaphore_mem>>)
          } else {
          }
          %mul3A_211 = arith.constant 4 : i32
          %mul3A_212 = arith.muli %mul3A_211, %scan3A_110 : i32
          %add3A_213 = arith.constant 3 : i32
          %add3A_214 = arith.addi %mul3A_212, %add3A_213 : i32
          %dma_wait3A_215 = arith.constant 3 : i32
          %dma_wait3A_216 = arith.constant 0 : i32
          %dma_wait3A_217 = arith.constant 0 : i32
          %dma_wait3A_218 = tpu.memref_slice %run_scoped3A_1[%dma_wait3A_215, %dma_wait3A_216, %dma_wait3A_217] : memref<4x128x64xf32, #tpu.memory_space<vmem>> -> memref<1x128x64xf32, #tpu.memory_space<vmem>>
          %dma_wait3A_219 = tpu.memref_squeeze %dma_wait3A_218 : memref<1x128x64xf32, #tpu.memory_space<vmem>> -> memref<128x64xf32, #tpu.memory_space<vmem>>
          %dma_wait3A_220 = arith.constant 0 : i32
          %dma_wait3A_221 = tpu.memref_slice %run_scoped3A[%add3A_214, %dma_wait3A_220] : memref<20x128xi32, #tpu.memory_space<vmem>> -> memref<1x128xi32, #tpu.memory_space<vmem>>
          %dma_wait3A_222 = tpu.memref_squeeze %dma_wait3A_221 : memref<1x128xi32, #tpu.memory_space<vmem>> -> memref<128xi32, #tpu.memory_space<vmem>>
          %dma_wait3A_223 = arith.constant 0 : i32
          %dma_wait3A_224 = arith.constant 0 : i32
          %dma_wait3A_225 = tpu.memref_slice %arg7[%dma_wait3A_223, %dma_wait3A_224] : memref<10240x64xf32, #tpu.memory_space<vmem_shared>> -> memref<10240x64xf32, #tpu.memory_space<vmem_shared>>
          tpu.wait_indirect_dma semaphore(%run_scoped3A_5 : memref<!tpu.dma_semaphore, #tpu.memory_space<semaphore_mem>>) src(%dma_wait3A_225 : memref<10240x64xf32, #tpu.memory_space<vmem_shared>>) dst(%dma_wait3A_219 : memref<128x64xf32, #tpu.memory_space<vmem>>)
          %dma_start3A_226 = arith.constant 3 : i32
          %dma_start3A_227 = arith.constant 0 : i32
          %dma_start3A_228 = arith.constant 0 : i32
          %dma_start3A_229 = tpu.memref_slice %run_scoped3A_1[%dma_start3A_226, %dma_start3A_227, %dma_start3A_228] : memref<4x128x64xf32, #tpu.memory_space<vmem>> -> memref<1x128x64xf32, #tpu.memory_space<vmem>>
          %dma_start3A_230 = tpu.memref_squeeze %dma_start3A_229 : memref<1x128x64xf32, #tpu.memory_space<vmem>> -> memref<128x64xf32, #tpu.memory_space<vmem>>
          %dma_start3A_231 = arith.constant 0 : i32
          %dma_start3A_232 = tpu.memref_slice %run_scoped3A_0[%add3A_214, %dma_start3A_231] : memref<20x128xi32, #tpu.memory_space<vmem>> -> memref<1x128xi32, #tpu.memory_space<vmem>>
          %dma_start3A_233 = tpu.memref_squeeze %dma_start3A_232 : memref<1x128xi32, #tpu.memory_space<vmem>> -> memref<128xi32, #tpu.memory_space<vmem>>
          %dma_start3A_234 = arith.constant 0 : i32
          %dma_start3A_235 = arith.constant 0 : i32
          %dma_start3A_236 = tpu.memref_slice %arg8[%dma_start3A_234, %dma_start3A_235] : memref<10240x64xf32, #tpu.memory_space<vmem_shared>> -> memref<10240x64xf32, #tpu.memory_space<vmem_shared>>
          tpu.enqueue_indirect_dma source(%dma_start3A_230 : memref<128x64xf32, #tpu.memory_space<vmem>>) target(%dma_start3A_236 : memref<10240x64xf32, #tpu.memory_space<vmem_shared>>) offsets(%dma_start3A_233 : memref<128xi32, #tpu.memory_space<vmem>>) semaphore(%run_scoped3A_9 : memref<!tpu.dma_semaphore, #tpu.memory_space<semaphore_mem>>) {add = true}
          %add3A_237 = arith.constant 4 : i32
          %add3A_238 = arith.addi %add3A_214, %add3A_237 : i32
          %sub3A_239 = arith.constant 1 : i32
          %sub3A_240 = arith.subi %add3A_238, %sub3A_239 : i32
          %lt3A_241 = arith.constant 20 : i32
          %lt3A_242 = arith.cmpi slt, %sub3A_240, %lt3A_241 : i32
          %convert_element_type3A_243 = arith.extui %lt3A_242 : i1 to i32
          %cond3A_244 = arith.constant 0 : i32
          %cond3A_245 = arith.cmpi ne, %convert_element_type3A_243, %cond3A_244 : i32
          scf.if %cond3A_245 {
            %ge3A = arith.constant 1 : i32
            %ge3A_246 = arith.cmpi sge, %add3A_214, %ge3A : i32
            %convert_element_type3A_247 = arith.extui %ge3A_246 : i1 to i32
            %cond3A_248 = arith.constant 0 : i32
            %cond3A_249 = arith.cmpi ne, %convert_element_type3A_247, %cond3A_248 : i32
            scf.if %cond3A_249 {
              %sub3A_265 = arith.constant 1 : i32
              %sub3A_266 = arith.subi %add3A_214, %sub3A_265 : i32
              %dma_wait3A_267 = arith.constant 2 : i32
              %dma_wait3A_268 = arith.constant 0 : i32
              %dma_wait3A_269 = arith.constant 0 : i32
              %dma_wait3A_270 = tpu.memref_slice %run_scoped3A_1[%dma_wait3A_267, %dma_wait3A_268, %dma_wait3A_269] : memref<4x128x64xf32, #tpu.memory_space<vmem>> -> memref<1x128x64xf32, #tpu.memory_space<vmem>>
              %dma_wait3A_271 = tpu.memref_squeeze %dma_wait3A_270 : memref<1x128x64xf32, #tpu.memory_space<vmem>> -> memref<128x64xf32, #tpu.memory_space<vmem>>
              %dma_wait3A_272 = arith.constant 0 : i32
              %dma_wait3A_273 = tpu.memref_slice %run_scoped3A_0[%sub3A_266, %dma_wait3A_272] : memref<20x128xi32, #tpu.memory_space<vmem>> -> memref<1x128xi32, #tpu.memory_space<vmem>>
              %dma_wait3A_274 = tpu.memref_squeeze %dma_wait3A_273 : memref<1x128xi32, #tpu.memory_space<vmem>> -> memref<128xi32, #tpu.memory_space<vmem>>
              %dma_wait3A_275 = arith.constant 0 : i32
              %dma_wait3A_276 = arith.constant 0 : i32
              %dma_wait3A_277 = tpu.memref_slice %arg8[%dma_wait3A_275, %dma_wait3A_276] : memref<10240x64xf32, #tpu.memory_space<vmem_shared>> -> memref<10240x64xf32, #tpu.memory_space<vmem_shared>>
              tpu.wait_indirect_dma semaphore(%run_scoped3A_8 : memref<!tpu.dma_semaphore, #tpu.memory_space<semaphore_mem>>) src(%dma_wait3A_271 : memref<128x64xf32, #tpu.memory_space<vmem>>) dst(%dma_wait3A_277 : memref<10240x64xf32, #tpu.memory_space<vmem_shared>>)
            } else {
            }
            %add3A_250 = arith.constant 4 : i32
            %add3A_251 = arith.addi %add3A_214, %add3A_250 : i32
            %sub3A_252 = arith.constant 1 : i32
            %sub3A_253 = arith.subi %add3A_251, %sub3A_252 : i32
            %dma_start3A_254 = arith.constant 2 : i32
            %dma_start3A_255 = arith.constant 0 : i32
            %dma_start3A_256 = arith.constant 0 : i32
            %dma_start3A_257 = tpu.memref_slice %run_scoped3A_1[%dma_start3A_254, %dma_start3A_255, %dma_start3A_256] : memref<4x128x64xf32, #tpu.memory_space<vmem>> -> memref<1x128x64xf32, #tpu.memory_space<vmem>>
            %dma_start3A_258 = tpu.memref_squeeze %dma_start3A_257 : memref<1x128x64xf32, #tpu.memory_space<vmem>> -> memref<128x64xf32, #tpu.memory_space<vmem>>
            %dma_start3A_259 = arith.constant 0 : i32
            %dma_start3A_260 = tpu.memref_slice %run_scoped3A[%sub3A_253, %dma_start3A_259] : memref<20x128xi32, #tpu.memory_space<vmem>> -> memref<1x128xi32, #tpu.memory_space<vmem>>
            %dma_start3A_261 = tpu.memref_squeeze %dma_start3A_260 : memref<1x128xi32, #tpu.memory_space<vmem>> -> memref<128xi32, #tpu.memory_space<vmem>>
            %dma_start3A_262 = arith.constant 0 : i32
            %dma_start3A_263 = arith.constant 0 : i32
            %dma_start3A_264 = tpu.memref_slice %arg7[%dma_start3A_262, %dma_start3A_263] : memref<10240x64xf32, #tpu.memory_space<vmem_shared>> -> memref<10240x64xf32, #tpu.memory_space<vmem_shared>>
            tpu.enqueue_indirect_dma source(%dma_start3A_264 : memref<10240x64xf32, #tpu.memory_space<vmem_shared>>) target(%dma_start3A_258 : memref<128x64xf32, #tpu.memory_space<vmem>>) offsets(%dma_start3A_261 : memref<128xi32, #tpu.memory_space<vmem>>) semaphore(%run_scoped3A_4 : memref<!tpu.dma_semaphore, #tpu.memory_space<semaphore_mem>>)
          } else {
          }
        }
        %scan3A_62 = arith.constant 5 : i32
        %dma_wait3A = arith.constant 0 : i32
        %dma_wait3A_63 = arith.constant 16 : i32
        %dma_wait3A_64 = arith.constant 0 : i32
        %dma_wait3A_65 = arith.constant 0 : i32
        %dma_wait3A_66 = tpu.memref_slice %run_scoped3A_1[%dma_wait3A, %dma_wait3A_64, %dma_wait3A_65] : memref<4x128x64xf32, #tpu.memory_space<vmem>> -> memref<1x128x64xf32, #tpu.memory_space<vmem>>
        %dma_wait3A_67 = tpu.memref_squeeze %dma_wait3A_66 : memref<1x128x64xf32, #tpu.memory_space<vmem>> -> memref<128x64xf32, #tpu.memory_space<vmem>>
        %dma_wait3A_68 = arith.constant 0 : i32
        %dma_wait3A_69 = tpu.memref_slice %run_scoped3A_0[%dma_wait3A_63, %dma_wait3A_68] : memref<20x128xi32, #tpu.memory_space<vmem>> -> memref<1x128xi32, #tpu.memory_space<vmem>>
        %dma_wait3A_70 = tpu.memref_squeeze %dma_wait3A_69 : memref<1x128xi32, #tpu.memory_space<vmem>> -> memref<128xi32, #tpu.memory_space<vmem>>
        %dma_wait3A_71 = arith.constant 0 : i32
        %dma_wait3A_72 = arith.constant 0 : i32
        %dma_wait3A_73 = tpu.memref_slice %arg8[%dma_wait3A_71, %dma_wait3A_72] : memref<10240x64xf32, #tpu.memory_space<vmem_shared>> -> memref<10240x64xf32, #tpu.memory_space<vmem_shared>>
        tpu.wait_indirect_dma semaphore(%run_scoped3A_6 : memref<!tpu.dma_semaphore, #tpu.memory_space<semaphore_mem>>) src(%dma_wait3A_67 : memref<128x64xf32, #tpu.memory_space<vmem>>) dst(%dma_wait3A_73 : memref<10240x64xf32, #tpu.memory_space<vmem_shared>>)
        %dma_wait3A_74 = arith.constant 1 : i32
        %dma_wait3A_75 = arith.constant 17 : i32
        %dma_wait3A_76 = arith.constant 0 : i32
        %dma_wait3A_77 = arith.constant 0 : i32
        %dma_wait3A_78 = tpu.memref_slice %run_scoped3A_1[%dma_wait3A_74, %dma_wait3A_76, %dma_wait3A_77] : memref<4x128x64xf32, #tpu.memory_space<vmem>> -> memref<1x128x64xf32, #tpu.memory_space<vmem>>
        %dma_wait3A_79 = tpu.memref_squeeze %dma_wait3A_78 : memref<1x128x64xf32, #tpu.memory_space<vmem>> -> memref<128x64xf32, #tpu.memory_space<vmem>>
        %dma_wait3A_80 = arith.constant 0 : i32
        %dma_wait3A_81 = tpu.memref_slice %run_scoped3A_0[%dma_wait3A_75, %dma_wait3A_80] : memref<20x128xi32, #tpu.memory_space<vmem>> -> memref<1x128xi32, #tpu.memory_space<vmem>>
        %dma_wait3A_82 = tpu.memref_squeeze %dma_wait3A_81 : memref<1x128xi32, #tpu.memory_space<vmem>> -> memref<128xi32, #tpu.memory_space<vmem>>
        %dma_wait3A_83 = arith.constant 0 : i32
        %dma_wait3A_84 = arith.constant 0 : i32
        %dma_wait3A_85 = tpu.memref_slice %arg8[%dma_wait3A_83, %dma_wait3A_84] : memref<10240x64xf32, #tpu.memory_space<vmem_shared>> -> memref<10240x64xf32, #tpu.memory_space<vmem_shared>>
        tpu.wait_indirect_dma semaphore(%run_scoped3A_7 : memref<!tpu.dma_semaphore, #tpu.memory_space<semaphore_mem>>) src(%dma_wait3A_79 : memref<128x64xf32, #tpu.memory_space<vmem>>) dst(%dma_wait3A_85 : memref<10240x64xf32, #tpu.memory_space<vmem_shared>>)
        %dma_wait3A_86 = arith.constant 2 : i32
        %dma_wait3A_87 = arith.constant 18 : i32
        %dma_wait3A_88 = arith.constant 0 : i32
        %dma_wait3A_89 = arith.constant 0 : i32
        %dma_wait3A_90 = tpu.memref_slice %run_scoped3A_1[%dma_wait3A_86, %dma_wait3A_88, %dma_wait3A_89] : memref<4x128x64xf32, #tpu.memory_space<vmem>> -> memref<1x128x64xf32, #tpu.memory_space<vmem>>
        %dma_wait3A_91 = tpu.memref_squeeze %dma_wait3A_90 : memref<1x128x64xf32, #tpu.memory_space<vmem>> -> memref<128x64xf32, #tpu.memory_space<vmem>>
        %dma_wait3A_92 = arith.constant 0 : i32
        %dma_wait3A_93 = tpu.memref_slice %run_scoped3A_0[%dma_wait3A_87, %dma_wait3A_92] : memref<20x128xi32, #tpu.memory_space<vmem>> -> memref<1x128xi32, #tpu.memory_space<vmem>>
        %dma_wait3A_94 = tpu.memref_squeeze %dma_wait3A_93 : memref<1x128xi32, #tpu.memory_space<vmem>> -> memref<128xi32, #tpu.memory_space<vmem>>
        %dma_wait3A_95 = arith.constant 0 : i32
        %dma_wait3A_96 = arith.constant 0 : i32
        %dma_wait3A_97 = tpu.memref_slice %arg8[%dma_wait3A_95, %dma_wait3A_96] : memref<10240x64xf32, #tpu.memory_space<vmem_shared>> -> memref<10240x64xf32, #tpu.memory_space<vmem_shared>>
        tpu.wait_indirect_dma semaphore(%run_scoped3A_8 : memref<!tpu.dma_semaphore, #tpu.memory_space<semaphore_mem>>) src(%dma_wait3A_91 : memref<128x64xf32, #tpu.memory_space<vmem>>) dst(%dma_wait3A_97 : memref<10240x64xf32, #tpu.memory_space<vmem_shared>>)
        %dma_wait3A_98 = arith.constant 3 : i32
        %dma_wait3A_99 = arith.constant 19 : i32
        %dma_wait3A_100 = arith.constant 0 : i32
        %dma_wait3A_101 = arith.constant 0 : i32
        %dma_wait3A_102 = tpu.memref_slice %run_scoped3A_1[%dma_wait3A_98, %dma_wait3A_100, %dma_wait3A_101] : memref<4x128x64xf32, #tpu.memory_space<vmem>> -> memref<1x128x64xf32, #tpu.memory_space<vmem>>
        %dma_wait3A_103 = tpu.memref_squeeze %dma_wait3A_102 : memref<1x128x64xf32, #tpu.memory_space<vmem>> -> memref<128x64xf32, #tpu.memory_space<vmem>>
        %dma_wait3A_104 = arith.constant 0 : i32
        %dma_wait3A_105 = tpu.memref_slice %run_scoped3A_0[%dma_wait3A_99, %dma_wait3A_104] : memref<20x128xi32, #tpu.memory_space<vmem>> -> memref<1x128xi32, #tpu.memory_space<vmem>>
        %dma_wait3A_106 = tpu.memref_squeeze %dma_wait3A_105 : memref<1x128xi32, #tpu.memory_space<vmem>> -> memref<128xi32, #tpu.memory_space<vmem>>
        %dma_wait3A_107 = arith.constant 0 : i32
        %dma_wait3A_108 = arith.constant 0 : i32
        %dma_wait3A_109 = tpu.memref_slice %arg8[%dma_wait3A_107, %dma_wait3A_108] : memref<10240x64xf32, #tpu.memory_space<vmem_shared>> -> memref<10240x64xf32, #tpu.memory_space<vmem_shared>>
        tpu.wait_indirect_dma semaphore(%run_scoped3A_9 : memref<!tpu.dma_semaphore, #tpu.memory_space<semaphore_mem>>) src(%dma_wait3A_103 : memref<128x64xf32, #tpu.memory_space<vmem>>) dst(%dma_wait3A_109 : memref<10240x64xf32, #tpu.memory_space<vmem_shared>>)
      }
      %scan3A_15 = arith.constant 8 : i32
      %barrier3A_16 = arith.constant 0 : index
      tpu.barrier barrier_id(%barrier3A_16)
      "tpu.region"() ({
        %run_scoped3A_17 = tpu.sem_alloc : memref<!tpu.dma_semaphore, #tpu.memory_space<semaphore_mem>>
        %dma_start3A = arith.constant 0 : i32
        %dma_start3A_18 = tpu.memref_slice %arg6[%arg0, %mul3A_10, %dma_start3A] : memref<2x10240x64xf32, #tpu.memory_space<hbm>> -> memref<1x640x64xf32, #tpu.memory_space<hbm>>
        %dma_start3A_19 = tpu.memref_squeeze %dma_start3A_18 : memref<1x640x64xf32, #tpu.memory_space<hbm>> -> memref<640x64xf32, #tpu.memory_space<hbm>>
        %dma_start3A_20 = arith.constant 0 : i32
        %dma_start3A_21 = tpu.memref_slice %arg8[%mul3A_10, %dma_start3A_20] : memref<10240x64xf32, #tpu.memory_space<vmem_shared>> -> memref<640x64xf32, #tpu.memory_space<vmem_shared>>
        tpu.enqueue_dma source(%dma_start3A_21 : memref<640x64xf32, #tpu.memory_space<vmem_shared>>) target(%dma_start3A_19 : memref<640x64xf32, #tpu.memory_space<hbm>>) target_semaphore(%run_scoped3A_17 : memref<!tpu.dma_semaphore, #tpu.memory_space<semaphore_mem>>)
        %dma_wait3A = arith.constant 0 : i32
        %dma_wait3A_22 = tpu.memref_slice %arg6[%arg0, %mul3A_10, %dma_wait3A] : memref<2x10240x64xf32, #tpu.memory_space<hbm>> -> memref<1x640x64xf32, #tpu.memory_space<hbm>>
        %dma_wait3A_23 = tpu.memref_squeeze %dma_wait3A_22 : memref<1x640x64xf32, #tpu.memory_space<hbm>> -> memref<640x64xf32, #tpu.memory_space<hbm>>
        %dma_wait3A_24 = arith.constant 0 : i32
        %dma_wait3A_25 = tpu.memref_slice %arg8[%mul3A_10, %dma_wait3A_24] : memref<10240x64xf32, #tpu.memory_space<vmem_shared>> -> memref<640x64xf32, #tpu.memory_space<vmem_shared>>
        tpu.wait_dma2 semaphore(%run_scoped3A_17 : memref<!tpu.dma_semaphore, #tpu.memory_space<semaphore_mem>>) src(%dma_wait3A_25 : memref<640x64xf32, #tpu.memory_space<vmem_shared>>) dst(%dma_wait3A_23 : memref<640x64xf32, #tpu.memory_space<hbm>>)
        tpu.yield
      }) : () -> ()
      tpu.yield
    }) : () -> ()
    return
  }
}

module attributes {stable_mosaic.version = 14 : i64} {
  func.func @_stage_a_body(%arg0: i32, %arg1: memref<512x128xf32, #tpu.memory_space<vmem>>, %arg2: memref<128x128xf32, #tpu.memory_space<vmem>>, %arg3: memref<32x512xf32, #tpu.memory_space<vmem>>, %arg4: memref<2x512x64xf32, #tpu.memory_space<vmem>>) attributes {dimension_semantics = [#tpu.dimension_semantics<arbitrary>], iteration_bounds = array<i64: 20>, scalar_prefetch = 0 : i64, scratch_operands = 0 : i64, tpu.core_type = #tpu.core_type<tc>, window_params = [{transform_indices = @transform_0, window_bounds = array<i64: 512, 128>}, {pipeline_mode = #tpu.pipeline_mode<synchronous>, transform_indices = @transform_1, window_bounds = array<i64: 128, 128>}, {transform_indices = @transform_2, window_bounds = array<i64: 32, 512>}, {transform_indices = @transform_3, window_bounds = array<i64: 2, 512, 64>}]} {
    %get3A = arith.constant 0 : index
    %get3A_0 = arith.constant 0 : index
    %get3A_1 = vector.load %arg3[%get3A, %get3A_0] : memref<32x512xf32, #tpu.memory_space<vmem>>, vector<32x512xf32>
    %reduce_sum3A = arith.constant dense<0.000000e+00> : vector<512xf32>
    %reduce_sum3A_2 = vector.multi_reduction <add>, %get3A_1, %reduce_sum3A [0] : vector<32x512xf32> to vector<512xf32>
    %add3A = arith.constant 1.000000e+00 : f32
    %add3A_3 = vector.broadcast %add3A : f32 to vector<512xf32>
    %add3A_4 = arith.addf %reduce_sum3A_2, %add3A_3 : vector<512xf32>
    %rsqrt3A = math.rsqrt %add3A_4 : vector<512xf32>
    %broadcast_in_dim3A = vector.shape_cast %rsqrt3A : vector<512xf32> to vector<512x1xf32>
    %get3A_5 = arith.constant 0 : index
    %get3A_6 = arith.constant 0 : index
    %get3A_7 = vector.load %arg1[%get3A_5, %get3A_6] : memref<512x128xf32, #tpu.memory_space<vmem>>, vector<512x128xf32>
    %get3A_8 = arith.constant 0 : index
    %get3A_9 = arith.constant 0 : index
    %get3A_10 = vector.load %arg2[%get3A_8, %get3A_9] : memref<128x128xf32, #tpu.memory_space<vmem>>, vector<128x128xf32>
    %dot_general3A = arith.constant dense<0.000000e+00> : vector<512x128xf32>
    %dot_general3A_11 = tpu.matmul %get3A_7, %get3A_10, %dot_general3A {dimension_numbers = #tpu.dot_dimension_numbers<[1], [0], [0], [1], [0, 0, 1, 1], [], []>, transpose_lhs_hint = false} : vector<512x128xf32>, vector<128x128xf32>, vector<512x128xf32> -> vector<512x128xf32>
    %mul3A = vector.broadcast %broadcast_in_dim3A : vector<512x1xf32> to vector<512x128xf32>
    %mul3A_12 = arith.mulf %mul3A, %dot_general3A_11 : vector<512x128xf32>
    %slice3A = vector.extract_strided_slice %mul3A_12 {offsets = [0, 0], sizes = [512, 64], strides = [1, 1]} : vector<512x128xf32> to vector<512x64xf32>
    %swap3A = arith.constant 0 : index
    %swap3A_13 = arith.constant 0 : index
    %swap3A_14 = arith.constant 0 : index
    %swap3A_15 = vector.load %arg4[%swap3A, %swap3A_13, %swap3A_14] : memref<2x512x64xf32, #tpu.memory_space<vmem>>, vector<1x512x64xf32>
    %swap3A_16 = vector.shape_cast %swap3A_15 : vector<1x512x64xf32> to vector<512x64xf32>
    %swap3A_17 = vector.shape_cast %slice3A : vector<512x64xf32> to vector<1x512x64xf32>
    tpu.vector_store %arg4[%swap3A, %swap3A_13, %swap3A_14], %swap3A_17 {strides = array<i32>} : memref<2x512x64xf32, #tpu.memory_space<vmem>>, vector<1x512x64xf32>,
    %slice3A_18 = vector.extract_strided_slice %mul3A_12 {offsets = [0, 64], sizes = [512, 64], strides = [1, 1]} : vector<512x128xf32> to vector<512x64xf32>
    %swap3A_19 = arith.constant 1 : index
    %swap3A_20 = arith.constant 0 : index
    %swap3A_21 = arith.constant 0 : index
    %swap3A_22 = vector.load %arg4[%swap3A_19, %swap3A_20, %swap3A_21] : memref<2x512x64xf32, #tpu.memory_space<vmem>>, vector<1x512x64xf32>
    %swap3A_23 = vector.shape_cast %swap3A_22 : vector<1x512x64xf32> to vector<512x64xf32>
    %swap3A_24 = vector.shape_cast %slice3A_18 : vector<512x64xf32> to vector<1x512x64xf32>
    tpu.vector_store %arg4[%swap3A_19, %swap3A_20, %swap3A_21], %swap3A_24 {strides = array<i32>} : memref<2x512x64xf32, #tpu.memory_space<vmem>>, vector<1x512x64xf32>,
    return
  }
  func.func @transform_0(%arg0: i32) -> (i32, i32) {
    %c0_i32 = arith.constant 0 : i32
    %c0_i32_0 = arith.constant 0 : i32
    return %arg0, %c0_i32 : i32, i32
  }
  func.func @transform_1(%arg0: i32) -> (i32, i32) {
    %c0_i32 = arith.constant 0 : i32
    %c0_i32_0 = arith.constant 0 : i32
    %c0_i32_1 = arith.constant 0 : i32
    return %c0_i32, %c0_i32_0 : i32, i32
  }
  func.func @transform_2(%arg0: i32) -> (i32, i32) {
    %c0_i32 = arith.constant 0 : i32
    %c0_i32_0 = arith.constant 0 : i32
    return %c0_i32, %arg0 : i32, i32
  }
  func.func @transform_3(%arg0: i32) -> (i32, i32, i32) {
    %c0_i32 = arith.constant 0 : i32
    %c0_i32_0 = arith.constant 0 : i32
    %c0_i32_1 = arith.constant 0 : i32
    return %c0_i32, %arg0, %c0_i32_0 : i32, i32, i32
  }
}

module attributes {stable_mosaic.version = 14 : i64} {
  func.func @_stage_b_body(%arg0: i32, %arg1: memref<2x512x64xf32, #tpu.memory_space<vmem>>, %arg2: memref<2x512x64xf32, #tpu.memory_space<vmem>>, %arg3: memref<32x512xf32, #tpu.memory_space<vmem>>, %arg4: memref<1x128xf32, #tpu.memory_space<vmem>>, %arg5: memref<128x128xf32, #tpu.memory_space<vmem>>, %arg6: memref<2x512x64xf32, #tpu.memory_space<vmem>>) attributes {dimension_semantics = [#tpu.dimension_semantics<arbitrary>], iteration_bounds = array<i64: 20>, scalar_prefetch = 0 : i64, scratch_operands = 0 : i64, tpu.core_type = #tpu.core_type<tc>, window_params = [{transform_indices = @transform_0, window_bounds = array<i64: 2, 512, 64>}, {transform_indices = @transform_1, window_bounds = array<i64: 2, 512, 64>}, {transform_indices = @transform_2, window_bounds = array<i64: 32, 512>}, {pipeline_mode = #tpu.pipeline_mode<synchronous>, transform_indices = @transform_3, window_bounds = array<i64: 1, 128>}, {pipeline_mode = #tpu.pipeline_mode<synchronous>, transform_indices = @transform_4, window_bounds = array<i64: 128, 128>}, {transform_indices = @transform_5, window_bounds = array<i64: 2, 512, 64>}]} {
    %get3A = arith.constant 0 : index
    %get3A_0 = arith.constant 0 : index
    %get3A_1 = vector.load %arg3[%get3A, %get3A_0] : memref<32x512xf32, #tpu.memory_space<vmem>>, vector<32x512xf32>
    %reduce_sum3A = arith.constant dense<0.000000e+00> : vector<512xf32>
    %reduce_sum3A_2 = vector.multi_reduction <add>, %get3A_1, %reduce_sum3A [0] : vector<32x512xf32> to vector<512xf32>
    %add3A = arith.constant 1.000000e+00 : f32
    %add3A_3 = vector.broadcast %add3A : f32 to vector<512xf32>
    %add3A_4 = arith.addf %reduce_sum3A_2, %add3A_3 : vector<512xf32>
    %rsqrt3A = math.rsqrt %add3A_4 : vector<512xf32>
    %broadcast_in_dim3A = vector.shape_cast %rsqrt3A : vector<512xf32> to vector<512x1xf32>
    %get3A_5 = arith.constant 0 : index
    %get3A_6 = arith.constant 0 : index
    %get3A_7 = arith.constant 0 : index
    %get3A_8 = vector.load %arg1[%get3A_5, %get3A_6, %get3A_7] : memref<2x512x64xf32, #tpu.memory_space<vmem>>, vector<1x512x64xf32>
    %get3A_9 = vector.shape_cast %get3A_8 : vector<1x512x64xf32> to vector<512x64xf32>
    %get3A_10 = arith.constant 1 : index
    %get3A_11 = arith.constant 0 : index
    %get3A_12 = arith.constant 0 : index
    %get3A_13 = vector.load %arg1[%get3A_10, %get3A_11, %get3A_12] : memref<2x512x64xf32, #tpu.memory_space<vmem>>, vector<1x512x64xf32>
    %get3A_14 = vector.shape_cast %get3A_13 : vector<1x512x64xf32> to vector<512x64xf32>
    %concatenate3A = tpu.concatenate %get3A_9, %get3A_14 in 1 : vector<512x64xf32>, vector<512x64xf32> -> vector<512x128xf32>
    %get3A_15 = arith.constant 0 : index
    %get3A_16 = arith.constant 0 : index
    %get3A_17 = arith.constant 0 : index
    %get3A_18 = vector.load %arg2[%get3A_15, %get3A_16, %get3A_17] : memref<2x512x64xf32, #tpu.memory_space<vmem>>, vector<1x512x64xf32>
    %get3A_19 = vector.shape_cast %get3A_18 : vector<1x512x64xf32> to vector<512x64xf32>
    %get3A_20 = arith.constant 1 : index
    %get3A_21 = arith.constant 0 : index
    %get3A_22 = arith.constant 0 : index
    %get3A_23 = vector.load %arg2[%get3A_20, %get3A_21, %get3A_22] : memref<2x512x64xf32, #tpu.memory_space<vmem>>, vector<1x512x64xf32>
    %get3A_24 = vector.shape_cast %get3A_23 : vector<1x512x64xf32> to vector<512x64xf32>
    %concatenate3A_25 = tpu.concatenate %get3A_19, %get3A_24 in 1 : vector<512x64xf32>, vector<512x64xf32> -> vector<512x128xf32>
    %add3A_26 = arith.addf %concatenate3A, %concatenate3A_25 : vector<512x128xf32>
    %mul3A = vector.broadcast %broadcast_in_dim3A : vector<512x1xf32> to vector<512x128xf32>
    %mul3A_27 = arith.mulf %mul3A, %add3A_26 : vector<512x128xf32>
    %get3A_28 = arith.constant 0 : index
    %get3A_29 = arith.constant 0 : index
    %get3A_30 = vector.load %arg4[%get3A_28, %get3A_29] : memref<1x128xf32, #tpu.memory_space<vmem>>, vector<1x128xf32>
    %add3A_31 = vector.broadcast %get3A_30 : vector<1x128xf32> to vector<512x128xf32>
    %add3A_32 = arith.addf %mul3A_27, %add3A_31 : vector<512x128xf32>
    %max3A = arith.constant 0.000000e+00 : f32
    %max3A_33 = vector.broadcast %max3A : f32 to vector<512x128xf32>
    %max3A_34 = arith.maximumf %add3A_32, %max3A_33 : vector<512x128xf32>
    %get3A_35 = arith.constant 0 : index
    %get3A_36 = arith.constant 0 : index
    %get3A_37 = vector.load %arg5[%get3A_35, %get3A_36] : memref<128x128xf32, #tpu.memory_space<vmem>>, vector<128x128xf32>
    %dot_general3A = arith.constant dense<0.000000e+00> : vector<512x128xf32>
    %dot_general3A_38 = tpu.matmul %max3A_34, %get3A_37, %dot_general3A {dimension_numbers = #tpu.dot_dimension_numbers<[1], [0], [0], [1], [0, 0, 1, 1], [], []>, transpose_lhs_hint = false} : vector<512x128xf32>, vector<128x128xf32>, vector<512x128xf32> -> vector<512x128xf32>
    %mul3A_39 = vector.broadcast %broadcast_in_dim3A : vector<512x1xf32> to vector<512x128xf32>
    %mul3A_40 = arith.mulf %mul3A_39, %dot_general3A_38 : vector<512x128xf32>
    %slice3A = vector.extract_strided_slice %mul3A_40 {offsets = [0, 0], sizes = [512, 64], strides = [1, 1]} : vector<512x128xf32> to vector<512x64xf32>
    %swap3A = arith.constant 0 : index
    %swap3A_41 = arith.constant 0 : index
    %swap3A_42 = arith.constant 0 : index
    %swap3A_43 = vector.load %arg6[%swap3A, %swap3A_41, %swap3A_42] : memref<2x512x64xf32, #tpu.memory_space<vmem>>, vector<1x512x64xf32>
    %swap3A_44 = vector.shape_cast %swap3A_43 : vector<1x512x64xf32> to vector<512x64xf32>
    %swap3A_45 = vector.shape_cast %slice3A : vector<512x64xf32> to vector<1x512x64xf32>
    tpu.vector_store %arg6[%swap3A, %swap3A_41, %swap3A_42], %swap3A_45 {strides = array<i32>} : memref<2x512x64xf32, #tpu.memory_space<vmem>>, vector<1x512x64xf32>,
    %slice3A_46 = vector.extract_strided_slice %mul3A_40 {offsets = [0, 64], sizes = [512, 64], strides = [1, 1]} : vector<512x128xf32> to vector<512x64xf32>
    %swap3A_47 = arith.constant 1 : index
    %swap3A_48 = arith.constant 0 : index
    %swap3A_49 = arith.constant 0 : index
    %swap3A_50 = vector.load %arg6[%swap3A_47, %swap3A_48, %swap3A_49] : memref<2x512x64xf32, #tpu.memory_space<vmem>>, vector<1x512x64xf32>
    %swap3A_51 = vector.shape_cast %swap3A_50 : vector<1x512x64xf32> to vector<512x64xf32>
    %swap3A_52 = vector.shape_cast %slice3A_46 : vector<512x64xf32> to vector<1x512x64xf32>
    tpu.vector_store %arg6[%swap3A_47, %swap3A_48, %swap3A_49], %swap3A_52 {strides = array<i32>} : memref<2x512x64xf32, #tpu.memory_space<vmem>>, vector<1x512x64xf32>,
    return
  }
  func.func @transform_0(%arg0: i32) -> (i32, i32, i32) {
    %c0_i32 = arith.constant 0 : i32
    %c0_i32_0 = arith.constant 0 : i32
    %c0_i32_1 = arith.constant 0 : i32
    return %c0_i32, %arg0, %c0_i32_0 : i32, i32, i32
  }
  func.func @transform_1(%arg0: i32) -> (i32, i32, i32) {
    %c0_i32 = arith.constant 0 : i32
    %c0_i32_0 = arith.constant 0 : i32
    %c0_i32_1 = arith.constant 0 : i32
    return %c0_i32, %arg0, %c0_i32_0 : i32, i32, i32
  }
  func.func @transform_2(%arg0: i32) -> (i32, i32) {
    %c0_i32 = arith.constant 0 : i32
    %c0_i32_0 = arith.constant 0 : i32
    return %c0_i32, %arg0 : i32, i32
  }
  func.func @transform_3(%arg0: i32) -> (i32, i32) {
    %c0_i32 = arith.constant 0 : i32
    %c0_i32_0 = arith.constant 0 : i32
    %c0_i32_1 = arith.constant 0 : i32
    return %c0_i32, %c0_i32_0 : i32, i32
  }
  func.func @transform_4(%arg0: i32) -> (i32, i32) {
    %c0_i32 = arith.constant 0 : i32
    %c0_i32_0 = arith.constant 0 : i32
    %c0_i32_1 = arith.constant 0 : i32
    return %c0_i32, %c0_i32_0 : i32, i32
  }
  func.func @transform_5(%arg0: i32) -> (i32, i32, i32) {
    %c0_i32 = arith.constant 0 : i32
    %c0_i32_0 = arith.constant 0 : i32
    %c0_i32_1 = arith.constant 0 : i32
    return %c0_i32, %arg0, %c0_i32_0 : i32, i32, i32
  }
}

module attributes {stable_mosaic.version = 14 : i64} {
  func.func @_stage_b_body(%arg0: i32, %arg1: memref<2x512x64xf32, #tpu.memory_space<vmem>>, %arg2: memref<2x512x64xf32, #tpu.memory_space<vmem>>, %arg3: memref<32x512xf32, #tpu.memory_space<vmem>>, %arg4: memref<1x128xf32, #tpu.memory_space<vmem>>, %arg5: memref<128x64xf32, #tpu.memory_space<vmem>>, %arg6: memref<2x512x32xf32, #tpu.memory_space<vmem>>) attributes {dimension_semantics = [#tpu.dimension_semantics<arbitrary>], iteration_bounds = array<i64: 20>, scalar_prefetch = 0 : i64, scratch_operands = 0 : i64, tpu.core_type = #tpu.core_type<tc>, window_params = [{transform_indices = @transform_0, window_bounds = array<i64: 2, 512, 64>}, {transform_indices = @transform_1, window_bounds = array<i64: 2, 512, 64>}, {transform_indices = @transform_2, window_bounds = array<i64: 32, 512>}, {pipeline_mode = #tpu.pipeline_mode<synchronous>, transform_indices = @transform_3, window_bounds = array<i64: 1, 128>}, {pipeline_mode = #tpu.pipeline_mode<synchronous>, transform_indices = @transform_4, window_bounds = array<i64: 128, 64>}, {transform_indices = @transform_5, window_bounds = array<i64: 2, 512, 32>}]} {
    %get3A = arith.constant 0 : index
    %get3A_0 = arith.constant 0 : index
    %get3A_1 = vector.load %arg3[%get3A, %get3A_0] : memref<32x512xf32, #tpu.memory_space<vmem>>, vector<32x512xf32>
    %reduce_sum3A = arith.constant dense<0.000000e+00> : vector<512xf32>
    %reduce_sum3A_2 = vector.multi_reduction <add>, %get3A_1, %reduce_sum3A [0] : vector<32x512xf32> to vector<512xf32>
    %add3A = arith.constant 1.000000e+00 : f32
    %add3A_3 = vector.broadcast %add3A : f32 to vector<512xf32>
    %add3A_4 = arith.addf %reduce_sum3A_2, %add3A_3 : vector<512xf32>
    %rsqrt3A = math.rsqrt %add3A_4 : vector<512xf32>
    %broadcast_in_dim3A = vector.shape_cast %rsqrt3A : vector<512xf32> to vector<512x1xf32>
    %get3A_5 = arith.constant 0 : index
    %get3A_6 = arith.constant 0 : index
    %get3A_7 = arith.constant 0 : index
    %get3A_8 = vector.load %arg1[%get3A_5, %get3A_6, %get3A_7] : memref<2x512x64xf32, #tpu.memory_space<vmem>>, vector<1x512x64xf32>
    %get3A_9 = vector.shape_cast %get3A_8 : vector<1x512x64xf32> to vector<512x64xf32>
    %get3A_10 = arith.constant 1 : index
    %get3A_11 = arith.constant 0 : index
    %get3A_12 = arith.constant 0 : index
    %get3A_13 = vector.load %arg1[%get3A_10, %get3A_11, %get3A_12] : memref<2x512x64xf32, #tpu.memory_space<vmem>>, vector<1x512x64xf32>
    %get3A_14 = vector.shape_cast %get3A_13 : vector<1x512x64xf32> to vector<512x64xf32>
    %concatenate3A = tpu.concatenate %get3A_9, %get3A_14 in 1 : vector<512x64xf32>, vector<512x64xf32> -> vector<512x128xf32>
    %get3A_15 = arith.constant 0 : index
    %get3A_16 = arith.constant 0 : index
    %get3A_17 = arith.constant 0 : index
    %get3A_18 = vector.load %arg2[%get3A_15, %get3A_16, %get3A_17] : memref<2x512x64xf32, #tpu.memory_space<vmem>>, vector<1x512x64xf32>
    %get3A_19 = vector.shape_cast %get3A_18 : vector<1x512x64xf32> to vector<512x64xf32>
    %get3A_20 = arith.constant 1 : index
    %get3A_21 = arith.constant 0 : index
    %get3A_22 = arith.constant 0 : index
    %get3A_23 = vector.load %arg2[%get3A_20, %get3A_21, %get3A_22] : memref<2x512x64xf32, #tpu.memory_space<vmem>>, vector<1x512x64xf32>
    %get3A_24 = vector.shape_cast %get3A_23 : vector<1x512x64xf32> to vector<512x64xf32>
    %concatenate3A_25 = tpu.concatenate %get3A_19, %get3A_24 in 1 : vector<512x64xf32>, vector<512x64xf32> -> vector<512x128xf32>
    %add3A_26 = arith.addf %concatenate3A, %concatenate3A_25 : vector<512x128xf32>
    %mul3A = vector.broadcast %broadcast_in_dim3A : vector<512x1xf32> to vector<512x128xf32>
    %mul3A_27 = arith.mulf %mul3A, %add3A_26 : vector<512x128xf32>
    %get3A_28 = arith.constant 0 : index
    %get3A_29 = arith.constant 0 : index
    %get3A_30 = vector.load %arg4[%get3A_28, %get3A_29] : memref<1x128xf32, #tpu.memory_space<vmem>>, vector<1x128xf32>
    %add3A_31 = vector.broadcast %get3A_30 : vector<1x128xf32> to vector<512x128xf32>
    %add3A_32 = arith.addf %mul3A_27, %add3A_31 : vector<512x128xf32>
    %max3A = arith.constant 0.000000e+00 : f32
    %max3A_33 = vector.broadcast %max3A : f32 to vector<512x128xf32>
    %max3A_34 = arith.maximumf %add3A_32, %max3A_33 : vector<512x128xf32>
    %get3A_35 = arith.constant 0 : index
    %get3A_36 = arith.constant 0 : index
    %get3A_37 = vector.load %arg5[%get3A_35, %get3A_36] : memref<128x64xf32, #tpu.memory_space<vmem>>, vector<128x64xf32>
    %dot_general3A = arith.constant dense<0.000000e+00> : vector<512x64xf32>
    %dot_general3A_38 = tpu.matmul %max3A_34, %get3A_37, %dot_general3A {dimension_numbers = #tpu.dot_dimension_numbers<[1], [0], [0], [1], [0, 0, 1, 1], [], []>, transpose_lhs_hint = false} : vector<512x128xf32>, vector<128x64xf32>, vector<512x64xf32> -> vector<512x64xf32>
    %mul3A_39 = vector.broadcast %broadcast_in_dim3A : vector<512x1xf32> to vector<512x64xf32>
    %mul3A_40 = arith.mulf %mul3A_39, %dot_general3A_38 : vector<512x64xf32>
    %slice3A = vector.extract_strided_slice %mul3A_40 {offsets = [0, 0], sizes = [512, 32], strides = [1, 1]} : vector<512x64xf32> to vector<512x32xf32>
    %swap3A = arith.constant 0 : index
    %swap3A_41 = arith.constant 0 : index
    %swap3A_42 = arith.constant 0 : index
    %swap3A_43 = vector.load %arg6[%swap3A, %swap3A_41, %swap3A_42] : memref<2x512x32xf32, #tpu.memory_space<vmem>>, vector<1x512x32xf32>
    %swap3A_44 = vector.shape_cast %swap3A_43 : vector<1x512x32xf32> to vector<512x32xf32>
    %swap3A_45 = vector.shape_cast %slice3A : vector<512x32xf32> to vector<1x512x32xf32>
    tpu.vector_store %arg6[%swap3A, %swap3A_41, %swap3A_42], %swap3A_45 {strides = array<i32>} : memref<2x512x32xf32, #tpu.memory_space<vmem>>, vector<1x512x32xf32>,
    %slice3A_46 = vector.extract_strided_slice %mul3A_40 {offsets = [0, 32], sizes = [512, 32], strides = [1, 1]} : vector<512x64xf32> to vector<512x32xf32>
    %swap3A_47 = arith.constant 1 : index
    %swap3A_48 = arith.constant 0 : index
    %swap3A_49 = arith.constant 0 : index
    %swap3A_50 = vector.load %arg6[%swap3A_47, %swap3A_48, %swap3A_49] : memref<2x512x32xf32, #tpu.memory_space<vmem>>, vector<1x512x32xf32>
    %swap3A_51 = vector.shape_cast %swap3A_50 : vector<1x512x32xf32> to vector<512x32xf32>
    %swap3A_52 = vector.shape_cast %slice3A_46 : vector<512x32xf32> to vector<1x512x32xf32>
    tpu.vector_store %arg6[%swap3A_47, %swap3A_48, %swap3A_49], %swap3A_52 {strides = array<i32>} : memref<2x512x32xf32, #tpu.memory_space<vmem>>, vector<1x512x32xf32>,
    return
  }
  func.func @transform_0(%arg0: i32) -> (i32, i32, i32) {
    %c0_i32 = arith.constant 0 : i32
    %c0_i32_0 = arith.constant 0 : i32
    %c0_i32_1 = arith.constant 0 : i32
    return %c0_i32, %arg0, %c0_i32_0 : i32, i32, i32
  }
  func.func @transform_1(%arg0: i32) -> (i32, i32, i32) {
    %c0_i32 = arith.constant 0 : i32
    %c0_i32_0 = arith.constant 0 : i32
    %c0_i32_1 = arith.constant 0 : i32
    return %c0_i32, %arg0, %c0_i32_0 : i32, i32, i32
  }
  func.func @transform_2(%arg0: i32) -> (i32, i32) {
    %c0_i32 = arith.constant 0 : i32
    %c0_i32_0 = arith.constant 0 : i32
    return %c0_i32, %arg0 : i32, i32
  }
  func.func @transform_3(%arg0: i32) -> (i32, i32) {
    %c0_i32 = arith.constant 0 : i32
    %c0_i32_0 = arith.constant 0 : i32
    %c0_i32_1 = arith.constant 0 : i32
    return %c0_i32, %c0_i32_0 : i32, i32
  }
  func.func @transform_4(%arg0: i32) -> (i32, i32) {
    %c0_i32 = arith.constant 0 : i32
    %c0_i32_0 = arith.constant 0 : i32
    %c0_i32_1 = arith.constant 0 : i32
    return %c0_i32, %c0_i32_0 : i32, i32
  }
  func.func @transform_5(%arg0: i32) -> (i32, i32, i32) {
    %c0_i32 = arith.constant 0 : i32
    %c0_i32_0 = arith.constant 0 : i32
    %c0_i32_1 = arith.constant 0 : i32
    return %c0_i32, %arg0, %c0_i32_0 : i32, i32, i32
  }
}

module attributes {stable_mosaic.version = 14 : i64} {
  func.func @_stage_c_body(%arg0: i32, %arg1: memref<2x512x32xf32, #tpu.memory_space<vmem>>, %arg2: memref<2x512x32xf32, #tpu.memory_space<vmem>>, %arg3: memref<32x512xf32, #tpu.memory_space<vmem>>, %arg4: memref<1x64xf32, #tpu.memory_space<vmem>>, %arg5: memref<512x64xf32, #tpu.memory_space<vmem>>) attributes {dimension_semantics = [#tpu.dimension_semantics<arbitrary>], iteration_bounds = array<i64: 20>, scalar_prefetch = 0 : i64, scratch_operands = 0 : i64, tpu.core_type = #tpu.core_type<tc>, window_params = [{transform_indices = @transform_0, window_bounds = array<i64: 2, 512, 32>}, {transform_indices = @transform_1, window_bounds = array<i64: 2, 512, 32>}, {transform_indices = @transform_2, window_bounds = array<i64: 32, 512>}, {pipeline_mode = #tpu.pipeline_mode<synchronous>, transform_indices = @transform_3, window_bounds = array<i64: 1, 64>}, {transform_indices = @transform_4, window_bounds = array<i64: 512, 64>}]} {
    %get3A = arith.constant 0 : index
    %get3A_0 = arith.constant 0 : index
    %get3A_1 = vector.load %arg3[%get3A, %get3A_0] : memref<32x512xf32, #tpu.memory_space<vmem>>, vector<32x512xf32>
    %reduce_sum3A = arith.constant dense<0.000000e+00> : vector<512xf32>
    %reduce_sum3A_2 = vector.multi_reduction <add>, %get3A_1, %reduce_sum3A [0] : vector<32x512xf32> to vector<512xf32>
    %add3A = arith.constant 1.000000e+00 : f32
    %add3A_3 = vector.broadcast %add3A : f32 to vector<512xf32>
    %add3A_4 = arith.addf %reduce_sum3A_2, %add3A_3 : vector<512xf32>
    %rsqrt3A = math.rsqrt %add3A_4 : vector<512xf32>
    %broadcast_in_dim3A = vector.shape_cast %rsqrt3A : vector<512xf32> to vector<512x1xf32>
    %get3A_5 = arith.constant 0 : index
    %get3A_6 = arith.constant 0 : index
    %get3A_7 = arith.constant 0 : index
    %get3A_8 = vector.load %arg1[%get3A_5, %get3A_6, %get3A_7] : memref<2x512x32xf32, #tpu.memory_space<vmem>>, vector<1x512x32xf32>
    %get3A_9 = vector.shape_cast %get3A_8 : vector<1x512x32xf32> to vector<512x32xf32>
    %get3A_10 = arith.constant 1 : index
    %get3A_11 = arith.constant 0 : index
    %get3A_12 = arith.constant 0 : index
    %get3A_13 = vector.load %arg1[%get3A_10, %get3A_11, %get3A_12] : memref<2x512x32xf32, #tpu.memory_space<vmem>>, vector<1x512x32xf32>
    %get3A_14 = vector.shape_cast %get3A_13 : vector<1x512x32xf32> to vector<512x32xf32>
    %concatenate3A = tpu.concatenate %get3A_9, %get3A_14 in 1 : vector<512x32xf32>, vector<512x32xf32> -> vector<512x64xf32>
    %get3A_15 = arith.constant 0 : index
    %get3A_16 = arith.constant 0 : index
    %get3A_17 = arith.constant 0 : index
    %get3A_18 = vector.load %arg2[%get3A_15, %get3A_16, %get3A_17] : memref<2x512x32xf32, #tpu.memory_space<vmem>>, vector<1x512x32xf32>
    %get3A_19 = vector.shape_cast %get3A_18 : vector<1x512x32xf32> to vector<512x32xf32>
    %get3A_20 = arith.constant 1 : index
    %get3A_21 = arith.constant 0 : index
    %get3A_22 = arith.constant 0 : index
    %get3A_23 = vector.load %arg2[%get3A_20, %get3A_21, %get3A_22] : memref<2x512x32xf32, #tpu.memory_space<vmem>>, vector<1x512x32xf32>
    %get3A_24 = vector.shape_cast %get3A_23 : vector<1x512x32xf32> to vector<512x32xf32>
    %concatenate3A_25 = tpu.concatenate %get3A_19, %get3A_24 in 1 : vector<512x32xf32>, vector<512x32xf32> -> vector<512x64xf32>
    %add3A_26 = arith.addf %concatenate3A, %concatenate3A_25 : vector<512x64xf32>
    %mul3A = vector.broadcast %broadcast_in_dim3A : vector<512x1xf32> to vector<512x64xf32>
    %mul3A_27 = arith.mulf %mul3A, %add3A_26 : vector<512x64xf32>
    %get3A_28 = arith.constant 0 : index
    %get3A_29 = arith.constant 0 : index
    %get3A_30 = vector.load %arg4[%get3A_28, %get3A_29] : memref<1x64xf32, #tpu.memory_space<vmem>>, vector<1x64xf32>
    %add3A_31 = vector.broadcast %get3A_30 : vector<1x64xf32> to vector<512x64xf32>
    %add3A_32 = arith.addf %mul3A_27, %add3A_31 : vector<512x64xf32>
    %swap3A = arith.constant 0 : index
    %swap3A_33 = arith.constant 0 : index
    %swap3A_34 = vector.load %arg5[%swap3A, %swap3A_33] : memref<512x64xf32, #tpu.memory_space<vmem>>, vector<512x64xf32>
    tpu.vector_store %arg5[%swap3A, %swap3A_33], %add3A_32 {strides = array<i32>} : memref<512x64xf32, #tpu.memory_space<vmem>>, vector<512x64xf32>,
    return
  }
  func.func @transform_0(%arg0: i32) -> (i32, i32, i32) {
    %c0_i32 = arith.constant 0 : i32
    %c0_i32_0 = arith.constant 0 : i32
    %c0_i32_1 = arith.constant 0 : i32
    return %c0_i32, %arg0, %c0_i32_0 : i32, i32, i32
  }
  func.func @transform_1(%arg0: i32) -> (i32, i32, i32) {
    %c0_i32 = arith.constant 0 : i32
    %c0_i32_0 = arith.constant 0 : i32
    %c0_i32_1 = arith.constant 0 : i32
    return %c0_i32, %arg0, %c0_i32_0 : i32, i32, i32
  }
  func.func @transform_2(%arg0: i32) -> (i32, i32) {
    %c0_i32 = arith.constant 0 : i32
    %c0_i32_0 = arith.constant 0 : i32
    return %c0_i32, %arg0 : i32, i32
  }
  func.func @transform_3(%arg0: i32) -> (i32, i32) {
    %c0_i32 = arith.constant 0 : i32
    %c0_i32_0 = arith.constant 0 : i32
    %c0_i32_1 = arith.constant 0 : i32
    return %c0_i32, %c0_i32_0 : i32, i32
  }
  func.func @transform_4(%arg0: i32) -> (i32, i32) {
    %c0_i32 = arith.constant 0 : i32
    %c0_i32_0 = arith.constant 0 : i32
    return %arg0, %c0_i32 : i32, i32
  }
}

</mosaic_0001>

<sc_bundles>
// kernel: kernel.10.cloned.1.call-start
scs
__scs_entry_jumppad:
0x0: {  	(pc) =	sbr.rel $0x88, $3  }
0x1: {  	(tag) =	ssettag $0x0;
	lr =	simm.s32 $0x1  }
0x2: {  	[smem:$0x3F99] =	sst lr;
	_ =	strace $0xD0000000  }
0x3: {  	_ = 	snop  }
0x4: {  	_ = 	snop  }
0x5: {  	_ = 	snop  }
0x6: {  	_ = 	snop  }
0x7: {  	_ = 	snop  }
__scs_overlays_trampoline_lowered:
0x8: {  	[smem:$0x3FA8] =	sst s0  }
0x9: {  	[smem:$0x3FA9] =	sst s1  }
0xa: {  	[smem:$0x3FAA] =	sst s2  }
0xb: {  	[smem:$0x3FAB] =	sst s3  }
0xc: {  	[smem:$0x3FAC] =	sst s4  }
0xd: {  	[smem:$0x3FAD] =	sst s5  }
0xe: {  	[smem:$0x3FAE] =	sst s6  }
0xf: {  	[smem:$0x3FAF] =	sst s7  }
0x10: {  	[smem:$0x3FB0] =	sst s8  }
0x11: {  	[smem:$0x3FB1] =	sst s9;
	s0 =	simm.s32 @!p0 $0x0  }
0x12: {  	s1 =	sld [smem:$0x3F97];
	s0 =	simm.s32 @p0 $0x1  }
0x13: {  	[smem:$0x3FB2] =	sst s0;
	s0 =	simm.s32 @!p1 $0x0  }
0x14: {  	s2 =	sld [smem:$0x3F96];
	s0 =	simm.s32 @p1 $0x1  }
0x15: {  	[smem:$0x3FB3] =	sst s0;
	s0 =	simm.s32 @!p2 $0x0  }
0x16: {  	s3 =	sld [smem:$0x3FDB];
	s0 =	simm.s32 @p2 $0x1  }
0x17: {  	s4 =	simm.s32 $0x1BF5;
	[smem:$0x3FB5] =	sst s0  }
0x18: {  	s0 =	sld [smem:$0x3F98];
	_ =	swait.ge [sflag:s4], $0x0  }
0x19: {  	s7 =	sld [smem:$0x3F99]  }
0x1a: {  	s8 =	sadd.s32 $0xFFFFE003, lr  }
0x1b: {  	s9 =	sadd.s32 $0xFFFFFEF7, lr;
	s5 =	simm.s32 $0xFFFFFFFF;
	p2 =	slt.u32 s8, $0xFFFFF086  }
0x1c: {  	p1 =	slt.u32 s9, $0xF7A;
	s5 =	simm.s32 @!p2 $0x0  }
0x1d: {  	s5 =	simm.s32 @p1 $0x1;
	p0 =	seq.s32 s7, s2  }
0x1e: {  	s7 =	smul.u32 @!p0 $0xF7A, s2;
	p2 =	seq.s32 @!p0 s5, $0x0  }
0x1f: {  	s9 =	smul.u32 $0xF7A, s1;
	s8 =	simm.s32 @!p0 $0x1BF5;
	p2 =	por !p2, p0  }
0x20: {  	[sflag:s8] =	ssyncset.s32 @!p0 $0xFFFFF086;
	s6 =	sadd.s32 @!p0 s3, s7;
	s7 =	simm.s32 @!p0 $0x108  }
0x21: {  	s3 =	sadd.s32 s3, s9;
	s6 =	sadd.s32 @!p0 $0x88, s6;
	s7 =	simm.s32 @p2 $0x1082  }
0x22: {  	[simem:s7], [sflag:s8] =	dma.local @!p0 [hbm:s6], $0xF7A  }
0x23: {  	s9 =	sor.u32 $0xD0000000, s2;
	s6 =	simm.s32 $0x108;
	_ =	swait.ge @!p0 [sflag:s8], $0x0  }
0x24: {  	s3 =	sadd.s32 $0x88, s3;
	s6 =	simm.s32 @!p1 $0x1082;
	[sflag:s4] =	ssyncset.s32 $0xFFFFF086  }
0x25: {  	[simem:s6], [sflag:s4] =	dma.local [hbm:s3], $0xF7A  }
0x26: {  	[smem:$0x3F99] =	sst s1;
	(tag) =	ssettag s2;
	_ =	strace s9  }
0x27: {  	s1 =	sld [smem:$0x3FA9]  }
0x28: {  	s2 =	sld [smem:$0x3FAA]  }
0x29: {  	s4 =	sld [smem:$0x3FAC]  }
0x2a: {  	p0 =	seq.s32 s5, $0x0;
	s5 =	sld [smem:$0x3FAD]  }
0x2b: {  	s6 =	sld [smem:$0x3FAE]  }
0x2c: {  	s7 =	sld [smem:$0x3FAF]  }
0x2d: {  	s3 =	simm.s32 $0x108;
	s8 =	sld [smem:$0x3FB0]  }
0x2e: {  	s3 =	simm.s32 @!p0 $0x1082;
	s9 =	sld [smem:$0x3FB1]  }
0x2f: {  	lr =	sadd.s32 s0, s3;
	s0 =	sld [smem:$0x3FA8]  }
0x30: {  	s3 =	sld [smem:$0x3FAB]  }
0x31: {  	[smem:$0x3FB4] =	sst s10  }
0x32: {  	s10 =	sld [smem:$0x3FB2];
	_ =	sdelay $0x3  }
0x33: {  	p0 =	seq.s32 s10, $0x1;
	s10 =	sld [smem:$0x3FB4];
	_ =	sdelay $0x3  }
0x34: {  	[smem:$0x3FB4] =	sst s10  }
0x35: {  	s10 =	sld [smem:$0x3FB3];
	_ =	sdelay $0x3  }
0x36: {  	p1 =	seq.s32 s10, $0x1;
	s10 =	sld [smem:$0x3FB4];
	_ =	sdelay $0x3  }
0x37: {  	[smem:$0x3FB4] =	sst s10  }
0x38: {  	s10 =	sld [smem:$0x3FB5]  }
0x39: {  	_ = 	snop;
	(pc) =	sbr.ind lr, $3  }
0x3a: {  	_ = 	snop  }
0x3b: {  	_ = 	snop  }
0x3c: {  	p2 =	seq.s32 s10, $0x1;
	s10 =	sld [smem:$0x3FB4]  }
0x3d: {  	_ =	shalt  }
0x3e: {  	_ =	shalt  }
0x3f: {  	_ =	shalt  }
0x40: {  	_ =	shalt  }
0x41: {  	_ =	shalt  }
0x42: {  	_ =	shalt  }
0x43: {  	_ =	shalt  }
0x44: {  	_ =	shalt  }
0x45: {  	_ =	shalt  }
0x46: {  	_ =	shalt  }
0x47: {  	_ =	shalt  }
0x48: {  	_ =	shalt  }
0x49: {  	_ =	shalt  }
0x4a: {  	_ =	shalt  }
0x4b: {  	_ =	shalt  }
0x4c: {  	_ =	shalt  }
0x4d: {  	_ =	shalt  }
0x4e: {  	_ =	shalt  }
0x4f: {  	_ =	shalt  }
0x50: {  	_ =	shalt  }
0x51: {  	_ =	shalt  }
0x52: {  	_ =	shalt  }
0x53: {  	_ =	shalt  }
0x54: {  	_ =	shalt  }
0x55: {  	_ =	shalt  }
0x56: {  	_ =	shalt  }
0x57: {  	_ =	shalt  }
0x58: {  	_ =	shalt  }
0x59: {  	_ =	shalt  }
0x5a: {  	_ =	shalt  }
0x5b: {  	_ =	shalt  }
0x5c: {  	_ =	shalt  }
0x5d: {  	_ =	shalt  }
0x5e: {  	_ =	shalt  }
0x5f: {  	_ =	shalt  }
0x60: {  	_ =	shalt  }
0x61: {  	_ =	shalt  }
0x62: {  	_ =	shalt  }
0x63: {  	_ =	shalt  }
0x64: {  	_ =	shalt  }
0x65: {  	_ =	shalt  }
0x66: {  	_ =	shalt  }
0x67: {  	_ =	shalt  }
0x68: {  	_ =	shalt  }
0x69: {  	_ =	shalt  }
0x6a: {  	_ =	shalt  }
0x6b: {  	_ =	shalt  }
0x6c: {  	_ =	shalt  }
0x6d: {  	_ =	shalt  }
0x6e: {  	_ =	shalt  }
0x6f: {  	_ =	shalt  }
0x70: {  	_ =	shalt  }
0x71: {  	_ =	shalt  }
0x72: {  	_ =	shalt  }
0x73: {  	_ =	shalt  }
0x74: {  	_ =	shalt  }
0x75: {  	_ =	shalt  }
0x76: {  	_ =	shalt  }
0x77: {  	_ =	shalt  }
0x78: {  	_ =	shalt  }
0x79: {  	_ =	shalt  }
0x7a: {  	_ =	shalt  }
0x7b: {  	_ =	shalt  }
0x7c: {  	_ =	shalt  }
0x7d: {  	_ =	shalt  }
0x7e: {  	_ =	shalt  }
0x7f: {  	_ =	shalt  }
0x80: {  	_ =	shalt  }
0x81: {  	_ =	shalt  }
0x82: {  	_ =	shalt  }
0x83: {  	_ =	shalt  }
0x84: {  	_ =	shalt  }
0x85: {  	_ =	shalt  }
0x86: {  	_ =	shalt  }
0x87: {  	_ =	shalt  }
.Lfunc_end0:
.L_simem_size_0:
called_computation_lowered:
.L_overlay_start_0:
0x88: {  	s2 =	sld [smem:$0x3FD9]  }
0x89: {  	s3 =	sld [smem:$0x3FFE];
	_ =	sdelay $0x1  }
0x8a: {  	s1 =	srdreg.scid  }
0x8b: {  	s0 =	sand.u32 $0x1, s1  }
0x8c: {  	s17 =	sshll.u32 s0, $0xA;
	s2 =	sadd.s32 s3, s2  }
0x8d: {  	s2 =	sadd.s32 s2, s17  }
0x8e: {  	[smem:$0x3FC0] =	sst s2  }
0x8f: {  	_ = 	snop  }
0x90: {  	s2 =	sld [smem:$0x3FD0];
	(tm) =	ssettm $0x1  }
0x91: {  	s18 =	sld [smem:$0x3FFB];
	_ =	sdelay $0x3  }
0x92: {  	_ =	strace s18  }
0x93: {  	s3 =	sld [smem:$0x3FFC];
	_ =	sdelay $0x3  }
0x94: {  	_ =	strace s3  }
0x95: {  	s3 =	sld [smem:$0x3FFD];
	_ =	sdelay $0x3  }
0x96: {  	_ =	strace s3  }
0x97: {  	_ =	strace $0x8FFFFFFF  }
0x98: {  	s19 =	sld [smem:$0x3FDB];
	_ =	sdelay $0x1  }
0x99: {  	s4 =	simm.s32 $_scs_section_size  }
0x9a: {  	s5 =	simm.s32 $_size__tile_overlayer_lowered;
	s6 =	simm.s32 $_tile_overlayer_lowered  }
0x9b: {  	s22 =	simm.s32 $0x1BFF;
	s21 =	sshll.u32 s6, $0x1;
	s3 =	sadd.s32 s4, s19  }
0x9c: {  	s7 =	simm.s32 $0x0;
	s20 =	sshll.u32 s5, $0x1;
	s5 =	sadd.s32 s21, s3  }
0x9d: {  	[timem:s7], [sflag:s22] =	dma.local [hbm:s5], s20  }
0x9e: {  	_ =	swait.ge [sflag:s22], s20  }
0x9f: {  	s4 =	ssub.s32 $0x0, s20;
	[sflag:s22] =	ssyncset.done $0x0  }
0xa0: {  	[sflag:s22] =	ssyncadd.s32 s4;
	_ =	sdelay $0x1  }
0xa1: {  	s23 =	simm.s32 $0x1B8B  }
0xa2: {  	_ =	swait.ge [sflag:s23], $0x1  }
0xa3: {  	[sflag:s23] =	ssyncset.done $0x0  }
0xa4: {  	s25 =	simm.s32 $0x1B8E;
	s24 =	sld [smem:$0x3FFE];
	[sflag:s23] =	ssyncadd.s32 $0xFFFFFFFF  }
0xa5: {  	s26 =	simm.s32 $execute0_lowered;
	[smem:$0x3FD2] =	sst s25  }
0xa6: {  	s5 =	sshll.u32 s26, $0x1;
	_ =	strace $0x80000046;
	[dreg:$0x1] =	wrdreg $0xFFFFFFFF  }
0xa7: {  	s28 =	simm.s32 $_size_execute0_lowered;
	s3 =	sadd.s32 s3, s5;
	[dreg:$0x0] =	wrdreg $0x0  }
0xa8: {  	s5 =	sshll.u32 s28, $0x1;
	[dreg:$0x2] =	wrdreg s3  }
0xa9: {  	[dreg:$0x3] =	wrdreg s5  }
0xaa: {  	[dreg:$0x4] =	wrdreg $0xC0  }
0xab: {  	_ =	task [dreg:s7], $0x5FFFF  }
0xac: {  	[dreg:$0x1] =	wrdreg $0xFFFFFFFF  }
0xad: {  	[dreg:$0x0] =	wrdreg $0x60  }
0xae: {  	[dreg:$0x2] =	wrdreg s2  }
0xaf: {  	[dreg:$0x3] =	wrdreg s24  }
0xb0: {  	[dreg:$0x4] =	wrdreg $0x9  }
0xb1: {  	_ =	task.clear_ibuf [dreg:s7], $0x5FFFF;
	_ =	strace $0x90000046  }
0xb2: {  	s29 =	simm.s32 $0x9;
	_ =	strace $0x80000048  }
0xb3: {  	_ =	swait.ge [sflag:s29], $0x1  }
0xb4: {  	[sflag:s29] =	ssyncadd.s32 $0xFFFFFFFF  }
0xb5: {  	_ =	strace $0x90000048  }
0xb6: {  	_ =	sfence  }
0xb7: {  	s30 =	sld [smem:$0x0];
	_ =	sdelay $0x2  }
0xb8: {  	s31 =	sshll.u32 s1, $0xD;
	s1 =	sshrl.u32 s1, $0x2  }
0xb9: {  	s3 =	sand.u32 $0x4000, s31;
	s1 =	sadd.s32 s1, s30  }
0xba: {  	s0 =	sor.u32 s3, s0;
	s1 =	sshll.u32 s1, $0x11  }
0xbb: {  	s0 =	sor.u32 s1, s0  }
0xbc: {  	s0 =	sadd.s32 $0x8F2B, s0  }
0xbd: {  	[sflag:s0] =	ssyncadd.remote.s32 $0x1  }
0xbe: {  	_ =	sfence.sel $0xFFFF  }
0xbf: {  	[dreg:$0x0] =	wrdreg $0xFFFFFFFF;
	(pc) =	sbr.abs _section_cstart, $3  }
0xc0: {  	[dreg:$0x1] =	wrdreg $0xFFFFFFFF  }
0xc1: {  	_ =	task.clear_ibuf [dreg:s7], $0x2FFFF;
	_ =	strace $0x9FFFFFFF  }
0xc2: {  	(tm) =	ssettm $0x7FFFFFFF  }
0xc3: {  	_ =	shalt  }
tec
execute0_lowered:
.L_overlay_start_1:
0x0: {  	(tag) =	ssettag $0x1  }
0x1: {  	s0 =	srdreg.scid;
	s3 =	rddreg [dreg:$0x0]  }
0x2: {  	s5 =	rddreg [dreg:$0x1];
	s4 =	sand.u32 $0x1, s0  }
0x3: {  	s1 =	stileid.u32;
	s8 =	simm.s32 $0x0;
	s2 =	sshll.u32 s4, $0x4  }
0x4: {  	s4 =	ssub.s32 $0x2, s4;
	s6 =	sor.u32 s1, s2;
	s2 =	simm.s32 $0x0  }
0x5: {  	s7 =	sshrl.u32 s4, $0x1;
	s6 =	smul.u32 $0x500, s6;
	[smem:$0x7FF] =	sst s2  }
0x6: {  	s0 =	rddreg [dreg:$0x2];
	s7 =	ssub.s32 s4, s7;
	_ =	strace $0x80000047  }
0x7: {  	s5 =	sadd.s32 s6, s5;
	s3 =	sadd.s32 s3, s6;
	s6 =	simm.s32 $0x1  }
0x8: {  	v0 =	vimm.f32 $0.0e+00;
	v1 =	vimm.f32 $1.000000000e+00;
	s4 =	sadd.s32 $0x2600, s5;
	s5 =	smax.u32 s7, $0x1;
	s7 =	simm.s32 $0x2800  }
.LBB2_1:
0x9: {  	[tilespmem:s2], [sflag:$0x1] =	stream.linear.gather [hbm4b:s3+s2], $0x2800, $0x38;
	[tilespmem:$0x5000] =	vst v63  }
0xa: {  	_ =	swait.ge [sflag:s6], $0x2800  }
0xb: {  	[sflag:s6] =	ssyncset.done $0x0  }
0xc: {  	s9 =	simm.s32 $0x0;
	[sflag:s6] =	ssyncadd.s32 $0xFFFFD800  }
.LBB2_2:
0xd: {  	p0 =	sne.s32 s9, $0x9FC0  }
.Ltmp0:
0xe: {  	_ = 	snop;
	(pc) =	sbr.rel @p0 .LBB2_2-.Ltmp0, $3  }
0xf: {  	_ =	sdelay $0x1  }
0x10: {  	s10 =	sshra.s32 s9, $0x2  }
0x11: {  	s9 =	sadd.s32 $0x40, s9;
	[tilespmem:s10+$0x2800] =	vst v0  }
0x12: {  	s10 =	simm.s32 $0x0;
	s9 =	simm.s32 $0x40  }
.LBB2_4:
0x13: {  	p0 =	sne.s32 s9, $0x9FC0;
	v2 =	vld [tilespmem:s10+$0x0];
	_ =	sdelay $0x3  }
.Ltmp1:
0x14: {  	(pc) =	sbr.rel @p0 .LBB2_4-.Ltmp1, $2  }
0x15: {  	_ =	sdelay $0x2  }
0x16: {  	s10 =	sshra.s32 s9, $0x2;
	s9 =	sadd.s32 $0x40, s9;
	[tilespmem:v2+s7+$0x0] =	vst.idx.add.f32.msk $0xffff, v1  }
0x17: {  	v2 =	vld [tilespmem:s10+$0x0];
	_ =	sdelay $0x5  }
0x18: {  	s8 =	sadd.s32 $0x1, s8  }
0x19: {  	p0 =	sne.s32 s8, s5  }
.Ltmp2:
0x1a: {  	[tilespmem:v2+s7+$0x0] =	vst.idx.add.f32.msk $0xffff, v1;
	(pc) =	sbr.rel @p0 .LBB2_1-.Ltmp2, $4  }
0x1b: {  	[hbm4b:s4+s2] =	stream.linear.scatter [tilespmem:s7], [sflag:$0x1], $0x2800, $0x38;
	[tilespmem:$0x5000] =	vst v63  }
0x1c: {  	_ =	swait.ge [sflag:s6], $0x2800  }
0x1d: {  	[sflag:s6] =	ssyncset.done $0x0  }
0x1e: {  	[sflag:s6] =	ssyncadd.s32 $0xFFFFD800  }
0x1f: {  	_ =	sfence.sel $0x180000  }
0x20: {  	[bflag:$0x0] =	sbarrier.arrive $0xFFFF  }
0x21: {  	p0 =	sne.s32 s1, $0x0;
	_ =	strace $0x90000047  }
0x22: {  	s0 =	sadd.s32 @!p0 $0x100000, s0;
	[bflag:$0x2] =	sbarrier.arrive $0xFFFF  }
0x23: {  	[sflag:s0] =	ssyncadd.tile.s32 @!p0 $0x1;
	_ =	shalt  }
.Lfunc_end2:
_tile_overlayer_lowered:
.L_overlay_start_2:
0x24: {  	(tag) =	ssettag $0x2  }
0x25: {  	s0 =	rddreg [dreg:$0x0];
	s2 =	stileid.u32  }
0x26: {  	s1 =	rddreg [dreg:$0x1];
	p0 =	sne.s32 s2, $0x0  }
0x27: {  	s3 =	rddreg [dreg:$0x2];
	[bflag:$0x3] =	sbarrier.arrive $0xFFFF;
	s2 =	simm.s32 @!p0 $0x1C01  }
0x28: {  	[timem:s3], [sflag:s2] =	dma.local @!p0 [hbm:s0], s1  }
0x29: {  	s0 =	simm.s32 @!p0 $0x1  }
0x2a: {  	_ =	swait.ge @!p0 [sflag:s0], s1  }
0x2b: {  	s1 =	ssub.s32 @!p0 $0x0, s1;
	[sflag:s0] =	ssyncset.done @!p0 $0x0  }
0x2c: {  	[sflag:s0] =	ssyncadd.s32 @!p0 s1  }
0x2d: {  	[bflag:$0x3] =	sbarrier.arrive $0xFFFF  }
0x2e: {  	_ =	shalt  }

// kernel: kernel.13.cloned.1.call-start
scs
__scs_entry_jumppad:
0x0: {  	(pc) =	sbr.rel $0x88, $3  }
0x1: {  	(tag) =	ssettag $0x0;
	lr =	simm.s32 $0x1  }
0x2: {  	[smem:$0x3F99] =	sst lr;
	_ =	strace $0xD0000000  }
0x3: {  	_ = 	snop  }
0x4: {  	_ = 	snop  }
0x5: {  	_ = 	snop  }
0x6: {  	_ = 	snop  }
0x7: {  	_ = 	snop  }
__scs_overlays_trampoline_lowered:
0x8: {  	[smem:$0x3FA8] =	sst s0  }
0x9: {  	[smem:$0x3FA9] =	sst s1  }
0xa: {  	[smem:$0x3FAA] =	sst s2  }
0xb: {  	[smem:$0x3FAB] =	sst s3  }
0xc: {  	[smem:$0x3FAC] =	sst s4  }
0xd: {  	[smem:$0x3FAD] =	sst s5  }
0xe: {  	[smem:$0x3FAE] =	sst s6  }
0xf: {  	[smem:$0x3FAF] =	sst s7  }
0x10: {  	[smem:$0x3FB0] =	sst s8  }
0x11: {  	[smem:$0x3FB1] =	sst s9;
	s0 =	simm.s32 @!p0 $0x0  }
0x12: {  	s1 =	sld [smem:$0x3F97];
	s0 =	simm.s32 @p0 $0x1  }
0x13: {  	[smem:$0x3FB2] =	sst s0;
	s0 =	simm.s32 @!p1 $0x0  }
0x14: {  	s2 =	sld [smem:$0x3F96];
	s0 =	simm.s32 @p1 $0x1  }
0x15: {  	[smem:$0x3FB3] =	sst s0;
	s0 =	simm.s32 @!p2 $0x0  }
0x16: {  	s3 =	sld [smem:$0x3FDB];
	s0 =	simm.s32 @p2 $0x1  }
0x17: {  	s4 =	simm.s32 $0x1BF5;
	[smem:$0x3FB5] =	sst s0  }
0x18: {  	s0 =	sld [smem:$0x3F98];
	_ =	swait.ge [sflag:s4], $0x0  }
0x19: {  	s7 =	sld [smem:$0x3F99]  }
0x1a: {  	s8 =	sadd.s32 $0xFFFFE003, lr  }
0x1b: {  	s9 =	sadd.s32 $0xFFFFFEF7, lr;
	s5 =	simm.s32 $0xFFFFFFFF;
	p2 =	slt.u32 s8, $0xFFFFF086  }
0x1c: {  	p1 =	slt.u32 s9, $0xF7A;
	s5 =	simm.s32 @!p2 $0x0  }
0x1d: {  	s5 =	simm.s32 @p1 $0x1;
	p0 =	seq.s32 s7, s2  }
0x1e: {  	s7 =	smul.u32 @!p0 $0xF7A, s2;
	p2 =	seq.s32 @!p0 s5, $0x0  }
0x1f: {  	s9 =	smul.u32 $0xF7A, s1;
	s8 =	simm.s32 @!p0 $0x1BF5;
	p2 =	por !p2, p0  }
0x20: {  	[sflag:s8] =	ssyncset.s32 @!p0 $0xFFFFF086;
	s6 =	sadd.s32 @!p0 s3, s7;
	s7 =	simm.s32 @!p0 $0x108  }
0x21: {  	s3 =	sadd.s32 s3, s9;
	s6 =	sadd.s32 @!p0 $0x88, s6;
	s7 =	simm.s32 @p2 $0x1082  }
0x22: {  	[simem:s7], [sflag:s8] =	dma.local @!p0 [hbm:s6], $0xF7A  }
0x23: {  	s9 =	sor.u32 $0xD0000000, s2;
	s6 =	simm.s32 $0x108;
	_ =	swait.ge @!p0 [sflag:s8], $0x0  }
0x24: {  	s3 =	sadd.s32 $0x88, s3;
	s6 =	simm.s32 @!p1 $0x1082;
	[sflag:s4] =	ssyncset.s32 $0xFFFFF086  }
0x25: {  	[simem:s6], [sflag:s4] =	dma.local [hbm:s3], $0xF7A  }
0x26: {  	[smem:$0x3F99] =	sst s1;
	(tag) =	ssettag s2;
	_ =	strace s9  }
0x27: {  	s1 =	sld [smem:$0x3FA9]  }
0x28: {  	s2 =	sld [smem:$0x3FAA]  }
0x29: {  	s4 =	sld [smem:$0x3FAC]  }
0x2a: {  	p0 =	seq.s32 s5, $0x0;
	s5 =	sld [smem:$0x3FAD]  }
0x2b: {  	s6 =	sld [smem:$0x3FAE]  }
0x2c: {  	s7 =	sld [smem:$0x3FAF]  }
0x2d: {  	s3 =	simm.s32 $0x108;
	s8 =	sld [smem:$0x3FB0]  }
0x2e: {  	s3 =	simm.s32 @!p0 $0x1082;
	s9 =	sld [smem:$0x3FB1]  }
0x2f: {  	lr =	sadd.s32 s0, s3;
	s0 =	sld [smem:$0x3FA8]  }
0x30: {  	s3 =	sld [smem:$0x3FAB]  }
0x31: {  	[smem:$0x3FB4] =	sst s10  }
0x32: {  	s10 =	sld [smem:$0x3FB2];
	_ =	sdelay $0x3  }
0x33: {  	p0 =	seq.s32 s10, $0x1;
	s10 =	sld [smem:$0x3FB4];
	_ =	sdelay $0x3  }
0x34: {  	[smem:$0x3FB4] =	sst s10  }
0x35: {  	s10 =	sld [smem:$0x3FB3];
	_ =	sdelay $0x3  }
0x36: {  	p1 =	seq.s32 s10, $0x1;
	s10 =	sld [smem:$0x3FB4];
	_ =	sdelay $0x3  }
0x37: {  	[smem:$0x3FB4] =	sst s10  }
0x38: {  	s10 =	sld [smem:$0x3FB5]  }
0x39: {  	_ = 	snop;
	(pc) =	sbr.ind lr, $3  }
0x3a: {  	_ = 	snop  }
0x3b: {  	_ = 	snop  }
0x3c: {  	p2 =	seq.s32 s10, $0x1;
	s10 =	sld [smem:$0x3FB4]  }
0x3d: {  	_ =	shalt  }
0x3e: {  	_ =	shalt  }
0x3f: {  	_ =	shalt  }
0x40: {  	_ =	shalt  }
0x41: {  	_ =	shalt  }
0x42: {  	_ =	shalt  }
0x43: {  	_ =	shalt  }
0x44: {  	_ =	shalt  }
0x45: {  	_ =	shalt  }
0x46: {  	_ =	shalt  }
0x47: {  	_ =	shalt  }
0x48: {  	_ =	shalt  }
0x49: {  	_ =	shalt  }
0x4a: {  	_ =	shalt  }
0x4b: {  	_ =	shalt  }
0x4c: {  	_ =	shalt  }
0x4d: {  	_ =	shalt  }
0x4e: {  	_ =	shalt  }
0x4f: {  	_ =	shalt  }
0x50: {  	_ =	shalt  }
0x51: {  	_ =	shalt  }
0x52: {  	_ =	shalt  }
0x53: {  	_ =	shalt  }
0x54: {  	_ =	shalt  }
0x55: {  	_ =	shalt  }
0x56: {  	_ =	shalt  }
0x57: {  	_ =	shalt  }
0x58: {  	_ =	shalt  }
0x59: {  	_ =	shalt  }
0x5a: {  	_ =	shalt  }
0x5b: {  	_ =	shalt  }
0x5c: {  	_ =	shalt  }
0x5d: {  	_ =	shalt  }
0x5e: {  	_ =	shalt  }
0x5f: {  	_ =	shalt  }
0x60: {  	_ =	shalt  }
0x61: {  	_ =	shalt  }
0x62: {  	_ =	shalt  }
0x63: {  	_ =	shalt  }
0x64: {  	_ =	shalt  }
0x65: {  	_ =	shalt  }
0x66: {  	_ =	shalt  }
0x67: {  	_ =	shalt  }
0x68: {  	_ =	shalt  }
0x69: {  	_ =	shalt  }
0x6a: {  	_ =	shalt  }
0x6b: {  	_ =	shalt  }
0x6c: {  	_ =	shalt  }
0x6d: {  	_ =	shalt  }
0x6e: {  	_ =	shalt  }
0x6f: {  	_ =	shalt  }
0x70: {  	_ =	shalt  }
0x71: {  	_ =	shalt  }
0x72: {  	_ =	shalt  }
0x73: {  	_ =	shalt  }
0x74: {  	_ =	shalt  }
0x75: {  	_ =	shalt  }
0x76: {  	_ =	shalt  }
0x77: {  	_ =	shalt  }
0x78: {  	_ =	shalt  }
0x79: {  	_ =	shalt  }
0x7a: {  	_ =	shalt  }
0x7b: {  	_ =	shalt  }
0x7c: {  	_ =	shalt  }
0x7d: {  	_ =	shalt  }
0x7e: {  	_ =	shalt  }
0x7f: {  	_ =	shalt  }
0x80: {  	_ =	shalt  }
0x81: {  	_ =	shalt  }
0x82: {  	_ =	shalt  }
0x83: {  	_ =	shalt  }
0x84: {  	_ =	shalt  }
0x85: {  	_ =	shalt  }
0x86: {  	_ =	shalt  }
0x87: {  	_ =	shalt  }
.Lfunc_end0:
.L_simem_size_0:
called_computation.1_lowered:
.L_overlay_start_0:
0x88: {  	s2 =	sld [smem:$0x3FD9]  }
0x89: {  	s3 =	sld [smem:$0x3FFE];
	_ =	sdelay $0x1  }
0x8a: {  	s1 =	srdreg.scid  }
0x8b: {  	s0 =	sand.u32 $0x1, s1  }
0x8c: {  	s17 =	sshll.u32 s0, $0xA;
	s2 =	sadd.s32 s3, s2  }
0x8d: {  	s2 =	sadd.s32 s2, s17  }
0x8e: {  	[smem:$0x3FC0] =	sst s2  }
0x8f: {  	_ = 	snop  }
0x90: {  	s2 =	sld [smem:$0x3FD0];
	(tm) =	ssettm $0x1  }
0x91: {  	s18 =	sld [smem:$0x3FFB];
	_ =	sdelay $0x3  }
0x92: {  	_ =	strace s18  }
0x93: {  	s3 =	sld [smem:$0x3FFC];
	_ =	sdelay $0x3  }
0x94: {  	_ =	strace s3  }
0x95: {  	s3 =	sld [smem:$0x3FFD];
	_ =	sdelay $0x3  }
0x96: {  	_ =	strace s3  }
0x97: {  	_ =	strace $0x8FFFFFFF  }
0x98: {  	s19 =	sld [smem:$0x3FDB];
	_ =	sdelay $0x1  }
0x99: {  	s4 =	simm.s32 $_scs_section_size  }
0x9a: {  	s5 =	simm.s32 $_size__tile_overlayer_lowered;
	s6 =	simm.s32 $_tile_overlayer_lowered  }
0x9b: {  	s22 =	simm.s32 $0x1BFF;
	s21 =	sshll.u32 s6, $0x1;
	s3 =	sadd.s32 s4, s19  }
0x9c: {  	s7 =	simm.s32 $0x0;
	s20 =	sshll.u32 s5, $0x1;
	s5 =	sadd.s32 s21, s3  }
0x9d: {  	[timem:s7], [sflag:s22] =	dma.local [hbm:s5], s20  }
0x9e: {  	_ =	swait.ge [sflag:s22], s20  }
0x9f: {  	s4 =	ssub.s32 $0x0, s20;
	[sflag:s22] =	ssyncset.done $0x0  }
0xa0: {  	[sflag:s22] =	ssyncadd.s32 s4;
	_ =	sdelay $0x1  }
0xa1: {  	s23 =	simm.s32 $0x1B8B  }
0xa2: {  	_ =	swait.ge [sflag:s23], $0x1  }
0xa3: {  	[sflag:s23] =	ssyncset.done $0x0  }
0xa4: {  	s25 =	simm.s32 $0x1B8E;
	s24 =	sld [smem:$0x3FFE];
	[sflag:s23] =	ssyncadd.s32 $0xFFFFFFFF  }
0xa5: {  	s26 =	simm.s32 $execute0_lowered;
	[smem:$0x3FD2] =	sst s25  }
0xa6: {  	s5 =	sshll.u32 s26, $0x1;
	_ =	strace $0x80000049;
	[dreg:$0x1] =	wrdreg $0xFFFFFFFF  }
0xa7: {  	s28 =	simm.s32 $_size_execute0_lowered;
	s3 =	sadd.s32 s3, s5;
	[dreg:$0x0] =	wrdreg $0x0  }
0xa8: {  	s5 =	sshll.u32 s28, $0x1;
	[dreg:$0x2] =	wrdreg s3  }
0xa9: {  	[dreg:$0x3] =	wrdreg s5  }
0xaa: {  	[dreg:$0x4] =	wrdreg $0xC0  }
0xab: {  	_ =	task [dreg:s7], $0x5FFFF  }
0xac: {  	[dreg:$0x1] =	wrdreg $0xFFFFFFFF  }
0xad: {  	[dreg:$0x0] =	wrdreg $0x60  }
0xae: {  	[dreg:$0x2] =	wrdreg s24  }
0xaf: {  	[dreg:$0x3] =	wrdreg s2  }
0xb0: {  	[dreg:$0x4] =	wrdreg $0xA0000  }
0xb1: {  	[dreg:$0x5] =	wrdreg $0x0  }
0xb2: {  	[dreg:$0x6] =	wrdreg $0x9  }
0xb3: {  	_ =	task.clear_ibuf [dreg:s7], $0x7FFFF;
	_ =	strace $0x90000049  }
0xb4: {  	s29 =	simm.s32 $0x9;
	_ =	strace $0x8000004B  }
0xb5: {  	_ =	swait.ge [sflag:s29], $0x1  }
0xb6: {  	[sflag:s29] =	ssyncadd.s32 $0xFFFFFFFF  }
0xb7: {  	_ =	strace $0x9000004B  }
0xb8: {  	_ =	sfence  }
0xb9: {  	s30 =	sld [smem:$0x0];
	_ =	sdelay $0x2  }
0xba: {  	s31 =	sshll.u32 s1, $0xD;
	s1 =	sshrl.u32 s1, $0x2  }
0xbb: {  	s3 =	sand.u32 $0x4000, s31;
	s1 =	sadd.s32 s1, s30  }
0xbc: {  	s0 =	sor.u32 s3, s0;
	s1 =	sshll.u32 s1, $0x11  }
0xbd: {  	s0 =	sor.u32 s1, s0  }
0xbe: {  	s0 =	sadd.s32 $0x8F2B, s0  }
0xbf: {  	[sflag:s0] =	ssyncadd.remote.s32 $0x1  }
0xc0: {  	_ =	sfence.sel $0xFFFF  }
0xc1: {  	[dreg:$0x0] =	wrdreg $0xFFFFFFFF;
	(pc) =	sbr.abs _section_cstart, $3  }
0xc2: {  	[dreg:$0x1] =	wrdreg $0xFFFFFFFF  }
0xc3: {  	_ =	task.clear_ibuf [dreg:s7], $0x2FFFF;
	_ =	strace $0x9FFFFFFF  }
0xc4: {  	(tm) =	ssettm $0x7FFFFFFF  }
0xc5: {  	_ =	shalt  }
tec
execute0_lowered:
.L_overlay_start_1:
0x0: {  	(tag) =	ssettag $0x1  }
0x1: {  	s0 =	rddreg [dreg:$0x0]  }
0x2: {  	s1 =	rddreg [dreg:$0x1]  }
0x3: {  	s2 =	rddreg [dreg:$0x2]  }
0x4: {  	s3 =	rddreg [dreg:$0x3];
	s4 =	simm.s32 $0x0  }
0x5: {  	s25 =	simm.s32 $0x14080;
	[smem:$0x7FF] =	sst s4  }
0x6: {  	s10 =	simm.s32 $0x14100;
	_ =	strace $0x8000004A;
	[dreg:$0x7] =	wrdreg s25  }
0x7: {  	s11 =	simm.s32 $0x14180;
	[dreg:$0x8] =	wrdreg s10  }
0x8: {  	s12 =	simm.s32 $0x14A80;
	[dreg:$0x9] =	wrdreg s11  }
0x9: {  	s9 =	stileid.u32;
	s13 =	simm.s32 $0x14200;
	[dreg:$0xa] =	wrdreg s12  }
0xa: {  	s23 =	srdreg.scid;
	s14 =	simm.s32 $0x14B00;
	[dreg:$0xb] =	wrdreg s13  }
0xb: {  	s15 =	simm.s32 $0x14280;
	s17 =	simm.s32 $0x14B80;
	[dreg:$0xc] =	wrdreg s14  }
0xc: {  	s18 =	simm.s32 $0x14300;
	s20 =	simm.s32 $0x14C00;
	[dreg:$0xd] =	wrdreg s15  }
0xd: {  	s21 =	simm.s32 $0x14380;
	s28 =	simm.s32 $0x8;
	[dreg:$0xe] =	wrdreg s17  }
0xe: {  	s29 =	simm.s32 $0x14880;
	s30 =	simm.s32 $0x15180;
	[dreg:$0xf] =	wrdreg s18  }
0xf: {  	s31 =	simm.s32 $0x14900;
	s5 =	smul.u32 $0xA00, s9;
	[dreg:$0x10] =	wrdreg s20  }
0x10: {  	s6 =	smul.u32 $0xA000, s9;
	s22 =	sshll.u32 s9, $0x6;
	[dreg:$0x11] =	wrdreg s21  }
0x11: {  	s9 =	sor.u32 $0x1C09, s22;
	s25 =	simm.s32 $0x14D00;
	s10 =	simm.s32 $0x14D80  }
0x12: {  	s12 =	simm.s32 $0x14500;
	s13 =	simm.s32 $0x14E00;
	[dreg:$0x14] =	wrdreg s25  }
0x13: {  	s14 =	simm.s32 $0x14580;
	s17 =	simm.s32 $0x14600;
	[dreg:$0x16] =	wrdreg s10  }
0x14: {  	s18 =	simm.s32 $0x14F00;
	s20 =	simm.s32 $0x14F80;
	[dreg:$0x17] =	wrdreg s12  }
0x15: {  	s21 =	simm.s32 $0x14700;
	s22 =	simm.s32 $0x15000;
	[dreg:$0x18] =	wrdreg s13  }
0x16: {  	s7 =	sadd.s32 s5, s0;
	s8 =	sshrl.u32 s6, $0x3;
	[dreg:$0x19] =	wrdreg s14  }
0x17: {  	s1 =	sadd.s32 s5, s1;
	s5 =	sand.u32 $0x1, s23;
	[dreg:$0x1b] =	wrdreg s17  }
0x18: {  	s19 =	sadd.s32 s6, s2;
	s23 =	simm.s32 $0x14C80;
	[dreg:$0x1c] =	wrdreg s18  }
0x19: {  	s13 =	simm.s32 $0x14000;
	s14 =	simm.s32 $0x14A00;
	[dreg:$0x1e] =	wrdreg s20  }
0x1a: {  	s17 =	simm.s32 $0x17400;
	s18 =	simm.s32 $0x19400;
	[dreg:$0x1f] =	wrdreg s21  }
0x1b: {  	[smem:$0x7F7] =	sst s22;
	s20 =	simm.s32 $0x1B400;
	s21 =	simm.s32 $0x2  }
0x1c: {  	s25 =	simm.s32 $0x14800;
	s22 =	simm.s32 $0x5;
	[smem:$0x7FC] =	sst s9  }
0x1d: {  	s12 =	simm.s32 $0x0;
	[dreg:$0x5] =	wrdreg s1;
	s24 =	sadd.s32 $0xC600, s7  }
0x1e: {  	s26 =	smul.u32 $0xA0000, s5;
	s8 =	sadd.s32 s8, s0;
	[dreg:$0x12] =	wrdreg s23  }
0x1f: {  	s5 =	ssub.s32 $0x2, s5;
	s10 =	sshrl.u32 s19, $0x3;
	[smem:$0x7FA] =	sst s25  }
0x20: {  	s19 =	simm.s32 $0x14680;
	s23 =	simm.s32 $0x14780;
	[dreg:$0x6] =	wrdreg s24  }
0x21: {  	s25 =	simm.s32 $0x4;
	s1 =	simm.s32 $0x14980;
	[dreg:$0x1d] =	wrdreg s19  }
0x22: {  	s16 =	sshrl.u32 s5, $0x1;
	s8 =	sadd.s32 $0x8E600, s8;
	[smem:$0x7F8] =	sst s23  }
0x23: {  	s24 =	simm.s32 $0x14400;
	s19 =	simm.s32 $0x1;
	[smem:$0x7FD] =	sst s10  }
0x24: {  	s23 =	simm.s32 $0x3;
	s7 =	sadd.s32 s6, s26;
	[smem:$0x7F2] =	sst s8  }
0x25: {  	s5 =	ssub.s32 s5, s16;
	s6 =	sadd.s32 s6, s3;
	[dreg:$0x13] =	wrdreg s24  }
0x26: {  	s8 =	simm.s32 $0x14480;
	s16 =	simm.s32 $0x14E80;
	s24 =	simm.s32 $0x15080  }
0x27: {  	s7 =	sshrl.u32 s7, $0x3;
	[dreg:$0x15] =	wrdreg s8;
	s11 =	smax.u32 s5, $0x1  }
0x28: {  	s15 =	sshrl.u32 s6, $0x3;
	[dreg:$0x1a] =	wrdreg s16;
	s16 =	simm.s32 $0x15400  }
0x29: {  	[smem:$0x7F9] =	sst s24;
	s24 =	simm.s32 $0x6;
	s5 =	simm.s32 $0x15280  }
0x2a: {  	s8 =	simm.s32 $0x15380;
	s0 =	sadd.s32 s7, s0;
	[smem:$0x7F5] =	sst s11  }
0x2b: {  	s11 =	simm.s32 $0x9;
	[smem:$0x7F6] =	sst s15;
	s26 =	sadd.s32 $0x66600, s0  }
0x2c: {  	s15 =	simm.s32 $0x80;
	s0 =	sadd.s32 $0xA2600, s0;
	[smem:$0x7F3] =	sst s26  }
0x2d: {  	s7 =	simm.s32 $0x15300;
	[smem:$0x7F4] =	sst s0;
	s26 =	simm.s32 $0x15100  }
0x2e: {  	s0 =	simm.s32 $0x15200;
	[smem:$0x7FB] =	sst s26;
	s26 =	simm.s32 $0x7  }
.LBB2_1:
0x2f: {  	s6 =	sld [smem:$0x7F2];
	_ =	sdelay $0x1  }
0x30: {  	[smem:$0x7F1] =	sst s12  }
0x31: {  	[spmem:s10], [sflag:s9] =	dma.local [hbm:s6], $0x1400  }
0x32: {  	_ =	swait.ge [sflag:s11], $0x1400  }
0x33: {  	s10 =	sld [smem:$0x7F3]  }
0x34: {  	s12 =	sld [smem:$0x7F6]  }
0x35: {  	[sflag:s11] =	ssyncset.done $0x0  }
0x36: {  	[sflag:s11] =	ssyncadd.s32 $0xFFFFEC00  }
0x37: {  	[spmem:s12], [sflag:s9] =	dma.local [hbm:s10], $0x1400  }
0x38: {  	_ =	swait.ge [sflag:s11], $0x1400  }
0x39: {  	[sflag:s11] =	ssyncset.done $0x0  }
0x3a: {  	[sflag:s11] =	ssyncadd.s32 $0xFFFFEC00  }
0x3b: {  	[bflag:$0x0] =	sbarrier.arrive $0xFFFF  }
0x3c: {  	s9 =	rddreg [dreg:$0x6]  }
0x3d: {  	s6 =	sadd.s32 $0x0, s9  }
0x3e: {  	[tilespmem:s13], [sflag:$0x9] =	stream.linear.gather [hbm4b:s6+s4], $0xA00, $0x38;
	[tilespmem:$0x1D400] =	vst v63  }
0x3f: {  	_ =	swait.ge [sflag:s11], $0xA00  }
0x40: {  	s10 =	rddreg [dreg:$0x5];
	[sflag:s11] =	ssyncset.done $0x0  }
0x41: {  	[sflag:s11] =	ssyncadd.s32 $0xFFFFF600;
	s6 =	sadd.s32 $0x0, s10  }
0x42: {  	[tilespmem:s14], [sflag:$0x9] =	stream.linear.gather [hbm4b:s6+s4], $0xA00, $0x38;
	[tilespmem:$0x1D400] =	vst v63  }
0x43: {  	_ =	swait.ge [sflag:s11], $0xA00  }
0x44: {  	[sflag:s11] =	ssyncset.done $0x0  }
0x45: {  	[sflag:s11] =	ssyncadd.s32 $0xFFFFF600  }
0x46: {  	[tilespmem:s16], [sflag:$0x1] =	stream.indirect.gather [spmem:s3], $0x40, s13, s15, $0xb8;
	[tilespmem:$0x1D400] =	vst v63  }
0x47: {  	s12 =	rddreg [dreg:$0x7]  }
0x48: {  	[tilespmem:s17], [sflag:$0x2] =	stream.indirect.gather [spmem:s3], $0x40, s12, s15, $0xb8;
	[tilespmem:$0x1D400] =	vst v63  }
0x49: {  	s9 =	rddreg [dreg:$0x8]  }
0x4a: {  	[tilespmem:s18], [sflag:$0x3] =	stream.indirect.gather [spmem:s3], $0x40, s9, s15, $0xb8;
	[tilespmem:$0x1D400] =	vst v63  }
0x4b: {  	_ =	swait.ge [sflag:s19], $0x2000  }
0x4c: {  	[sflag:s19] =	ssyncset.done $0x0  }
0x4d: {  	[sflag:s19] =	ssyncadd.s32 $0xFFFFE000  }
0x4e: {  	[spmem:s2] =	stream.indirect.scatter.add.f32 [tilespmem:s16], [sflag:$0x5], $0x40, s14, s15, $0xb8;
	[tilespmem:$0x1D400] =	vst v63  }
0x4f: {  	s12 =	rddreg [dreg:$0x9]  }
0x50: {  	[tilespmem:s20], [sflag:$0x4] =	stream.indirect.gather [spmem:s3], $0x40, s12, s15, $0xb8;
	[tilespmem:$0x1D400] =	vst v63  }
0x51: {  	_ =	swait.ge [sflag:s21], $0x2000  }
0x52: {  	[sflag:s21] =	ssyncset.done $0x0  }
0x53: {  	s9 =	rddreg [dreg:$0xa];
	[sflag:s21] =	ssyncadd.s32 $0xFFFFE000  }
0x54: {  	[spmem:s2] =	stream.indirect.scatter.add.f32 [tilespmem:s17], [sflag:$0x6], $0x40, s9, s15, $0xb8;
	[tilespmem:$0x1D400] =	vst v63  }
0x55: {  	_ =	swait.ge [sflag:s22], $0x2000  }
0x56: {  	[sflag:s22] =	ssyncset.done $0x0  }
0x57: {  	s10 =	rddreg [dreg:$0xb];
	[sflag:s22] =	ssyncadd.s32 $0xFFFFE000  }
0x58: {  	[tilespmem:s16], [sflag:$0x1] =	stream.indirect.gather [spmem:s3], $0x40, s10, s15, $0xb8;
	[tilespmem:$0x1D400] =	vst v63  }
0x59: {  	_ =	swait.ge [sflag:s23], $0x2000  }
0x5a: {  	[sflag:s23] =	ssyncset.done $0x0  }
0x5b: {  	s12 =	rddreg [dreg:$0xc];
	[sflag:s23] =	ssyncadd.s32 $0xFFFFE000  }
0x5c: {  	[spmem:s2] =	stream.indirect.scatter.add.f32 [tilespmem:s18], [sflag:$0x7], $0x40, s12, s15, $0xb8;
	[tilespmem:$0x1D400] =	vst v63  }
0x5d: {  	_ =	swait.ge [sflag:s24], $0x2000  }
0x5e: {  	[sflag:s24] =	ssyncset.done $0x0  }
0x5f: {  	s9 =	rddreg [dreg:$0xd];
	[sflag:s24] =	ssyncadd.s32 $0xFFFFE000  }
0x60: {  	[tilespmem:s17], [sflag:$0x2] =	stream.indirect.gather [spmem:s3], $0x40, s9, s15, $0xb8;
	[tilespmem:$0x1D400] =	vst v63  }
0x61: {  	_ =	swait.ge [sflag:s25], $0x2000  }
0x62: {  	[sflag:s25] =	ssyncset.done $0x0  }
0x63: {  	s10 =	rddreg [dreg:$0xe];
	[sflag:s25] =	ssyncadd.s32 $0xFFFFE000  }
0x64: {  	[spmem:s2] =	stream.indirect.scatter.add.f32 [tilespmem:s20], [sflag:$0x8], $0x40, s10, s15, $0xb8;
	[tilespmem:$0x1D400] =	vst v63  }
0x65: {  	_ =	swait.ge [sflag:s26], $0x2000  }
0x66: {  	[sflag:s26] =	ssyncset.done $0x0  }
0x67: {  	s12 =	rddreg [dreg:$0xf];
	[sflag:s26] =	ssyncadd.s32 $0xFFFFE000  }
0x68: {  	[tilespmem:s18], [sflag:$0x3] =	stream.indirect.gather [spmem:s3], $0x40, s12, s15, $0xb8;
	[tilespmem:$0x1D400] =	vst v63  }
0x69: {  	_ =	swait.ge [sflag:s19], $0x2000  }
0x6a: {  	[sflag:s19] =	ssyncset.done $0x0  }
0x6b: {  	s9 =	rddreg [dreg:$0x10];
	[sflag:s19] =	ssyncadd.s32 $0xFFFFE000  }
0x6c: {  	[spmem:s2] =	stream.indirect.scatter.add.f32 [tilespmem:s16], [sflag:$0x5], $0x40, s9, s15, $0xb8;
	[tilespmem:$0x1D400] =	vst v63  }
0x6d: {  	_ =	swait.ge [sflag:s28], $0x2000  }
0x6e: {  	[sflag:s28] =	ssyncset.done $0x0  }
0x6f: {  	s10 =	rddreg [dreg:$0x11];
	[sflag:s28] =	ssyncadd.s32 $0xFFFFE000  }
0x70: {  	[tilespmem:s20], [sflag:$0x4] =	stream.indirect.gather [spmem:s3], $0x40, s10, s15, $0xb8;
	[tilespmem:$0x1D400] =	vst v63  }
0x71: {  	_ =	swait.ge [sflag:s21], $0x2000  }
0x72: {  	[sflag:s21] =	ssyncset.done $0x0  }
0x73: {  	s12 =	rddreg [dreg:$0x12];
	[sflag:s21] =	ssyncadd.s32 $0xFFFFE000  }
0x74: {  	[spmem:s2] =	stream.indirect.scatter.add.f32 [tilespmem:s17], [sflag:$0x6], $0x40, s12, s15, $0xb8;
	[tilespmem:$0x1D400] =	vst v63  }
0x75: {  	_ =	swait.ge [sflag:s22], $0x2000  }
0x76: {  	[sflag:s22] =	ssyncset.done $0x0  }
0x77: {  	s9 =	rddreg [dreg:$0x13];
	[sflag:s22] =	ssyncadd.s32 $0xFFFFE000  }
0x78: {  	[tilespmem:s16], [sflag:$0x1] =	stream.indirect.gather [spmem:s3], $0x40, s9, s15, $0xb8;
	[tilespmem:$0x1D400] =	vst v63  }
0x79: {  	_ =	swait.ge [sflag:s23], $0x2000  }
0x7a: {  	[sflag:s23] =	ssyncset.done $0x0  }
0x7b: {  	s10 =	rddreg [dreg:$0x14];
	[sflag:s23] =	ssyncadd.s32 $0xFFFFE000  }
0x7c: {  	[spmem:s2] =	stream.indirect.scatter.add.f32 [tilespmem:s18], [sflag:$0x7], $0x40, s10, s15, $0xb8;
	[tilespmem:$0x1D400] =	vst v63  }
0x7d: {  	_ =	swait.ge [sflag:s24], $0x2000  }
0x7e: {  	[sflag:s24] =	ssyncset.done $0x0  }
0x7f: {  	s12 =	rddreg [dreg:$0x15];
	[sflag:s24] =	ssyncadd.s32 $0xFFFFE000  }
0x80: {  	[tilespmem:s17], [sflag:$0x2] =	stream.indirect.gather [spmem:s3], $0x40, s12, s15, $0xb8;
	[tilespmem:$0x1D400] =	vst v63  }
0x81: {  	_ =	swait.ge [sflag:s25], $0x2000  }
0x82: {  	[sflag:s25] =	ssyncset.done $0x0  }
0x83: {  	s9 =	rddreg [dreg:$0x16];
	[sflag:s25] =	ssyncadd.s32 $0xFFFFE000  }
0x84: {  	[spmem:s2] =	stream.indirect.scatter.add.f32 [tilespmem:s20], [sflag:$0x8], $0x40, s9, s15, $0xb8;
	[tilespmem:$0x1D400] =	vst v63  }
0x85: {  	_ =	swait.ge [sflag:s26], $0x2000  }
0x86: {  	[sflag:s26] =	ssyncset.done $0x0  }
0x87: {  	s10 =	rddreg [dreg:$0x17];
	[sflag:s26] =	ssyncadd.s32 $0xFFFFE000  }
0x88: {  	[tilespmem:s18], [sflag:$0x3] =	stream.indirect.gather [spmem:s3], $0x40, s10, s15, $0xb8;
	[tilespmem:$0x1D400] =	vst v63  }
0x89: {  	_ =	swait.ge [sflag:s19], $0x2000  }
0x8a: {  	[sflag:s19] =	ssyncset.done $0x0  }
0x8b: {  	s12 =	rddreg [dreg:$0x18];
	[sflag:s19] =	ssyncadd.s32 $0xFFFFE000  }
0x8c: {  	[spmem:s2] =	stream.indirect.scatter.add.f32 [tilespmem:s16], [sflag:$0x5], $0x40, s12, s15, $0xb8;
	[tilespmem:$0x1D400] =	vst v63  }
0x8d: {  	_ =	swait.ge [sflag:s28], $0x2000  }
0x8e: {  	[sflag:s28] =	ssyncset.done $0x0  }
0x8f: {  	s9 =	rddreg [dreg:$0x19];
	[sflag:s28] =	ssyncadd.s32 $0xFFFFE000  }
0x90: {  	[tilespmem:s20], [sflag:$0x4] =	stream.indirect.gather [spmem:s3], $0x40, s9, s15, $0xb8;
	[tilespmem:$0x1D400] =	vst v63  }
0x91: {  	_ =	swait.ge [sflag:s21], $0x2000  }
0x92: {  	[sflag:s21] =	ssyncset.done $0x0  }
0x93: {  	s10 =	rddreg [dreg:$0x1a];
	[sflag:s21] =	ssyncadd.s32 $0xFFFFE000  }
0x94: {  	[spmem:s2] =	stream.indirect.scatter.add.f32 [tilespmem:s17], [sflag:$0x6], $0x40, s10, s15, $0xb8;
	[tilespmem:$0x1D400] =	vst v63  }
0x95: {  	_ =	swait.ge [sflag:s22], $0x2000  }
0x96: {  	[sflag:s22] =	ssyncset.done $0x0  }
0x97: {  	s12 =	rddreg [dreg:$0x1b];
	[sflag:s22] =	ssyncadd.s32 $0xFFFFE000  }
0x98: {  	[tilespmem:s16], [sflag:$0x1] =	stream.indirect.gather [spmem:s3], $0x40, s12, s15, $0xb8;
	[tilespmem:$0x1D400] =	vst v63  }
0x99: {  	_ =	swait.ge [sflag:s23], $0x2000  }
0x9a: {  	[sflag:s23] =	ssyncset.done $0x0  }
0x9b: {  	s9 =	rddreg [dreg:$0x1c];
	[sflag:s23] =	ssyncadd.s32 $0xFFFFE000  }
0x9c: {  	[spmem:s2] =	stream.indirect.scatter.add.f32 [tilespmem:s18], [sflag:$0x7], $0x40, s9, s15, $0xb8;
	[tilespmem:$0x1D400] =	vst v63  }
0x9d: {  	_ =	swait.ge [sflag:s24], $0x2000  }
0x9e: {  	[sflag:s24] =	ssyncset.done $0x0  }
0x9f: {  	s10 =	rddreg [dreg:$0x1d];
	[sflag:s24] =	ssyncadd.s32 $0xFFFFE000  }
0xa0: {  	[tilespmem:s17], [sflag:$0x2] =	stream.indirect.gather [spmem:s3], $0x40, s10, s15, $0xb8;
	[tilespmem:$0x1D400] =	vst v63  }
0xa1: {  	_ =	swait.ge [sflag:s25], $0x2000  }
0xa2: {  	[sflag:s25] =	ssyncset.done $0x0  }
0xa3: {  	s12 =	rddreg [dreg:$0x1e];
	[sflag:s25] =	ssyncadd.s32 $0xFFFFE000  }
0xa4: {  	[spmem:s2] =	stream.indirect.scatter.add.f32 [tilespmem:s20], [sflag:$0x8], $0x40, s12, s15, $0xb8;
	[tilespmem:$0x1D400] =	vst v63  }
0xa5: {  	_ =	swait.ge [sflag:s26], $0x2000  }
0xa6: {  	[sflag:s26] =	ssyncset.done $0x0  }
0xa7: {  	s9 =	rddreg [dreg:$0x1f];
	[sflag:s26] =	ssyncadd.s32 $0xFFFFE000  }
0xa8: {  	[tilespmem:s18], [sflag:$0x3] =	stream.indirect.gather [spmem:s3], $0x40, s9, s15, $0xb8;
	[tilespmem:$0x1D400] =	vst v63  }
0xa9: {  	_ =	swait.ge [sflag:s19], $0x2000  }
0xaa: {  	s10 =	sld [smem:$0x7F7]  }
0xab: {  	[sflag:s19] =	ssyncset.done $0x0  }
0xac: {  	[sflag:s19] =	ssyncadd.s32 $0xFFFFE000  }
0xad: {  	[spmem:s2] =	stream.indirect.scatter.add.f32 [tilespmem:s16], [sflag:$0x5], $0x40, s10, s15, $0xb8;
	[tilespmem:$0x1D400] =	vst v63  }
0xae: {  	_ =	swait.ge [sflag:s28], $0x2000  }
0xaf: {  	s12 =	sld [smem:$0x7F8]  }
0xb0: {  	[sflag:s28] =	ssyncset.done $0x0  }
0xb1: {  	[sflag:s28] =	ssyncadd.s32 $0xFFFFE000  }
0xb2: {  	[tilespmem:s20], [sflag:$0x4] =	stream.indirect.gather [spmem:s3], $0x40, s12, s15, $0xb8;
	[tilespmem:$0x1D400] =	vst v63  }
0xb3: {  	_ =	swait.ge [sflag:s21], $0x2000  }
0xb4: {  	s9 =	sld [smem:$0x7F9]  }
0xb5: {  	[sflag:s21] =	ssyncset.done $0x0  }
0xb6: {  	[sflag:s21] =	ssyncadd.s32 $0xFFFFE000  }
0xb7: {  	[spmem:s2] =	stream.indirect.scatter.add.f32 [tilespmem:s17], [sflag:$0x6], $0x40, s9, s15, $0xb8;
	[tilespmem:$0x1D400] =	vst v63  }
0xb8: {  	_ =	swait.ge [sflag:s22], $0x2000  }
0xb9: {  	s10 =	sld [smem:$0x7FA]  }
0xba: {  	[sflag:s22] =	ssyncset.done $0x0  }
0xbb: {  	[sflag:s22] =	ssyncadd.s32 $0xFFFFE000  }
0xbc: {  	[tilespmem:s16], [sflag:$0x1] =	stream.indirect.gather [spmem:s3], $0x40, s10, s15, $0xb8;
	[tilespmem:$0x1D400] =	vst v63  }
0xbd: {  	_ =	swait.ge [sflag:s23], $0x2000  }
0xbe: {  	s12 =	sld [smem:$0x7FB]  }
0xbf: {  	[sflag:s23] =	ssyncset.done $0x0  }
0xc0: {  	[sflag:s23] =	ssyncadd.s32 $0xFFFFE000  }
0xc1: {  	[spmem:s2] =	stream.indirect.scatter.add.f32 [tilespmem:s18], [sflag:$0x7], $0x40, s12, s15, $0xb8;
	[tilespmem:$0x1D400] =	vst v63  }
0xc2: {  	_ =	swait.ge [sflag:s24], $0x2000  }
0xc3: {  	[sflag:s24] =	ssyncset.done $0x0  }
0xc4: {  	[sflag:s24] =	ssyncadd.s32 $0xFFFFE000  }
0xc5: {  	[tilespmem:s17], [sflag:$0x2] =	stream.indirect.gather [spmem:s3], $0x40, s29, s15, $0xb8;
	[tilespmem:$0x1D400] =	vst v63  }
0xc6: {  	_ =	swait.ge [sflag:s25], $0x2000  }
0xc7: {  	[sflag:s25] =	ssyncset.done $0x0  }
0xc8: {  	[sflag:s25] =	ssyncadd.s32 $0xFFFFE000  }
0xc9: {  	[spmem:s2] =	stream.indirect.scatter.add.f32 [tilespmem:s20], [sflag:$0x8], $0x40, s30, s15, $0xb8;
	[tilespmem:$0x1D400] =	vst v63  }
0xca: {  	_ =	swait.ge [sflag:s26], $0x2000  }
0xcb: {  	[sflag:s26] =	ssyncset.done $0x0  }
0xcc: {  	[sflag:s26] =	ssyncadd.s32 $0xFFFFE000  }
0xcd: {  	[tilespmem:s18], [sflag:$0x3] =	stream.indirect.gather [spmem:s3], $0x40, s31, s15, $0xb8;
	[tilespmem:$0x1D400] =	vst v63  }
0xce: {  	_ =	swait.ge [sflag:s19], $0x2000  }
0xcf: {  	[sflag:s19] =	ssyncset.done $0x0  }
0xd0: {  	[sflag:s19] =	ssyncadd.s32 $0xFFFFE000  }
0xd1: {  	[spmem:s2] =	stream.indirect.scatter.add.f32 [tilespmem:s16], [sflag:$0x5], $0x40, s0, s15, $0xb8;
	[tilespmem:$0x1D400] =	vst v63  }
0xd2: {  	_ =	swait.ge [sflag:s28], $0x2000  }
0xd3: {  	[sflag:s28] =	ssyncset.done $0x0  }
0xd4: {  	[sflag:s28] =	ssyncadd.s32 $0xFFFFE000  }
0xd5: {  	[tilespmem:s20], [sflag:$0x4] =	stream.indirect.gather [spmem:s3], $0x40, s1, s15, $0xb8;
	[tilespmem:$0x1D400] =	vst v63  }
0xd6: {  	_ =	swait.ge [sflag:s21], $0x2000  }
0xd7: {  	[sflag:s21] =	ssyncset.done $0x0  }
0xd8: {  	[sflag:s21] =	ssyncadd.s32 $0xFFFFE000  }
0xd9: {  	[spmem:s2] =	stream.indirect.scatter.add.f32 [tilespmem:s17], [sflag:$0x6], $0x40, s5, s15, $0xb8;
	[tilespmem:$0x1D400] =	vst v63  }
0xda: {  	_ =	swait.ge [sflag:s23], $0x2000  }
0xdb: {  	[sflag:s23] =	ssyncset.done $0x0  }
0xdc: {  	[sflag:s23] =	ssyncadd.s32 $0xFFFFE000  }
0xdd: {  	[spmem:s2] =	stream.indirect.scatter.add.f32 [tilespmem:s18], [sflag:$0x7], $0x40, s7, s15, $0xb8;
	[tilespmem:$0x1D400] =	vst v63  }
0xde: {  	_ =	swait.ge [sflag:s25], $0x2000  }
0xdf: {  	[sflag:s25] =	ssyncset.done $0x0  }
0xe0: {  	[sflag:s25] =	ssyncadd.s32 $0xFFFFE000  }
0xe1: {  	[spmem:s2] =	stream.indirect.scatter.add.f32 [tilespmem:s20], [sflag:$0x8], $0x40, s8, s15, $0xb8;
	[tilespmem:$0x1D400] =	vst v63  }
0xe2: {  	_ =	swait.ge [sflag:s22], $0x2000  }
0xe3: {  	[sflag:s22] =	ssyncset.done $0x0  }
0xe4: {  	[sflag:s22] =	ssyncadd.s32 $0xFFFFE000  }
0xe5: {  	_ =	swait.ge [sflag:s24], $0x2000  }
0xe6: {  	[sflag:s24] =	ssyncset.done $0x0  }
0xe7: {  	[sflag:s24] =	ssyncadd.s32 $0xFFFFE000  }
0xe8: {  	_ =	swait.ge [sflag:s26], $0x2000  }
0xe9: {  	[sflag:s26] =	ssyncset.done $0x0  }
0xea: {  	[sflag:s26] =	ssyncadd.s32 $0xFFFFE000  }
0xeb: {  	s10 =	simm.s32 $0x280;
	_ =	swait.ge [sflag:s28], $0x2000  }
0xec: {  	s12 =	simm.s32 $0x140;
	s6 =	rddreg [dreg:$0x6];
	[sflag:s28] =	ssyncset.done $0x0  }
.LBB2_2:
0xed: {  	[sflag:s28] =	ssyncadd.s32 $0xFFFFE000;
	s6 =	sadd.s32 s12, s6  }
0xee: {  	[tilespmem:s13], [sflag:$0x9] =	stream.linear.gather [hbm4b:s6+s4], $0xA00, $0x38;
	[tilespmem:$0x1D400] =	vst v63  }
0xef: {  	_ =	swait.ge [sflag:s11], $0xA00  }
0xf0: {  	s6 =	rddreg [dreg:$0x5];
	[sflag:s11] =	ssyncset.done $0x0  }
0xf1: {  	[sflag:s11] =	ssyncadd.s32 $0xFFFFF600;
	s6 =	sadd.s32 s12, s6  }
0xf2: {  	[tilespmem:s14], [sflag:$0x9] =	stream.linear.gather [hbm4b:s6+s4], $0xA00, $0x38;
	[tilespmem:$0x1D400] =	vst v63  }
0xf3: {  	_ =	swait.ge [sflag:s11], $0xA00  }
0xf4: {  	[sflag:s11] =	ssyncset.done $0x0  }
0xf5: {  	[sflag:s11] =	ssyncadd.s32 $0xFFFFF600  }
0xf6: {  	[tilespmem:s16], [sflag:$0x1] =	stream.indirect.gather [spmem:s3], $0x40, s13, s15, $0xb8;
	[tilespmem:$0x1D400] =	vst v63  }
0xf7: {  	s9 =	smov.u32 s10;
	s6 =	rddreg [dreg:$0x7]  }
0xf8: {  	[tilespmem:s17], [sflag:$0x2] =	stream.indirect.gather [spmem:s3], $0x40, s6, s15, $0xb8;
	[tilespmem:$0x1D400] =	vst v63  }
0xf9: {  	s12 =	smov.u32 s9;
	s9 =	rddreg [dreg:$0x8]  }
0xfa: {  	[tilespmem:s18], [sflag:$0x3] =	stream.indirect.gather [spmem:s3], $0x40, s9, s15, $0xb8;
	[tilespmem:$0x1D400] =	vst v63  }
0xfb: {  	_ =	swait.ge [sflag:s19], $0x2000  }
0xfc: {  	[sflag:s19] =	ssyncset.done $0x0  }
0xfd: {  	[sflag:s19] =	ssyncadd.s32 $0xFFFFE000  }
0xfe: {  	[spmem:s2] =	stream.indirect.scatter.add.f32 [tilespmem:s16], [sflag:$0x5], $0x40, s14, s15, $0xb8;
	[tilespmem:$0x1D400] =	vst v63  }
0xff: {  	s9 =	rddreg [dreg:$0x9]  }
0x100: {  	[tilespmem:s20], [sflag:$0x4] =	stream.indirect.gather [spmem:s3], $0x40, s9, s15, $0xb8;
	[tilespmem:$0x1D400] =	vst v63  }
0x101: {  	_ =	swait.ge [sflag:s21], $0x2000  }
0x102: {  	[sflag:s21] =	ssyncset.done $0x0  }
0x103: {  	s9 =	rddreg [dreg:$0xa];
	[sflag:s21] =	ssyncadd.s32 $0xFFFFE000  }
0x104: {  	[spmem:s2] =	stream.indirect.scatter.add.f32 [tilespmem:s17], [sflag:$0x6], $0x40, s9, s15, $0xb8;
	[tilespmem:$0x1D400] =	vst v63  }
0x105: {  	_ =	swait.ge [sflag:s22], $0x2000  }
0x106: {  	[sflag:s22] =	ssyncset.done $0x0  }
0x107: {  	s9 =	rddreg [dreg:$0xb];
	[sflag:s22] =	ssyncadd.s32 $0xFFFFE000  }
0x108: {  	[tilespmem:s16], [sflag:$0x1] =	stream.indirect.gather [spmem:s3], $0x40, s9, s15, $0xb8;
	[tilespmem:$0x1D400] =	vst v63  }
0x109: {  	_ =	swait.ge [sflag:s23], $0x2000  }
0x10a: {  	[sflag:s23] =	ssyncset.done $0x0  }
0x10b: {  	s9 =	rddreg [dreg:$0xc];
	[sflag:s23] =	ssyncadd.s32 $0xFFFFE000  }
0x10c: {  	[spmem:s2] =	stream.indirect.scatter.add.f32 [tilespmem:s18], [sflag:$0x7], $0x40, s9, s15, $0xb8;
	[tilespmem:$0x1D400] =	vst v63  }
0x10d: {  	_ =	swait.ge [sflag:s24], $0x2000  }
0x10e: {  	[sflag:s24] =	ssyncset.done $0x0  }
0x10f: {  	s9 =	rddreg [dreg:$0xd];
	[sflag:s24] =	ssyncadd.s32 $0xFFFFE000  }
0x110: {  	[tilespmem:s17], [sflag:$0x2] =	stream.indirect.gather [spmem:s3], $0x40, s9, s15, $0xb8;
	[tilespmem:$0x1D400] =	vst v63  }
0x111: {  	_ =	swait.ge [sflag:s25], $0x2000  }
0x112: {  	[sflag:s25] =	ssyncset.done $0x0  }
0x113: {  	s9 =	rddreg [dreg:$0xe];
	[sflag:s25] =	ssyncadd.s32 $0xFFFFE000  }
0x114: {  	[spmem:s2] =	stream.indirect.scatter.add.f32 [tilespmem:s20], [sflag:$0x8], $0x40, s9, s15, $0xb8;
	[tilespmem:$0x1D400] =	vst v63  }
0x115: {  	_ =	swait.ge [sflag:s26], $0x2000  }
0x116: {  	[sflag:s26] =	ssyncset.done $0x0  }
0x117: {  	s9 =	rddreg [dreg:$0xf];
	[sflag:s26] =	ssyncadd.s32 $0xFFFFE000  }
0x118: {  	[tilespmem:s18], [sflag:$0x3] =	stream.indirect.gather [spmem:s3], $0x40, s9, s15, $0xb8;
	[tilespmem:$0x1D400] =	vst v63  }
0x119: {  	_ =	swait.ge [sflag:s19], $0x2000  }
0x11a: {  	[sflag:s19] =	ssyncset.done $0x0  }
0x11b: {  	s9 =	rddreg [dreg:$0x10];
	[sflag:s19] =	ssyncadd.s32 $0xFFFFE000  }
0x11c: {  	[spmem:s2] =	stream.indirect.scatter.add.f32 [tilespmem:s16], [sflag:$0x5], $0x40, s9, s15, $0xb8;
	[tilespmem:$0x1D400] =	vst v63  }
0x11d: {  	_ =	swait.ge [sflag:s28], $0x2000  }
0x11e: {  	[sflag:s28] =	ssyncset.done $0x0  }
0x11f: {  	s9 =	rddreg [dreg:$0x11];
	[sflag:s28] =	ssyncadd.s32 $0xFFFFE000  }
0x120: {  	[tilespmem:s20], [sflag:$0x4] =	stream.indirect.gather [spmem:s3], $0x40, s9, s15, $0xb8;
	[tilespmem:$0x1D400] =	vst v63  }
0x121: {  	_ =	swait.ge [sflag:s21], $0x2000  }
0x122: {  	[sflag:s21] =	ssyncset.done $0x0  }
0x123: {  	s9 =	rddreg [dreg:$0x12];
	[sflag:s21] =	ssyncadd.s32 $0xFFFFE000  }
0x124: {  	[spmem:s2] =	stream.indirect.scatter.add.f32 [tilespmem:s17], [sflag:$0x6], $0x40, s9, s15, $0xb8;
	[tilespmem:$0x1D400] =	vst v63  }
0x125: {  	_ =	swait.ge [sflag:s22], $0x2000  }
0x126: {  	[sflag:s22] =	ssyncset.done $0x0  }
0x127: {  	s9 =	rddreg [dreg:$0x13];
	[sflag:s22] =	ssyncadd.s32 $0xFFFFE000  }
0x128: {  	[tilespmem:s16], [sflag:$0x1] =	stream.indirect.gather [spmem:s3], $0x40, s9, s15, $0xb8;
	[tilespmem:$0x1D400] =	vst v63  }
0x129: {  	_ =	swait.ge [sflag:s23], $0x2000  }
0x12a: {  	[sflag:s23] =	ssyncset.done $0x0  }
0x12b: {  	s9 =	rddreg [dreg:$0x14];
	[sflag:s23] =	ssyncadd.s32 $0xFFFFE000  }
0x12c: {  	[spmem:s2] =	stream.indirect.scatter.add.f32 [tilespmem:s18], [sflag:$0x7], $0x40, s9, s15, $0xb8;
	[tilespmem:$0x1D400] =	vst v63  }
0x12d: {  	_ =	swait.ge [sflag:s24], $0x2000  }
0x12e: {  	[sflag:s24] =	ssyncset.done $0x0  }
0x12f: {  	s9 =	rddreg [dreg:$0x15];
	[sflag:s24] =	ssyncadd.s32 $0xFFFFE000  }
0x130: {  	[tilespmem:s17], [sflag:$0x2] =	stream.indirect.gather [spmem:s3], $0x40, s9, s15, $0xb8;
	[tilespmem:$0x1D400] =	vst v63  }
0x131: {  	_ =	swait.ge [sflag:s25], $0x2000  }
0x132: {  	[sflag:s25] =	ssyncset.done $0x0  }
0x133: {  	s9 =	rddreg [dreg:$0x16];
	[sflag:s25] =	ssyncadd.s32 $0xFFFFE000  }
0x134: {  	[spmem:s2] =	stream.indirect.scatter.add.f32 [tilespmem:s20], [sflag:$0x8], $0x40, s9, s15, $0xb8;
	[tilespmem:$0x1D400] =	vst v63  }
0x135: {  	_ =	swait.ge [sflag:s26], $0x2000  }
0x136: {  	[sflag:s26] =	ssyncset.done $0x0  }
0x137: {  	s9 =	rddreg [dreg:$0x17];
	[sflag:s26] =	ssyncadd.s32 $0xFFFFE000  }
0x138: {  	[tilespmem:s18], [sflag:$0x3] =	stream.indirect.gather [spmem:s3], $0x40, s9, s15, $0xb8;
	[tilespmem:$0x1D400] =	vst v63  }
0x139: {  	_ =	swait.ge [sflag:s19], $0x2000  }
0x13a: {  	[sflag:s19] =	ssyncset.done $0x0  }
0x13b: {  	s9 =	rddreg [dreg:$0x18];
	[sflag:s19] =	ssyncadd.s32 $0xFFFFE000  }
0x13c: {  	[spmem:s2] =	stream.indirect.scatter.add.f32 [tilespmem:s16], [sflag:$0x5], $0x40, s9, s15, $0xb8;
	[tilespmem:$0x1D400] =	vst v63  }
0x13d: {  	_ =	swait.ge [sflag:s28], $0x2000  }
0x13e: {  	[sflag:s28] =	ssyncset.done $0x0  }
0x13f: {  	s9 =	rddreg [dreg:$0x19];
	[sflag:s28] =	ssyncadd.s32 $0xFFFFE000  }
0x140: {  	[tilespmem:s20], [sflag:$0x4] =	stream.indirect.gather [spmem:s3], $0x40, s9, s15, $0xb8;
	[tilespmem:$0x1D400] =	vst v63  }
0x141: {  	_ =	swait.ge [sflag:s21], $0x2000  }
0x142: {  	[sflag:s21] =	ssyncset.done $0x0  }
0x143: {  	s9 =	rddreg [dreg:$0x1a];
	[sflag:s21] =	ssyncadd.s32 $0xFFFFE000  }
0x144: {  	[spmem:s2] =	stream.indirect.scatter.add.f32 [tilespmem:s17], [sflag:$0x6], $0x40, s9, s15, $0xb8;
	[tilespmem:$0x1D400] =	vst v63  }
0x145: {  	_ =	swait.ge [sflag:s22], $0x2000  }
0x146: {  	[sflag:s22] =	ssyncset.done $0x0  }
0x147: {  	s9 =	rddreg [dreg:$0x1b];
	[sflag:s22] =	ssyncadd.s32 $0xFFFFE000  }
0x148: {  	[tilespmem:s16], [sflag:$0x1] =	stream.indirect.gather [spmem:s3], $0x40, s9, s15, $0xb8;
	[tilespmem:$0x1D400] =	vst v63  }
0x149: {  	_ =	swait.ge [sflag:s23], $0x2000  }
0x14a: {  	[sflag:s23] =	ssyncset.done $0x0  }
0x14b: {  	s9 =	rddreg [dreg:$0x1c];
	[sflag:s23] =	ssyncadd.s32 $0xFFFFE000  }
0x14c: {  	[spmem:s2] =	stream.indirect.scatter.add.f32 [tilespmem:s18], [sflag:$0x7], $0x40, s9, s15, $0xb8;
	[tilespmem:$0x1D400] =	vst v63  }
0x14d: {  	_ =	swait.ge [sflag:s24], $0x2000  }
0x14e: {  	[sflag:s24] =	ssyncset.done $0x0  }
0x14f: {  	s9 =	rddreg [dreg:$0x1d];
	[sflag:s24] =	ssyncadd.s32 $0xFFFFE000  }
0x150: {  	[tilespmem:s17], [sflag:$0x2] =	stream.indirect.gather [spmem:s3], $0x40, s9, s15, $0xb8;
	[tilespmem:$0x1D400] =	vst v63  }
0x151: {  	_ =	swait.ge [sflag:s25], $0x2000  }
0x152: {  	[sflag:s25] =	ssyncset.done $0x0  }
0x153: {  	s9 =	rddreg [dreg:$0x1e];
	[sflag:s25] =	ssyncadd.s32 $0xFFFFE000  }
0x154: {  	[spmem:s2] =	stream.indirect.scatter.add.f32 [tilespmem:s20], [sflag:$0x8], $0x40, s9, s15, $0xb8;
	[tilespmem:$0x1D400] =	vst v63  }
0x155: {  	_ =	swait.ge [sflag:s26], $0x2000  }
0x156: {  	[sflag:s26] =	ssyncset.done $0x0  }
0x157: {  	s9 =	rddreg [dreg:$0x1f];
	[sflag:s26] =	ssyncadd.s32 $0xFFFFE000  }
0x158: {  	[tilespmem:s18], [sflag:$0x3] =	stream.indirect.gather [spmem:s3], $0x40, s9, s15, $0xb8;
	[tilespmem:$0x1D400] =	vst v63  }
0x159: {  	_ =	swait.ge [sflag:s19], $0x2000  }
0x15a: {  	s9 =	sld [smem:$0x7F7]  }
0x15b: {  	[sflag:s19] =	ssyncset.done $0x0  }
0x15c: {  	[sflag:s19] =	ssyncadd.s32 $0xFFFFE000  }
0x15d: {  	[spmem:s2] =	stream.indirect.scatter.add.f32 [tilespmem:s16], [sflag:$0x5], $0x40, s9, s15, $0xb8;
	[tilespmem:$0x1D400] =	vst v63  }
0x15e: {  	_ =	swait.ge [sflag:s28], $0x2000  }
0x15f: {  	s9 =	sld [smem:$0x7F8]  }
0x160: {  	[sflag:s28] =	ssyncset.done $0x0  }
0x161: {  	[sflag:s28] =	ssyncadd.s32 $0xFFFFE000  }
0x162: {  	[tilespmem:s20], [sflag:$0x4] =	stream.indirect.gather [spmem:s3], $0x40, s9, s15, $0xb8;
	[tilespmem:$0x1D400] =	vst v63  }
0x163: {  	_ =	swait.ge [sflag:s21], $0x2000  }
0x164: {  	s9 =	sld [smem:$0x7F9]  }
0x165: {  	[sflag:s21] =	ssyncset.done $0x0  }
0x166: {  	[sflag:s21] =	ssyncadd.s32 $0xFFFFE000  }
0x167: {  	[spmem:s2] =	stream.indirect.scatter.add.f32 [tilespmem:s17], [sflag:$0x6], $0x40, s9, s15, $0xb8;
	[tilespmem:$0x1D400] =	vst v63  }
0x168: {  	_ =	swait.ge [sflag:s22], $0x2000  }
0x169: {  	s9 =	sld [smem:$0x7FA]  }
0x16a: {  	[sflag:s22] =	ssyncset.done $0x0  }
0x16b: {  	[sflag:s22] =	ssyncadd.s32 $0xFFFFE000  }
0x16c: {  	[tilespmem:s16], [sflag:$0x1] =	stream.indirect.gather [spmem:s3], $0x40, s9, s15, $0xb8;
	[tilespmem:$0x1D400] =	vst v63  }
0x16d: {  	_ =	swait.ge [sflag:s23], $0x2000  }
0x16e: {  	s9 =	sld [smem:$0x7FB]  }
0x16f: {  	[sflag:s23] =	ssyncset.done $0x0  }
0x170: {  	[sflag:s23] =	ssyncadd.s32 $0xFFFFE000  }
0x171: {  	[spmem:s2] =	stream.indirect.scatter.add.f32 [tilespmem:s18], [sflag:$0x7], $0x40, s9, s15, $0xb8;
	[tilespmem:$0x1D400] =	vst v63  }
0x172: {  	_ =	swait.ge [sflag:s24], $0x2000  }
0x173: {  	[sflag:s24] =	ssyncset.done $0x0  }
0x174: {  	[sflag:s24] =	ssyncadd.s32 $0xFFFFE000  }
0x175: {  	[tilespmem:s17], [sflag:$0x2] =	stream.indirect.gather [spmem:s3], $0x40, s29, s15, $0xb8;
	[tilespmem:$0x1D400] =	vst v63  }
0x176: {  	_ =	swait.ge [sflag:s25], $0x2000  }
0x177: {  	[sflag:s25] =	ssyncset.done $0x0  }
0x178: {  	[sflag:s25] =	ssyncadd.s32 $0xFFFFE000  }
0x179: {  	[spmem:s2] =	stream.indirect.scatter.add.f32 [tilespmem:s20], [sflag:$0x8], $0x40, s30, s15, $0xb8;
	[tilespmem:$0x1D400] =	vst v63  }
0x17a: {  	_ =	swait.ge [sflag:s26], $0x2000  }
0x17b: {  	[sflag:s26] =	ssyncset.done $0x0  }
0x17c: {  	[sflag:s26] =	ssyncadd.s32 $0xFFFFE000  }
0x17d: {  	[tilespmem:s18], [sflag:$0x3] =	stream.indirect.gather [spmem:s3], $0x40, s31, s15, $0xb8;
	[tilespmem:$0x1D400] =	vst v63  }
0x17e: {  	_ =	swait.ge [sflag:s19], $0x2000  }
0x17f: {  	[sflag:s19] =	ssyncset.done $0x0  }
0x180: {  	[sflag:s19] =	ssyncadd.s32 $0xFFFFE000  }
0x181: {  	[spmem:s2] =	stream.indirect.scatter.add.f32 [tilespmem:s16], [sflag:$0x5], $0x40, s0, s15, $0xb8;
	[tilespmem:$0x1D400] =	vst v63  }
0x182: {  	_ =	swait.ge [sflag:s28], $0x2000  }
0x183: {  	[sflag:s28] =	ssyncset.done $0x0  }
0x184: {  	[sflag:s28] =	ssyncadd.s32 $0xFFFFE000  }
0x185: {  	[tilespmem:s20], [sflag:$0x4] =	stream.indirect.gather [spmem:s3], $0x40, s1, s15, $0xb8;
	[tilespmem:$0x1D400] =	vst v63  }
0x186: {  	_ =	swait.ge [sflag:s21], $0x2000  }
0x187: {  	[sflag:s21] =	ssyncset.done $0x0  }
0x188: {  	[sflag:s21] =	ssyncadd.s32 $0xFFFFE000  }
0x189: {  	[spmem:s2] =	stream.indirect.scatter.add.f32 [tilespmem:s17], [sflag:$0x6], $0x40, s5, s15, $0xb8;
	[tilespmem:$0x1D400] =	vst v63  }
0x18a: {  	_ =	swait.ge [sflag:s23], $0x2000  }
0x18b: {  	[sflag:s23] =	ssyncset.done $0x0  }
0x18c: {  	[sflag:s23] =	ssyncadd.s32 $0xFFFFE000  }
0x18d: {  	[spmem:s2] =	stream.indirect.scatter.add.f32 [tilespmem:s18], [sflag:$0x7], $0x40, s7, s15, $0xb8;
	[tilespmem:$0x1D400] =	vst v63  }
0x18e: {  	_ =	swait.ge [sflag:s25], $0x2000  }
0x18f: {  	[sflag:s25] =	ssyncset.done $0x0  }
0x190: {  	[sflag:s25] =	ssyncadd.s32 $0xFFFFE000  }
0x191: {  	[spmem:s2] =	stream.indirect.scatter.add.f32 [tilespmem:s20], [sflag:$0x8], $0x40, s8, s15, $0xb8;
	[tilespmem:$0x1D400] =	vst v63  }
0x192: {  	_ =	swait.ge [sflag:s22], $0x2000  }
0x193: {  	[sflag:s22] =	ssyncset.done $0x0  }
0x194: {  	[sflag:s22] =	ssyncadd.s32 $0xFFFFE000  }
0x195: {  	_ =	swait.ge [sflag:s24], $0x2000  }
0x196: {  	[sflag:s24] =	ssyncset.done $0x0  }
0x197: {  	p0 =	sne.s32 s10, $0x8C0;
	[sflag:s24] =	ssyncadd.s32 $0xFFFFE000  }
.Ltmp0:
0x198: {  	_ =	swait.ge [sflag:s26], $0x2000;
	(pc) =	sbr.rel @p0 .LBB2_2-.Ltmp0, $4  }
0x199: {  	[sflag:s26] =	ssyncset.done $0x0  }
0x19a: {  	[sflag:s26] =	ssyncadd.s32 $0xFFFFE000  }
0x19b: {  	_ =	swait.ge [sflag:s28], $0x2000  }
0x19c: {  	s10 =	sadd.s32 $0x140, s10;
	s6 =	rddreg [dreg:$0x6];
	[sflag:s28] =	ssyncset.done $0x0  }
0x19d: {  	[sflag:s28] =	ssyncadd.s32 $0xFFFFE000;
	s6 =	sadd.s32 s12, s6  }
0x19e: {  	[tilespmem:s13], [sflag:$0x9] =	stream.linear.gather [hbm4b:s6+s4], $0xA00, $0x38;
	[tilespmem:$0x1D400] =	vst v63  }
0x19f: {  	_ =	swait.ge [sflag:s11], $0xA00  }
0x1a0: {  	s10 =	rddreg [dreg:$0x5];
	[sflag:s11] =	ssyncset.done $0x0  }
0x1a1: {  	[sflag:s11] =	ssyncadd.s32 $0xFFFFF600;
	s6 =	sadd.s32 s12, s10  }
0x1a2: {  	[tilespmem:s14], [sflag:$0x9] =	stream.linear.gather [hbm4b:s6+s4], $0xA00, $0x38;
	[tilespmem:$0x1D400] =	vst v63  }
0x1a3: {  	_ =	swait.ge [sflag:s11], $0xA00  }
0x1a4: {  	[sflag:s11] =	ssyncset.done $0x0  }
0x1a5: {  	[sflag:s11] =	ssyncadd.s32 $0xFFFFF600  }
0x1a6: {  	[tilespmem:s16], [sflag:$0x1] =	stream.indirect.gather [spmem:s3], $0x40, s13, s15, $0xb8;
	[tilespmem:$0x1D400] =	vst v63  }
0x1a7: {  	s12 =	rddreg [dreg:$0x7]  }
0x1a8: {  	[tilespmem:s17], [sflag:$0x2] =	stream.indirect.gather [spmem:s3], $0x40, s12, s15, $0xb8;
	[tilespmem:$0x1D400] =	vst v63  }
0x1a9: {  	s9 =	rddreg [dreg:$0x8]  }
0x1aa: {  	[tilespmem:s18], [sflag:$0x3] =	stream.indirect.gather [spmem:s3], $0x40, s9, s15, $0xb8;
	[tilespmem:$0x1D400] =	vst v63  }
0x1ab: {  	_ =	swait.ge [sflag:s19], $0x2000  }
0x1ac: {  	[sflag:s19] =	ssyncset.done $0x0  }
0x1ad: {  	[sflag:s19] =	ssyncadd.s32 $0xFFFFE000  }
0x1ae: {  	[spmem:s2] =	stream.indirect.scatter.add.f32 [tilespmem:s16], [sflag:$0x5], $0x40, s14, s15, $0xb8;
	[tilespmem:$0x1D400] =	vst v63  }
0x1af: {  	s10 =	rddreg [dreg:$0x9]  }
0x1b0: {  	[tilespmem:s20], [sflag:$0x4] =	stream.indirect.gather [spmem:s3], $0x40, s10, s15, $0xb8;
	[tilespmem:$0x1D400] =	vst v63  }
0x1b1: {  	_ =	swait.ge [sflag:s21], $0x2000  }
0x1b2: {  	[sflag:s21] =	ssyncset.done $0x0  }
0x1b3: {  	s12 =	rddreg [dreg:$0xa];
	[sflag:s21] =	ssyncadd.s32 $0xFFFFE000  }
0x1b4: {  	[spmem:s2] =	stream.indirect.scatter.add.f32 [tilespmem:s17], [sflag:$0x6], $0x40, s12, s15, $0xb8;
	[tilespmem:$0x1D400] =	vst v63  }
0x1b5: {  	_ =	swait.ge [sflag:s22], $0x2000  }
0x1b6: {  	[sflag:s22] =	ssyncset.done $0x0  }
0x1b7: {  	s9 =	rddreg [dreg:$0xb];
	[sflag:s22] =	ssyncadd.s32 $0xFFFFE000  }
0x1b8: {  	[tilespmem:s16], [sflag:$0x1] =	stream.indirect.gather [spmem:s3], $0x40, s9, s15, $0xb8;
	[tilespmem:$0x1D400] =	vst v63  }
0x1b9: {  	_ =	swait.ge [sflag:s23], $0x2000  }
0x1ba: {  	[sflag:s23] =	ssyncset.done $0x0  }
0x1bb: {  	s10 =	rddreg [dreg:$0xc];
	[sflag:s23] =	ssyncadd.s32 $0xFFFFE000  }
0x1bc: {  	[spmem:s2] =	stream.indirect.scatter.add.f32 [tilespmem:s18], [sflag:$0x7], $0x40, s10, s15, $0xb8;
	[tilespmem:$0x1D400] =	vst v63  }
0x1bd: {  	_ =	swait.ge [sflag:s24], $0x2000  }
0x1be: {  	[sflag:s24] =	ssyncset.done $0x0  }
0x1bf: {  	s12 =	rddreg [dreg:$0xd];
	[sflag:s24] =	ssyncadd.s32 $0xFFFFE000  }
0x1c0: {  	[tilespmem:s17], [sflag:$0x2] =	stream.indirect.gather [spmem:s3], $0x40, s12, s15, $0xb8;
	[tilespmem:$0x1D400] =	vst v63  }
0x1c1: {  	_ =	swait.ge [sflag:s25], $0x2000  }
0x1c2: {  	[sflag:s25] =	ssyncset.done $0x0  }
0x1c3: {  	s9 =	rddreg [dreg:$0xe];
	[sflag:s25] =	ssyncadd.s32 $0xFFFFE000  }
0x1c4: {  	[spmem:s2] =	stream.indirect.scatter.add.f32 [tilespmem:s20], [sflag:$0x8], $0x40, s9, s15, $0xb8;
	[tilespmem:$0x1D400] =	vst v63  }
0x1c5: {  	_ =	swait.ge [sflag:s26], $0x2000  }
0x1c6: {  	[sflag:s26] =	ssyncset.done $0x0  }
0x1c7: {  	s10 =	rddreg [dreg:$0xf];
	[sflag:s26] =	ssyncadd.s32 $0xFFFFE000  }
0x1c8: {  	[tilespmem:s18], [sflag:$0x3] =	stream.indirect.gather [spmem:s3], $0x40, s10, s15, $0xb8;
	[tilespmem:$0x1D400] =	vst v63  }
0x1c9: {  	_ =	swait.ge [sflag:s19], $0x2000  }
0x1ca: {  	[sflag:s19] =	ssyncset.done $0x0  }
0x1cb: {  	s12 =	rddreg [dreg:$0x10];
	[sflag:s19] =	ssyncadd.s32 $0xFFFFE000  }
0x1cc: {  	[spmem:s2] =	stream.indirect.scatter.add.f32 [tilespmem:s16], [sflag:$0x5], $0x40, s12, s15, $0xb8;
	[tilespmem:$0x1D400] =	vst v63  }
0x1cd: {  	_ =	swait.ge [sflag:s28], $0x2000  }
0x1ce: {  	[sflag:s28] =	ssyncset.done $0x0  }
0x1cf: {  	s9 =	rddreg [dreg:$0x11];
	[sflag:s28] =	ssyncadd.s32 $0xFFFFE000  }
0x1d0: {  	[tilespmem:s20], [sflag:$0x4] =	stream.indirect.gather [spmem:s3], $0x40, s9, s15, $0xb8;
	[tilespmem:$0x1D400] =	vst v63  }
0x1d1: {  	_ =	swait.ge [sflag:s21], $0x2000  }
0x1d2: {  	[sflag:s21] =	ssyncset.done $0x0  }
0x1d3: {  	s10 =	rddreg [dreg:$0x12];
	[sflag:s21] =	ssyncadd.s32 $0xFFFFE000  }
0x1d4: {  	[spmem:s2] =	stream.indirect.scatter.add.f32 [tilespmem:s17], [sflag:$0x6], $0x40, s10, s15, $0xb8;
	[tilespmem:$0x1D400] =	vst v63  }
0x1d5: {  	_ =	swait.ge [sflag:s22], $0x2000  }
0x1d6: {  	[sflag:s22] =	ssyncset.done $0x0  }
0x1d7: {  	s12 =	rddreg [dreg:$0x13];
	[sflag:s22] =	ssyncadd.s32 $0xFFFFE000  }
0x1d8: {  	[tilespmem:s16], [sflag:$0x1] =	stream.indirect.gather [spmem:s3], $0x40, s12, s15, $0xb8;
	[tilespmem:$0x1D400] =	vst v63  }
0x1d9: {  	_ =	swait.ge [sflag:s23], $0x2000  }
0x1da: {  	[sflag:s23] =	ssyncset.done $0x0  }
0x1db: {  	s9 =	rddreg [dreg:$0x14];
	[sflag:s23] =	ssyncadd.s32 $0xFFFFE000  }
0x1dc: {  	[spmem:s2] =	stream.indirect.scatter.add.f32 [tilespmem:s18], [sflag:$0x7], $0x40, s9, s15, $0xb8;
	[tilespmem:$0x1D400] =	vst v63  }
0x1dd: {  	_ =	swait.ge [sflag:s24], $0x2000  }
0x1de: {  	[sflag:s24] =	ssyncset.done $0x0  }
0x1df: {  	s10 =	rddreg [dreg:$0x15];
	[sflag:s24] =	ssyncadd.s32 $0xFFFFE000  }
0x1e0: {  	[tilespmem:s17], [sflag:$0x2] =	stream.indirect.gather [spmem:s3], $0x40, s10, s15, $0xb8;
	[tilespmem:$0x1D400] =	vst v63  }
0x1e1: {  	_ =	swait.ge [sflag:s25], $0x2000  }
0x1e2: {  	[sflag:s25] =	ssyncset.done $0x0  }
0x1e3: {  	s12 =	rddreg [dreg:$0x16];
	[sflag:s25] =	ssyncadd.s32 $0xFFFFE000  }
0x1e4: {  	[spmem:s2] =	stream.indirect.scatter.add.f32 [tilespmem:s20], [sflag:$0x8], $0x40, s12, s15, $0xb8;
	[tilespmem:$0x1D400] =	vst v63  }
0x1e5: {  	_ =	swait.ge [sflag:s26], $0x2000  }
0x1e6: {  	[sflag:s26] =	ssyncset.done $0x0  }
0x1e7: {  	s9 =	rddreg [dreg:$0x17];
	[sflag:s26] =	ssyncadd.s32 $0xFFFFE000  }
0x1e8: {  	[tilespmem:s18], [sflag:$0x3] =	stream.indirect.gather [spmem:s3], $0x40, s9, s15, $0xb8;
	[tilespmem:$0x1D400] =	vst v63  }
0x1e9: {  	_ =	swait.ge [sflag:s19], $0x2000  }
0x1ea: {  	[sflag:s19] =	ssyncset.done $0x0  }
0x1eb: {  	s10 =	rddreg [dreg:$0x18];
	[sflag:s19] =	ssyncadd.s32 $0xFFFFE000  }
0x1ec: {  	[spmem:s2] =	stream.indirect.scatter.add.f32 [tilespmem:s16], [sflag:$0x5], $0x40, s10, s15, $0xb8;
	[tilespmem:$0x1D400] =	vst v63  }
0x1ed: {  	_ =	swait.ge [sflag:s28], $0x2000  }
0x1ee: {  	[sflag:s28] =	ssyncset.done $0x0  }
0x1ef: {  	s12 =	rddreg [dreg:$0x19];
	[sflag:s28] =	ssyncadd.s32 $0xFFFFE000  }
0x1f0: {  	[tilespmem:s20], [sflag:$0x4] =	stream.indirect.gather [spmem:s3], $0x40, s12, s15, $0xb8;
	[tilespmem:$0x1D400] =	vst v63  }
0x1f1: {  	_ =	swait.ge [sflag:s21], $0x2000  }
0x1f2: {  	[sflag:s21] =	ssyncset.done $0x0  }
0x1f3: {  	s9 =	rddreg [dreg:$0x1a];
	[sflag:s21] =	ssyncadd.s32 $0xFFFFE000  }
0x1f4: {  	[spmem:s2] =	stream.indirect.scatter.add.f32 [tilespmem:s17], [sflag:$0x6], $0x40, s9, s15, $0xb8;
	[tilespmem:$0x1D400] =	vst v63  }
0x1f5: {  	_ =	swait.ge [sflag:s22], $0x2000  }
0x1f6: {  	[sflag:s22] =	ssyncset.done $0x0  }
0x1f7: {  	s10 =	rddreg [dreg:$0x1b];
	[sflag:s22] =	ssyncadd.s32 $0xFFFFE000  }
0x1f8: {  	[tilespmem:s16], [sflag:$0x1] =	stream.indirect.gather [spmem:s3], $0x40, s10, s15, $0xb8;
	[tilespmem:$0x1D400] =	vst v63  }
0x1f9: {  	_ =	swait.ge [sflag:s23], $0x2000  }
0x1fa: {  	[sflag:s23] =	ssyncset.done $0x0  }
0x1fb: {  	s12 =	rddreg [dreg:$0x1c];
	[sflag:s23] =	ssyncadd.s32 $0xFFFFE000  }
0x1fc: {  	[spmem:s2] =	stream.indirect.scatter.add.f32 [tilespmem:s18], [sflag:$0x7], $0x40, s12, s15, $0xb8;
	[tilespmem:$0x1D400] =	vst v63  }
0x1fd: {  	_ =	swait.ge [sflag:s24], $0x2000  }
0x1fe: {  	[sflag:s24] =	ssyncset.done $0x0  }
0x1ff: {  	s9 =	rddreg [dreg:$0x1d];
	[sflag:s24] =	ssyncadd.s32 $0xFFFFE000  }
0x200: {  	[tilespmem:s17], [sflag:$0x2] =	stream.indirect.gather [spmem:s3], $0x40, s9, s15, $0xb8;
	[tilespmem:$0x1D400] =	vst v63  }
0x201: {  	_ =	swait.ge [sflag:s25], $0x2000  }
0x202: {  	[sflag:s25] =	ssyncset.done $0x0  }
0x203: {  	s10 =	rddreg [dreg:$0x1e];
	[sflag:s25] =	ssyncadd.s32 $0xFFFFE000  }
0x204: {  	[spmem:s2] =	stream.indirect.scatter.add.f32 [tilespmem:s20], [sflag:$0x8], $0x40, s10, s15, $0xb8;
	[tilespmem:$0x1D400] =	vst v63  }
0x205: {  	_ =	swait.ge [sflag:s26], $0x2000  }
0x206: {  	[sflag:s26] =	ssyncset.done $0x0  }
0x207: {  	s12 =	rddreg [dreg:$0x1f];
	[sflag:s26] =	ssyncadd.s32 $0xFFFFE000  }
0x208: {  	[tilespmem:s18], [sflag:$0x3] =	stream.indirect.gather [spmem:s3], $0x40, s12, s15, $0xb8;
	[tilespmem:$0x1D400] =	vst v63  }
0x209: {  	_ =	swait.ge [sflag:s19], $0x2000  }
0x20a: {  	s9 =	sld [smem:$0x7F7]  }
0x20b: {  	[sflag:s19] =	ssyncset.done $0x0  }
0x20c: {  	[sflag:s19] =	ssyncadd.s32 $0xFFFFE000  }
0x20d: {  	[spmem:s2] =	stream.indirect.scatter.add.f32 [tilespmem:s16], [sflag:$0x5], $0x40, s9, s15, $0xb8;
	[tilespmem:$0x1D400] =	vst v63  }
0x20e: {  	_ =	swait.ge [sflag:s28], $0x2000  }
0x20f: {  	s10 =	sld [smem:$0x7F8]  }
0x210: {  	[sflag:s28] =	ssyncset.done $0x0  }
0x211: {  	[sflag:s28] =	ssyncadd.s32 $0xFFFFE000  }
0x212: {  	[tilespmem:s20], [sflag:$0x4] =	stream.indirect.gather [spmem:s3], $0x40, s10, s15, $0xb8;
	[tilespmem:$0x1D400] =	vst v63  }
0x213: {  	_ =	swait.ge [sflag:s21], $0x2000  }
0x214: {  	s12 =	sld [smem:$0x7F9]  }
0x215: {  	[sflag:s21] =	ssyncset.done $0x0  }
0x216: {  	[sflag:s21] =	ssyncadd.s32 $0xFFFFE000  }
0x217: {  	[spmem:s2] =	stream.indirect.scatter.add.f32 [tilespmem:s17], [sflag:$0x6], $0x40, s12, s15, $0xb8;
	[tilespmem:$0x1D400] =	vst v63  }
0x218: {  	_ =	swait.ge [sflag:s22], $0x2000  }
0x219: {  	s9 =	sld [smem:$0x7FA]  }
0x21a: {  	[sflag:s22] =	ssyncset.done $0x0  }
0x21b: {  	[sflag:s22] =	ssyncadd.s32 $0xFFFFE000  }
0x21c: {  	[tilespmem:s16], [sflag:$0x1] =	stream.indirect.gather [spmem:s3], $0x40, s9, s15, $0xb8;
	[tilespmem:$0x1D400] =	vst v63  }
0x21d: {  	_ =	swait.ge [sflag:s23], $0x2000  }
0x21e: {  	s10 =	sld [smem:$0x7FB]  }
0x21f: {  	[sflag:s23] =	ssyncset.done $0x0  }
0x220: {  	[sflag:s23] =	ssyncadd.s32 $0xFFFFE000  }
0x221: {  	[spmem:s2] =	stream.indirect.scatter.add.f32 [tilespmem:s18], [sflag:$0x7], $0x40, s10, s15, $0xb8;
	[tilespmem:$0x1D400] =	vst v63  }
0x222: {  	_ =	swait.ge [sflag:s24], $0x2000  }
0x223: {  	[sflag:s24] =	ssyncset.done $0x0  }
0x224: {  	[sflag:s24] =	ssyncadd.s32 $0xFFFFE000  }
0x225: {  	[tilespmem:s17], [sflag:$0x2] =	stream.indirect.gather [spmem:s3], $0x40, s29, s15, $0xb8;
	[tilespmem:$0x1D400] =	vst v63  }
0x226: {  	_ =	swait.ge [sflag:s25], $0x2000  }
0x227: {  	[sflag:s25] =	ssyncset.done $0x0  }
0x228: {  	[sflag:s25] =	ssyncadd.s32 $0xFFFFE000  }
0x229: {  	[spmem:s2] =	stream.indirect.scatter.add.f32 [tilespmem:s20], [sflag:$0x8], $0x40, s30, s15, $0xb8;
	[tilespmem:$0x1D400] =	vst v63  }
0x22a: {  	_ =	swait.ge [sflag:s26], $0x2000  }
0x22b: {  	[sflag:s26] =	ssyncset.done $0x0  }
0x22c: {  	[sflag:s26] =	ssyncadd.s32 $0xFFFFE000  }
0x22d: {  	[tilespmem:s18], [sflag:$0x3] =	stream.indirect.gather [spmem:s3], $0x40, s31, s15, $0xb8;
	[tilespmem:$0x1D400] =	vst v63  }
0x22e: {  	_ =	swait.ge [sflag:s19], $0x2000  }
0x22f: {  	[sflag:s19] =	ssyncset.done $0x0  }
0x230: {  	[sflag:s19] =	ssyncadd.s32 $0xFFFFE000  }
0x231: {  	[spmem:s2] =	stream.indirect.scatter.add.f32 [tilespmem:s16], [sflag:$0x5], $0x40, s0, s15, $0xb8;
	[tilespmem:$0x1D400] =	vst v63  }
0x232: {  	_ =	swait.ge [sflag:s28], $0x2000  }
0x233: {  	[sflag:s28] =	ssyncset.done $0x0  }
0x234: {  	[sflag:s28] =	ssyncadd.s32 $0xFFFFE000  }
0x235: {  	[tilespmem:s20], [sflag:$0x4] =	stream.indirect.gather [spmem:s3], $0x40, s1, s15, $0xb8;
	[tilespmem:$0x1D400] =	vst v63  }
0x236: {  	_ =	swait.ge [sflag:s21], $0x2000  }
0x237: {  	[sflag:s21] =	ssyncset.done $0x0  }
0x238: {  	[sflag:s21] =	ssyncadd.s32 $0xFFFFE000  }
0x239: {  	[spmem:s2] =	stream.indirect.scatter.add.f32 [tilespmem:s17], [sflag:$0x6], $0x40, s5, s15, $0xb8;
	[tilespmem:$0x1D400] =	vst v63  }
0x23a: {  	_ =	swait.ge [sflag:s23], $0x2000  }
0x23b: {  	[sflag:s23] =	ssyncset.done $0x0  }
0x23c: {  	[sflag:s23] =	ssyncadd.s32 $0xFFFFE000  }
0x23d: {  	[spmem:s2] =	stream.indirect.scatter.add.f32 [tilespmem:s18], [sflag:$0x7], $0x40, s7, s15, $0xb8;
	[tilespmem:$0x1D400] =	vst v63  }
0x23e: {  	_ =	swait.ge [sflag:s25], $0x2000  }
0x23f: {  	[sflag:s25] =	ssyncset.done $0x0  }
0x240: {  	[sflag:s25] =	ssyncadd.s32 $0xFFFFE000  }
0x241: {  	[spmem:s2] =	stream.indirect.scatter.add.f32 [tilespmem:s20], [sflag:$0x8], $0x40, s8, s15, $0xb8;
	[tilespmem:$0x1D400] =	vst v63  }
0x242: {  	_ =	swait.ge [sflag:s22], $0x2000  }
0x243: {  	[sflag:s22] =	ssyncset.done $0x0  }
0x244: {  	[sflag:s22] =	ssyncadd.s32 $0xFFFFE000  }
0x245: {  	_ =	swait.ge [sflag:s24], $0x2000  }
0x246: {  	[sflag:s24] =	ssyncset.done $0x0  }
0x247: {  	[sflag:s24] =	ssyncadd.s32 $0xFFFFE000  }
0x248: {  	_ =	swait.ge [sflag:s26], $0x2000  }
0x249: {  	[sflag:s26] =	ssyncset.done $0x0  }
0x24a: {  	[sflag:s26] =	ssyncadd.s32 $0xFFFFE000  }
0x24b: {  	_ =	swait.ge [sflag:s28], $0x2000  }
0x24c: {  	[sflag:s28] =	ssyncset.done $0x0  }
0x24d: {  	[sflag:s28] =	ssyncadd.s32 $0xFFFFE000  }
0x24e: {  	[bflag:$0x0] =	sbarrier.arrive $0xFFFF  }
0x24f: {  	s9 =	sld [smem:$0x7FC]  }
0x250: {  	s12 =	sld [smem:$0x7F4]  }
0x251: {  	s10 =	sld [smem:$0x7FD];
	_ =	sdelay $0x2  }
0x252: {  	[hbm:s12], [sflag:s9] =	dma.local [spmem:s10], $0x1400  }
0x253: {  	_ =	swait.ge [sflag:s11], $0x1400  }
0x254: {  	s6 =	sld [smem:$0x7F1];
	_ =	sdelay $0x2  }
0x255: {  	s12 =	sadd.s32 $0x1, s6;
	s6 =	sld [smem:$0x7F5];
	_ =	sdelay $0x2  }
0x256: {  	p0 =	sne.s32 s12, s6  }
.Ltmp1:
0x257: {  	_ = 	snop;
	(pc) =	sbr.rel @p0 .LBB2_1-.Ltmp1, $3  }
0x258: {  	_ =	sdelay $0x1  }
0x259: {  	[sflag:s11] =	ssyncset.done $0x0  }
0x25a: {  	[sflag:s11] =	ssyncadd.s32 $0xFFFFEC00  }
0x25b: {  	_ =	sfence.sel $0x180000  }
0x25c: {  	[bflag:$0x0] =	sbarrier.arrive $0xFFFF  }
0x25d: {  	_ =	strace $0x9000004A  }
0x25e: {  	s0 =	stileid.u32;
	[bflag:$0x2] =	sbarrier.arrive $0xFFFF  }
0x25f: {  	p0 =	sne.s32 s0, $0x0;
	s0 =	rddreg [dreg:$0x4]  }
0x260: {  	s0 =	sadd.s32 @!p0 $0x100000, s0  }
0x261: {  	[sflag:s0] =	ssyncadd.tile.s32 @!p0 $0x1;
	_ =	shalt  }
.Lfunc_end2:
_tile_overlayer_lowered:
.L_overlay_start_2:
0x262: {  	(tag) =	ssettag $0x2  }
0x263: {  	s0 =	rddreg [dreg:$0x0];
	s2 =	stileid.u32  }
0x264: {  	s1 =	rddreg [dreg:$0x1];
	p0 =	sne.s32 s2, $0x0  }
0x265: {  	s3 =	rddreg [dreg:$0x2];
	[bflag:$0x3] =	sbarrier.arrive $0xFFFF;
	s2 =	simm.s32 @!p0 $0x1C01  }
0x266: {  	[timem:s3], [sflag:s2] =	dma.local @!p0 [hbm:s0], s1  }
0x267: {  	s0 =	simm.s32 @!p0 $0x1  }
0x268: {  	_ =	swait.ge @!p0 [sflag:s0], s1  }
0x269: {  	s1 =	ssub.s32 @!p0 $0x0, s1;
	[sflag:s0] =	ssyncset.done @!p0 $0x0  }
0x26a: {  	[sflag:s0] =	ssyncadd.s32 @!p0 s1  }
0x26b: {  	[bflag:$0x3] =	sbarrier.arrive $0xFFFF  }
0x26c: {  	_ =	shalt  }

// kernel: kernel.16.cloned.1.call-start
scs
__scs_entry_jumppad:
0x0: {  	(pc) =	sbr.rel $0x88, $3  }
0x1: {  	(tag) =	ssettag $0x0;
	lr =	simm.s32 $0x1  }
0x2: {  	[smem:$0x3F99] =	sst lr;
	_ =	strace $0xD0000000  }
0x3: {  	_ = 	snop  }
0x4: {  	_ = 	snop  }
0x5: {  	_ = 	snop  }
0x6: {  	_ = 	snop  }
0x7: {  	_ = 	snop  }
__scs_overlays_trampoline_lowered:
0x8: {  	[smem:$0x3FA8] =	sst s0  }
0x9: {  	[smem:$0x3FA9] =	sst s1  }
0xa: {  	[smem:$0x3FAA] =	sst s2  }
0xb: {  	[smem:$0x3FAB] =	sst s3  }
0xc: {  	[smem:$0x3FAC] =	sst s4  }
0xd: {  	[smem:$0x3FAD] =	sst s5  }
0xe: {  	[smem:$0x3FAE] =	sst s6  }
0xf: {  	[smem:$0x3FAF] =	sst s7  }
0x10: {  	[smem:$0x3FB0] =	sst s8  }
0x11: {  	[smem:$0x3FB1] =	sst s9;
	s0 =	simm.s32 @!p0 $0x0  }
0x12: {  	s1 =	sld [smem:$0x3F97];
	s0 =	simm.s32 @p0 $0x1  }
0x13: {  	[smem:$0x3FB2] =	sst s0;
	s0 =	simm.s32 @!p1 $0x0  }
0x14: {  	s2 =	sld [smem:$0x3F96];
	s0 =	simm.s32 @p1 $0x1  }
0x15: {  	[smem:$0x3FB3] =	sst s0;
	s0 =	simm.s32 @!p2 $0x0  }
0x16: {  	s3 =	sld [smem:$0x3FDB];
	s0 =	simm.s32 @p2 $0x1  }
0x17: {  	s4 =	simm.s32 $0x1BF5;
	[smem:$0x3FB5] =	sst s0  }
0x18: {  	s0 =	sld [smem:$0x3F98];
	_ =	swait.ge [sflag:s4], $0x0  }
0x19: {  	s7 =	sld [smem:$0x3F99]  }
0x1a: {  	s8 =	sadd.s32 $0xFFFFE003, lr  }
0x1b: {  	s9 =	sadd.s32 $0xFFFFFEF7, lr;
	s5 =	simm.s32 $0xFFFFFFFF;
	p2 =	slt.u32 s8, $0xFFFFF086  }
0x1c: {  	p1 =	slt.u32 s9, $0xF7A;
	s5 =	simm.s32 @!p2 $0x0  }
0x1d: {  	s5 =	simm.s32 @p1 $0x1;
	p0 =	seq.s32 s7, s2  }
0x1e: {  	s7 =	smul.u32 @!p0 $0xF7A, s2;
	p2 =	seq.s32 @!p0 s5, $0x0  }
0x1f: {  	s9 =	smul.u32 $0xF7A, s1;
	s8 =	simm.s32 @!p0 $0x1BF5;
	p2 =	por !p2, p0  }
0x20: {  	[sflag:s8] =	ssyncset.s32 @!p0 $0xFFFFF086;
	s6 =	sadd.s32 @!p0 s3, s7;
	s7 =	simm.s32 @!p0 $0x108  }
0x21: {  	s3 =	sadd.s32 s3, s9;
	s6 =	sadd.s32 @!p0 $0x88, s6;
	s7 =	simm.s32 @p2 $0x1082  }
0x22: {  	[simem:s7], [sflag:s8] =	dma.local @!p0 [hbm:s6], $0xF7A  }
0x23: {  	s9 =	sor.u32 $0xD0000000, s2;
	s6 =	simm.s32 $0x108;
	_ =	swait.ge @!p0 [sflag:s8], $0x0  }
0x24: {  	s3 =	sadd.s32 $0x88, s3;
	s6 =	simm.s32 @!p1 $0x1082;
	[sflag:s4] =	ssyncset.s32 $0xFFFFF086  }
0x25: {  	[simem:s6], [sflag:s4] =	dma.local [hbm:s3], $0xF7A  }
0x26: {  	[smem:$0x3F99] =	sst s1;
	(tag) =	ssettag s2;
	_ =	strace s9  }
0x27: {  	s1 =	sld [smem:$0x3FA9]  }
0x28: {  	s2 =	sld [smem:$0x3FAA]  }
0x29: {  	s4 =	sld [smem:$0x3FAC]  }
0x2a: {  	p0 =	seq.s32 s5, $0x0;
	s5 =	sld [smem:$0x3FAD]  }
0x2b: {  	s6 =	sld [smem:$0x3FAE]  }
0x2c: {  	s7 =	sld [smem:$0x3FAF]  }
0x2d: {  	s3 =	simm.s32 $0x108;
	s8 =	sld [smem:$0x3FB0]  }
0x2e: {  	s3 =	simm.s32 @!p0 $0x1082;
	s9 =	sld [smem:$0x3FB1]  }
0x2f: {  	lr =	sadd.s32 s0, s3;
	s0 =	sld [smem:$0x3FA8]  }
0x30: {  	s3 =	sld [smem:$0x3FAB]  }
0x31: {  	[smem:$0x3FB4] =	sst s10  }
0x32: {  	s10 =	sld [smem:$0x3FB2];
	_ =	sdelay $0x3  }
0x33: {  	p0 =	seq.s32 s10, $0x1;
	s10 =	sld [smem:$0x3FB4];
	_ =	sdelay $0x3  }
0x34: {  	[smem:$0x3FB4] =	sst s10  }
0x35: {  	s10 =	sld [smem:$0x3FB3];
	_ =	sdelay $0x3  }
0x36: {  	p1 =	seq.s32 s10, $0x1;
	s10 =	sld [smem:$0x3FB4];
	_ =	sdelay $0x3  }
0x37: {  	[smem:$0x3FB4] =	sst s10  }
0x38: {  	s10 =	sld [smem:$0x3FB5]  }
0x39: {  	_ = 	snop;
	(pc) =	sbr.ind lr, $3  }
0x3a: {  	_ = 	snop  }
0x3b: {  	_ = 	snop  }
0x3c: {  	p2 =	seq.s32 s10, $0x1;
	s10 =	sld [smem:$0x3FB4]  }
0x3d: {  	_ =	shalt  }
0x3e: {  	_ =	shalt  }
0x3f: {  	_ =	shalt  }
0x40: {  	_ =	shalt  }
0x41: {  	_ =	shalt  }
0x42: {  	_ =	shalt  }
0x43: {  	_ =	shalt  }
0x44: {  	_ =	shalt  }
0x45: {  	_ =	shalt  }
0x46: {  	_ =	shalt  }
0x47: {  	_ =	shalt  }
0x48: {  	_ =	shalt  }
0x49: {  	_ =	shalt  }
0x4a: {  	_ =	shalt  }
0x4b: {  	_ =	shalt  }
0x4c: {  	_ =	shalt  }
0x4d: {  	_ =	shalt  }
0x4e: {  	_ =	shalt  }
0x4f: {  	_ =	shalt  }
0x50: {  	_ =	shalt  }
0x51: {  	_ =	shalt  }
0x52: {  	_ =	shalt  }
0x53: {  	_ =	shalt  }
0x54: {  	_ =	shalt  }
0x55: {  	_ =	shalt  }
0x56: {  	_ =	shalt  }
0x57: {  	_ =	shalt  }
0x58: {  	_ =	shalt  }
0x59: {  	_ =	shalt  }
0x5a: {  	_ =	shalt  }
0x5b: {  	_ =	shalt  }
0x5c: {  	_ =	shalt  }
0x5d: {  	_ =	shalt  }
0x5e: {  	_ =	shalt  }
0x5f: {  	_ =	shalt  }
0x60: {  	_ =	shalt  }
0x61: {  	_ =	shalt  }
0x62: {  	_ =	shalt  }
0x63: {  	_ =	shalt  }
0x64: {  	_ =	shalt  }
0x65: {  	_ =	shalt  }
0x66: {  	_ =	shalt  }
0x67: {  	_ =	shalt  }
0x68: {  	_ =	shalt  }
0x69: {  	_ =	shalt  }
0x6a: {  	_ =	shalt  }
0x6b: {  	_ =	shalt  }
0x6c: {  	_ =	shalt  }
0x6d: {  	_ =	shalt  }
0x6e: {  	_ =	shalt  }
0x6f: {  	_ =	shalt  }
0x70: {  	_ =	shalt  }
0x71: {  	_ =	shalt  }
0x72: {  	_ =	shalt  }
0x73: {  	_ =	shalt  }
0x74: {  	_ =	shalt  }
0x75: {  	_ =	shalt  }
0x76: {  	_ =	shalt  }
0x77: {  	_ =	shalt  }
0x78: {  	_ =	shalt  }
0x79: {  	_ =	shalt  }
0x7a: {  	_ =	shalt  }
0x7b: {  	_ =	shalt  }
0x7c: {  	_ =	shalt  }
0x7d: {  	_ =	shalt  }
0x7e: {  	_ =	shalt  }
0x7f: {  	_ =	shalt  }
0x80: {  	_ =	shalt  }
0x81: {  	_ =	shalt  }
0x82: {  	_ =	shalt  }
0x83: {  	_ =	shalt  }
0x84: {  	_ =	shalt  }
0x85: {  	_ =	shalt  }
0x86: {  	_ =	shalt  }
0x87: {  	_ =	shalt  }
.Lfunc_end0:
.L_simem_size_0:
called_computation.2_lowered:
.L_overlay_start_0:
0x88: {  	s2 =	sld [smem:$0x3FD9]  }
0x89: {  	s3 =	sld [smem:$0x3FFE];
	_ =	sdelay $0x1  }
0x8a: {  	s1 =	srdreg.scid  }
0x8b: {  	s0 =	sand.u32 $0x1, s1  }
0x8c: {  	s17 =	sshll.u32 s0, $0xA;
	s2 =	sadd.s32 s3, s2  }
0x8d: {  	s2 =	sadd.s32 s2, s17  }
0x8e: {  	[smem:$0x3FC0] =	sst s2  }
0x8f: {  	_ = 	snop  }
0x90: {  	s2 =	sld [smem:$0x3FD0];
	(tm) =	ssettm $0x1  }
0x91: {  	s18 =	sld [smem:$0x3FFB];
	_ =	sdelay $0x3  }
0x92: {  	_ =	strace s18  }
0x93: {  	s3 =	sld [smem:$0x3FFC];
	_ =	sdelay $0x3  }
0x94: {  	_ =	strace s3  }
0x95: {  	s3 =	sld [smem:$0x3FFD];
	_ =	sdelay $0x3  }
0x96: {  	_ =	strace s3  }
0x97: {  	_ =	strace $0x8FFFFFFF  }
0x98: {  	s19 =	sld [smem:$0x3FDB];
	_ =	sdelay $0x1  }
0x99: {  	s4 =	simm.s32 $_scs_section_size  }
0x9a: {  	s5 =	simm.s32 $_size__tile_overlayer_lowered;
	s6 =	simm.s32 $_tile_overlayer_lowered  }
0x9b: {  	s22 =	simm.s32 $0x1BFF;
	s21 =	sshll.u32 s6, $0x1;
	s3 =	sadd.s32 s4, s19  }
0x9c: {  	s7 =	simm.s32 $0x0;
	s20 =	sshll.u32 s5, $0x1;
	s5 =	sadd.s32 s21, s3  }
0x9d: {  	[timem:s7], [sflag:s22] =	dma.local [hbm:s5], s20  }
0x9e: {  	_ =	swait.ge [sflag:s22], s20  }
0x9f: {  	s4 =	ssub.s32 $0x0, s20;
	[sflag:s22] =	ssyncset.done $0x0  }
0xa0: {  	[sflag:s22] =	ssyncadd.s32 s4;
	_ =	sdelay $0x1  }
0xa1: {  	s23 =	simm.s32 $0x1B8B  }
0xa2: {  	_ =	swait.ge [sflag:s23], $0x1  }
0xa3: {  	[sflag:s23] =	ssyncset.done $0x0  }
0xa4: {  	s25 =	simm.s32 $0x1B8E;
	s24 =	sld [smem:$0x3FFE];
	[sflag:s23] =	ssyncadd.s32 $0xFFFFFFFF  }
0xa5: {  	s26 =	simm.s32 $execute0_lowered;
	[smem:$0x3FD2] =	sst s25  }
0xa6: {  	s5 =	sshll.u32 s26, $0x1;
	_ =	strace $0x8000004C;
	[dreg:$0x1] =	wrdreg $0xFFFFFFFF  }
0xa7: {  	s28 =	simm.s32 $_size_execute0_lowered;
	s3 =	sadd.s32 s3, s5;
	[dreg:$0x0] =	wrdreg $0x0  }
0xa8: {  	s5 =	sshll.u32 s28, $0x1;
	[dreg:$0x2] =	wrdreg s3  }
0xa9: {  	[dreg:$0x3] =	wrdreg s5  }
0xaa: {  	[dreg:$0x4] =	wrdreg $0xC0  }
0xab: {  	_ =	task [dreg:s7], $0x5FFFF  }
0xac: {  	[dreg:$0x1] =	wrdreg $0xFFFFFFFF  }
0xad: {  	[dreg:$0x0] =	wrdreg $0x60  }
0xae: {  	[dreg:$0x2] =	wrdreg s24  }
0xaf: {  	[dreg:$0x3] =	wrdreg s2  }
0xb0: {  	[dreg:$0x4] =	wrdreg $0xA0000  }
0xb1: {  	[dreg:$0x5] =	wrdreg $0x0  }
0xb2: {  	[dreg:$0x6] =	wrdreg $0x9  }
0xb3: {  	_ =	task.clear_ibuf [dreg:s7], $0x7FFFF;
	_ =	strace $0x9000004C  }
0xb4: {  	s29 =	simm.s32 $0x9;
	_ =	strace $0x8000004E  }
0xb5: {  	_ =	swait.ge [sflag:s29], $0x1  }
0xb6: {  	[sflag:s29] =	ssyncadd.s32 $0xFFFFFFFF  }
0xb7: {  	_ =	strace $0x9000004E  }
0xb8: {  	_ =	sfence  }
0xb9: {  	s30 =	sld [smem:$0x0];
	_ =	sdelay $0x2  }
0xba: {  	s31 =	sshll.u32 s1, $0xD;
	s1 =	sshrl.u32 s1, $0x2  }
0xbb: {  	s3 =	sand.u32 $0x4000, s31;
	s1 =	sadd.s32 s1, s30  }
0xbc: {  	s0 =	sor.u32 s3, s0;
	s1 =	sshll.u32 s1, $0x11  }
0xbd: {  	s0 =	sor.u32 s1, s0  }
0xbe: {  	s0 =	sadd.s32 $0x8F2B, s0  }
0xbf: {  	[sflag:s0] =	ssyncadd.remote.s32 $0x1  }
0xc0: {  	_ =	sfence.sel $0xFFFF  }
0xc1: {  	[dreg:$0x0] =	wrdreg $0xFFFFFFFF;
	(pc) =	sbr.abs _section_cstart, $3  }
0xc2: {  	[dreg:$0x1] =	wrdreg $0xFFFFFFFF  }
0xc3: {  	_ =	task.clear_ibuf [dreg:s7], $0x2FFFF;
	_ =	strace $0x9FFFFFFF  }
0xc4: {  	(tm) =	ssettm $0x7FFFFFFF  }
0xc5: {  	_ =	shalt  }
tec
execute0_lowered:
.L_overlay_start_1:
0x0: {  	(tag) =	ssettag $0x1  }
0x1: {  	s0 =	rddreg [dreg:$0x0]  }
0x2: {  	s1 =	rddreg [dreg:$0x1]  }
0x3: {  	s2 =	rddreg [dreg:$0x2]  }
0x4: {  	s3 =	rddreg [dreg:$0x3];
	s4 =	simm.s32 $0x0  }
0x5: {  	s25 =	simm.s32 $0x14080;
	[smem:$0x7FF] =	sst s4  }
0x6: {  	s10 =	simm.s32 $0x14100;
	_ =	strace $0x8000004D;
	[dreg:$0x7] =	wrdreg s25  }
0x7: {  	s11 =	simm.s32 $0x14180;
	[dreg:$0x8] =	wrdreg s10  }
0x8: {  	s12 =	simm.s32 $0x14A80;
	[dreg:$0x9] =	wrdreg s11  }
0x9: {  	s9 =	stileid.u32;
	s13 =	simm.s32 $0x14200;
	[dreg:$0xa] =	wrdreg s12  }
0xa: {  	s23 =	srdreg.scid;
	s14 =	simm.s32 $0x14B00;
	[dreg:$0xb] =	wrdreg s13  }
0xb: {  	s15 =	simm.s32 $0x14280;
	s17 =	simm.s32 $0x14B80;
	[dreg:$0xc] =	wrdreg s14  }
0xc: {  	s18 =	simm.s32 $0x14300;
	s20 =	simm.s32 $0x14C00;
	[dreg:$0xd] =	wrdreg s15  }
0xd: {  	s21 =	simm.s32 $0x14380;
	s28 =	simm.s32 $0x8;
	[dreg:$0xe] =	wrdreg s17  }
0xe: {  	s29 =	simm.s32 $0x14880;
	s30 =	simm.s32 $0x15180;
	[dreg:$0xf] =	wrdreg s18  }
0xf: {  	s31 =	simm.s32 $0x14900;
	s5 =	smul.u32 $0xA00, s9;
	[dreg:$0x10] =	wrdreg s20  }
0x10: {  	s6 =	smul.u32 $0xA000, s9;
	s22 =	sshll.u32 s9, $0x6;
	[dreg:$0x11] =	wrdreg s21  }
0x11: {  	s9 =	sor.u32 $0x1C09, s22;
	s25 =	simm.s32 $0x14D00;
	s10 =	simm.s32 $0x14D80  }
0x12: {  	s12 =	simm.s32 $0x14500;
	s13 =	simm.s32 $0x14E00;
	[dreg:$0x14] =	wrdreg s25  }
0x13: {  	s14 =	simm.s32 $0x14580;
	s17 =	simm.s32 $0x14600;
	[dreg:$0x16] =	wrdreg s10  }
0x14: {  	s18 =	simm.s32 $0x14F00;
	s20 =	simm.s32 $0x14F80;
	[dreg:$0x17] =	wrdreg s12  }
0x15: {  	s21 =	simm.s32 $0x14700;
	s22 =	simm.s32 $0x15000;
	[dreg:$0x18] =	wrdreg s13  }
0x16: {  	s7 =	sadd.s32 s5, s0;
	s8 =	sshrl.u32 s6, $0x3;
	[dreg:$0x19] =	wrdreg s14  }
0x17: {  	s1 =	sadd.s32 s5, s1;
	s5 =	sand.u32 $0x1, s23;
	[dreg:$0x1b] =	wrdreg s17  }
0x18: {  	s19 =	sadd.s32 s6, s2;
	s23 =	simm.s32 $0x14C80;
	[dreg:$0x1c] =	wrdreg s18  }
0x19: {  	s13 =	simm.s32 $0x14000;
	s14 =	simm.s32 $0x14A00;
	[dreg:$0x1e] =	wrdreg s20  }
0x1a: {  	s17 =	simm.s32 $0x17400;
	s18 =	simm.s32 $0x19400;
	[dreg:$0x1f] =	wrdreg s21  }
0x1b: {  	[smem:$0x7F7] =	sst s22;
	s20 =	simm.s32 $0x1B400;
	s21 =	simm.s32 $0x2  }
0x1c: {  	s25 =	simm.s32 $0x14800;
	s22 =	simm.s32 $0x5;
	[smem:$0x7FC] =	sst s9  }
0x1d: {  	s12 =	simm.s32 $0x0;
	[dreg:$0x5] =	wrdreg s1;
	s24 =	sadd.s32 $0xC600, s7  }
0x1e: {  	s26 =	smul.u32 $0xA0000, s5;
	s8 =	sadd.s32 s8, s0;
	[dreg:$0x12] =	wrdreg s23  }
0x1f: {  	s5 =	ssub.s32 $0x2, s5;
	s10 =	sshrl.u32 s19, $0x3;
	[smem:$0x7FA] =	sst s25  }
0x20: {  	s19 =	simm.s32 $0x14680;
	s23 =	simm.s32 $0x14780;
	[dreg:$0x6] =	wrdreg s24  }
0x21: {  	s25 =	simm.s32 $0x4;
	s1 =	simm.s32 $0x14980;
	[dreg:$0x1d] =	wrdreg s19  }
0x22: {  	s16 =	sshrl.u32 s5, $0x1;
	s8 =	sadd.s32 $0x8E600, s8;
	[smem:$0x7F8] =	sst s23  }
0x23: {  	s24 =	simm.s32 $0x14400;
	s19 =	simm.s32 $0x1;
	[smem:$0x7FD] =	sst s10  }
0x24: {  	s23 =	simm.s32 $0x3;
	s7 =	sadd.s32 s6, s26;
	[smem:$0x7F2] =	sst s8  }
0x25: {  	s5 =	ssub.s32 s5, s16;
	s6 =	sadd.s32 s6, s3;
	[dreg:$0x13] =	wrdreg s24  }
0x26: {  	s8 =	simm.s32 $0x14480;
	s16 =	simm.s32 $0x14E80;
	s24 =	simm.s32 $0x15080  }
0x27: {  	s7 =	sshrl.u32 s7, $0x3;
	[dreg:$0x15] =	wrdreg s8;
	s11 =	smax.u32 s5, $0x1  }
0x28: {  	s15 =	sshrl.u32 s6, $0x3;
	[dreg:$0x1a] =	wrdreg s16;
	s16 =	simm.s32 $0x15400  }
0x29: {  	[smem:$0x7F9] =	sst s24;
	s24 =	simm.s32 $0x6;
	s5 =	simm.s32 $0x15280  }
0x2a: {  	s8 =	simm.s32 $0x15380;
	s0 =	sadd.s32 s7, s0;
	[smem:$0x7F5] =	sst s11  }
0x2b: {  	s11 =	simm.s32 $0x9;
	[smem:$0x7F6] =	sst s15;
	s26 =	sadd.s32 $0x66600, s0  }
0x2c: {  	s15 =	simm.s32 $0x80;
	s0 =	sadd.s32 $0xA2600, s0;
	[smem:$0x7F3] =	sst s26  }
0x2d: {  	s7 =	simm.s32 $0x15300;
	[smem:$0x7F4] =	sst s0;
	s26 =	simm.s32 $0x15100  }
0x2e: {  	s0 =	simm.s32 $0x15200;
	[smem:$0x7FB] =	sst s26;
	s26 =	simm.s32 $0x7  }
.LBB2_1:
0x2f: {  	s6 =	sld [smem:$0x7F2];
	_ =	sdelay $0x1  }
0x30: {  	[smem:$0x7F1] =	sst s12  }
0x31: {  	[spmem:s10], [sflag:s9] =	dma.local [hbm:s6], $0x1400  }
0x32: {  	_ =	swait.ge [sflag:s11], $0x1400  }
0x33: {  	s10 =	sld [smem:$0x7F3]  }
0x34: {  	s12 =	sld [smem:$0x7F6]  }
0x35: {  	[sflag:s11] =	ssyncset.done $0x0  }
0x36: {  	[sflag:s11] =	ssyncadd.s32 $0xFFFFEC00  }
0x37: {  	[spmem:s12], [sflag:s9] =	dma.local [hbm:s10], $0x1400  }
0x38: {  	_ =	swait.ge [sflag:s11], $0x1400  }
0x39: {  	[sflag:s11] =	ssyncset.done $0x0  }
0x3a: {  	[sflag:s11] =	ssyncadd.s32 $0xFFFFEC00  }
0x3b: {  	[bflag:$0x0] =	sbarrier.arrive $0xFFFF  }
0x3c: {  	s9 =	rddreg [dreg:$0x6]  }
0x3d: {  	s6 =	sadd.s32 $0x0, s9  }
0x3e: {  	[tilespmem:s13], [sflag:$0x9] =	stream.linear.gather [hbm4b:s6+s4], $0xA00, $0x38;
	[tilespmem:$0x1D400] =	vst v63  }
0x3f: {  	_ =	swait.ge [sflag:s11], $0xA00  }
0x40: {  	s10 =	rddreg [dreg:$0x5];
	[sflag:s11] =	ssyncset.done $0x0  }
0x41: {  	[sflag:s11] =	ssyncadd.s32 $0xFFFFF600;
	s6 =	sadd.s32 $0x0, s10  }
0x42: {  	[tilespmem:s14], [sflag:$0x9] =	stream.linear.gather [hbm4b:s6+s4], $0xA00, $0x38;
	[tilespmem:$0x1D400] =	vst v63  }
0x43: {  	_ =	swait.ge [sflag:s11], $0xA00  }
0x44: {  	[sflag:s11] =	ssyncset.done $0x0  }
0x45: {  	[sflag:s11] =	ssyncadd.s32 $0xFFFFF600  }
0x46: {  	[tilespmem:s16], [sflag:$0x1] =	stream.indirect.gather [spmem:s3], $0x40, s13, s15, $0xb8;
	[tilespmem:$0x1D400] =	vst v63  }
0x47: {  	s12 =	rddreg [dreg:$0x7]  }
0x48: {  	[tilespmem:s17], [sflag:$0x2] =	stream.indirect.gather [spmem:s3], $0x40, s12, s15, $0xb8;
	[tilespmem:$0x1D400] =	vst v63  }
0x49: {  	s9 =	rddreg [dreg:$0x8]  }
0x4a: {  	[tilespmem:s18], [sflag:$0x3] =	stream.indirect.gather [spmem:s3], $0x40, s9, s15, $0xb8;
	[tilespmem:$0x1D400] =	vst v63  }
0x4b: {  	_ =	swait.ge [sflag:s19], $0x2000  }
0x4c: {  	[sflag:s19] =	ssyncset.done $0x0  }
0x4d: {  	[sflag:s19] =	ssyncadd.s32 $0xFFFFE000  }
0x4e: {  	[spmem:s2] =	stream.indirect.scatter.add.f32 [tilespmem:s16], [sflag:$0x5], $0x40, s14, s15, $0xb8;
	[tilespmem:$0x1D400] =	vst v63  }
0x4f: {  	s12 =	rddreg [dreg:$0x9]  }
0x50: {  	[tilespmem:s20], [sflag:$0x4] =	stream.indirect.gather [spmem:s3], $0x40, s12, s15, $0xb8;
	[tilespmem:$0x1D400] =	vst v63  }
0x51: {  	_ =	swait.ge [sflag:s21], $0x2000  }
0x52: {  	[sflag:s21] =	ssyncset.done $0x0  }
0x53: {  	s9 =	rddreg [dreg:$0xa];
	[sflag:s21] =	ssyncadd.s32 $0xFFFFE000  }
0x54: {  	[spmem:s2] =	stream.indirect.scatter.add.f32 [tilespmem:s17], [sflag:$0x6], $0x40, s9, s15, $0xb8;
	[tilespmem:$0x1D400] =	vst v63  }
0x55: {  	_ =	swait.ge [sflag:s22], $0x2000  }
0x56: {  	[sflag:s22] =	ssyncset.done $0x0  }
0x57: {  	s10 =	rddreg [dreg:$0xb];
	[sflag:s22] =	ssyncadd.s32 $0xFFFFE000  }
0x58: {  	[tilespmem:s16], [sflag:$0x1] =	stream.indirect.gather [spmem:s3], $0x40, s10, s15, $0xb8;
	[tilespmem:$0x1D400] =	vst v63  }
0x59: {  	_ =	swait.ge [sflag:s23], $0x2000  }
0x5a: {  	[sflag:s23] =	ssyncset.done $0x0  }
0x5b: {  	s12 =	rddreg [dreg:$0xc];
	[sflag:s23] =	ssyncadd.s32 $0xFFFFE000  }
0x5c: {  	[spmem:s2] =	stream.indirect.scatter.add.f32 [tilespmem:s18], [sflag:$0x7], $0x40, s12, s15, $0xb8;
	[tilespmem:$0x1D400] =	vst v63  }
0x5d: {  	_ =	swait.ge [sflag:s24], $0x2000  }
0x5e: {  	[sflag:s24] =	ssyncset.done $0x0  }
0x5f: {  	s9 =	rddreg [dreg:$0xd];
	[sflag:s24] =	ssyncadd.s32 $0xFFFFE000  }
0x60: {  	[tilespmem:s17], [sflag:$0x2] =	stream.indirect.gather [spmem:s3], $0x40, s9, s15, $0xb8;
	[tilespmem:$0x1D400] =	vst v63  }
0x61: {  	_ =	swait.ge [sflag:s25], $0x2000  }
0x62: {  	[sflag:s25] =	ssyncset.done $0x0  }
0x63: {  	s10 =	rddreg [dreg:$0xe];
	[sflag:s25] =	ssyncadd.s32 $0xFFFFE000  }
0x64: {  	[spmem:s2] =	stream.indirect.scatter.add.f32 [tilespmem:s20], [sflag:$0x8], $0x40, s10, s15, $0xb8;
	[tilespmem:$0x1D400] =	vst v63  }
0x65: {  	_ =	swait.ge [sflag:s26], $0x2000  }
0x66: {  	[sflag:s26] =	ssyncset.done $0x0  }
0x67: {  	s12 =	rddreg [dreg:$0xf];
	[sflag:s26] =	ssyncadd.s32 $0xFFFFE000  }
0x68: {  	[tilespmem:s18], [sflag:$0x3] =	stream.indirect.gather [spmem:s3], $0x40, s12, s15, $0xb8;
	[tilespmem:$0x1D400] =	vst v63  }
0x69: {  	_ =	swait.ge [sflag:s19], $0x2000  }
0x6a: {  	[sflag:s19] =	ssyncset.done $0x0  }
0x6b: {  	s9 =	rddreg [dreg:$0x10];
	[sflag:s19] =	ssyncadd.s32 $0xFFFFE000  }
0x6c: {  	[spmem:s2] =	stream.indirect.scatter.add.f32 [tilespmem:s16], [sflag:$0x5], $0x40, s9, s15, $0xb8;
	[tilespmem:$0x1D400] =	vst v63  }
0x6d: {  	_ =	swait.ge [sflag:s28], $0x2000  }
0x6e: {  	[sflag:s28] =	ssyncset.done $0x0  }
0x6f: {  	s10 =	rddreg [dreg:$0x11];
	[sflag:s28] =	ssyncadd.s32 $0xFFFFE000  }
0x70: {  	[tilespmem:s20], [sflag:$0x4] =	stream.indirect.gather [spmem:s3], $0x40, s10, s15, $0xb8;
	[tilespmem:$0x1D400] =	vst v63  }
0x71: {  	_ =	swait.ge [sflag:s21], $0x2000  }
0x72: {  	[sflag:s21] =	ssyncset.done $0x0  }
0x73: {  	s12 =	rddreg [dreg:$0x12];
	[sflag:s21] =	ssyncadd.s32 $0xFFFFE000  }
0x74: {  	[spmem:s2] =	stream.indirect.scatter.add.f32 [tilespmem:s17], [sflag:$0x6], $0x40, s12, s15, $0xb8;
	[tilespmem:$0x1D400] =	vst v63  }
0x75: {  	_ =	swait.ge [sflag:s22], $0x2000  }
0x76: {  	[sflag:s22] =	ssyncset.done $0x0  }
0x77: {  	s9 =	rddreg [dreg:$0x13];
	[sflag:s22] =	ssyncadd.s32 $0xFFFFE000  }
0x78: {  	[tilespmem:s16], [sflag:$0x1] =	stream.indirect.gather [spmem:s3], $0x40, s9, s15, $0xb8;
	[tilespmem:$0x1D400] =	vst v63  }
0x79: {  	_ =	swait.ge [sflag:s23], $0x2000  }
0x7a: {  	[sflag:s23] =	ssyncset.done $0x0  }
0x7b: {  	s10 =	rddreg [dreg:$0x14];
	[sflag:s23] =	ssyncadd.s32 $0xFFFFE000  }
0x7c: {  	[spmem:s2] =	stream.indirect.scatter.add.f32 [tilespmem:s18], [sflag:$0x7], $0x40, s10, s15, $0xb8;
	[tilespmem:$0x1D400] =	vst v63  }
0x7d: {  	_ =	swait.ge [sflag:s24], $0x2000  }
0x7e: {  	[sflag:s24] =	ssyncset.done $0x0  }
0x7f: {  	s12 =	rddreg [dreg:$0x15];
	[sflag:s24] =	ssyncadd.s32 $0xFFFFE000  }
0x80: {  	[tilespmem:s17], [sflag:$0x2] =	stream.indirect.gather [spmem:s3], $0x40, s12, s15, $0xb8;
	[tilespmem:$0x1D400] =	vst v63  }
0x81: {  	_ =	swait.ge [sflag:s25], $0x2000  }
0x82: {  	[sflag:s25] =	ssyncset.done $0x0  }
0x83: {  	s9 =	rddreg [dreg:$0x16];
	[sflag:s25] =	ssyncadd.s32 $0xFFFFE000  }
0x84: {  	[spmem:s2] =	stream.indirect.scatter.add.f32 [tilespmem:s20], [sflag:$0x8], $0x40, s9, s15, $0xb8;
	[tilespmem:$0x1D400] =	vst v63  }
0x85: {  	_ =	swait.ge [sflag:s26], $0x2000  }
0x86: {  	[sflag:s26] =	ssyncset.done $0x0  }
0x87: {  	s10 =	rddreg [dreg:$0x17];
	[sflag:s26] =	ssyncadd.s32 $0xFFFFE000  }
0x88: {  	[tilespmem:s18], [sflag:$0x3] =	stream.indirect.gather [spmem:s3], $0x40, s10, s15, $0xb8;
	[tilespmem:$0x1D400] =	vst v63  }
0x89: {  	_ =	swait.ge [sflag:s19], $0x2000  }
0x8a: {  	[sflag:s19] =	ssyncset.done $0x0  }
0x8b: {  	s12 =	rddreg [dreg:$0x18];
	[sflag:s19] =	ssyncadd.s32 $0xFFFFE000  }
0x8c: {  	[spmem:s2] =	stream.indirect.scatter.add.f32 [tilespmem:s16], [sflag:$0x5], $0x40, s12, s15, $0xb8;
	[tilespmem:$0x1D400] =	vst v63  }
0x8d: {  	_ =	swait.ge [sflag:s28], $0x2000  }
0x8e: {  	[sflag:s28] =	ssyncset.done $0x0  }
0x8f: {  	s9 =	rddreg [dreg:$0x19];
	[sflag:s28] =	ssyncadd.s32 $0xFFFFE000  }
0x90: {  	[tilespmem:s20], [sflag:$0x4] =	stream.indirect.gather [spmem:s3], $0x40, s9, s15, $0xb8;
	[tilespmem:$0x1D400] =	vst v63  }
0x91: {  	_ =	swait.ge [sflag:s21], $0x2000  }
0x92: {  	[sflag:s21] =	ssyncset.done $0x0  }
0x93: {  	s10 =	rddreg [dreg:$0x1a];
	[sflag:s21] =	ssyncadd.s32 $0xFFFFE000  }
0x94: {  	[spmem:s2] =	stream.indirect.scatter.add.f32 [tilespmem:s17], [sflag:$0x6], $0x40, s10, s15, $0xb8;
	[tilespmem:$0x1D400] =	vst v63  }
0x95: {  	_ =	swait.ge [sflag:s22], $0x2000  }
0x96: {  	[sflag:s22] =	ssyncset.done $0x0  }
0x97: {  	s12 =	rddreg [dreg:$0x1b];
	[sflag:s22] =	ssyncadd.s32 $0xFFFFE000  }
0x98: {  	[tilespmem:s16], [sflag:$0x1] =	stream.indirect.gather [spmem:s3], $0x40, s12, s15, $0xb8;
	[tilespmem:$0x1D400] =	vst v63  }
0x99: {  	_ =	swait.ge [sflag:s23], $0x2000  }
0x9a: {  	[sflag:s23] =	ssyncset.done $0x0  }
0x9b: {  	s9 =	rddreg [dreg:$0x1c];
	[sflag:s23] =	ssyncadd.s32 $0xFFFFE000  }
0x9c: {  	[spmem:s2] =	stream.indirect.scatter.add.f32 [tilespmem:s18], [sflag:$0x7], $0x40, s9, s15, $0xb8;
	[tilespmem:$0x1D400] =	vst v63  }
0x9d: {  	_ =	swait.ge [sflag:s24], $0x2000  }
0x9e: {  	[sflag:s24] =	ssyncset.done $0x0  }
0x9f: {  	s10 =	rddreg [dreg:$0x1d];
	[sflag:s24] =	ssyncadd.s32 $0xFFFFE000  }
0xa0: {  	[tilespmem:s17], [sflag:$0x2] =	stream.indirect.gather [spmem:s3], $0x40, s10, s15, $0xb8;
	[tilespmem:$0x1D400] =	vst v63  }
0xa1: {  	_ =	swait.ge [sflag:s25], $0x2000  }
0xa2: {  	[sflag:s25] =	ssyncset.done $0x0  }
0xa3: {  	s12 =	rddreg [dreg:$0x1e];
	[sflag:s25] =	ssyncadd.s32 $0xFFFFE000  }
0xa4: {  	[spmem:s2] =	stream.indirect.scatter.add.f32 [tilespmem:s20], [sflag:$0x8], $0x40, s12, s15, $0xb8;
	[tilespmem:$0x1D400] =	vst v63  }
0xa5: {  	_ =	swait.ge [sflag:s26], $0x2000  }
0xa6: {  	[sflag:s26] =	ssyncset.done $0x0  }
0xa7: {  	s9 =	rddreg [dreg:$0x1f];
	[sflag:s26] =	ssyncadd.s32 $0xFFFFE000  }
0xa8: {  	[tilespmem:s18], [sflag:$0x3] =	stream.indirect.gather [spmem:s3], $0x40, s9, s15, $0xb8;
	[tilespmem:$0x1D400] =	vst v63  }
0xa9: {  	_ =	swait.ge [sflag:s19], $0x2000  }
0xaa: {  	s10 =	sld [smem:$0x7F7]  }
0xab: {  	[sflag:s19] =	ssyncset.done $0x0  }
0xac: {  	[sflag:s19] =	ssyncadd.s32 $0xFFFFE000  }
0xad: {  	[spmem:s2] =	stream.indirect.scatter.add.f32 [tilespmem:s16], [sflag:$0x5], $0x40, s10, s15, $0xb8;
	[tilespmem:$0x1D400] =	vst v63  }
0xae: {  	_ =	swait.ge [sflag:s28], $0x2000  }
0xaf: {  	s12 =	sld [smem:$0x7F8]  }
0xb0: {  	[sflag:s28] =	ssyncset.done $0x0  }
0xb1: {  	[sflag:s28] =	ssyncadd.s32 $0xFFFFE000  }
0xb2: {  	[tilespmem:s20], [sflag:$0x4] =	stream.indirect.gather [spmem:s3], $0x40, s12, s15, $0xb8;
	[tilespmem:$0x1D400] =	vst v63  }
0xb3: {  	_ =	swait.ge [sflag:s21], $0x2000  }
0xb4: {  	s9 =	sld [smem:$0x7F9]  }
0xb5: {  	[sflag:s21] =	ssyncset.done $0x0  }
0xb6: {  	[sflag:s21] =	ssyncadd.s32 $0xFFFFE000  }
0xb7: {  	[spmem:s2] =	stream.indirect.scatter.add.f32 [tilespmem:s17], [sflag:$0x6], $0x40, s9, s15, $0xb8;
	[tilespmem:$0x1D400] =	vst v63  }
0xb8: {  	_ =	swait.ge [sflag:s22], $0x2000  }
0xb9: {  	s10 =	sld [smem:$0x7FA]  }
0xba: {  	[sflag:s22] =	ssyncset.done $0x0  }
0xbb: {  	[sflag:s22] =	ssyncadd.s32 $0xFFFFE000  }
0xbc: {  	[tilespmem:s16], [sflag:$0x1] =	stream.indirect.gather [spmem:s3], $0x40, s10, s15, $0xb8;
	[tilespmem:$0x1D400] =	vst v63  }
0xbd: {  	_ =	swait.ge [sflag:s23], $0x2000  }
0xbe: {  	s12 =	sld [smem:$0x7FB]  }
0xbf: {  	[sflag:s23] =	ssyncset.done $0x0  }
0xc0: {  	[sflag:s23] =	ssyncadd.s32 $0xFFFFE000  }
0xc1: {  	[spmem:s2] =	stream.indirect.scatter.add.f32 [tilespmem:s18], [sflag:$0x7], $0x40, s12, s15, $0xb8;
	[tilespmem:$0x1D400] =	vst v63  }
0xc2: {  	_ =	swait.ge [sflag:s24], $0x2000  }
0xc3: {  	[sflag:s24] =	ssyncset.done $0x0  }
0xc4: {  	[sflag:s24] =	ssyncadd.s32 $0xFFFFE000  }
0xc5: {  	[tilespmem:s17], [sflag:$0x2] =	stream.indirect.gather [spmem:s3], $0x40, s29, s15, $0xb8;
	[tilespmem:$0x1D400] =	vst v63  }
0xc6: {  	_ =	swait.ge [sflag:s25], $0x2000  }
0xc7: {  	[sflag:s25] =	ssyncset.done $0x0  }
0xc8: {  	[sflag:s25] =	ssyncadd.s32 $0xFFFFE000  }
0xc9: {  	[spmem:s2] =	stream.indirect.scatter.add.f32 [tilespmem:s20], [sflag:$0x8], $0x40, s30, s15, $0xb8;
	[tilespmem:$0x1D400] =	vst v63  }
0xca: {  	_ =	swait.ge [sflag:s26], $0x2000  }
0xcb: {  	[sflag:s26] =	ssyncset.done $0x0  }
0xcc: {  	[sflag:s26] =	ssyncadd.s32 $0xFFFFE000  }
0xcd: {  	[tilespmem:s18], [sflag:$0x3] =	stream.indirect.gather [spmem:s3], $0x40, s31, s15, $0xb8;
	[tilespmem:$0x1D400] =	vst v63  }
0xce: {  	_ =	swait.ge [sflag:s19], $0x2000  }
0xcf: {  	[sflag:s19] =	ssyncset.done $0x0  }
0xd0: {  	[sflag:s19] =	ssyncadd.s32 $0xFFFFE000  }
0xd1: {  	[spmem:s2] =	stream.indirect.scatter.add.f32 [tilespmem:s16], [sflag:$0x5], $0x40, s0, s15, $0xb8;
	[tilespmem:$0x1D400] =	vst v63  }
0xd2: {  	_ =	swait.ge [sflag:s28], $0x2000  }
0xd3: {  	[sflag:s28] =	ssyncset.done $0x0  }
0xd4: {  	[sflag:s28] =	ssyncadd.s32 $0xFFFFE000  }
0xd5: {  	[tilespmem:s20], [sflag:$0x4] =	stream.indirect.gather [spmem:s3], $0x40, s1, s15, $0xb8;
	[tilespmem:$0x1D400] =	vst v63  }
0xd6: {  	_ =	swait.ge [sflag:s21], $0x2000  }
0xd7: {  	[sflag:s21] =	ssyncset.done $0x0  }
0xd8: {  	[sflag:s21] =	ssyncadd.s32 $0xFFFFE000  }
0xd9: {  	[spmem:s2] =	stream.indirect.scatter.add.f32 [tilespmem:s17], [sflag:$0x6], $0x40, s5, s15, $0xb8;
	[tilespmem:$0x1D400] =	vst v63  }
0xda: {  	_ =	swait.ge [sflag:s23], $0x2000  }
0xdb: {  	[sflag:s23] =	ssyncset.done $0x0  }
0xdc: {  	[sflag:s23] =	ssyncadd.s32 $0xFFFFE000  }
0xdd: {  	[spmem:s2] =	stream.indirect.scatter.add.f32 [tilespmem:s18], [sflag:$0x7], $0x40, s7, s15, $0xb8;
	[tilespmem:$0x1D400] =	vst v63  }
0xde: {  	_ =	swait.ge [sflag:s25], $0x2000  }
0xdf: {  	[sflag:s25] =	ssyncset.done $0x0  }
0xe0: {  	[sflag:s25] =	ssyncadd.s32 $0xFFFFE000  }
0xe1: {  	[spmem:s2] =	stream.indirect.scatter.add.f32 [tilespmem:s20], [sflag:$0x8], $0x40, s8, s15, $0xb8;
	[tilespmem:$0x1D400] =	vst v63  }
0xe2: {  	_ =	swait.ge [sflag:s22], $0x2000  }
0xe3: {  	[sflag:s22] =	ssyncset.done $0x0  }
0xe4: {  	[sflag:s22] =	ssyncadd.s32 $0xFFFFE000  }
0xe5: {  	_ =	swait.ge [sflag:s24], $0x2000  }
0xe6: {  	[sflag:s24] =	ssyncset.done $0x0  }
0xe7: {  	[sflag:s24] =	ssyncadd.s32 $0xFFFFE000  }
0xe8: {  	_ =	swait.ge [sflag:s26], $0x2000  }
0xe9: {  	[sflag:s26] =	ssyncset.done $0x0  }
0xea: {  	[sflag:s26] =	ssyncadd.s32 $0xFFFFE000  }
0xeb: {  	s10 =	simm.s32 $0x280;
	_ =	swait.ge [sflag:s28], $0x2000  }
0xec: {  	s12 =	simm.s32 $0x140;
	s6 =	rddreg [dreg:$0x6];
	[sflag:s28] =	ssyncset.done $0x0  }
.LBB2_2:
0xed: {  	[sflag:s28] =	ssyncadd.s32 $0xFFFFE000;
	s6 =	sadd.s32 s12, s6  }
0xee: {  	[tilespmem:s13], [sflag:$0x9] =	stream.linear.gather [hbm4b:s6+s4], $0xA00, $0x38;
	[tilespmem:$0x1D400] =	vst v63  }
0xef: {  	_ =	swait.ge [sflag:s11], $0xA00  }
0xf0: {  	s6 =	rddreg [dreg:$0x5];
	[sflag:s11] =	ssyncset.done $0x0  }
0xf1: {  	[sflag:s11] =	ssyncadd.s32 $0xFFFFF600;
	s6 =	sadd.s32 s12, s6  }
0xf2: {  	[tilespmem:s14], [sflag:$0x9] =	stream.linear.gather [hbm4b:s6+s4], $0xA00, $0x38;
	[tilespmem:$0x1D400] =	vst v63  }
0xf3: {  	_ =	swait.ge [sflag:s11], $0xA00  }
0xf4: {  	[sflag:s11] =	ssyncset.done $0x0  }
0xf5: {  	[sflag:s11] =	ssyncadd.s32 $0xFFFFF600  }
0xf6: {  	[tilespmem:s16], [sflag:$0x1] =	stream.indirect.gather [spmem:s3], $0x40, s13, s15, $0xb8;
	[tilespmem:$0x1D400] =	vst v63  }
0xf7: {  	s9 =	smov.u32 s10;
	s6 =	rddreg [dreg:$0x7]  }
0xf8: {  	[tilespmem:s17], [sflag:$0x2] =	stream.indirect.gather [spmem:s3], $0x40, s6, s15, $0xb8;
	[tilespmem:$0x1D400] =	vst v63  }
0xf9: {  	s12 =	smov.u32 s9;
	s9 =	rddreg [dreg:$0x8]  }
0xfa: {  	[tilespmem:s18], [sflag:$0x3] =	stream.indirect.gather [spmem:s3], $0x40, s9, s15, $0xb8;
	[tilespmem:$0x1D400] =	vst v63  }
0xfb: {  	_ =	swait.ge [sflag:s19], $0x2000  }
0xfc: {  	[sflag:s19] =	ssyncset.done $0x0  }
0xfd: {  	[sflag:s19] =	ssyncadd.s32 $0xFFFFE000  }
0xfe: {  	[spmem:s2] =	stream.indirect.scatter.add.f32 [tilespmem:s16], [sflag:$0x5], $0x40, s14, s15, $0xb8;
	[tilespmem:$0x1D400] =	vst v63  }
0xff: {  	s9 =	rddreg [dreg:$0x9]  }
0x100: {  	[tilespmem:s20], [sflag:$0x4] =	stream.indirect.gather [spmem:s3], $0x40, s9, s15, $0xb8;
	[tilespmem:$0x1D400] =	vst v63  }
0x101: {  	_ =	swait.ge [sflag:s21], $0x2000  }
0x102: {  	[sflag:s21] =	ssyncset.done $0x0  }
0x103: {  	s9 =	rddreg [dreg:$0xa];
	[sflag:s21] =	ssyncadd.s32 $0xFFFFE000  }
0x104: {  	[spmem:s2] =	stream.indirect.scatter.add.f32 [tilespmem:s17], [sflag:$0x6], $0x40, s9, s15, $0xb8;
	[tilespmem:$0x1D400] =	vst v63  }
0x105: {  	_ =	swait.ge [sflag:s22], $0x2000  }
0x106: {  	[sflag:s22] =	ssyncset.done $0x0  }
0x107: {  	s9 =	rddreg [dreg:$0xb];
	[sflag:s22] =	ssyncadd.s32 $0xFFFFE000  }
0x108: {  	[tilespmem:s16], [sflag:$0x1] =	stream.indirect.gather [spmem:s3], $0x40, s9, s15, $0xb8;
	[tilespmem:$0x1D400] =	vst v63  }
0x109: {  	_ =	swait.ge [sflag:s23], $0x2000  }
0x10a: {  	[sflag:s23] =	ssyncset.done $0x0  }
0x10b: {  	s9 =	rddreg [dreg:$0xc];
	[sflag:s23] =	ssyncadd.s32 $0xFFFFE000  }
0x10c: {  	[spmem:s2] =	stream.indirect.scatter.add.f32 [tilespmem:s18], [sflag:$0x7], $0x40, s9, s15, $0xb8;
	[tilespmem:$0x1D400] =	vst v63  }
0x10d: {  	_ =	swait.ge [sflag:s24], $0x2000  }
0x10e: {  	[sflag:s24] =	ssyncset.done $0x0  }
0x10f: {  	s9 =	rddreg [dreg:$0xd];
	[sflag:s24] =	ssyncadd.s32 $0xFFFFE000  }
0x110: {  	[tilespmem:s17], [sflag:$0x2] =	stream.indirect.gather [spmem:s3], $0x40, s9, s15, $0xb8;
	[tilespmem:$0x1D400] =	vst v63  }
0x111: {  	_ =	swait.ge [sflag:s25], $0x2000  }
0x112: {  	[sflag:s25] =	ssyncset.done $0x0  }
0x113: {  	s9 =	rddreg [dreg:$0xe];
	[sflag:s25] =	ssyncadd.s32 $0xFFFFE000  }
0x114: {  	[spmem:s2] =	stream.indirect.scatter.add.f32 [tilespmem:s20], [sflag:$0x8], $0x40, s9, s15, $0xb8;
	[tilespmem:$0x1D400] =	vst v63  }
0x115: {  	_ =	swait.ge [sflag:s26], $0x2000  }
0x116: {  	[sflag:s26] =	ssyncset.done $0x0  }
0x117: {  	s9 =	rddreg [dreg:$0xf];
	[sflag:s26] =	ssyncadd.s32 $0xFFFFE000  }
0x118: {  	[tilespmem:s18], [sflag:$0x3] =	stream.indirect.gather [spmem:s3], $0x40, s9, s15, $0xb8;
	[tilespmem:$0x1D400] =	vst v63  }
0x119: {  	_ =	swait.ge [sflag:s19], $0x2000  }
0x11a: {  	[sflag:s19] =	ssyncset.done $0x0  }
0x11b: {  	s9 =	rddreg [dreg:$0x10];
	[sflag:s19] =	ssyncadd.s32 $0xFFFFE000  }
0x11c: {  	[spmem:s2] =	stream.indirect.scatter.add.f32 [tilespmem:s16], [sflag:$0x5], $0x40, s9, s15, $0xb8;
	[tilespmem:$0x1D400] =	vst v63  }
0x11d: {  	_ =	swait.ge [sflag:s28], $0x2000  }
0x11e: {  	[sflag:s28] =	ssyncset.done $0x0  }
0x11f: {  	s9 =	rddreg [dreg:$0x11];
	[sflag:s28] =	ssyncadd.s32 $0xFFFFE000  }
0x120: {  	[tilespmem:s20], [sflag:$0x4] =	stream.indirect.gather [spmem:s3], $0x40, s9, s15, $0xb8;
	[tilespmem:$0x1D400] =	vst v63  }
0x121: {  	_ =	swait.ge [sflag:s21], $0x2000  }
0x122: {  	[sflag:s21] =	ssyncset.done $0x0  }
0x123: {  	s9 =	rddreg [dreg:$0x12];
	[sflag:s21] =	ssyncadd.s32 $0xFFFFE000  }
0x124: {  	[spmem:s2] =	stream.indirect.scatter.add.f32 [tilespmem:s17], [sflag:$0x6], $0x40, s9, s15, $0xb8;
	[tilespmem:$0x1D400] =	vst v63  }
0x125: {  	_ =	swait.ge [sflag:s22], $0x2000  }
0x126: {  	[sflag:s22] =	ssyncset.done $0x0  }
0x127: {  	s9 =	rddreg [dreg:$0x13];
	[sflag:s22] =	ssyncadd.s32 $0xFFFFE000  }
0x128: {  	[tilespmem:s16], [sflag:$0x1] =	stream.indirect.gather [spmem:s3], $0x40, s9, s15, $0xb8;
	[tilespmem:$0x1D400] =	vst v63  }
0x129: {  	_ =	swait.ge [sflag:s23], $0x2000  }
0x12a: {  	[sflag:s23] =	ssyncset.done $0x0  }
0x12b: {  	s9 =	rddreg [dreg:$0x14];
	[sflag:s23] =	ssyncadd.s32 $0xFFFFE000  }
0x12c: {  	[spmem:s2] =	stream.indirect.scatter.add.f32 [tilespmem:s18], [sflag:$0x7], $0x40, s9, s15, $0xb8;
	[tilespmem:$0x1D400] =	vst v63  }
0x12d: {  	_ =	swait.ge [sflag:s24], $0x2000  }
0x12e: {  	[sflag:s24] =	ssyncset.done $0x0  }
0x12f: {  	s9 =	rddreg [dreg:$0x15];
	[sflag:s24] =	ssyncadd.s32 $0xFFFFE000  }
0x130: {  	[tilespmem:s17], [sflag:$0x2] =	stream.indirect.gather [spmem:s3], $0x40, s9, s15, $0xb8;
	[tilespmem:$0x1D400] =	vst v63  }
0x131: {  	_ =	swait.ge [sflag:s25], $0x2000  }
0x132: {  	[sflag:s25] =	ssyncset.done $0x0  }
0x133: {  	s9 =	rddreg [dreg:$0x16];
	[sflag:s25] =	ssyncadd.s32 $0xFFFFE000  }
0x134: {  	[spmem:s2] =	stream.indirect.scatter.add.f32 [tilespmem:s20], [sflag:$0x8], $0x40, s9, s15, $0xb8;
	[tilespmem:$0x1D400] =	vst v63  }
0x135: {  	_ =	swait.ge [sflag:s26], $0x2000  }
0x136: {  	[sflag:s26] =	ssyncset.done $0x0  }
0x137: {  	s9 =	rddreg [dreg:$0x17];
	[sflag:s26] =	ssyncadd.s32 $0xFFFFE000  }
0x138: {  	[tilespmem:s18], [sflag:$0x3] =	stream.indirect.gather [spmem:s3], $0x40, s9, s15, $0xb8;
	[tilespmem:$0x1D400] =	vst v63  }
0x139: {  	_ =	swait.ge [sflag:s19], $0x2000  }
0x13a: {  	[sflag:s19] =	ssyncset.done $0x0  }
0x13b: {  	s9 =	rddreg [dreg:$0x18];
	[sflag:s19] =	ssyncadd.s32 $0xFFFFE000  }
0x13c: {  	[spmem:s2] =	stream.indirect.scatter.add.f32 [tilespmem:s16], [sflag:$0x5], $0x40, s9, s15, $0xb8;
	[tilespmem:$0x1D400] =	vst v63  }
0x13d: {  	_ =	swait.ge [sflag:s28], $0x2000  }
0x13e: {  	[sflag:s28] =	ssyncset.done $0x0  }
0x13f: {  	s9 =	rddreg [dreg:$0x19];
	[sflag:s28] =	ssyncadd.s32 $0xFFFFE000  }
0x140: {  	[tilespmem:s20], [sflag:$0x4] =	stream.indirect.gather [spmem:s3], $0x40, s9, s15, $0xb8;
	[tilespmem:$0x1D400] =	vst v63  }
0x141: {  	_ =	swait.ge [sflag:s21], $0x2000  }
0x142: {  	[sflag:s21] =	ssyncset.done $0x0  }
0x143: {  	s9 =	rddreg [dreg:$0x1a];
	[sflag:s21] =	ssyncadd.s32 $0xFFFFE000  }
0x144: {  	[spmem:s2] =	stream.indirect.scatter.add.f32 [tilespmem:s17], [sflag:$0x6], $0x40, s9, s15, $0xb8;
	[tilespmem:$0x1D400] =	vst v63  }
0x145: {  	_ =	swait.ge [sflag:s22], $0x2000  }
0x146: {  	[sflag:s22] =	ssyncset.done $0x0  }
0x147: {  	s9 =	rddreg [dreg:$0x1b];
	[sflag:s22] =	ssyncadd.s32 $0xFFFFE000  }
0x148: {  	[tilespmem:s16], [sflag:$0x1] =	stream.indirect.gather [spmem:s3], $0x40, s9, s15, $0xb8;
	[tilespmem:$0x1D400] =	vst v63  }
0x149: {  	_ =	swait.ge [sflag:s23], $0x2000  }
0x14a: {  	[sflag:s23] =	ssyncset.done $0x0  }
0x14b: {  	s9 =	rddreg [dreg:$0x1c];
	[sflag:s23] =	ssyncadd.s32 $0xFFFFE000  }
0x14c: {  	[spmem:s2] =	stream.indirect.scatter.add.f32 [tilespmem:s18], [sflag:$0x7], $0x40, s9, s15, $0xb8;
	[tilespmem:$0x1D400] =	vst v63  }
0x14d: {  	_ =	swait.ge [sflag:s24], $0x2000  }
0x14e: {  	[sflag:s24] =	ssyncset.done $0x0  }
0x14f: {  	s9 =	rddreg [dreg:$0x1d];
	[sflag:s24] =	ssyncadd.s32 $0xFFFFE000  }
0x150: {  	[tilespmem:s17], [sflag:$0x2] =	stream.indirect.gather [spmem:s3], $0x40, s9, s15, $0xb8;
	[tilespmem:$0x1D400] =	vst v63  }
0x151: {  	_ =	swait.ge [sflag:s25], $0x2000  }
0x152: {  	[sflag:s25] =	ssyncset.done $0x0  }
0x153: {  	s9 =	rddreg [dreg:$0x1e];
	[sflag:s25] =	ssyncadd.s32 $0xFFFFE000  }
0x154: {  	[spmem:s2] =	stream.indirect.scatter.add.f32 [tilespmem:s20], [sflag:$0x8], $0x40, s9, s15, $0xb8;
	[tilespmem:$0x1D400] =	vst v63  }
0x155: {  	_ =	swait.ge [sflag:s26], $0x2000  }
0x156: {  	[sflag:s26] =	ssyncset.done $0x0  }
0x157: {  	s9 =	rddreg [dreg:$0x1f];
	[sflag:s26] =	ssyncadd.s32 $0xFFFFE000  }
0x158: {  	[tilespmem:s18], [sflag:$0x3] =	stream.indirect.gather [spmem:s3], $0x40, s9, s15, $0xb8;
	[tilespmem:$0x1D400] =	vst v63  }
0x159: {  	_ =	swait.ge [sflag:s19], $0x2000  }
0x15a: {  	s9 =	sld [smem:$0x7F7]  }
0x15b: {  	[sflag:s19] =	ssyncset.done $0x0  }
0x15c: {  	[sflag:s19] =	ssyncadd.s32 $0xFFFFE000  }
0x15d: {  	[spmem:s2] =	stream.indirect.scatter.add.f32 [tilespmem:s16], [sflag:$0x5], $0x40, s9, s15, $0xb8;
	[tilespmem:$0x1D400] =	vst v63  }
0x15e: {  	_ =	swait.ge [sflag:s28], $0x2000  }
0x15f: {  	s9 =	sld [smem:$0x7F8]  }
0x160: {  	[sflag:s28] =	ssyncset.done $0x0  }
0x161: {  	[sflag:s28] =	ssyncadd.s32 $0xFFFFE000  }
0x162: {  	[tilespmem:s20], [sflag:$0x4] =	stream.indirect.gather [spmem:s3], $0x40, s9, s15, $0xb8;
	[tilespmem:$0x1D400] =	vst v63  }
0x163: {  	_ =	swait.ge [sflag:s21], $0x2000  }
0x164: {  	s9 =	sld [smem:$0x7F9]  }
0x165: {  	[sflag:s21] =	ssyncset.done $0x0  }
0x166: {  	[sflag:s21] =	ssyncadd.s32 $0xFFFFE000  }
0x167: {  	[spmem:s2] =	stream.indirect.scatter.add.f32 [tilespmem:s17], [sflag:$0x6], $0x40, s9, s15, $0xb8;
	[tilespmem:$0x1D400] =	vst v63  }
0x168: {  	_ =	swait.ge [sflag:s22], $0x2000  }
0x169: {  	s9 =	sld [smem:$0x7FA]  }
0x16a: {  	[sflag:s22] =	ssyncset.done $0x0  }
0x16b: {  	[sflag:s22] =	ssyncadd.s32 $0xFFFFE000  }
0x16c: {  	[tilespmem:s16], [sflag:$0x1] =	stream.indirect.gather [spmem:s3], $0x40, s9, s15, $0xb8;
	[tilespmem:$0x1D400] =	vst v63  }
0x16d: {  	_ =	swait.ge [sflag:s23], $0x2000  }
0x16e: {  	s9 =	sld [smem:$0x7FB]  }
0x16f: {  	[sflag:s23] =	ssyncset.done $0x0  }
0x170: {  	[sflag:s23] =	ssyncadd.s32 $0xFFFFE000  }
0x171: {  	[spmem:s2] =	stream.indirect.scatter.add.f32 [tilespmem:s18], [sflag:$0x7], $0x40, s9, s15, $0xb8;
	[tilespmem:$0x1D400] =	vst v63  }
0x172: {  	_ =	swait.ge [sflag:s24], $0x2000  }
0x173: {  	[sflag:s24] =	ssyncset.done $0x0  }
0x174: {  	[sflag:s24] =	ssyncadd.s32 $0xFFFFE000  }
0x175: {  	[tilespmem:s17], [sflag:$0x2] =	stream.indirect.gather [spmem:s3], $0x40, s29, s15, $0xb8;
	[tilespmem:$0x1D400] =	vst v63  }
0x176: {  	_ =	swait.ge [sflag:s25], $0x2000  }
0x177: {  	[sflag:s25] =	ssyncset.done $0x0  }
0x178: {  	[sflag:s25] =	ssyncadd.s32 $0xFFFFE000  }
0x179: {  	[spmem:s2] =	stream.indirect.scatter.add.f32 [tilespmem:s20], [sflag:$0x8], $0x40, s30, s15, $0xb8;
	[tilespmem:$0x1D400] =	vst v63  }
0x17a: {  	_ =	swait.ge [sflag:s26], $0x2000  }
0x17b: {  	[sflag:s26] =	ssyncset.done $0x0  }
0x17c: {  	[sflag:s26] =	ssyncadd.s32 $0xFFFFE000  }
0x17d: {  	[tilespmem:s18], [sflag:$0x3] =	stream.indirect.gather [spmem:s3], $0x40, s31, s15, $0xb8;
	[tilespmem:$0x1D400] =	vst v63  }
0x17e: {  	_ =	swait.ge [sflag:s19], $0x2000  }
0x17f: {  	[sflag:s19] =	ssyncset.done $0x0  }
0x180: {  	[sflag:s19] =	ssyncadd.s32 $0xFFFFE000  }
0x181: {  	[spmem:s2] =	stream.indirect.scatter.add.f32 [tilespmem:s16], [sflag:$0x5], $0x40, s0, s15, $0xb8;
	[tilespmem:$0x1D400] =	vst v63  }
0x182: {  	_ =	swait.ge [sflag:s28], $0x2000  }
0x183: {  	[sflag:s28] =	ssyncset.done $0x0  }
0x184: {  	[sflag:s28] =	ssyncadd.s32 $0xFFFFE000  }
0x185: {  	[tilespmem:s20], [sflag:$0x4] =	stream.indirect.gather [spmem:s3], $0x40, s1, s15, $0xb8;
	[tilespmem:$0x1D400] =	vst v63  }
0x186: {  	_ =	swait.ge [sflag:s21], $0x2000  }
0x187: {  	[sflag:s21] =	ssyncset.done $0x0  }
0x188: {  	[sflag:s21] =	ssyncadd.s32 $0xFFFFE000  }
0x189: {  	[spmem:s2] =	stream.indirect.scatter.add.f32 [tilespmem:s17], [sflag:$0x6], $0x40, s5, s15, $0xb8;
	[tilespmem:$0x1D400] =	vst v63  }
0x18a: {  	_ =	swait.ge [sflag:s23], $0x2000  }
0x18b: {  	[sflag:s23] =	ssyncset.done $0x0  }
0x18c: {  	[sflag:s23] =	ssyncadd.s32 $0xFFFFE000  }
0x18d: {  	[spmem:s2] =	stream.indirect.scatter.add.f32 [tilespmem:s18], [sflag:$0x7], $0x40, s7, s15, $0xb8;
	[tilespmem:$0x1D400] =	vst v63  }
0x18e: {  	_ =	swait.ge [sflag:s25], $0x2000  }
0x18f: {  	[sflag:s25] =	ssyncset.done $0x0  }
0x190: {  	[sflag:s25] =	ssyncadd.s32 $0xFFFFE000  }
0x191: {  	[spmem:s2] =	stream.indirect.scatter.add.f32 [tilespmem:s20], [sflag:$0x8], $0x40, s8, s15, $0xb8;
	[tilespmem:$0x1D400] =	vst v63  }
0x192: {  	_ =	swait.ge [sflag:s22], $0x2000  }
0x193: {  	[sflag:s22] =	ssyncset.done $0x0  }
0x194: {  	[sflag:s22] =	ssyncadd.s32 $0xFFFFE000  }
0x195: {  	_ =	swait.ge [sflag:s24], $0x2000  }
0x196: {  	[sflag:s24] =	ssyncset.done $0x0  }
0x197: {  	p0 =	sne.s32 s10, $0x8C0;
	[sflag:s24] =	ssyncadd.s32 $0xFFFFE000  }
.Ltmp0:
0x198: {  	_ =	swait.ge [sflag:s26], $0x2000;
	(pc) =	sbr.rel @p0 .LBB2_2-.Ltmp0, $4  }
0x199: {  	[sflag:s26] =	ssyncset.done $0x0  }
0x19a: {  	[sflag:s26] =	ssyncadd.s32 $0xFFFFE000  }
0x19b: {  	_ =	swait.ge [sflag:s28], $0x2000  }
0x19c: {  	s10 =	sadd.s32 $0x140, s10;
	s6 =	rddreg [dreg:$0x6];
	[sflag:s28] =	ssyncset.done $0x0  }
0x19d: {  	[sflag:s28] =	ssyncadd.s32 $0xFFFFE000;
	s6 =	sadd.s32 s12, s6  }
0x19e: {  	[tilespmem:s13], [sflag:$0x9] =	stream.linear.gather [hbm4b:s6+s4], $0xA00, $0x38;
	[tilespmem:$0x1D400] =	vst v63  }
0x19f: {  	_ =	swait.ge [sflag:s11], $0xA00  }
0x1a0: {  	s10 =	rddreg [dreg:$0x5];
	[sflag:s11] =	ssyncset.done $0x0  }
0x1a1: {  	[sflag:s11] =	ssyncadd.s32 $0xFFFFF600;
	s6 =	sadd.s32 s12, s10  }
0x1a2: {  	[tilespmem:s14], [sflag:$0x9] =	stream.linear.gather [hbm4b:s6+s4], $0xA00, $0x38;
	[tilespmem:$0x1D400] =	vst v63  }
0x1a3: {  	_ =	swait.ge [sflag:s11], $0xA00  }
0x1a4: {  	[sflag:s11] =	ssyncset.done $0x0  }
0x1a5: {  	[sflag:s11] =	ssyncadd.s32 $0xFFFFF600  }
0x1a6: {  	[tilespmem:s16], [sflag:$0x1] =	stream.indirect.gather [spmem:s3], $0x40, s13, s15, $0xb8;
	[tilespmem:$0x1D400] =	vst v63  }
0x1a7: {  	s12 =	rddreg [dreg:$0x7]  }
0x1a8: {  	[tilespmem:s17], [sflag:$0x2] =	stream.indirect.gather [spmem:s3], $0x40, s12, s15, $0xb8;
	[tilespmem:$0x1D400] =	vst v63  }
0x1a9: {  	s9 =	rddreg [dreg:$0x8]  }
0x1aa: {  	[tilespmem:s18], [sflag:$0x3] =	stream.indirect.gather [spmem:s3], $0x40, s9, s15, $0xb8;
	[tilespmem:$0x1D400] =	vst v63  }
0x1ab: {  	_ =	swait.ge [sflag:s19], $0x2000  }
0x1ac: {  	[sflag:s19] =	ssyncset.done $0x0  }
0x1ad: {  	[sflag:s19] =	ssyncadd.s32 $0xFFFFE000  }
0x1ae: {  	[spmem:s2] =	stream.indirect.scatter.add.f32 [tilespmem:s16], [sflag:$0x5], $0x40, s14, s15, $0xb8;
	[tilespmem:$0x1D400] =	vst v63  }
0x1af: {  	s10 =	rddreg [dreg:$0x9]  }
0x1b0: {  	[tilespmem:s20], [sflag:$0x4] =	stream.indirect.gather [spmem:s3], $0x40, s10, s15, $0xb8;
	[tilespmem:$0x1D400] =	vst v63  }
0x1b1: {  	_ =	swait.ge [sflag:s21], $0x2000  }
0x1b2: {  	[sflag:s21] =	ssyncset.done $0x0  }
0x1b3: {  	s12 =	rddreg [dreg:$0xa];
	[sflag:s21] =	ssyncadd.s32 $0xFFFFE000  }
0x1b4: {  	[spmem:s2] =	stream.indirect.scatter.add.f32 [tilespmem:s17], [sflag:$0x6], $0x40, s12, s15, $0xb8;
	[tilespmem:$0x1D400] =	vst v63  }
0x1b5: {  	_ =	swait.ge [sflag:s22], $0x2000  }
0x1b6: {  	[sflag:s22] =	ssyncset.done $0x0  }
0x1b7: {  	s9 =	rddreg [dreg:$0xb];
	[sflag:s22] =	ssyncadd.s32 $0xFFFFE000  }
0x1b8: {  	[tilespmem:s16], [sflag:$0x1] =	stream.indirect.gather [spmem:s3], $0x40, s9, s15, $0xb8;
	[tilespmem:$0x1D400] =	vst v63  }
0x1b9: {  	_ =	swait.ge [sflag:s23], $0x2000  }
0x1ba: {  	[sflag:s23] =	ssyncset.done $0x0  }
0x1bb: {  	s10 =	rddreg [dreg:$0xc];
	[sflag:s23] =	ssyncadd.s32 $0xFFFFE000  }
0x1bc: {  	[spmem:s2] =	stream.indirect.scatter.add.f32 [tilespmem:s18], [sflag:$0x7], $0x40, s10, s15, $0xb8;
	[tilespmem:$0x1D400] =	vst v63  }
0x1bd: {  	_ =	swait.ge [sflag:s24], $0x2000  }
0x1be: {  	[sflag:s24] =	ssyncset.done $0x0  }
0x1bf: {  	s12 =	rddreg [dreg:$0xd];
	[sflag:s24] =	ssyncadd.s32 $0xFFFFE000  }
0x1c0: {  	[tilespmem:s17], [sflag:$0x2] =	stream.indirect.gather [spmem:s3], $0x40, s12, s15, $0xb8;
	[tilespmem:$0x1D400] =	vst v63  }
0x1c1: {  	_ =	swait.ge [sflag:s25], $0x2000  }
0x1c2: {  	[sflag:s25] =	ssyncset.done $0x0  }
0x1c3: {  	s9 =	rddreg [dreg:$0xe];
	[sflag:s25] =	ssyncadd.s32 $0xFFFFE000  }
0x1c4: {  	[spmem:s2] =	stream.indirect.scatter.add.f32 [tilespmem:s20], [sflag:$0x8], $0x40, s9, s15, $0xb8;
	[tilespmem:$0x1D400] =	vst v63  }
0x1c5: {  	_ =	swait.ge [sflag:s26], $0x2000  }
0x1c6: {  	[sflag:s26] =	ssyncset.done $0x0  }
0x1c7: {  	s10 =	rddreg [dreg:$0xf];
	[sflag:s26] =	ssyncadd.s32 $0xFFFFE000  }
0x1c8: {  	[tilespmem:s18], [sflag:$0x3] =	stream.indirect.gather [spmem:s3], $0x40, s10, s15, $0xb8;
	[tilespmem:$0x1D400] =	vst v63  }
0x1c9: {  	_ =	swait.ge [sflag:s19], $0x2000  }
0x1ca: {  	[sflag:s19] =	ssyncset.done $0x0  }
0x1cb: {  	s12 =	rddreg [dreg:$0x10];
	[sflag:s19] =	ssyncadd.s32 $0xFFFFE000  }
0x1cc: {  	[spmem:s2] =	stream.indirect.scatter.add.f32 [tilespmem:s16], [sflag:$0x5], $0x40, s12, s15, $0xb8;
	[tilespmem:$0x1D400] =	vst v63  }
0x1cd: {  	_ =	swait.ge [sflag:s28], $0x2000  }
0x1ce: {  	[sflag:s28] =	ssyncset.done $0x0  }
0x1cf: {  	s9 =	rddreg [dreg:$0x11];
	[sflag:s28] =	ssyncadd.s32 $0xFFFFE000  }
0x1d0: {  	[tilespmem:s20], [sflag:$0x4] =	stream.indirect.gather [spmem:s3], $0x40, s9, s15, $0xb8;
	[tilespmem:$0x1D400] =	vst v63  }
0x1d1: {  	_ =	swait.ge [sflag:s21], $0x2000  }
0x1d2: {  	[sflag:s21] =	ssyncset.done $0x0  }
0x1d3: {  	s10 =	rddreg [dreg:$0x12];
	[sflag:s21] =	ssyncadd.s32 $0xFFFFE000  }
0x1d4: {  	[spmem:s2] =	stream.indirect.scatter.add.f32 [tilespmem:s17], [sflag:$0x6], $0x40, s10, s15, $0xb8;
	[tilespmem:$0x1D400] =	vst v63  }
0x1d5: {  	_ =	swait.ge [sflag:s22], $0x2000  }
0x1d6: {  	[sflag:s22] =	ssyncset.done $0x0  }
0x1d7: {  	s12 =	rddreg [dreg:$0x13];
	[sflag:s22] =	ssyncadd.s32 $0xFFFFE000  }
0x1d8: {  	[tilespmem:s16], [sflag:$0x1] =	stream.indirect.gather [spmem:s3], $0x40, s12, s15, $0xb8;
	[tilespmem:$0x1D400] =	vst v63  }
0x1d9: {  	_ =	swait.ge [sflag:s23], $0x2000  }
0x1da: {  	[sflag:s23] =	ssyncset.done $0x0  }
0x1db: {  	s9 =	rddreg [dreg:$0x14];
	[sflag:s23] =	ssyncadd.s32 $0xFFFFE000  }
0x1dc: {  	[spmem:s2] =	stream.indirect.scatter.add.f32 [tilespmem:s18], [sflag:$0x7], $0x40, s9, s15, $0xb8;
	[tilespmem:$0x1D400] =	vst v63  }
0x1dd: {  	_ =	swait.ge [sflag:s24], $0x2000  }
0x1de: {  	[sflag:s24] =	ssyncset.done $0x0  }
0x1df: {  	s10 =	rddreg [dreg:$0x15];
	[sflag:s24] =	ssyncadd.s32 $0xFFFFE000  }
0x1e0: {  	[tilespmem:s17], [sflag:$0x2] =	stream.indirect.gather [spmem:s3], $0x40, s10, s15, $0xb8;
	[tilespmem:$0x1D400] =	vst v63  }
0x1e1: {  	_ =	swait.ge [sflag:s25], $0x2000  }
0x1e2: {  	[sflag:s25] =	ssyncset.done $0x0  }
0x1e3: {  	s12 =	rddreg [dreg:$0x16];
	[sflag:s25] =	ssyncadd.s32 $0xFFFFE000  }
0x1e4: {  	[spmem:s2] =	stream.indirect.scatter.add.f32 [tilespmem:s20], [sflag:$0x8], $0x40, s12, s15, $0xb8;
	[tilespmem:$0x1D400] =	vst v63  }
0x1e5: {  	_ =	swait.ge [sflag:s26], $0x2000  }
0x1e6: {  	[sflag:s26] =	ssyncset.done $0x0  }
0x1e7: {  	s9 =	rddreg [dreg:$0x17];
	[sflag:s26] =	ssyncadd.s32 $0xFFFFE000  }
0x1e8: {  	[tilespmem:s18], [sflag:$0x3] =	stream.indirect.gather [spmem:s3], $0x40, s9, s15, $0xb8;
	[tilespmem:$0x1D400] =	vst v63  }
0x1e9: {  	_ =	swait.ge [sflag:s19], $0x2000  }
0x1ea: {  	[sflag:s19] =	ssyncset.done $0x0  }
0x1eb: {  	s10 =	rddreg [dreg:$0x18];
	[sflag:s19] =	ssyncadd.s32 $0xFFFFE000  }
0x1ec: {  	[spmem:s2] =	stream.indirect.scatter.add.f32 [tilespmem:s16], [sflag:$0x5], $0x40, s10, s15, $0xb8;
	[tilespmem:$0x1D400] =	vst v63  }
0x1ed: {  	_ =	swait.ge [sflag:s28], $0x2000  }
0x1ee: {  	[sflag:s28] =	ssyncset.done $0x0  }
0x1ef: {  	s12 =	rddreg [dreg:$0x19];
	[sflag:s28] =	ssyncadd.s32 $0xFFFFE000  }
0x1f0: {  	[tilespmem:s20], [sflag:$0x4] =	stream.indirect.gather [spmem:s3], $0x40, s12, s15, $0xb8;
	[tilespmem:$0x1D400] =	vst v63  }
0x1f1: {  	_ =	swait.ge [sflag:s21], $0x2000  }
0x1f2: {  	[sflag:s21] =	ssyncset.done $0x0  }
0x1f3: {  	s9 =	rddreg [dreg:$0x1a];
	[sflag:s21] =	ssyncadd.s32 $0xFFFFE000  }
0x1f4: {  	[spmem:s2] =	stream.indirect.scatter.add.f32 [tilespmem:s17], [sflag:$0x6], $0x40, s9, s15, $0xb8;
	[tilespmem:$0x1D400] =	vst v63  }
0x1f5: {  	_ =	swait.ge [sflag:s22], $0x2000  }
0x1f6: {  	[sflag:s22] =	ssyncset.done $0x0  }
0x1f7: {  	s10 =	rddreg [dreg:$0x1b];
	[sflag:s22] =	ssyncadd.s32 $0xFFFFE000  }
0x1f8: {  	[tilespmem:s16], [sflag:$0x1] =	stream.indirect.gather [spmem:s3], $0x40, s10, s15, $0xb8;
	[tilespmem:$0x1D400] =	vst v63  }
0x1f9: {  	_ =	swait.ge [sflag:s23], $0x2000  }
0x1fa: {  	[sflag:s23] =	ssyncset.done $0x0  }
0x1fb: {  	s12 =	rddreg [dreg:$0x1c];
	[sflag:s23] =	ssyncadd.s32 $0xFFFFE000  }
0x1fc: {  	[spmem:s2] =	stream.indirect.scatter.add.f32 [tilespmem:s18], [sflag:$0x7], $0x40, s12, s15, $0xb8;
	[tilespmem:$0x1D400] =	vst v63  }
0x1fd: {  	_ =	swait.ge [sflag:s24], $0x2000  }
0x1fe: {  	[sflag:s24] =	ssyncset.done $0x0  }
0x1ff: {  	s9 =	rddreg [dreg:$0x1d];
	[sflag:s24] =	ssyncadd.s32 $0xFFFFE000  }
0x200: {  	[tilespmem:s17], [sflag:$0x2] =	stream.indirect.gather [spmem:s3], $0x40, s9, s15, $0xb8;
	[tilespmem:$0x1D400] =	vst v63  }
0x201: {  	_ =	swait.ge [sflag:s25], $0x2000  }
0x202: {  	[sflag:s25] =	ssyncset.done $0x0  }
0x203: {  	s10 =	rddreg [dreg:$0x1e];
	[sflag:s25] =	ssyncadd.s32 $0xFFFFE000  }
0x204: {  	[spmem:s2] =	stream.indirect.scatter.add.f32 [tilespmem:s20], [sflag:$0x8], $0x40, s10, s15, $0xb8;
	[tilespmem:$0x1D400] =	vst v63  }
0x205: {  	_ =	swait.ge [sflag:s26], $0x2000  }
0x206: {  	[sflag:s26] =	ssyncset.done $0x0  }
0x207: {  	s12 =	rddreg [dreg:$0x1f];
	[sflag:s26] =	ssyncadd.s32 $0xFFFFE000  }
0x208: {  	[tilespmem:s18], [sflag:$0x3] =	stream.indirect.gather [spmem:s3], $0x40, s12, s15, $0xb8;
	[tilespmem:$0x1D400] =	vst v63  }
0x209: {  	_ =	swait.ge [sflag:s19], $0x2000  }
0x20a: {  	s9 =	sld [smem:$0x7F7]  }
0x20b: {  	[sflag:s19] =	ssyncset.done $0x0  }
0x20c: {  	[sflag:s19] =	ssyncadd.s32 $0xFFFFE000  }
0x20d: {  	[spmem:s2] =	stream.indirect.scatter.add.f32 [tilespmem:s16], [sflag:$0x5], $0x40, s9, s15, $0xb8;
	[tilespmem:$0x1D400] =	vst v63  }
0x20e: {  	_ =	swait.ge [sflag:s28], $0x2000  }
0x20f: {  	s10 =	sld [smem:$0x7F8]  }
0x210: {  	[sflag:s28] =	ssyncset.done $0x0  }
0x211: {  	[sflag:s28] =	ssyncadd.s32 $0xFFFFE000  }
0x212: {  	[tilespmem:s20], [sflag:$0x4] =	stream.indirect.gather [spmem:s3], $0x40, s10, s15, $0xb8;
	[tilespmem:$0x1D400] =	vst v63  }
0x213: {  	_ =	swait.ge [sflag:s21], $0x2000  }
0x214: {  	s12 =	sld [smem:$0x7F9]  }
0x215: {  	[sflag:s21] =	ssyncset.done $0x0  }
0x216: {  	[sflag:s21] =	ssyncadd.s32 $0xFFFFE000  }
0x217: {  	[spmem:s2] =	stream.indirect.scatter.add.f32 [tilespmem:s17], [sflag:$0x6], $0x40, s12, s15, $0xb8;
	[tilespmem:$0x1D400] =	vst v63  }
0x218: {  	_ =	swait.ge [sflag:s22], $0x2000  }
0x219: {  	s9 =	sld [smem:$0x7FA]  }
0x21a: {  	[sflag:s22] =	ssyncset.done $0x0  }
0x21b: {  	[sflag:s22] =	ssyncadd.s32 $0xFFFFE000  }
0x21c: {  	[tilespmem:s16], [sflag:$0x1] =	stream.indirect.gather [spmem:s3], $0x40, s9, s15, $0xb8;
	[tilespmem:$0x1D400] =	vst v63  }
0x21d: {  	_ =	swait.ge [sflag:s23], $0x2000  }
0x21e: {  	s10 =	sld [smem:$0x7FB]  }
0x21f: {  	[sflag:s23] =	ssyncset.done $0x0  }
0x220: {  	[sflag:s23] =	ssyncadd.s32 $0xFFFFE000  }
0x221: {  	[spmem:s2] =	stream.indirect.scatter.add.f32 [tilespmem:s18], [sflag:$0x7], $0x40, s10, s15, $0xb8;
	[tilespmem:$0x1D400] =	vst v63  }
0x222: {  	_ =	swait.ge [sflag:s24], $0x2000  }
0x223: {  	[sflag:s24] =	ssyncset.done $0x0  }
0x224: {  	[sflag:s24] =	ssyncadd.s32 $0xFFFFE000  }
0x225: {  	[tilespmem:s17], [sflag:$0x2] =	stream.indirect.gather [spmem:s3], $0x40, s29, s15, $0xb8;
	[tilespmem:$0x1D400] =	vst v63  }
0x226: {  	_ =	swait.ge [sflag:s25], $0x2000  }
0x227: {  	[sflag:s25] =	ssyncset.done $0x0  }
0x228: {  	[sflag:s25] =	ssyncadd.s32 $0xFFFFE000  }
0x229: {  	[spmem:s2] =	stream.indirect.scatter.add.f32 [tilespmem:s20], [sflag:$0x8], $0x40, s30, s15, $0xb8;
	[tilespmem:$0x1D400] =	vst v63  }
0x22a: {  	_ =	swait.ge [sflag:s26], $0x2000  }
0x22b: {  	[sflag:s26] =	ssyncset.done $0x0  }
0x22c: {  	[sflag:s26] =	ssyncadd.s32 $0xFFFFE000  }
0x22d: {  	[tilespmem:s18], [sflag:$0x3] =	stream.indirect.gather [spmem:s3], $0x40, s31, s15, $0xb8;
	[tilespmem:$0x1D400] =	vst v63  }
0x22e: {  	_ =	swait.ge [sflag:s19], $0x2000  }
0x22f: {  	[sflag:s19] =	ssyncset.done $0x0  }
0x230: {  	[sflag:s19] =	ssyncadd.s32 $0xFFFFE000  }
0x231: {  	[spmem:s2] =	stream.indirect.scatter.add.f32 [tilespmem:s16], [sflag:$0x5], $0x40, s0, s15, $0xb8;
	[tilespmem:$0x1D400] =	vst v63  }
0x232: {  	_ =	swait.ge [sflag:s28], $0x2000  }
0x233: {  	[sflag:s28] =	ssyncset.done $0x0  }
0x234: {  	[sflag:s28] =	ssyncadd.s32 $0xFFFFE000  }
0x235: {  	[tilespmem:s20], [sflag:$0x4] =	stream.indirect.gather [spmem:s3], $0x40, s1, s15, $0xb8;
	[tilespmem:$0x1D400] =	vst v63  }
0x236: {  	_ =	swait.ge [sflag:s21], $0x2000  }
0x237: {  	[sflag:s21] =	ssyncset.done $0x0  }
0x238: {  	[sflag:s21] =	ssyncadd.s32 $0xFFFFE000  }
0x239: {  	[spmem:s2] =	stream.indirect.scatter.add.f32 [tilespmem:s17], [sflag:$0x6], $0x40, s5, s15, $0xb8;
	[tilespmem:$0x1D400] =	vst v63  }
0x23a: {  	_ =	swait.ge [sflag:s23], $0x2000  }
0x23b: {  	[sflag:s23] =	ssyncset.done $0x0  }
0x23c: {  	[sflag:s23] =	ssyncadd.s32 $0xFFFFE000  }
0x23d: {  	[spmem:s2] =	stream.indirect.scatter.add.f32 [tilespmem:s18], [sflag:$0x7], $0x40, s7, s15, $0xb8;
	[tilespmem:$0x1D400] =	vst v63  }
0x23e: {  	_ =	swait.ge [sflag:s25], $0x2000  }
0x23f: {  	[sflag:s25] =	ssyncset.done $0x0  }
0x240: {  	[sflag:s25] =	ssyncadd.s32 $0xFFFFE000  }
0x241: {  	[spmem:s2] =	stream.indirect.scatter.add.f32 [tilespmem:s20], [sflag:$0x8], $0x40, s8, s15, $0xb8;
	[tilespmem:$0x1D400] =	vst v63  }
0x242: {  	_ =	swait.ge [sflag:s22], $0x2000  }
0x243: {  	[sflag:s22] =	ssyncset.done $0x0  }
0x244: {  	[sflag:s22] =	ssyncadd.s32 $0xFFFFE000  }
0x245: {  	_ =	swait.ge [sflag:s24], $0x2000  }
0x246: {  	[sflag:s24] =	ssyncset.done $0x0  }
0x247: {  	[sflag:s24] =	ssyncadd.s32 $0xFFFFE000  }
0x248: {  	_ =	swait.ge [sflag:s26], $0x2000  }
0x249: {  	[sflag:s26] =	ssyncset.done $0x0  }
0x24a: {  	[sflag:s26] =	ssyncadd.s32 $0xFFFFE000  }
0x24b: {  	_ =	swait.ge [sflag:s28], $0x2000  }
0x24c: {  	[sflag:s28] =	ssyncset.done $0x0  }
0x24d: {  	[sflag:s28] =	ssyncadd.s32 $0xFFFFE000  }
0x24e: {  	[bflag:$0x0] =	sbarrier.arrive $0xFFFF  }
0x24f: {  	s9 =	sld [smem:$0x7FC]  }
0x250: {  	s12 =	sld [smem:$0x7F4]  }
0x251: {  	s10 =	sld [smem:$0x7FD];
	_ =	sdelay $0x2  }
0x252: {  	[hbm:s12], [sflag:s9] =	dma.local [spmem:s10], $0x1400  }
0x253: {  	_ =	swait.ge [sflag:s11], $0x1400  }
0x254: {  	s6 =	sld [smem:$0x7F1];
	_ =	sdelay $0x2  }
0x255: {  	s12 =	sadd.s32 $0x1, s6;
	s6 =	sld [smem:$0x7F5];
	_ =	sdelay $0x2  }
0x256: {  	p0 =	sne.s32 s12, s6  }
.Ltmp1:
0x257: {  	_ = 	snop;
	(pc) =	sbr.rel @p0 .LBB2_1-.Ltmp1, $3  }
0x258: {  	_ =	sdelay $0x1  }
0x259: {  	[sflag:s11] =	ssyncset.done $0x0  }
0x25a: {  	[sflag:s11] =	ssyncadd.s32 $0xFFFFEC00  }
0x25b: {  	_ =	sfence.sel $0x180000  }
0x25c: {  	[bflag:$0x0] =	sbarrier.arrive $0xFFFF  }
0x25d: {  	_ =	strace $0x9000004D  }
0x25e: {  	s0 =	stileid.u32;
	[bflag:$0x2] =	sbarrier.arrive $0xFFFF  }
0x25f: {  	p0 =	sne.s32 s0, $0x0;
	s0 =	rddreg [dreg:$0x4]  }
0x260: {  	s0 =	sadd.s32 @!p0 $0x100000, s0  }
0x261: {  	[sflag:s0] =	ssyncadd.tile.s32 @!p0 $0x1;
	_ =	shalt  }
.Lfunc_end2:
_tile_overlayer_lowered:
.L_overlay_start_2:
0x262: {  	(tag) =	ssettag $0x2  }
0x263: {  	s0 =	rddreg [dreg:$0x0];
	s2 =	stileid.u32  }
0x264: {  	s1 =	rddreg [dreg:$0x1];
	p0 =	sne.s32 s2, $0x0  }
0x265: {  	s3 =	rddreg [dreg:$0x2];
	[bflag:$0x3] =	sbarrier.arrive $0xFFFF;
	s2 =	simm.s32 @!p0 $0x1C01  }
0x266: {  	[timem:s3], [sflag:s2] =	dma.local @!p0 [hbm:s0], s1  }
0x267: {  	s0 =	simm.s32 @!p0 $0x1  }
0x268: {  	_ =	swait.ge @!p0 [sflag:s0], s1  }
0x269: {  	s1 =	ssub.s32 @!p0 $0x0, s1;
	[sflag:s0] =	ssyncset.done @!p0 $0x0  }
0x26a: {  	[sflag:s0] =	ssyncadd.s32 @!p0 s1  }
0x26b: {  	[bflag:$0x3] =	sbarrier.arrive $0xFFFF  }
0x26c: {  	_ =	shalt  }

// kernel: kernel.19.cloned.1.call-start
scs
__scs_entry_jumppad:
0x0: {  	(pc) =	sbr.rel $0x88, $3  }
0x1: {  	(tag) =	ssettag $0x0;
	lr =	simm.s32 $0x1  }
0x2: {  	[smem:$0x3F99] =	sst lr;
	_ =	strace $0xD0000000  }
0x3: {  	_ = 	snop  }
0x4: {  	_ = 	snop  }
0x5: {  	_ = 	snop  }
0x6: {  	_ = 	snop  }
0x7: {  	_ = 	snop  }
__scs_overlays_trampoline_lowered:
0x8: {  	[smem:$0x3FA8] =	sst s0  }
0x9: {  	[smem:$0x3FA9] =	sst s1  }
0xa: {  	[smem:$0x3FAA] =	sst s2  }
0xb: {  	[smem:$0x3FAB] =	sst s3  }
0xc: {  	[smem:$0x3FAC] =	sst s4  }
0xd: {  	[smem:$0x3FAD] =	sst s5  }
0xe: {  	[smem:$0x3FAE] =	sst s6  }
0xf: {  	[smem:$0x3FAF] =	sst s7  }
0x10: {  	[smem:$0x3FB0] =	sst s8  }
0x11: {  	[smem:$0x3FB1] =	sst s9;
	s0 =	simm.s32 @!p0 $0x0  }
0x12: {  	s1 =	sld [smem:$0x3F97];
	s0 =	simm.s32 @p0 $0x1  }
0x13: {  	[smem:$0x3FB2] =	sst s0;
	s0 =	simm.s32 @!p1 $0x0  }
0x14: {  	s2 =	sld [smem:$0x3F96];
	s0 =	simm.s32 @p1 $0x1  }
0x15: {  	[smem:$0x3FB3] =	sst s0;
	s0 =	simm.s32 @!p2 $0x0  }
0x16: {  	s3 =	sld [smem:$0x3FDB];
	s0 =	simm.s32 @p2 $0x1  }
0x17: {  	s4 =	simm.s32 $0x1BF5;
	[smem:$0x3FB5] =	sst s0  }
0x18: {  	s0 =	sld [smem:$0x3F98];
	_ =	swait.ge [sflag:s4], $0x0  }
0x19: {  	s7 =	sld [smem:$0x3F99]  }
0x1a: {  	s8 =	sadd.s32 $0xFFFFE003, lr  }
0x1b: {  	s9 =	sadd.s32 $0xFFFFFEF7, lr;
	s5 =	simm.s32 $0xFFFFFFFF;
	p2 =	slt.u32 s8, $0xFFFFF086  }
0x1c: {  	p1 =	slt.u32 s9, $0xF7A;
	s5 =	simm.s32 @!p2 $0x0  }
0x1d: {  	s5 =	simm.s32 @p1 $0x1;
	p0 =	seq.s32 s7, s2  }
0x1e: {  	s7 =	smul.u32 @!p0 $0xF7A, s2;
	p2 =	seq.s32 @!p0 s5, $0x0  }
0x1f: {  	s9 =	smul.u32 $0xF7A, s1;
	s8 =	simm.s32 @!p0 $0x1BF5;
	p2 =	por !p2, p0  }
0x20: {  	[sflag:s8] =	ssyncset.s32 @!p0 $0xFFFFF086;
	s6 =	sadd.s32 @!p0 s3, s7;
	s7 =	simm.s32 @!p0 $0x108  }
0x21: {  	s3 =	sadd.s32 s3, s9;
	s6 =	sadd.s32 @!p0 $0x88, s6;
	s7 =	simm.s32 @p2 $0x1082  }
0x22: {  	[simem:s7], [sflag:s8] =	dma.local @!p0 [hbm:s6], $0xF7A  }
0x23: {  	s9 =	sor.u32 $0xD0000000, s2;
	s6 =	simm.s32 $0x108;
	_ =	swait.ge @!p0 [sflag:s8], $0x0  }
0x24: {  	s3 =	sadd.s32 $0x88, s3;
	s6 =	simm.s32 @!p1 $0x1082;
	[sflag:s4] =	ssyncset.s32 $0xFFFFF086  }
0x25: {  	[simem:s6], [sflag:s4] =	dma.local [hbm:s3], $0xF7A  }
0x26: {  	[smem:$0x3F99] =	sst s1;
	(tag) =	ssettag s2;
	_ =	strace s9  }
0x27: {  	s1 =	sld [smem:$0x3FA9]  }
0x28: {  	s2 =	sld [smem:$0x3FAA]  }
0x29: {  	s4 =	sld [smem:$0x3FAC]  }
0x2a: {  	p0 =	seq.s32 s5, $0x0;
	s5 =	sld [smem:$0x3FAD]  }
0x2b: {  	s6 =	sld [smem:$0x3FAE]  }
0x2c: {  	s7 =	sld [smem:$0x3FAF]  }
0x2d: {  	s3 =	simm.s32 $0x108;
	s8 =	sld [smem:$0x3FB0]  }
0x2e: {  	s3 =	simm.s32 @!p0 $0x1082;
	s9 =	sld [smem:$0x3FB1]  }
0x2f: {  	lr =	sadd.s32 s0, s3;
	s0 =	sld [smem:$0x3FA8]  }
0x30: {  	s3 =	sld [smem:$0x3FAB]  }
0x31: {  	[smem:$0x3FB4] =	sst s10  }
0x32: {  	s10 =	sld [smem:$0x3FB2];
	_ =	sdelay $0x3  }
0x33: {  	p0 =	seq.s32 s10, $0x1;
	s10 =	sld [smem:$0x3FB4];
	_ =	sdelay $0x3  }
0x34: {  	[smem:$0x3FB4] =	sst s10  }
0x35: {  	s10 =	sld [smem:$0x3FB3];
	_ =	sdelay $0x3  }
0x36: {  	p1 =	seq.s32 s10, $0x1;
	s10 =	sld [smem:$0x3FB4];
	_ =	sdelay $0x3  }
0x37: {  	[smem:$0x3FB4] =	sst s10  }
0x38: {  	s10 =	sld [smem:$0x3FB5]  }
0x39: {  	_ = 	snop;
	(pc) =	sbr.ind lr, $3  }
0x3a: {  	_ = 	snop  }
0x3b: {  	_ = 	snop  }
0x3c: {  	p2 =	seq.s32 s10, $0x1;
	s10 =	sld [smem:$0x3FB4]  }
0x3d: {  	_ =	shalt  }
0x3e: {  	_ =	shalt  }
0x3f: {  	_ =	shalt  }
0x40: {  	_ =	shalt  }
0x41: {  	_ =	shalt  }
0x42: {  	_ =	shalt  }
0x43: {  	_ =	shalt  }
0x44: {  	_ =	shalt  }
0x45: {  	_ =	shalt  }
0x46: {  	_ =	shalt  }
0x47: {  	_ =	shalt  }
0x48: {  	_ =	shalt  }
0x49: {  	_ =	shalt  }
0x4a: {  	_ =	shalt  }
0x4b: {  	_ =	shalt  }
0x4c: {  	_ =	shalt  }
0x4d: {  	_ =	shalt  }
0x4e: {  	_ =	shalt  }
0x4f: {  	_ =	shalt  }
0x50: {  	_ =	shalt  }
0x51: {  	_ =	shalt  }
0x52: {  	_ =	shalt  }
0x53: {  	_ =	shalt  }
0x54: {  	_ =	shalt  }
0x55: {  	_ =	shalt  }
0x56: {  	_ =	shalt  }
0x57: {  	_ =	shalt  }
0x58: {  	_ =	shalt  }
0x59: {  	_ =	shalt  }
0x5a: {  	_ =	shalt  }
0x5b: {  	_ =	shalt  }
0x5c: {  	_ =	shalt  }
0x5d: {  	_ =	shalt  }
0x5e: {  	_ =	shalt  }
0x5f: {  	_ =	shalt  }
0x60: {  	_ =	shalt  }
0x61: {  	_ =	shalt  }
0x62: {  	_ =	shalt  }
0x63: {  	_ =	shalt  }
0x64: {  	_ =	shalt  }
0x65: {  	_ =	shalt  }
0x66: {  	_ =	shalt  }
0x67: {  	_ =	shalt  }
0x68: {  	_ =	shalt  }
0x69: {  	_ =	shalt  }
0x6a: {  	_ =	shalt  }
0x6b: {  	_ =	shalt  }
0x6c: {  	_ =	shalt  }
0x6d: {  	_ =	shalt  }
0x6e: {  	_ =	shalt  }
0x6f: {  	_ =	shalt  }
0x70: {  	_ =	shalt  }
0x71: {  	_ =	shalt  }
0x72: {  	_ =	shalt  }
0x73: {  	_ =	shalt  }
0x74: {  	_ =	shalt  }
0x75: {  	_ =	shalt  }
0x76: {  	_ =	shalt  }
0x77: {  	_ =	shalt  }
0x78: {  	_ =	shalt  }
0x79: {  	_ =	shalt  }
0x7a: {  	_ =	shalt  }
0x7b: {  	_ =	shalt  }
0x7c: {  	_ =	shalt  }
0x7d: {  	_ =	shalt  }
0x7e: {  	_ =	shalt  }
0x7f: {  	_ =	shalt  }
0x80: {  	_ =	shalt  }
0x81: {  	_ =	shalt  }
0x82: {  	_ =	shalt  }
0x83: {  	_ =	shalt  }
0x84: {  	_ =	shalt  }
0x85: {  	_ =	shalt  }
0x86: {  	_ =	shalt  }
0x87: {  	_ =	shalt  }
.Lfunc_end0:
.L_simem_size_0:
called_computation.3_lowered:
.L_overlay_start_0:
0x88: {  	s2 =	sld [smem:$0x3FD9]  }
0x89: {  	s3 =	sld [smem:$0x3FFE];
	_ =	sdelay $0x1  }
0x8a: {  	s1 =	srdreg.scid  }
0x8b: {  	s0 =	sand.u32 $0x1, s1  }
0x8c: {  	s17 =	sshll.u32 s0, $0xA;
	s2 =	sadd.s32 s3, s2  }
0x8d: {  	s2 =	sadd.s32 s2, s17  }
0x8e: {  	[smem:$0x3FC0] =	sst s2  }
0x8f: {  	_ = 	snop  }
0x90: {  	s2 =	sld [smem:$0x3FD0];
	(tm) =	ssettm $0x1  }
0x91: {  	s18 =	sld [smem:$0x3FFB];
	_ =	sdelay $0x3  }
0x92: {  	_ =	strace s18  }
0x93: {  	s3 =	sld [smem:$0x3FFC];
	_ =	sdelay $0x3  }
0x94: {  	_ =	strace s3  }
0x95: {  	s3 =	sld [smem:$0x3FFD];
	_ =	sdelay $0x3  }
0x96: {  	_ =	strace s3  }
0x97: {  	_ =	strace $0x8FFFFFFF  }
0x98: {  	s19 =	sld [smem:$0x3FDB];
	_ =	sdelay $0x1  }
0x99: {  	s4 =	simm.s32 $_scs_section_size  }
0x9a: {  	s5 =	simm.s32 $_size__tile_overlayer_lowered;
	s6 =	simm.s32 $_tile_overlayer_lowered  }
0x9b: {  	s22 =	simm.s32 $0x1BFF;
	s21 =	sshll.u32 s6, $0x1;
	s3 =	sadd.s32 s4, s19  }
0x9c: {  	s7 =	simm.s32 $0x0;
	s20 =	sshll.u32 s5, $0x1;
	s5 =	sadd.s32 s21, s3  }
0x9d: {  	[timem:s7], [sflag:s22] =	dma.local [hbm:s5], s20  }
0x9e: {  	_ =	swait.ge [sflag:s22], s20  }
0x9f: {  	s4 =	ssub.s32 $0x0, s20;
	[sflag:s22] =	ssyncset.done $0x0  }
0xa0: {  	[sflag:s22] =	ssyncadd.s32 s4;
	_ =	sdelay $0x1  }
0xa1: {  	s23 =	simm.s32 $0x1B8B  }
0xa2: {  	_ =	swait.ge [sflag:s23], $0x1  }
0xa3: {  	[sflag:s23] =	ssyncset.done $0x0  }
0xa4: {  	s25 =	simm.s32 $0x1B8E;
	s24 =	sld [smem:$0x3FFE];
	[sflag:s23] =	ssyncadd.s32 $0xFFFFFFFF  }
0xa5: {  	s26 =	simm.s32 $execute0_lowered;
	[smem:$0x3FD2] =	sst s25  }
0xa6: {  	s5 =	sshll.u32 s26, $0x1;
	_ =	strace $0x8000004F;
	[dreg:$0x1] =	wrdreg $0xFFFFFFFF  }
0xa7: {  	s28 =	simm.s32 $_size_execute0_lowered;
	s3 =	sadd.s32 s3, s5;
	[dreg:$0x0] =	wrdreg $0x0  }
0xa8: {  	s5 =	sshll.u32 s28, $0x1;
	[dreg:$0x2] =	wrdreg s3  }
0xa9: {  	[dreg:$0x3] =	wrdreg s5  }
0xaa: {  	[dreg:$0x4] =	wrdreg $0xC0  }
0xab: {  	_ =	task [dreg:s7], $0x5FFFF  }
0xac: {  	[dreg:$0x1] =	wrdreg $0xFFFFFFFF  }
0xad: {  	[dreg:$0x0] =	wrdreg $0x60  }
0xae: {  	[dreg:$0x2] =	wrdreg s24  }
0xaf: {  	[dreg:$0x3] =	wrdreg s2  }
0xb0: {  	[dreg:$0x4] =	wrdreg $0x50000  }
0xb1: {  	[dreg:$0x5] =	wrdreg $0x0  }
0xb2: {  	[dreg:$0x6] =	wrdreg $0x9  }
0xb3: {  	_ =	task.clear_ibuf [dreg:s7], $0x7FFFF;
	_ =	strace $0x9000004F  }
0xb4: {  	s29 =	simm.s32 $0x9;
	_ =	strace $0x80000051  }
0xb5: {  	_ =	swait.ge [sflag:s29], $0x1  }
0xb6: {  	[sflag:s29] =	ssyncadd.s32 $0xFFFFFFFF  }
0xb7: {  	_ =	strace $0x90000051  }
0xb8: {  	_ =	sfence  }
0xb9: {  	s30 =	sld [smem:$0x0];
	_ =	sdelay $0x2  }
0xba: {  	s31 =	sshll.u32 s1, $0xD;
	s1 =	sshrl.u32 s1, $0x2  }
0xbb: {  	s3 =	sand.u32 $0x4000, s31;
	s1 =	sadd.s32 s1, s30  }
0xbc: {  	s0 =	sor.u32 s3, s0;
	s1 =	sshll.u32 s1, $0x11  }
0xbd: {  	s0 =	sor.u32 s1, s0  }
0xbe: {  	s0 =	sadd.s32 $0x8F2B, s0  }
0xbf: {  	[sflag:s0] =	ssyncadd.remote.s32 $0x1  }
0xc0: {  	_ =	sfence.sel $0xFFFF  }
0xc1: {  	[dreg:$0x0] =	wrdreg $0xFFFFFFFF;
	(pc) =	sbr.abs _section_cstart, $3  }
0xc2: {  	[dreg:$0x1] =	wrdreg $0xFFFFFFFF  }
0xc3: {  	_ =	task.clear_ibuf [dreg:s7], $0x2FFFF;
	_ =	strace $0x9FFFFFFF  }
0xc4: {  	(tm) =	ssettm $0x7FFFFFFF  }
0xc5: {  	_ =	shalt  }
tec
execute0_lowered:
.L_overlay_start_1:
0x0: {  	(tag) =	ssettag $0x1  }
0x1: {  	s0 =	rddreg [dreg:$0x0]  }
0x2: {  	s1 =	rddreg [dreg:$0x1]  }
0x3: {  	s2 =	rddreg [dreg:$0x2]  }
0x4: {  	s3 =	rddreg [dreg:$0x3];
	s4 =	simm.s32 $0x0  }
0x5: {  	s25 =	simm.s32 $0xA080;
	[smem:$0x7FF] =	sst s4  }
0x6: {  	s10 =	simm.s32 $0xA100;
	_ =	strace $0x80000050;
	[dreg:$0x7] =	wrdreg s25  }
0x7: {  	s11 =	simm.s32 $0xA180;
	[dreg:$0x8] =	wrdreg s10  }
0x8: {  	s12 =	simm.s32 $0xAA80;
	[dreg:$0x9] =	wrdreg s11  }
0x9: {  	s9 =	stileid.u32;
	s13 =	simm.s32 $0xA200;
	[dreg:$0xa] =	wrdreg s12  }
0xa: {  	s23 =	srdreg.scid;
	s14 =	simm.s32 $0xAB00;
	[dreg:$0xb] =	wrdreg s13  }
0xb: {  	s15 =	simm.s32 $0xA280;
	s17 =	simm.s32 $0xAB80;
	[dreg:$0xc] =	wrdreg s14  }
0xc: {  	s18 =	simm.s32 $0xA300;
	s20 =	simm.s32 $0xAC00;
	[dreg:$0xd] =	wrdreg s15  }
0xd: {  	s21 =	simm.s32 $0xA380;
	s28 =	simm.s32 $0x8;
	[dreg:$0xe] =	wrdreg s17  }
0xe: {  	s29 =	simm.s32 $0xA880;
	s30 =	simm.s32 $0xB180;
	[dreg:$0xf] =	wrdreg s18  }
0xf: {  	s31 =	simm.s32 $0xA900;
	s5 =	smul.u32 $0xA00, s9;
	[dreg:$0x10] =	wrdreg s20  }
0x10: {  	s6 =	smul.u32 $0x5000, s9;
	s22 =	sshll.u32 s9, $0x6;
	[dreg:$0x11] =	wrdreg s21  }
0x11: {  	s9 =	sor.u32 $0x1C09, s22;
	s25 =	simm.s32 $0xAD00;
	s10 =	simm.s32 $0xAD80  }
0x12: {  	s12 =	simm.s32 $0xA500;
	s13 =	simm.s32 $0xAE00;
	[dreg:$0x14] =	wrdreg s25  }
0x13: {  	s14 =	simm.s32 $0xA580;
	s17 =	simm.s32 $0xA600;
	[dreg:$0x16] =	wrdreg s10  }
0x14: {  	s18 =	simm.s32 $0xAF00;
	s20 =	simm.s32 $0xAF80;
	[dreg:$0x17] =	wrdreg s12  }
0x15: {  	s21 =	simm.s32 $0xA700;
	s22 =	simm.s32 $0xB000;
	[dreg:$0x18] =	wrdreg s13  }
0x16: {  	s7 =	sadd.s32 s5, s0;
	s8 =	sshrl.u32 s6, $0x3;
	[dreg:$0x19] =	wrdreg s14  }
0x17: {  	s1 =	sadd.s32 s5, s1;
	s5 =	sand.u32 $0x1, s23;
	[dreg:$0x1b] =	wrdreg s17  }
0x18: {  	s19 =	sadd.s32 s6, s2;
	s23 =	simm.s32 $0xAC80;
	[dreg:$0x1c] =	wrdreg s18  }
0x19: {  	s13 =	simm.s32 $0xA000;
	s14 =	simm.s32 $0xAA00;
	[dreg:$0x1e] =	wrdreg s20  }
0x1a: {  	s17 =	simm.s32 $0xC400;
	s18 =	simm.s32 $0xD400;
	[dreg:$0x1f] =	wrdreg s21  }
0x1b: {  	[smem:$0x7F7] =	sst s22;
	s20 =	simm.s32 $0xE400;
	s21 =	simm.s32 $0x2  }
0x1c: {  	s25 =	simm.s32 $0xA800;
	s22 =	simm.s32 $0x5;
	[smem:$0x7FC] =	sst s9  }
0x1d: {  	s12 =	simm.s32 $0x0;
	[dreg:$0x5] =	wrdreg s1;
	s24 =	sadd.s32 $0xC600, s7  }
0x1e: {  	s26 =	smul.u32 $0x50000, s5;
	s8 =	sadd.s32 s8, s0;
	[dreg:$0x12] =	wrdreg s23  }
0x1f: {  	s5 =	ssub.s32 $0x2, s5;
	s10 =	sshrl.u32 s19, $0x3;
	[smem:$0x7FA] =	sst s25  }
0x20: {  	s19 =	simm.s32 $0xA680;
	s23 =	simm.s32 $0xA780;
	[dreg:$0x6] =	wrdreg s24  }
0x21: {  	s25 =	simm.s32 $0x4;
	s1 =	simm.s32 $0xA980;
	[dreg:$0x1d] =	wrdreg s19  }
0x22: {  	s16 =	sshrl.u32 s5, $0x1;
	s8 =	sadd.s32 $0x2600, s8;
	[smem:$0x7F8] =	sst s23  }
0x23: {  	s24 =	simm.s32 $0xA400;
	s19 =	simm.s32 $0x1;
	[smem:$0x7FD] =	sst s10  }
0x24: {  	s23 =	simm.s32 $0x3;
	s7 =	sadd.s32 s6, s26;
	[smem:$0x7F2] =	sst s8  }
0x25: {  	s5 =	ssub.s32 s5, s16;
	s6 =	sadd.s32 s6, s3;
	[dreg:$0x13] =	wrdreg s24  }
0x26: {  	s8 =	simm.s32 $0xA480;
	s16 =	simm.s32 $0xAE80;
	s24 =	simm.s32 $0xB080  }
0x27: {  	s7 =	sshrl.u32 s7, $0x3;
	[dreg:$0x15] =	wrdreg s8;
	s11 =	smax.u32 s5, $0x1  }
0x28: {  	s15 =	sshrl.u32 s6, $0x3;
	[dreg:$0x1a] =	wrdreg s16;
	s16 =	simm.s32 $0xB400  }
0x29: {  	[smem:$0x7F9] =	sst s24;
	s24 =	simm.s32 $0x6;
	s5 =	simm.s32 $0xB280  }
0x2a: {  	s8 =	simm.s32 $0xB380;
	s0 =	sadd.s32 s7, s0;
	[smem:$0x7F5] =	sst s11  }
0x2b: {  	s11 =	simm.s32 $0x9;
	[smem:$0x7F6] =	sst s15;
	s26 =	sadd.s32 $0x66600, s0  }
0x2c: {  	s15 =	simm.s32 $0x80;
	s0 =	sadd.s32 $0x7A600, s0;
	[smem:$0x7F3] =	sst s26  }
0x2d: {  	s7 =	simm.s32 $0xB300;
	[smem:$0x7F4] =	sst s0;
	s26 =	simm.s32 $0xB100  }
0x2e: {  	s0 =	simm.s32 $0xB200;
	[smem:$0x7FB] =	sst s26;
	s26 =	simm.s32 $0x7  }
.LBB2_1:
0x2f: {  	s6 =	sld [smem:$0x7F2];
	_ =	sdelay $0x1  }
0x30: {  	[smem:$0x7F1] =	sst s12  }
0x31: {  	[spmem:s10], [sflag:s9] =	dma.local [hbm:s6], $0xA00  }
0x32: {  	_ =	swait.ge [sflag:s11], $0xA00  }
0x33: {  	s10 =	sld [smem:$0x7F3]  }
0x34: {  	s12 =	sld [smem:$0x7F6]  }
0x35: {  	[sflag:s11] =	ssyncset.done $0x0  }
0x36: {  	[sflag:s11] =	ssyncadd.s32 $0xFFFFF600  }
0x37: {  	[spmem:s12], [sflag:s9] =	dma.local [hbm:s10], $0xA00  }
0x38: {  	_ =	swait.ge [sflag:s11], $0xA00  }
0x39: {  	[sflag:s11] =	ssyncset.done $0x0  }
0x3a: {  	[sflag:s11] =	ssyncadd.s32 $0xFFFFF600  }
0x3b: {  	[bflag:$0x0] =	sbarrier.arrive $0xFFFF  }
0x3c: {  	s9 =	rddreg [dreg:$0x6]  }
0x3d: {  	s6 =	sadd.s32 $0x0, s9  }
0x3e: {  	[tilespmem:s13], [sflag:$0x9] =	stream.linear.gather [hbm4b:s6+s4], $0xA00, $0x38;
	[tilespmem:$0xF400] =	vst v63  }
0x3f: {  	_ =	swait.ge [sflag:s11], $0xA00  }
0x40: {  	s10 =	rddreg [dreg:$0x5];
	[sflag:s11] =	ssyncset.done $0x0  }
0x41: {  	[sflag:s11] =	ssyncadd.s32 $0xFFFFF600;
	s6 =	sadd.s32 $0x0, s10  }
0x42: {  	[tilespmem:s14], [sflag:$0x9] =	stream.linear.gather [hbm4b:s6+s4], $0xA00, $0x38;
	[tilespmem:$0xF400] =	vst v63  }
0x43: {  	_ =	swait.ge [sflag:s11], $0xA00  }
0x44: {  	[sflag:s11] =	ssyncset.done $0x0  }
0x45: {  	[sflag:s11] =	ssyncadd.s32 $0xFFFFF600  }
0x46: {  	[tilespmem:s16], [sflag:$0x1] =	stream.indirect.gather [spmem:s3], $0x20, s13, s15, $0xb8;
	[tilespmem:$0xF400] =	vst v63  }
0x47: {  	s12 =	rddreg [dreg:$0x7]  }
0x48: {  	[tilespmem:s17], [sflag:$0x2] =	stream.indirect.gather [spmem:s3], $0x20, s12, s15, $0xb8;
	[tilespmem:$0xF400] =	vst v63  }
0x49: {  	s9 =	rddreg [dreg:$0x8]  }
0x4a: {  	[tilespmem:s18], [sflag:$0x3] =	stream.indirect.gather [spmem:s3], $0x20, s9, s15, $0xb8;
	[tilespmem:$0xF400] =	vst v63  }
0x4b: {  	_ =	swait.ge [sflag:s19], $0x1000  }
0x4c: {  	[sflag:s19] =	ssyncset.done $0x0  }
0x4d: {  	[sflag:s19] =	ssyncadd.s32 $0xFFFFF000  }
0x4e: {  	[spmem:s2] =	stream.indirect.scatter.add.f32 [tilespmem:s16], [sflag:$0x5], $0x20, s14, s15, $0xb8;
	[tilespmem:$0xF400] =	vst v63  }
0x4f: {  	s12 =	rddreg [dreg:$0x9]  }
0x50: {  	[tilespmem:s20], [sflag:$0x4] =	stream.indirect.gather [spmem:s3], $0x20, s12, s15, $0xb8;
	[tilespmem:$0xF400] =	vst v63  }
0x51: {  	_ =	swait.ge [sflag:s21], $0x1000  }
0x52: {  	[sflag:s21] =	ssyncset.done $0x0  }
0x53: {  	s9 =	rddreg [dreg:$0xa];
	[sflag:s21] =	ssyncadd.s32 $0xFFFFF000  }
0x54: {  	[spmem:s2] =	stream.indirect.scatter.add.f32 [tilespmem:s17], [sflag:$0x6], $0x20, s9, s15, $0xb8;
	[tilespmem:$0xF400] =	vst v63  }
0x55: {  	_ =	swait.ge [sflag:s22], $0x1000  }
0x56: {  	[sflag:s22] =	ssyncset.done $0x0  }
0x57: {  	s10 =	rddreg [dreg:$0xb];
	[sflag:s22] =	ssyncadd.s32 $0xFFFFF000  }
0x58: {  	[tilespmem:s16], [sflag:$0x1] =	stream.indirect.gather [spmem:s3], $0x20, s10, s15, $0xb8;
	[tilespmem:$0xF400] =	vst v63  }
0x59: {  	_ =	swait.ge [sflag:s23], $0x1000  }
0x5a: {  	[sflag:s23] =	ssyncset.done $0x0  }
0x5b: {  	s12 =	rddreg [dreg:$0xc];
	[sflag:s23] =	ssyncadd.s32 $0xFFFFF000  }
0x5c: {  	[spmem:s2] =	stream.indirect.scatter.add.f32 [tilespmem:s18], [sflag:$0x7], $0x20, s12, s15, $0xb8;
	[tilespmem:$0xF400] =	vst v63  }
0x5d: {  	_ =	swait.ge [sflag:s24], $0x1000  }
0x5e: {  	[sflag:s24] =	ssyncset.done $0x0  }
0x5f: {  	s9 =	rddreg [dreg:$0xd];
	[sflag:s24] =	ssyncadd.s32 $0xFFFFF000  }
0x60: {  	[tilespmem:s17], [sflag:$0x2] =	stream.indirect.gather [spmem:s3], $0x20, s9, s15, $0xb8;
	[tilespmem:$0xF400] =	vst v63  }
0x61: {  	_ =	swait.ge [sflag:s25], $0x1000  }
0x62: {  	[sflag:s25] =	ssyncset.done $0x0  }
0x63: {  	s10 =	rddreg [dreg:$0xe];
	[sflag:s25] =	ssyncadd.s32 $0xFFFFF000  }
0x64: {  	[spmem:s2] =	stream.indirect.scatter.add.f32 [tilespmem:s20], [sflag:$0x8], $0x20, s10, s15, $0xb8;
	[tilespmem:$0xF400] =	vst v63  }
0x65: {  	_ =	swait.ge [sflag:s26], $0x1000  }
0x66: {  	[sflag:s26] =	ssyncset.done $0x0  }
0x67: {  	s12 =	rddreg [dreg:$0xf];
	[sflag:s26] =	ssyncadd.s32 $0xFFFFF000  }
0x68: {  	[tilespmem:s18], [sflag:$0x3] =	stream.indirect.gather [spmem:s3], $0x20, s12, s15, $0xb8;
	[tilespmem:$0xF400] =	vst v63  }
0x69: {  	_ =	swait.ge [sflag:s19], $0x1000  }
0x6a: {  	[sflag:s19] =	ssyncset.done $0x0  }
0x6b: {  	s9 =	rddreg [dreg:$0x10];
	[sflag:s19] =	ssyncadd.s32 $0xFFFFF000  }
0x6c: {  	[spmem:s2] =	stream.indirect.scatter.add.f32 [tilespmem:s16], [sflag:$0x5], $0x20, s9, s15, $0xb8;
	[tilespmem:$0xF400] =	vst v63  }
0x6d: {  	_ =	swait.ge [sflag:s28], $0x1000  }
0x6e: {  	[sflag:s28] =	ssyncset.done $0x0  }
0x6f: {  	s10 =	rddreg [dreg:$0x11];
	[sflag:s28] =	ssyncadd.s32 $0xFFFFF000  }
0x70: {  	[tilespmem:s20], [sflag:$0x4] =	stream.indirect.gather [spmem:s3], $0x20, s10, s15, $0xb8;
	[tilespmem:$0xF400] =	vst v63  }
0x71: {  	_ =	swait.ge [sflag:s21], $0x1000  }
0x72: {  	[sflag:s21] =	ssyncset.done $0x0  }
0x73: {  	s12 =	rddreg [dreg:$0x12];
	[sflag:s21] =	ssyncadd.s32 $0xFFFFF000  }
0x74: {  	[spmem:s2] =	stream.indirect.scatter.add.f32 [tilespmem:s17], [sflag:$0x6], $0x20, s12, s15, $0xb8;
	[tilespmem:$0xF400] =	vst v63  }
0x75: {  	_ =	swait.ge [sflag:s22], $0x1000  }
0x76: {  	[sflag:s22] =	ssyncset.done $0x0  }
0x77: {  	s9 =	rddreg [dreg:$0x13];
	[sflag:s22] =	ssyncadd.s32 $0xFFFFF000  }
0x78: {  	[tilespmem:s16], [sflag:$0x1] =	stream.indirect.gather [spmem:s3], $0x20, s9, s15, $0xb8;
	[tilespmem:$0xF400] =	vst v63  }
0x79: {  	_ =	swait.ge [sflag:s23], $0x1000  }
0x7a: {  	[sflag:s23] =	ssyncset.done $0x0  }
0x7b: {  	s10 =	rddreg [dreg:$0x14];
	[sflag:s23] =	ssyncadd.s32 $0xFFFFF000  }
0x7c: {  	[spmem:s2] =	stream.indirect.scatter.add.f32 [tilespmem:s18], [sflag:$0x7], $0x20, s10, s15, $0xb8;
	[tilespmem:$0xF400] =	vst v63  }
0x7d: {  	_ =	swait.ge [sflag:s24], $0x1000  }
0x7e: {  	[sflag:s24] =	ssyncset.done $0x0  }
0x7f: {  	s12 =	rddreg [dreg:$0x15];
	[sflag:s24] =	ssyncadd.s32 $0xFFFFF000  }
0x80: {  	[tilespmem:s17], [sflag:$0x2] =	stream.indirect.gather [spmem:s3], $0x20, s12, s15, $0xb8;
	[tilespmem:$0xF400] =	vst v63  }
0x81: {  	_ =	swait.ge [sflag:s25], $0x1000  }
0x82: {  	[sflag:s25] =	ssyncset.done $0x0  }
0x83: {  	s9 =	rddreg [dreg:$0x16];
	[sflag:s25] =	ssyncadd.s32 $0xFFFFF000  }
0x84: {  	[spmem:s2] =	stream.indirect.scatter.add.f32 [tilespmem:s20], [sflag:$0x8], $0x20, s9, s15, $0xb8;
	[tilespmem:$0xF400] =	vst v63  }
0x85: {  	_ =	swait.ge [sflag:s26], $0x1000  }
0x86: {  	[sflag:s26] =	ssyncset.done $0x0  }
0x87: {  	s10 =	rddreg [dreg:$0x17];
	[sflag:s26] =	ssyncadd.s32 $0xFFFFF000  }
0x88: {  	[tilespmem:s18], [sflag:$0x3] =	stream.indirect.gather [spmem:s3], $0x20, s10, s15, $0xb8;
	[tilespmem:$0xF400] =	vst v63  }
0x89: {  	_ =	swait.ge [sflag:s19], $0x1000  }
0x8a: {  	[sflag:s19] =	ssyncset.done $0x0  }
0x8b: {  	s12 =	rddreg [dreg:$0x18];
	[sflag:s19] =	ssyncadd.s32 $0xFFFFF000  }
0x8c: {  	[spmem:s2] =	stream.indirect.scatter.add.f32 [tilespmem:s16], [sflag:$0x5], $0x20, s12, s15, $0xb8;
	[tilespmem:$0xF400] =	vst v63  }
0x8d: {  	_ =	swait.ge [sflag:s28], $0x1000  }
0x8e: {  	[sflag:s28] =	ssyncset.done $0x0  }
0x8f: {  	s9 =	rddreg [dreg:$0x19];
	[sflag:s28] =	ssyncadd.s32 $0xFFFFF000  }
0x90: {  	[tilespmem:s20], [sflag:$0x4] =	stream.indirect.gather [spmem:s3], $0x20, s9, s15, $0xb8;
	[tilespmem:$0xF400] =	vst v63  }
0x91: {  	_ =	swait.ge [sflag:s21], $0x1000  }
0x92: {  	[sflag:s21] =	ssyncset.done $0x0  }
0x93: {  	s10 =	rddreg [dreg:$0x1a];
	[sflag:s21] =	ssyncadd.s32 $0xFFFFF000  }
0x94: {  	[spmem:s2] =	stream.indirect.scatter.add.f32 [tilespmem:s17], [sflag:$0x6], $0x20, s10, s15, $0xb8;
	[tilespmem:$0xF400] =	vst v63  }
0x95: {  	_ =	swait.ge [sflag:s22], $0x1000  }
0x96: {  	[sflag:s22] =	ssyncset.done $0x0  }
0x97: {  	s12 =	rddreg [dreg:$0x1b];
	[sflag:s22] =	ssyncadd.s32 $0xFFFFF000  }
0x98: {  	[tilespmem:s16], [sflag:$0x1] =	stream.indirect.gather [spmem:s3], $0x20, s12, s15, $0xb8;
	[tilespmem:$0xF400] =	vst v63  }
0x99: {  	_ =	swait.ge [sflag:s23], $0x1000  }
0x9a: {  	[sflag:s23] =	ssyncset.done $0x0  }
0x9b: {  	s9 =	rddreg [dreg:$0x1c];
	[sflag:s23] =	ssyncadd.s32 $0xFFFFF000  }
0x9c: {  	[spmem:s2] =	stream.indirect.scatter.add.f32 [tilespmem:s18], [sflag:$0x7], $0x20, s9, s15, $0xb8;
	[tilespmem:$0xF400] =	vst v63  }
0x9d: {  	_ =	swait.ge [sflag:s24], $0x1000  }
0x9e: {  	[sflag:s24] =	ssyncset.done $0x0  }
0x9f: {  	s10 =	rddreg [dreg:$0x1d];
	[sflag:s24] =	ssyncadd.s32 $0xFFFFF000  }
0xa0: {  	[tilespmem:s17], [sflag:$0x2] =	stream.indirect.gather [spmem:s3], $0x20, s10, s15, $0xb8;
	[tilespmem:$0xF400] =	vst v63  }
0xa1: {  	_ =	swait.ge [sflag:s25], $0x1000  }
0xa2: {  	[sflag:s25] =	ssyncset.done $0x0  }
0xa3: {  	s12 =	rddreg [dreg:$0x1e];
	[sflag:s25] =	ssyncadd.s32 $0xFFFFF000  }
0xa4: {  	[spmem:s2] =	stream.indirect.scatter.add.f32 [tilespmem:s20], [sflag:$0x8], $0x20, s12, s15, $0xb8;
	[tilespmem:$0xF400] =	vst v63  }
0xa5: {  	_ =	swait.ge [sflag:s26], $0x1000  }
0xa6: {  	[sflag:s26] =	ssyncset.done $0x0  }
0xa7: {  	s9 =	rddreg [dreg:$0x1f];
	[sflag:s26] =	ssyncadd.s32 $0xFFFFF000  }
0xa8: {  	[tilespmem:s18], [sflag:$0x3] =	stream.indirect.gather [spmem:s3], $0x20, s9, s15, $0xb8;
	[tilespmem:$0xF400] =	vst v63  }
0xa9: {  	_ =	swait.ge [sflag:s19], $0x1000  }
0xaa: {  	s10 =	sld [smem:$0x7F7]  }
0xab: {  	[sflag:s19] =	ssyncset.done $0x0  }
0xac: {  	[sflag:s19] =	ssyncadd.s32 $0xFFFFF000  }
0xad: {  	[spmem:s2] =	stream.indirect.scatter.add.f32 [tilespmem:s16], [sflag:$0x5], $0x20, s10, s15, $0xb8;
	[tilespmem:$0xF400] =	vst v63  }
0xae: {  	_ =	swait.ge [sflag:s28], $0x1000  }
0xaf: {  	s12 =	sld [smem:$0x7F8]  }
0xb0: {  	[sflag:s28] =	ssyncset.done $0x0  }
0xb1: {  	[sflag:s28] =	ssyncadd.s32 $0xFFFFF000  }
0xb2: {  	[tilespmem:s20], [sflag:$0x4] =	stream.indirect.gather [spmem:s3], $0x20, s12, s15, $0xb8;
	[tilespmem:$0xF400] =	vst v63  }
0xb3: {  	_ =	swait.ge [sflag:s21], $0x1000  }
0xb4: {  	s9 =	sld [smem:$0x7F9]  }
0xb5: {  	[sflag:s21] =	ssyncset.done $0x0  }
0xb6: {  	[sflag:s21] =	ssyncadd.s32 $0xFFFFF000  }
0xb7: {  	[spmem:s2] =	stream.indirect.scatter.add.f32 [tilespmem:s17], [sflag:$0x6], $0x20, s9, s15, $0xb8;
	[tilespmem:$0xF400] =	vst v63  }
0xb8: {  	_ =	swait.ge [sflag:s22], $0x1000  }
0xb9: {  	s10 =	sld [smem:$0x7FA]  }
0xba: {  	[sflag:s22] =	ssyncset.done $0x0  }
0xbb: {  	[sflag:s22] =	ssyncadd.s32 $0xFFFFF000  }
0xbc: {  	[tilespmem:s16], [sflag:$0x1] =	stream.indirect.gather [spmem:s3], $0x20, s10, s15, $0xb8;
	[tilespmem:$0xF400] =	vst v63  }
0xbd: {  	_ =	swait.ge [sflag:s23], $0x1000  }
0xbe: {  	s12 =	sld [smem:$0x7FB]  }
0xbf: {  	[sflag:s23] =	ssyncset.done $0x0  }
0xc0: {  	[sflag:s23] =	ssyncadd.s32 $0xFFFFF000  }
0xc1: {  	[spmem:s2] =	stream.indirect.scatter.add.f32 [tilespmem:s18], [sflag:$0x7], $0x20, s12, s15, $0xb8;
	[tilespmem:$0xF400] =	vst v63  }
0xc2: {  	_ =	swait.ge [sflag:s24], $0x1000  }
0xc3: {  	[sflag:s24] =	ssyncset.done $0x0  }
0xc4: {  	[sflag:s24] =	ssyncadd.s32 $0xFFFFF000  }
0xc5: {  	[tilespmem:s17], [sflag:$0x2] =	stream.indirect.gather [spmem:s3], $0x20, s29, s15, $0xb8;
	[tilespmem:$0xF400] =	vst v63  }
0xc6: {  	_ =	swait.ge [sflag:s25], $0x1000  }
0xc7: {  	[sflag:s25] =	ssyncset.done $0x0  }
0xc8: {  	[sflag:s25] =	ssyncadd.s32 $0xFFFFF000  }
0xc9: {  	[spmem:s2] =	stream.indirect.scatter.add.f32 [tilespmem:s20], [sflag:$0x8], $0x20, s30, s15, $0xb8;
	[tilespmem:$0xF400] =	vst v63  }
0xca: {  	_ =	swait.ge [sflag:s26], $0x1000  }
0xcb: {  	[sflag:s26] =	ssyncset.done $0x0  }
0xcc: {  	[sflag:s26] =	ssyncadd.s32 $0xFFFFF000  }
0xcd: {  	[tilespmem:s18], [sflag:$0x3] =	stream.indirect.gather [spmem:s3], $0x20, s31, s15, $0xb8;
	[tilespmem:$0xF400] =	vst v63  }
0xce: {  	_ =	swait.ge [sflag:s19], $0x1000  }
0xcf: {  	[sflag:s19] =	ssyncset.done $0x0  }
0xd0: {  	[sflag:s19] =	ssyncadd.s32 $0xFFFFF000  }
0xd1: {  	[spmem:s2] =	stream.indirect.scatter.add.f32 [tilespmem:s16], [sflag:$0x5], $0x20, s0, s15, $0xb8;
	[tilespmem:$0xF400] =	vst v63  }
0xd2: {  	_ =	swait.ge [sflag:s28], $0x1000  }
0xd3: {  	[sflag:s28] =	ssyncset.done $0x0  }
0xd4: {  	[sflag:s28] =	ssyncadd.s32 $0xFFFFF000  }
0xd5: {  	[tilespmem:s20], [sflag:$0x4] =	stream.indirect.gather [spmem:s3], $0x20, s1, s15, $0xb8;
	[tilespmem:$0xF400] =	vst v63  }
0xd6: {  	_ =	swait.ge [sflag:s21], $0x1000  }
0xd7: {  	[sflag:s21] =	ssyncset.done $0x0  }
0xd8: {  	[sflag:s21] =	ssyncadd.s32 $0xFFFFF000  }
0xd9: {  	[spmem:s2] =	stream.indirect.scatter.add.f32 [tilespmem:s17], [sflag:$0x6], $0x20, s5, s15, $0xb8;
	[tilespmem:$0xF400] =	vst v63  }
0xda: {  	_ =	swait.ge [sflag:s23], $0x1000  }
0xdb: {  	[sflag:s23] =	ssyncset.done $0x0  }
0xdc: {  	[sflag:s23] =	ssyncadd.s32 $0xFFFFF000  }
0xdd: {  	[spmem:s2] =	stream.indirect.scatter.add.f32 [tilespmem:s18], [sflag:$0x7], $0x20, s7, s15, $0xb8;
	[tilespmem:$0xF400] =	vst v63  }
0xde: {  	_ =	swait.ge [sflag:s25], $0x1000  }
0xdf: {  	[sflag:s25] =	ssyncset.done $0x0  }
0xe0: {  	[sflag:s25] =	ssyncadd.s32 $0xFFFFF000  }
0xe1: {  	[spmem:s2] =	stream.indirect.scatter.add.f32 [tilespmem:s20], [sflag:$0x8], $0x20, s8, s15, $0xb8;
	[tilespmem:$0xF400] =	vst v63  }
0xe2: {  	_ =	swait.ge [sflag:s22], $0x1000  }
0xe3: {  	[sflag:s22] =	ssyncset.done $0x0  }
0xe4: {  	[sflag:s22] =	ssyncadd.s32 $0xFFFFF000  }
0xe5: {  	_ =	swait.ge [sflag:s24], $0x1000  }
0xe6: {  	[sflag:s24] =	ssyncset.done $0x0  }
0xe7: {  	[sflag:s24] =	ssyncadd.s32 $0xFFFFF000  }
0xe8: {  	_ =	swait.ge [sflag:s26], $0x1000  }
0xe9: {  	[sflag:s26] =	ssyncset.done $0x0  }
0xea: {  	[sflag:s26] =	ssyncadd.s32 $0xFFFFF000  }
0xeb: {  	s10 =	simm.s32 $0x280;
	_ =	swait.ge [sflag:s28], $0x1000  }
0xec: {  	s12 =	simm.s32 $0x140;
	s6 =	rddreg [dreg:$0x6];
	[sflag:s28] =	ssyncset.done $0x0  }
.LBB2_2:
0xed: {  	[sflag:s28] =	ssyncadd.s32 $0xFFFFF000;
	s6 =	sadd.s32 s12, s6  }
0xee: {  	[tilespmem:s13], [sflag:$0x9] =	stream.linear.gather [hbm4b:s6+s4], $0xA00, $0x38;
	[tilespmem:$0xF400] =	vst v63  }
0xef: {  	_ =	swait.ge [sflag:s11], $0xA00  }
0xf0: {  	s6 =	rddreg [dreg:$0x5];
	[sflag:s11] =	ssyncset.done $0x0  }
0xf1: {  	[sflag:s11] =	ssyncadd.s32 $0xFFFFF600;
	s6 =	sadd.s32 s12, s6  }
0xf2: {  	[tilespmem:s14], [sflag:$0x9] =	stream.linear.gather [hbm4b:s6+s4], $0xA00, $0x38;
	[tilespmem:$0xF400] =	vst v63  }
0xf3: {  	_ =	swait.ge [sflag:s11], $0xA00  }
0xf4: {  	[sflag:s11] =	ssyncset.done $0x0  }
0xf5: {  	[sflag:s11] =	ssyncadd.s32 $0xFFFFF600  }
0xf6: {  	[tilespmem:s16], [sflag:$0x1] =	stream.indirect.gather [spmem:s3], $0x20, s13, s15, $0xb8;
	[tilespmem:$0xF400] =	vst v63  }
0xf7: {  	s9 =	smov.u32 s10;
	s6 =	rddreg [dreg:$0x7]  }
0xf8: {  	[tilespmem:s17], [sflag:$0x2] =	stream.indirect.gather [spmem:s3], $0x20, s6, s15, $0xb8;
	[tilespmem:$0xF400] =	vst v63  }
0xf9: {  	s12 =	smov.u32 s9;
	s9 =	rddreg [dreg:$0x8]  }
0xfa: {  	[tilespmem:s18], [sflag:$0x3] =	stream.indirect.gather [spmem:s3], $0x20, s9, s15, $0xb8;
	[tilespmem:$0xF400] =	vst v63  }
0xfb: {  	_ =	swait.ge [sflag:s19], $0x1000  }
0xfc: {  	[sflag:s19] =	ssyncset.done $0x0  }
0xfd: {  	[sflag:s19] =	ssyncadd.s32 $0xFFFFF000  }
0xfe: {  	[spmem:s2] =	stream.indirect.scatter.add.f32 [tilespmem:s16], [sflag:$0x5], $0x20, s14, s15, $0xb8;
	[tilespmem:$0xF400] =	vst v63  }
0xff: {  	s9 =	rddreg [dreg:$0x9]  }
0x100: {  	[tilespmem:s20], [sflag:$0x4] =	stream.indirect.gather [spmem:s3], $0x20, s9, s15, $0xb8;
	[tilespmem:$0xF400] =	vst v63  }
0x101: {  	_ =	swait.ge [sflag:s21], $0x1000  }
0x102: {  	[sflag:s21] =	ssyncset.done $0x0  }
0x103: {  	s9 =	rddreg [dreg:$0xa];
	[sflag:s21] =	ssyncadd.s32 $0xFFFFF000  }
0x104: {  	[spmem:s2] =	stream.indirect.scatter.add.f32 [tilespmem:s17], [sflag:$0x6], $0x20, s9, s15, $0xb8;
	[tilespmem:$0xF400] =	vst v63  }
0x105: {  	_ =	swait.ge [sflag:s22], $0x1000  }
0x106: {  	[sflag:s22] =	ssyncset.done $0x0  }
0x107: {  	s9 =	rddreg [dreg:$0xb];
	[sflag:s22] =	ssyncadd.s32 $0xFFFFF000  }
0x108: {  	[tilespmem:s16], [sflag:$0x1] =	stream.indirect.gather [spmem:s3], $0x20, s9, s15, $0xb8;
	[tilespmem:$0xF400] =	vst v63  }
0x109: {  	_ =	swait.ge [sflag:s23], $0x1000  }
0x10a: {  	[sflag:s23] =	ssyncset.done $0x0  }
0x10b: {  	s9 =	rddreg [dreg:$0xc];
	[sflag:s23] =	ssyncadd.s32 $0xFFFFF000  }
0x10c: {  	[spmem:s2] =	stream.indirect.scatter.add.f32 [tilespmem:s18], [sflag:$0x7], $0x20, s9, s15, $0xb8;
	[tilespmem:$0xF400] =	vst v63  }
0x10d: {  	_ =	swait.ge [sflag:s24], $0x1000  }
0x10e: {  	[sflag:s24] =	ssyncset.done $0x0  }
0x10f: {  	s9 =	rddreg [dreg:$0xd];
	[sflag:s24] =	ssyncadd.s32 $0xFFFFF000  }
0x110: {  	[tilespmem:s17], [sflag:$0x2] =	stream.indirect.gather [spmem:s3], $0x20, s9, s15, $0xb8;
	[tilespmem:$0xF400] =	vst v63  }
0x111: {  	_ =	swait.ge [sflag:s25], $0x1000  }
0x112: {  	[sflag:s25] =	ssyncset.done $0x0  }
0x113: {  	s9 =	rddreg [dreg:$0xe];
	[sflag:s25] =	ssyncadd.s32 $0xFFFFF000  }
0x114: {  	[spmem:s2] =	stream.indirect.scatter.add.f32 [tilespmem:s20], [sflag:$0x8], $0x20, s9, s15, $0xb8;
	[tilespmem:$0xF400] =	vst v63  }
0x115: {  	_ =	swait.ge [sflag:s26], $0x1000  }
0x116: {  	[sflag:s26] =	ssyncset.done $0x0  }
0x117: {  	s9 =	rddreg [dreg:$0xf];
	[sflag:s26] =	ssyncadd.s32 $0xFFFFF000  }
0x118: {  	[tilespmem:s18], [sflag:$0x3] =	stream.indirect.gather [spmem:s3], $0x20, s9, s15, $0xb8;
	[tilespmem:$0xF400] =	vst v63  }
0x119: {  	_ =	swait.ge [sflag:s19], $0x1000  }
0x11a: {  	[sflag:s19] =	ssyncset.done $0x0  }
0x11b: {  	s9 =	rddreg [dreg:$0x10];
	[sflag:s19] =	ssyncadd.s32 $0xFFFFF000  }
0x11c: {  	[spmem:s2] =	stream.indirect.scatter.add.f32 [tilespmem:s16], [sflag:$0x5], $0x20, s9, s15, $0xb8;
	[tilespmem:$0xF400] =	vst v63  }
0x11d: {  	_ =	swait.ge [sflag:s28], $0x1000  }
0x11e: {  	[sflag:s28] =	ssyncset.done $0x0  }
0x11f: {  	s9 =	rddreg [dreg:$0x11];
	[sflag:s28] =	ssyncadd.s32 $0xFFFFF000  }
0x120: {  	[tilespmem:s20], [sflag:$0x4] =	stream.indirect.gather [spmem:s3], $0x20, s9, s15, $0xb8;
	[tilespmem:$0xF400] =	vst v63  }
0x121: {  	_ =	swait.ge [sflag:s21], $0x1000  }
0x122: {  	[sflag:s21] =	ssyncset.done $0x0  }
0x123: {  	s9 =	rddreg [dreg:$0x12];
	[sflag:s21] =	ssyncadd.s32 $0xFFFFF000  }
0x124: {  	[spmem:s2] =	stream.indirect.scatter.add.f32 [tilespmem:s17], [sflag:$0x6], $0x20, s9, s15, $0xb8;
	[tilespmem:$0xF400] =	vst v63  }
0x125: {  	_ =	swait.ge [sflag:s22], $0x1000  }
0x126: {  	[sflag:s22] =	ssyncset.done $0x0  }
0x127: {  	s9 =	rddreg [dreg:$0x13];
	[sflag:s22] =	ssyncadd.s32 $0xFFFFF000  }
0x128: {  	[tilespmem:s16], [sflag:$0x1] =	stream.indirect.gather [spmem:s3], $0x20, s9, s15, $0xb8;
	[tilespmem:$0xF400] =	vst v63  }
0x129: {  	_ =	swait.ge [sflag:s23], $0x1000  }
0x12a: {  	[sflag:s23] =	ssyncset.done $0x0  }
0x12b: {  	s9 =	rddreg [dreg:$0x14];
	[sflag:s23] =	ssyncadd.s32 $0xFFFFF000  }
0x12c: {  	[spmem:s2] =	stream.indirect.scatter.add.f32 [tilespmem:s18], [sflag:$0x7], $0x20, s9, s15, $0xb8;
	[tilespmem:$0xF400] =	vst v63  }
0x12d: {  	_ =	swait.ge [sflag:s24], $0x1000  }
0x12e: {  	[sflag:s24] =	ssyncset.done $0x0  }
0x12f: {  	s9 =	rddreg [dreg:$0x15];
	[sflag:s24] =	ssyncadd.s32 $0xFFFFF000  }
0x130: {  	[tilespmem:s17], [sflag:$0x2] =	stream.indirect.gather [spmem:s3], $0x20, s9, s15, $0xb8;
	[tilespmem:$0xF400] =	vst v63  }
0x131: {  	_ =	swait.ge [sflag:s25], $0x1000  }
0x132: {  	[sflag:s25] =	ssyncset.done $0x0  }
0x133: {  	s9 =	rddreg [dreg:$0x16];
	[sflag:s25] =	ssyncadd.s32 $0xFFFFF000  }
0x134: {  	[spmem:s2] =	stream.indirect.scatter.add.f32 [tilespmem:s20], [sflag:$0x8], $0x20, s9, s15, $0xb8;
	[tilespmem:$0xF400] =	vst v63  }
0x135: {  	_ =	swait.ge [sflag:s26], $0x1000  }
0x136: {  	[sflag:s26] =	ssyncset.done $0x0  }
0x137: {  	s9 =	rddreg [dreg:$0x17];
	[sflag:s26] =	ssyncadd.s32 $0xFFFFF000  }
0x138: {  	[tilespmem:s18], [sflag:$0x3] =	stream.indirect.gather [spmem:s3], $0x20, s9, s15, $0xb8;
	[tilespmem:$0xF400] =	vst v63  }
0x139: {  	_ =	swait.ge [sflag:s19], $0x1000  }
0x13a: {  	[sflag:s19] =	ssyncset.done $0x0  }
0x13b: {  	s9 =	rddreg [dreg:$0x18];
	[sflag:s19] =	ssyncadd.s32 $0xFFFFF000  }
0x13c: {  	[spmem:s2] =	stream.indirect.scatter.add.f32 [tilespmem:s16], [sflag:$0x5], $0x20, s9, s15, $0xb8;
	[tilespmem:$0xF400] =	vst v63  }
0x13d: {  	_ =	swait.ge [sflag:s28], $0x1000  }
0x13e: {  	[sflag:s28] =	ssyncset.done $0x0  }
0x13f: {  	s9 =	rddreg [dreg:$0x19];
	[sflag:s28] =	ssyncadd.s32 $0xFFFFF000  }
0x140: {  	[tilespmem:s20], [sflag:$0x4] =	stream.indirect.gather [spmem:s3], $0x20, s9, s15, $0xb8;
	[tilespmem:$0xF400] =	vst v63  }
0x141: {  	_ =	swait.ge [sflag:s21], $0x1000  }
0x142: {  	[sflag:s21] =	ssyncset.done $0x0  }
0x143: {  	s9 =	rddreg [dreg:$0x1a];
	[sflag:s21] =	ssyncadd.s32 $0xFFFFF000  }
0x144: {  	[spmem:s2] =	stream.indirect.scatter.add.f32 [tilespmem:s17], [sflag:$0x6], $0x20, s9, s15, $0xb8;
	[tilespmem:$0xF400] =	vst v63  }
0x145: {  	_ =	swait.ge [sflag:s22], $0x1000  }
0x146: {  	[sflag:s22] =	ssyncset.done $0x0  }
0x147: {  	s9 =	rddreg [dreg:$0x1b];
	[sflag:s22] =	ssyncadd.s32 $0xFFFFF000  }
0x148: {  	[tilespmem:s16], [sflag:$0x1] =	stream.indirect.gather [spmem:s3], $0x20, s9, s15, $0xb8;
	[tilespmem:$0xF400] =	vst v63  }
0x149: {  	_ =	swait.ge [sflag:s23], $0x1000  }
0x14a: {  	[sflag:s23] =	ssyncset.done $0x0  }
0x14b: {  	s9 =	rddreg [dreg:$0x1c];
	[sflag:s23] =	ssyncadd.s32 $0xFFFFF000  }
0x14c: {  	[spmem:s2] =	stream.indirect.scatter.add.f32 [tilespmem:s18], [sflag:$0x7], $0x20, s9, s15, $0xb8;
	[tilespmem:$0xF400] =	vst v63  }
0x14d: {  	_ =	swait.ge [sflag:s24], $0x1000  }
0x14e: {  	[sflag:s24] =	ssyncset.done $0x0  }
0x14f: {  	s9 =	rddreg [dreg:$0x1d];
	[sflag:s24] =	ssyncadd.s32 $0xFFFFF000  }
0x150: {  	[tilespmem:s17], [sflag:$0x2] =	stream.indirect.gather [spmem:s3], $0x20, s9, s15, $0xb8;
	[tilespmem:$0xF400] =	vst v63  }
0x151: {  	_ =	swait.ge [sflag:s25], $0x1000  }
0x152: {  	[sflag:s25] =	ssyncset.done $0x0  }
0x153: {  	s9 =	rddreg [dreg:$0x1e];
	[sflag:s25] =	ssyncadd.s32 $0xFFFFF000  }
0x154: {  	[spmem:s2] =	stream.indirect.scatter.add.f32 [tilespmem:s20], [sflag:$0x8], $0x20, s9, s15, $0xb8;
	[tilespmem:$0xF400] =	vst v63  }
0x155: {  	_ =	swait.ge [sflag:s26], $0x1000  }
0x156: {  	[sflag:s26] =	ssyncset.done $0x0  }
0x157: {  	s9 =	rddreg [dreg:$0x1f];
	[sflag:s26] =	ssyncadd.s32 $0xFFFFF000  }
0x158: {  	[tilespmem:s18], [sflag:$0x3] =	stream.indirect.gather [spmem:s3], $0x20, s9, s15, $0xb8;
	[tilespmem:$0xF400] =	vst v63  }
0x159: {  	_ =	swait.ge [sflag:s19], $0x1000  }
0x15a: {  	s9 =	sld [smem:$0x7F7]  }
0x15b: {  	[sflag:s19] =	ssyncset.done $0x0  }
0x15c: {  	[sflag:s19] =	ssyncadd.s32 $0xFFFFF000  }
0x15d: {  	[spmem:s2] =	stream.indirect.scatter.add.f32 [tilespmem:s16], [sflag:$0x5], $0x20, s9, s15, $0xb8;
	[tilespmem:$0xF400] =	vst v63  }
0x15e: {  	_ =	swait.ge [sflag:s28], $0x1000  }
0x15f: {  	s9 =	sld [smem:$0x7F8]  }
0x160: {  	[sflag:s28] =	ssyncset.done $0x0  }
0x161: {  	[sflag:s28] =	ssyncadd.s32 $0xFFFFF000  }
0x162: {  	[tilespmem:s20], [sflag:$0x4] =	stream.indirect.gather [spmem:s3], $0x20, s9, s15, $0xb8;
	[tilespmem:$0xF400] =	vst v63  }
0x163: {  	_ =	swait.ge [sflag:s21], $0x1000  }
0x164: {  	s9 =	sld [smem:$0x7F9]  }
0x165: {  	[sflag:s21] =	ssyncset.done $0x0  }
0x166: {  	[sflag:s21] =	ssyncadd.s32 $0xFFFFF000  }
0x167: {  	[spmem:s2] =	stream.indirect.scatter.add.f32 [tilespmem:s17], [sflag:$0x6], $0x20, s9, s15, $0xb8;
	[tilespmem:$0xF400] =	vst v63  }
0x168: {  	_ =	swait.ge [sflag:s22], $0x1000  }
0x169: {  	s9 =	sld [smem:$0x7FA]  }
0x16a: {  	[sflag:s22] =	ssyncset.done $0x0  }
0x16b: {  	[sflag:s22] =	ssyncadd.s32 $0xFFFFF000  }
0x16c: {  	[tilespmem:s16], [sflag:$0x1] =	stream.indirect.gather [spmem:s3], $0x20, s9, s15, $0xb8;
	[tilespmem:$0xF400] =	vst v63  }
0x16d: {  	_ =	swait.ge [sflag:s23], $0x1000  }
0x16e: {  	s9 =	sld [smem:$0x7FB]  }
0x16f: {  	[sflag:s23] =	ssyncset.done $0x0  }
0x170: {  	[sflag:s23] =	ssyncadd.s32 $0xFFFFF000  }
0x171: {  	[spmem:s2] =	stream.indirect.scatter.add.f32 [tilespmem:s18], [sflag:$0x7], $0x20, s9, s15, $0xb8;
	[tilespmem:$0xF400] =	vst v63  }
0x172: {  	_ =	swait.ge [sflag:s24], $0x1000  }
0x173: {  	[sflag:s24] =	ssyncset.done $0x0  }
0x174: {  	[sflag:s24] =	ssyncadd.s32 $0xFFFFF000  }
0x175: {  	[tilespmem:s17], [sflag:$0x2] =	stream.indirect.gather [spmem:s3], $0x20, s29, s15, $0xb8;
	[tilespmem:$0xF400] =	vst v63  }
0x176: {  	_ =	swait.ge [sflag:s25], $0x1000  }
0x177: {  	[sflag:s25] =	ssyncset.done $0x0  }
0x178: {  	[sflag:s25] =	ssyncadd.s32 $0xFFFFF000  }
0x179: {  	[spmem:s2] =	stream.indirect.scatter.add.f32 [tilespmem:s20], [sflag:$0x8], $0x20, s30, s15, $0xb8;
	[tilespmem:$0xF400] =	vst v63  }
0x17a: {  	_ =	swait.ge [sflag:s26], $0x1000  }
0x17b: {  	[sflag:s26] =	ssyncset.done $0x0  }
0x17c: {  	[sflag:s26] =	ssyncadd.s32 $0xFFFFF000  }
0x17d: {  	[tilespmem:s18], [sflag:$0x3] =	stream.indirect.gather [spmem:s3], $0x20, s31, s15, $0xb8;
	[tilespmem:$0xF400] =	vst v63  }
0x17e: {  	_ =	swait.ge [sflag:s19], $0x1000  }
0x17f: {  	[sflag:s19] =	ssyncset.done $0x0  }
0x180: {  	[sflag:s19] =	ssyncadd.s32 $0xFFFFF000  }
0x181: {  	[spmem:s2] =	stream.indirect.scatter.add.f32 [tilespmem:s16], [sflag:$0x5], $0x20, s0, s15, $0xb8;
	[tilespmem:$0xF400] =	vst v63  }
0x182: {  	_ =	swait.ge [sflag:s28], $0x1000  }
0x183: {  	[sflag:s28] =	ssyncset.done $0x0  }
0x184: {  	[sflag:s28] =	ssyncadd.s32 $0xFFFFF000  }
0x185: {  	[tilespmem:s20], [sflag:$0x4] =	stream.indirect.gather [spmem:s3], $0x20, s1, s15, $0xb8;
	[tilespmem:$0xF400] =	vst v63  }
0x186: {  	_ =	swait.ge [sflag:s21], $0x1000  }
0x187: {  	[sflag:s21] =	ssyncset.done $0x0  }
0x188: {  	[sflag:s21] =	ssyncadd.s32 $0xFFFFF000  }
0x189: {  	[spmem:s2] =	stream.indirect.scatter.add.f32 [tilespmem:s17], [sflag:$0x6], $0x20, s5, s15, $0xb8;
	[tilespmem:$0xF400] =	vst v63  }
0x18a: {  	_ =	swait.ge [sflag:s23], $0x1000  }
0x18b: {  	[sflag:s23] =	ssyncset.done $0x0  }
0x18c: {  	[sflag:s23] =	ssyncadd.s32 $0xFFFFF000  }
0x18d: {  	[spmem:s2] =	stream.indirect.scatter.add.f32 [tilespmem:s18], [sflag:$0x7], $0x20, s7, s15, $0xb8;
	[tilespmem:$0xF400] =	vst v63  }
0x18e: {  	_ =	swait.ge [sflag:s25], $0x1000  }
0x18f: {  	[sflag:s25] =	ssyncset.done $0x0  }
0x190: {  	[sflag:s25] =	ssyncadd.s32 $0xFFFFF000  }
0x191: {  	[spmem:s2] =	stream.indirect.scatter.add.f32 [tilespmem:s20], [sflag:$0x8], $0x20, s8, s15, $0xb8;
	[tilespmem:$0xF400] =	vst v63  }
0x192: {  	_ =	swait.ge [sflag:s22], $0x1000  }
0x193: {  	[sflag:s22] =	ssyncset.done $0x0  }
0x194: {  	[sflag:s22] =	ssyncadd.s32 $0xFFFFF000  }
0x195: {  	_ =	swait.ge [sflag:s24], $0x1000  }
0x196: {  	[sflag:s24] =	ssyncset.done $0x0  }
0x197: {  	p0 =	sne.s32 s10, $0x8C0;
	[sflag:s24] =	ssyncadd.s32 $0xFFFFF000  }
.Ltmp0:
0x198: {  	_ =	swait.ge [sflag:s26], $0x1000;
	(pc) =	sbr.rel @p0 .LBB2_2-.Ltmp0, $4  }
0x199: {  	[sflag:s26] =	ssyncset.done $0x0  }
0x19a: {  	[sflag:s26] =	ssyncadd.s32 $0xFFFFF000  }
0x19b: {  	_ =	swait.ge [sflag:s28], $0x1000  }
0x19c: {  	s10 =	sadd.s32 $0x140, s10;
	s6 =	rddreg [dreg:$0x6];
	[sflag:s28] =	ssyncset.done $0x0  }
0x19d: {  	[sflag:s28] =	ssyncadd.s32 $0xFFFFF000;
	s6 =	sadd.s32 s12, s6  }
0x19e: {  	[tilespmem:s13], [sflag:$0x9] =	stream.linear.gather [hbm4b:s6+s4], $0xA00, $0x38;
	[tilespmem:$0xF400] =	vst v63  }
0x19f: {  	_ =	swait.ge [sflag:s11], $0xA00  }
0x1a0: {  	s10 =	rddreg [dreg:$0x5];
	[sflag:s11] =	ssyncset.done $0x0  }
0x1a1: {  	[sflag:s11] =	ssyncadd.s32 $0xFFFFF600;
	s6 =	sadd.s32 s12, s10  }
0x1a2: {  	[tilespmem:s14], [sflag:$0x9] =	stream.linear.gather [hbm4b:s6+s4], $0xA00, $0x38;
	[tilespmem:$0xF400] =	vst v63  }
0x1a3: {  	_ =	swait.ge [sflag:s11], $0xA00  }
0x1a4: {  	[sflag:s11] =	ssyncset.done $0x0  }
0x1a5: {  	[sflag:s11] =	ssyncadd.s32 $0xFFFFF600  }
0x1a6: {  	[tilespmem:s16], [sflag:$0x1] =	stream.indirect.gather [spmem:s3], $0x20, s13, s15, $0xb8;
	[tilespmem:$0xF400] =	vst v63  }
0x1a7: {  	s12 =	rddreg [dreg:$0x7]  }
0x1a8: {  	[tilespmem:s17], [sflag:$0x2] =	stream.indirect.gather [spmem:s3], $0x20, s12, s15, $0xb8;
	[tilespmem:$0xF400] =	vst v63  }
0x1a9: {  	s9 =	rddreg [dreg:$0x8]  }
0x1aa: {  	[tilespmem:s18], [sflag:$0x3] =	stream.indirect.gather [spmem:s3], $0x20, s9, s15, $0xb8;
	[tilespmem:$0xF400] =	vst v63  }
0x1ab: {  	_ =	swait.ge [sflag:s19], $0x1000  }
0x1ac: {  	[sflag:s19] =	ssyncset.done $0x0  }
0x1ad: {  	[sflag:s19] =	ssyncadd.s32 $0xFFFFF000  }
0x1ae: {  	[spmem:s2] =	stream.indirect.scatter.add.f32 [tilespmem:s16], [sflag:$0x5], $0x20, s14, s15, $0xb8;
	[tilespmem:$0xF400] =	vst v63  }
0x1af: {  	s10 =	rddreg [dreg:$0x9]  }
0x1b0: {  	[tilespmem:s20], [sflag:$0x4] =	stream.indirect.gather [spmem:s3], $0x20, s10, s15, $0xb8;
	[tilespmem:$0xF400] =	vst v63  }
0x1b1: {  	_ =	swait.ge [sflag:s21], $0x1000  }
0x1b2: {  	[sflag:s21] =	ssyncset.done $0x0  }
0x1b3: {  	s12 =	rddreg [dreg:$0xa];
	[sflag:s21] =	ssyncadd.s32 $0xFFFFF000  }
0x1b4: {  	[spmem:s2] =	stream.indirect.scatter.add.f32 [tilespmem:s17], [sflag:$0x6], $0x20, s12, s15, $0xb8;
	[tilespmem:$0xF400] =	vst v63  }
0x1b5: {  	_ =	swait.ge [sflag:s22], $0x1000  }
0x1b6: {  	[sflag:s22] =	ssyncset.done $0x0  }
0x1b7: {  	s9 =	rddreg [dreg:$0xb];
	[sflag:s22] =	ssyncadd.s32 $0xFFFFF000  }
0x1b8: {  	[tilespmem:s16], [sflag:$0x1] =	stream.indirect.gather [spmem:s3], $0x20, s9, s15, $0xb8;
	[tilespmem:$0xF400] =	vst v63  }
0x1b9: {  	_ =	swait.ge [sflag:s23], $0x1000  }
0x1ba: {  	[sflag:s23] =	ssyncset.done $0x0  }
0x1bb: {  	s10 =	rddreg [dreg:$0xc];
	[sflag:s23] =	ssyncadd.s32 $0xFFFFF000  }
0x1bc: {  	[spmem:s2] =	stream.indirect.scatter.add.f32 [tilespmem:s18], [sflag:$0x7], $0x20, s10, s15, $0xb8;
	[tilespmem:$0xF400] =	vst v63  }
0x1bd: {  	_ =	swait.ge [sflag:s24], $0x1000  }
0x1be: {  	[sflag:s24] =	ssyncset.done $0x0  }
0x1bf: {  	s12 =	rddreg [dreg:$0xd];
	[sflag:s24] =	ssyncadd.s32 $0xFFFFF000  }
0x1c0: {  	[tilespmem:s17], [sflag:$0x2] =	stream.indirect.gather [spmem:s3], $0x20, s12, s15, $0xb8;
	[tilespmem:$0xF400] =	vst v63  }
0x1c1: {  	_ =	swait.ge [sflag:s25], $0x1000  }
0x1c2: {  	[sflag:s25] =	ssyncset.done $0x0  }
0x1c3: {  	s9 =	rddreg [dreg:$0xe];
	[sflag:s25] =	ssyncadd.s32 $0xFFFFF000  }
0x1c4: {  	[spmem:s2] =	stream.indirect.scatter.add.f32 [tilespmem:s20], [sflag:$0x8], $0x20, s9, s15, $0xb8;
	[tilespmem:$0xF400] =	vst v63  }
0x1c5: {  	_ =	swait.ge [sflag:s26], $0x1000  }
0x1c6: {  	[sflag:s26] =	ssyncset.done $0x0  }
0x1c7: {  	s10 =	rddreg [dreg:$0xf];
	[sflag:s26] =	ssyncadd.s32 $0xFFFFF000  }
0x1c8: {  	[tilespmem:s18], [sflag:$0x3] =	stream.indirect.gather [spmem:s3], $0x20, s10, s15, $0xb8;
	[tilespmem:$0xF400] =	vst v63  }
0x1c9: {  	_ =	swait.ge [sflag:s19], $0x1000  }
0x1ca: {  	[sflag:s19] =	ssyncset.done $0x0  }
0x1cb: {  	s12 =	rddreg [dreg:$0x10];
	[sflag:s19] =	ssyncadd.s32 $0xFFFFF000  }
0x1cc: {  	[spmem:s2] =	stream.indirect.scatter.add.f32 [tilespmem:s16], [sflag:$0x5], $0x20, s12, s15, $0xb8;
	[tilespmem:$0xF400] =	vst v63  }
0x1cd: {  	_ =	swait.ge [sflag:s28], $0x1000  }
0x1ce: {  	[sflag:s28] =	ssyncset.done $0x0  }
0x1cf: {  	s9 =	rddreg [dreg:$0x11];
	[sflag:s28] =	ssyncadd.s32 $0xFFFFF000  }
0x1d0: {  	[tilespmem:s20], [sflag:$0x4] =	stream.indirect.gather [spmem:s3], $0x20, s9, s15, $0xb8;
	[tilespmem:$0xF400] =	vst v63  }
0x1d1: {  	_ =	swait.ge [sflag:s21], $0x1000  }
0x1d2: {  	[sflag:s21] =	ssyncset.done $0x0  }
0x1d3: {  	s10 =	rddreg [dreg:$0x12];
	[sflag:s21] =	ssyncadd.s32 $0xFFFFF000  }
0x1d4: {  	[spmem:s2] =	stream.indirect.scatter.add.f32 [tilespmem:s17], [sflag:$0x6], $0x20, s10, s15, $0xb8;
	[tilespmem:$0xF400] =	vst v63  }
0x1d5: {  	_ =	swait.ge [sflag:s22], $0x1000  }
0x1d6: {  	[sflag:s22] =	ssyncset.done $0x0  }
0x1d7: {  	s12 =	rddreg [dreg:$0x13];
	[sflag:s22] =	ssyncadd.s32 $0xFFFFF000  }
0x1d8: {  	[tilespmem:s16], [sflag:$0x1] =	stream.indirect.gather [spmem:s3], $0x20, s12, s15, $0xb8;
	[tilespmem:$0xF400] =	vst v63  }
0x1d9: {  	_ =	swait.ge [sflag:s23], $0x1000  }
0x1da: {  	[sflag:s23] =	ssyncset.done $0x0  }
0x1db: {  	s9 =	rddreg [dreg:$0x14];
	[sflag:s23] =	ssyncadd.s32 $0xFFFFF000  }
0x1dc: {  	[spmem:s2] =	stream.indirect.scatter.add.f32 [tilespmem:s18], [sflag:$0x7], $0x20, s9, s15, $0xb8;
	[tilespmem:$0xF400] =	vst v63  }
0x1dd: {  	_ =	swait.ge [sflag:s24], $0x1000  }
0x1de: {  	[sflag:s24] =	ssyncset.done $0x0  }
0x1df: {  	s10 =	rddreg [dreg:$0x15];
	[sflag:s24] =	ssyncadd.s32 $0xFFFFF000  }
0x1e0: {  	[tilespmem:s17], [sflag:$0x2] =	stream.indirect.gather [spmem:s3], $0x20, s10, s15, $0xb8;
	[tilespmem:$0xF400] =	vst v63  }
0x1e1: {  	_ =	swait.ge [sflag:s25], $0x1000  }
0x1e2: {  	[sflag:s25] =	ssyncset.done $0x0  }
0x1e3: {  	s12 =	rddreg [dreg:$0x16];
	[sflag:s25] =	ssyncadd.s32 $0xFFFFF000  }
0x1e4: {  	[spmem:s2] =	stream.indirect.scatter.add.f32 [tilespmem:s20], [sflag:$0x8], $0x20, s12, s15, $0xb8;
	[tilespmem:$0xF400] =	vst v63  }
0x1e5: {  	_ =	swait.ge [sflag:s26], $0x1000  }
0x1e6: {  	[sflag:s26] =	ssyncset.done $0x0  }
0x1e7: {  	s9 =	rddreg [dreg:$0x17];
	[sflag:s26] =	ssyncadd.s32 $0xFFFFF000  }
0x1e8: {  	[tilespmem:s18], [sflag:$0x3] =	stream.indirect.gather [spmem:s3], $0x20, s9, s15, $0xb8;
	[tilespmem:$0xF400] =	vst v63  }
0x1e9: {  	_ =	swait.ge [sflag:s19], $0x1000  }
0x1ea: {  	[sflag:s19] =	ssyncset.done $0x0  }
0x1eb: {  	s10 =	rddreg [dreg:$0x18];
	[sflag:s19] =	ssyncadd.s32 $0xFFFFF000  }
0x1ec: {  	[spmem:s2] =	stream.indirect.scatter.add.f32 [tilespmem:s16], [sflag:$0x5], $0x20, s10, s15, $0xb8;
	[tilespmem:$0xF400] =	vst v63  }
0x1ed: {  	_ =	swait.ge [sflag:s28], $0x1000  }
0x1ee: {  	[sflag:s28] =	ssyncset.done $0x0  }
0x1ef: {  	s12 =	rddreg [dreg:$0x19];
	[sflag:s28] =	ssyncadd.s32 $0xFFFFF000  }
0x1f0: {  	[tilespmem:s20], [sflag:$0x4] =	stream.indirect.gather [spmem:s3], $0x20, s12, s15, $0xb8;
	[tilespmem:$0xF400] =	vst v63  }
0x1f1: {  	_ =	swait.ge [sflag:s21], $0x1000  }
0x1f2: {  	[sflag:s21] =	ssyncset.done $0x0  }
0x1f3: {  	s9 =	rddreg [dreg:$0x1a];
	[sflag:s21] =	ssyncadd.s32 $0xFFFFF000  }
0x1f4: {  	[spmem:s2] =	stream.indirect.scatter.add.f32 [tilespmem:s17], [sflag:$0x6], $0x20, s9, s15, $0xb8;
	[tilespmem:$0xF400] =	vst v63  }
0x1f5: {  	_ =	swait.ge [sflag:s22], $0x1000  }
0x1f6: {  	[sflag:s22] =	ssyncset.done $0x0  }
0x1f7: {  	s10 =	rddreg [dreg:$0x1b];
	[sflag:s22] =	ssyncadd.s32 $0xFFFFF000  }
0x1f8: {  	[tilespmem:s16], [sflag:$0x1] =	stream.indirect.gather [spmem:s3], $0x20, s10, s15, $0xb8;
	[tilespmem:$0xF400] =	vst v63  }
0x1f9: {  	_ =	swait.ge [sflag:s23], $0x1000  }
0x1fa: {  	[sflag:s23] =	ssyncset.done $0x0  }
0x1fb: {  	s12 =	rddreg [dreg:$0x1c];
	[sflag:s23] =	ssyncadd.s32 $0xFFFFF000  }
0x1fc: {  	[spmem:s2] =	stream.indirect.scatter.add.f32 [tilespmem:s18], [sflag:$0x7], $0x20, s12, s15, $0xb8;
	[tilespmem:$0xF400] =	vst v63  }
0x1fd: {  	_ =	swait.ge [sflag:s24], $0x1000  }
0x1fe: {  	[sflag:s24] =	ssyncset.done $0x0  }
0x1ff: {  	s9 =	rddreg [dreg:$0x1d];
	[sflag:s24] =	ssyncadd.s32 $0xFFFFF000  }
0x200: {  	[tilespmem:s17], [sflag:$0x2] =	stream.indirect.gather [spmem:s3], $0x20, s9, s15, $0xb8;
	[tilespmem:$0xF400] =	vst v63  }
0x201: {  	_ =	swait.ge [sflag:s25], $0x1000  }
0x202: {  	[sflag:s25] =	ssyncset.done $0x0  }
0x203: {  	s10 =	rddreg [dreg:$0x1e];
	[sflag:s25] =	ssyncadd.s32 $0xFFFFF000  }
0x204: {  	[spmem:s2] =	stream.indirect.scatter.add.f32 [tilespmem:s20], [sflag:$0x8], $0x20, s10, s15, $0xb8;
	[tilespmem:$0xF400] =	vst v63  }
0x205: {  	_ =	swait.ge [sflag:s26], $0x1000  }
0x206: {  	[sflag:s26] =	ssyncset.done $0x0  }
0x207: {  	s12 =	rddreg [dreg:$0x1f];
	[sflag:s26] =	ssyncadd.s32 $0xFFFFF000  }
0x208: {  	[tilespmem:s18], [sflag:$0x3] =	stream.indirect.gather [spmem:s3], $0x20, s12, s15, $0xb8;
	[tilespmem:$0xF400] =	vst v63  }
0x209: {  	_ =	swait.ge [sflag:s19], $0x1000  }
0x20a: {  	s9 =	sld [smem:$0x7F7]  }
0x20b: {  	[sflag:s19] =	ssyncset.done $0x0  }
0x20c: {  	[sflag:s19] =	ssyncadd.s32 $0xFFFFF000  }
0x20d: {  	[spmem:s2] =	stream.indirect.scatter.add.f32 [tilespmem:s16], [sflag:$0x5], $0x20, s9, s15, $0xb8;
	[tilespmem:$0xF400] =	vst v63  }
0x20e: {  	_ =	swait.ge [sflag:s28], $0x1000  }
0x20f: {  	s10 =	sld [smem:$0x7F8]  }
0x210: {  	[sflag:s28] =	ssyncset.done $0x0  }
0x211: {  	[sflag:s28] =	ssyncadd.s32 $0xFFFFF000  }
0x212: {  	[tilespmem:s20], [sflag:$0x4] =	stream.indirect.gather [spmem:s3], $0x20, s10, s15, $0xb8;
	[tilespmem:$0xF400] =	vst v63  }
0x213: {  	_ =	swait.ge [sflag:s21], $0x1000  }
0x214: {  	s12 =	sld [smem:$0x7F9]  }
0x215: {  	[sflag:s21] =	ssyncset.done $0x0  }
0x216: {  	[sflag:s21] =	ssyncadd.s32 $0xFFFFF000  }
0x217: {  	[spmem:s2] =	stream.indirect.scatter.add.f32 [tilespmem:s17], [sflag:$0x6], $0x20, s12, s15, $0xb8;
	[tilespmem:$0xF400] =	vst v63  }
0x218: {  	_ =	swait.ge [sflag:s22], $0x1000  }
0x219: {  	s9 =	sld [smem:$0x7FA]  }
0x21a: {  	[sflag:s22] =	ssyncset.done $0x0  }
0x21b: {  	[sflag:s22] =	ssyncadd.s32 $0xFFFFF000  }
0x21c: {  	[tilespmem:s16], [sflag:$0x1] =	stream.indirect.gather [spmem:s3], $0x20, s9, s15, $0xb8;
	[tilespmem:$0xF400] =	vst v63  }
0x21d: {  	_ =	swait.ge [sflag:s23], $0x1000  }
0x21e: {  	s10 =	sld [smem:$0x7FB]  }
0x21f: {  	[sflag:s23] =	ssyncset.done $0x0  }
0x220: {  	[sflag:s23] =	ssyncadd.s32 $0xFFFFF000  }
0x221: {  	[spmem:s2] =	stream.indirect.scatter.add.f32 [tilespmem:s18], [sflag:$0x7], $0x20, s10, s15, $0xb8;
	[tilespmem:$0xF400] =	vst v63  }
0x222: {  	_ =	swait.ge [sflag:s24], $0x1000  }
0x223: {  	[sflag:s24] =	ssyncset.done $0x0  }
0x224: {  	[sflag:s24] =	ssyncadd.s32 $0xFFFFF000  }
0x225: {  	[tilespmem:s17], [sflag:$0x2] =	stream.indirect.gather [spmem:s3], $0x20, s29, s15, $0xb8;
	[tilespmem:$0xF400] =	vst v63  }
0x226: {  	_ =	swait.ge [sflag:s25], $0x1000  }
0x227: {  	[sflag:s25] =	ssyncset.done $0x0  }
0x228: {  	[sflag:s25] =	ssyncadd.s32 $0xFFFFF000  }
0x229: {  	[spmem:s2] =	stream.indirect.scatter.add.f32 [tilespmem:s20], [sflag:$0x8], $0x20, s30, s15, $0xb8;
	[tilespmem:$0xF400] =	vst v63  }
0x22a: {  	_ =	swait.ge [sflag:s26], $0x1000  }
0x22b: {  	[sflag:s26] =	ssyncset.done $0x0  }
0x22c: {  	[sflag:s26] =	ssyncadd.s32 $0xFFFFF000  }
0x22d: {  	[tilespmem:s18], [sflag:$0x3] =	stream.indirect.gather [spmem:s3], $0x20, s31, s15, $0xb8;
	[tilespmem:$0xF400] =	vst v63  }
0x22e: {  	_ =	swait.ge [sflag:s19], $0x1000  }
0x22f: {  	[sflag:s19] =	ssyncset.done $0x0  }
0x230: {  	[sflag:s19] =	ssyncadd.s32 $0xFFFFF000  }
0x231: {  	[spmem:s2] =	stream.indirect.scatter.add.f32 [tilespmem:s16], [sflag:$0x5], $0x20, s0, s15, $0xb8;
	[tilespmem:$0xF400] =	vst v63  }
0x232: {  	_ =	swait.ge [sflag:s28], $0x1000  }
0x233: {  	[sflag:s28] =	ssyncset.done $0x0  }
0x234: {  	[sflag:s28] =	ssyncadd.s32 $0xFFFFF000  }
0x235: {  	[tilespmem:s20], [sflag:$0x4] =	stream.indirect.gather [spmem:s3], $0x20, s1, s15, $0xb8;
	[tilespmem:$0xF400] =	vst v63  }
0x236: {  	_ =	swait.ge [sflag:s21], $0x1000  }
0x237: {  	[sflag:s21] =	ssyncset.done $0x0  }
0x238: {  	[sflag:s21] =	ssyncadd.s32 $0xFFFFF000  }
0x239: {  	[spmem:s2] =	stream.indirect.scatter.add.f32 [tilespmem:s17], [sflag:$0x6], $0x20, s5, s15, $0xb8;
	[tilespmem:$0xF400] =	vst v63  }
0x23a: {  	_ =	swait.ge [sflag:s23], $0x1000  }
0x23b: {  	[sflag:s23] =	ssyncset.done $0x0  }
0x23c: {  	[sflag:s23] =	ssyncadd.s32 $0xFFFFF000  }
0x23d: {  	[spmem:s2] =	stream.indirect.scatter.add.f32 [tilespmem:s18], [sflag:$0x7], $0x20, s7, s15, $0xb8;
	[tilespmem:$0xF400] =	vst v63  }
0x23e: {  	_ =	swait.ge [sflag:s25], $0x1000  }
0x23f: {  	[sflag:s25] =	ssyncset.done $0x0  }
0x240: {  	[sflag:s25] =	ssyncadd.s32 $0xFFFFF000  }
0x241: {  	[spmem:s2] =	stream.indirect.scatter.add.f32 [tilespmem:s20], [sflag:$0x8], $0x20, s8, s15, $0xb8;
	[tilespmem:$0xF400] =	vst v63  }
0x242: {  	_ =	swait.ge [sflag:s22], $0x1000  }
0x243: {  	[sflag:s22] =	ssyncset.done $0x0  }
0x244: {  	[sflag:s22] =	ssyncadd.s32 $0xFFFFF000  }
0x245: {  	_ =	swait.ge [sflag:s24], $0x1000  }
0x246: {  	[sflag:s24] =	ssyncset.done $0x0  }
0x247: {  	[sflag:s24] =	ssyncadd.s32 $0xFFFFF000  }
0x248: {  	_ =	swait.ge [sflag:s26], $0x1000  }
0x249: {  	[sflag:s26] =	ssyncset.done $0x0  }
0x24a: {  	[sflag:s26] =	ssyncadd.s32 $0xFFFFF000  }
0x24b: {  	_ =	swait.ge [sflag:s28], $0x1000  }
0x24c: {  	[sflag:s28] =	ssyncset.done $0x0  }
0x24d: {  	[sflag:s28] =	ssyncadd.s32 $0xFFFFF000  }
0x24e: {  	[bflag:$0x0] =	sbarrier.arrive $0xFFFF  }
0x24f: {  	s9 =	sld [smem:$0x7FC]  }
0x250: {  	s12 =	sld [smem:$0x7F4]  }
0x251: {  	s10 =	sld [smem:$0x7FD];
	_ =	sdelay $0x2  }
0x252: {  	[hbm:s12], [sflag:s9] =	dma.local [spmem:s10], $0xA00  }
0x253: {  	_ =	swait.ge [sflag:s11], $0xA00  }
0x254: {  	s6 =	sld [smem:$0x7F1];
	_ =	sdelay $0x2  }
0x255: {  	s12 =	sadd.s32 $0x1, s6;
	s6 =	sld [smem:$0x7F5];
	_ =	sdelay $0x2  }
0x256: {  	p0 =	sne.s32 s12, s6  }
.Ltmp1:
0x257: {  	_ = 	snop;
	(pc) =	sbr.rel @p0 .LBB2_1-.Ltmp1, $3  }
0x258: {  	_ =	sdelay $0x1  }
0x259: {  	[sflag:s11] =	ssyncset.done $0x0  }
0x25a: {  	[sflag:s11] =	ssyncadd.s32 $0xFFFFF600  }
0x25b: {  	_ =	sfence.sel $0x180000  }
0x25c: {  	[bflag:$0x0] =	sbarrier.arrive $0xFFFF  }
0x25d: {  	_ =	strace $0x90000050  }
0x25e: {  	s0 =	stileid.u32;
	[bflag:$0x2] =	sbarrier.arrive $0xFFFF  }
0x25f: {  	p0 =	sne.s32 s0, $0x0;
	s0 =	rddreg [dreg:$0x4]  }
0x260: {  	s0 =	sadd.s32 @!p0 $0x100000, s0  }
0x261: {  	[sflag:s0] =	ssyncadd.tile.s32 @!p0 $0x1;
	_ =	shalt  }
.Lfunc_end2:
_tile_overlayer_lowered:
.L_overlay_start_2:
0x262: {  	(tag) =	ssettag $0x2  }
0x263: {  	s0 =	rddreg [dreg:$0x0];
	s2 =	stileid.u32  }
0x264: {  	s1 =	rddreg [dreg:$0x1];
	p0 =	sne.s32 s2, $0x0  }
0x265: {  	s3 =	rddreg [dreg:$0x2];
	[bflag:$0x3] =	sbarrier.arrive $0xFFFF;
	s2 =	simm.s32 @!p0 $0x1C01  }
0x266: {  	[timem:s3], [sflag:s2] =	dma.local @!p0 [hbm:s0], s1  }
0x267: {  	s0 =	simm.s32 @!p0 $0x1  }
0x268: {  	_ =	swait.ge @!p0 [sflag:s0], s1  }
0x269: {  	s1 =	ssub.s32 @!p0 $0x0, s1;
	[sflag:s0] =	ssyncset.done @!p0 $0x0  }
0x26a: {  	[sflag:s0] =	ssyncadd.s32 @!p0 s1  }
0x26b: {  	[bflag:$0x3] =	sbarrier.arrive $0xFFFF  }
0x26c: {  	_ =	shalt  }

</sc_bundles>
